<compile_context>
chip_gen: v7x
topology: tpu7x:2x2x1
jax: 0.10.2.dev20260603
libtpu: 0.0.44.dev20260713+nightly
codegen_flags: <defaults>
</compile_context>

<pallas_src>
import functools

import jax
import jax.numpy as jnp
from jax import lax
from jax.experimental import pallas as pl
from jax.experimental.pallas import tpu as pltpu
from jax.experimental.pallas import tpu_sc as plsc

VOCAB = 1000
EMBED = 1000
BATCH = 1024
SEQ = 20

UNIT = 16
RING = 5


@functools.lru_cache(maxsize=None)
def _build(batch, seq, embed):
    info = plsc.get_sparse_core_info()
    nc, ns = info.num_cores, info.num_subcores
    nw = nc * ns
    bpw = batch // nw
    assert bpw * nw == batch
    rpw = bpw * seq
    nunit = rpw // UNIT
    assert nunit * UNIT == rpw
    ring_rows = RING * UNIT
    assert ring_rows % seq == 0

    mesh = plsc.VectorSubcoreMesh(core_axis_name="c", subcore_axis_name="s")

    @functools.partial(
        pl.kernel,
        mesh=mesh,
        out_type=jax.ShapeDtypeStruct((batch, seq, embed), jnp.float32),
        compiler_params=pltpu.CompilerParams(use_tc_tiling_on_sc=False),
        scratch_types=[
            pltpu.VMEM((rpw,), jnp.int32),
            pltpu.VMEM((ring_rows, embed), jnp.float32),
            [pltpu.SemaphoreType.DMA] * RING,
            [pltpu.SemaphoreType.DMA] * 2,
        ],
    )
    def emb(x_hbm, table_hbm, out_hbm, idx_v, ring_v, sg, sw):
        wid = lax.axis_index("s") * nc + lax.axis_index("c")
        b0 = wid * bpw
        pltpu.sync_copy(x_hbm.at[pl.ds(b0 * seq, rpw)], idx_v)

        def gather(u):
            return pltpu.async_copy(
                table_hbm.at[idx_v.at[pl.ds(u * UNIT, UNIT)]],
                ring_v.at[pl.ds((u % RING) * UNIT, UNIT)],
                sg[u % RING],
            )

        pend_g = [gather(u) for u in range(RING)]
        issued = RING
        waited_g = 0
        waited_w = -1
        pend_w = [None] * bpw
        for k in range(bpw):
            last_u = (seq * k + seq - 1) // UNIT
            while waited_g <= last_u:
                pend_g[waited_g].wait()
                waited_g += 1
            pend_w[k] = pltpu.async_copy(
                ring_v.at[pl.ds((seq * k) % ring_rows, seq)],
                out_hbm.at[b0 + k],
                sw[k % 2],
            )
            while issued < nunit:
                wt = (UNIT * (issued - RING) + UNIT - 1) // seq
                if wt > k:
                    break
                while waited_w < wt:
                    waited_w += 1
                    pend_w[waited_w].wait()
                pend_g.append(gather(issued))
                issued += 1
        for k2 in range(waited_w + 1, bpw):
            pend_w[k2].wait()

    return emb


def kernel(x, table):
    emb = _build(BATCH, SEQ, EMBED)
    return emb(x.reshape(-1), table)

# --- scband reference (transcript-rebuilt; emitter-appended) ---
"""Pipeline reference for scband-salt-embedding-71914932404643 (READ-ONLY COPY).

The authoritative reference and input builder live on the scoring server;
editing this copy changes nothing except your own understanding.
"""

import jax, jax.numpy as jnp
import numpy as np

VOCAB = 1000
EMBED = 1000  # SaltConfig sets embedding_dim = vocab_size
BATCH = 1024
SEQ = 20
PAD_IDX = 0


def setup_inputs(seed: int = 0) -> dict:
    key = jax.random.key(seed)
    k1, k2 = jax.random.split(key)
    x = jax.random.randint(k1, (BATCH, SEQ), 0, VOCAB, dtype=jnp.int32)
    table = jax.random.normal(k2, (VOCAB, EMBED), dtype=jnp.float32)
    # nn.Embedding with padding_idx zeroes that row at init
    table = table.at[PAD_IDX].set(0.0)
    return {"x": x, "table": table}


def reference(x, table):
    # SaltEmbedding.forward: return self.embedding(x)
    # -> [batch_size, sentence_length, embedding_dim]
    return jnp.take(table, x, axis=0)

if __name__ == "__main__":
    import jax
    _d = setup_inputs()
    print(jax.jit(kernel)(*tuple(_d.values())))

</pallas_src>

<mosaic_0001>
#map = affine_map<(d0, d1) -> (0)>
#map1 = affine_map<(d0, d1) -> (0, 0)>
#map2 = affine_map<(d0, d1) -> (0, 0, 0)>
module attributes {stable_mosaic.version = 14 : i64} {
  func.func @emb(%arg0: i32, %arg1: i32, %arg2: memref<20480xi32, #tpu.memory_space<hbm>>, %arg3: memref<1000x1000xf32, #tpu.memory_space<hbm>>, %arg4: memref<1024x20x1000xf32, #tpu.memory_space<hbm>>, %arg5: memref<640xi32, #tpu.memory_space<vmem>>, %arg6: memref<80x1000xf32, #tpu.memory_space<vmem>>, %arg7: memref<!tpu.dma_semaphore, #tpu.memory_space<semaphore_mem>>, %arg8: memref<!tpu.dma_semaphore, #tpu.memory_space<semaphore_mem>>, %arg9: memref<!tpu.dma_semaphore, #tpu.memory_space<semaphore_mem>>, %arg10: memref<!tpu.dma_semaphore, #tpu.memory_space<semaphore_mem>>, %arg11: memref<!tpu.dma_semaphore, #tpu.memory_space<semaphore_mem>>, %arg12: memref<!tpu.dma_semaphore, #tpu.memory_space<semaphore_mem>>, %arg13: memref<!tpu.dma_semaphore, #tpu.memory_space<semaphore_mem>>) attributes {dimension_semantics = [#tpu.dimension_semantics<core_parallel>, #tpu.dimension_semantics<subcore_parallel>], iteration_bounds = array<i64: 2, 16>, scalar_prefetch = 0 : i64, scratch_operands = 9 : i64, tpu.core_type = #tpu.core_type<sc_vector_subcore>, window_params = [{transform_indices = #map}, {transform_indices = #map1}, {transform_indices = #map2}]} {
    %mul3A = arith.constant 2 : i32
    %mul3A_0 = arith.muli %arg1, %mul3A : i32
    %add3A = arith.addi %mul3A_0, %arg0 : i32
    %mul3A_1 = arith.constant 32 : i32
    %mul3A_2 = arith.muli %add3A, %mul3A_1 : i32
    %mul3A_3 = arith.constant 20 : i32
    %mul3A_4 = arith.muli %mul3A_2, %mul3A_3 : i32
    "tpu.region"() ({
      %run_scoped3A = tpu.sem_alloc : memref<!tpu.dma_semaphore, #tpu.memory_space<semaphore_mem>>
      %dma_start3A_1603 = tpu.memref_slice %arg2[%mul3A_4] : memref<20480xi32, #tpu.memory_space<hbm>> -> memref<640xi32, #tpu.memory_space<hbm>>
      %dma_start3A_1604 = tpu.memref_slice %arg2[%mul3A_4] : memref<20480xi32, #tpu.memory_space<hbm>> -> memref<640xi32, #tpu.memory_space<hbm>>
      tpu.enqueue_dma source(%dma_start3A_1604 : memref<640xi32, #tpu.memory_space<hbm>>) target(%arg5 : memref<640xi32, #tpu.memory_space<vmem>>) target_semaphore(%run_scoped3A : memref<!tpu.dma_semaphore, #tpu.memory_space<semaphore_mem>>)
      %dma_wait3A_1605 = tpu.memref_slice %arg2[%mul3A_4] : memref<20480xi32, #tpu.memory_space<hbm>> -> memref<640xi32, #tpu.memory_space<hbm>>
      %dma_wait3A_1606 = tpu.memref_slice %arg2[%mul3A_4] : memref<20480xi32, #tpu.memory_space<hbm>> -> memref<640xi32, #tpu.memory_space<hbm>>
      tpu.wait_dma2 semaphore(%run_scoped3A : memref<!tpu.dma_semaphore, #tpu.memory_space<semaphore_mem>>) src(%dma_wait3A_1606 : memref<640xi32, #tpu.memory_space<hbm>>) dst(%arg5 : memref<640xi32, #tpu.memory_space<vmem>>)
      tpu.yield
    }) : () -> ()
    %dma_start3A = arith.constant 0 : i32
    %dma_start3A_5 = arith.constant 0 : i32
    %dma_start3A_6 = tpu.memref_slice %arg6[%dma_start3A, %dma_start3A_5] : memref<80x1000xf32, #tpu.memory_space<vmem>> -> memref<16x1000xf32, #tpu.memory_space<vmem>>
    %dma_start3A_7 = arith.constant 0 : i32
    %dma_start3A_8 = tpu.memref_slice %arg5[%dma_start3A_7] : memref<640xi32, #tpu.memory_space<vmem>> -> memref<16xi32, #tpu.memory_space<vmem>>
    %dma_start3A_9 = arith.constant 0 : i32
    %dma_start3A_10 = arith.constant 0 : i32
    %dma_start3A_11 = tpu.memref_slice %arg3[%dma_start3A_9, %dma_start3A_10] : memref<1000x1000xf32, #tpu.memory_space<hbm>> -> memref<1000x1000xf32, #tpu.memory_space<hbm>>
    tpu.enqueue_indirect_dma source(%dma_start3A_11 : memref<1000x1000xf32, #tpu.memory_space<hbm>>) target(%dma_start3A_6 : memref<16x1000xf32, #tpu.memory_space<vmem>>) offsets(%dma_start3A_8 : memref<16xi32, #tpu.memory_space<vmem>>) semaphore(%arg7 : memref<!tpu.dma_semaphore, #tpu.memory_space<semaphore_mem>>)
    %dma_start3A_12 = arith.constant 16 : i32
    %dma_start3A_13 = arith.constant 0 : i32
    %dma_start3A_14 = tpu.memref_slice %arg6[%dma_start3A_12, %dma_start3A_13] : memref<80x1000xf32, #tpu.memory_space<vmem>> -> memref<16x1000xf32, #tpu.memory_space<vmem>>
    %dma_start3A_15 = arith.constant 16 : i32
    %dma_start3A_16 = tpu.memref_slice %arg5[%dma_start3A_15] : memref<640xi32, #tpu.memory_space<vmem>> -> memref<16xi32, #tpu.memory_space<vmem>>
    %dma_start3A_17 = arith.constant 0 : i32
    %dma_start3A_18 = arith.constant 0 : i32
    %dma_start3A_19 = tpu.memref_slice %arg3[%dma_start3A_17, %dma_start3A_18] : memref<1000x1000xf32, #tpu.memory_space<hbm>> -> memref<1000x1000xf32, #tpu.memory_space<hbm>>
    tpu.enqueue_indirect_dma source(%dma_start3A_19 : memref<1000x1000xf32, #tpu.memory_space<hbm>>) target(%dma_start3A_14 : memref<16x1000xf32, #tpu.memory_space<vmem>>) offsets(%dma_start3A_16 : memref<16xi32, #tpu.memory_space<vmem>>) semaphore(%arg8 : memref<!tpu.dma_semaphore, #tpu.memory_space<semaphore_mem>>)
    %dma_start3A_20 = arith.constant 32 : i32
    %dma_start3A_21 = arith.constant 0 : i32
    %dma_start3A_22 = tpu.memref_slice %arg6[%dma_start3A_20, %dma_start3A_21] : memref<80x1000xf32, #tpu.memory_space<vmem>> -> memref<16x1000xf32, #tpu.memory_space<vmem>>
    %dma_start3A_23 = arith.constant 32 : i32
    %dma_start3A_24 = tpu.memref_slice %arg5[%dma_start3A_23] : memref<640xi32, #tpu.memory_space<vmem>> -> memref<16xi32, #tpu.memory_space<vmem>>
    %dma_start3A_25 = arith.constant 0 : i32
    %dma_start3A_26 = arith.constant 0 : i32
    %dma_start3A_27 = tpu.memref_slice %arg3[%dma_start3A_25, %dma_start3A_26] : memref<1000x1000xf32, #tpu.memory_space<hbm>> -> memref<1000x1000xf32, #tpu.memory_space<hbm>>
    tpu.enqueue_indirect_dma source(%dma_start3A_27 : memref<1000x1000xf32, #tpu.memory_space<hbm>>) target(%dma_start3A_22 : memref<16x1000xf32, #tpu.memory_space<vmem>>) offsets(%dma_start3A_24 : memref<16xi32, #tpu.memory_space<vmem>>) semaphore(%arg9 : memref<!tpu.dma_semaphore, #tpu.memory_space<semaphore_mem>>)
    %dma_start3A_28 = arith.constant 48 : i32
    %dma_start3A_29 = arith.constant 0 : i32
    %dma_start3A_30 = tpu.memref_slice %arg6[%dma_start3A_28, %dma_start3A_29] : memref<80x1000xf32, #tpu.memory_space<vmem>> -> memref<16x1000xf32, #tpu.memory_space<vmem>>
    %dma_start3A_31 = arith.constant 48 : i32
    %dma_start3A_32 = tpu.memref_slice %arg5[%dma_start3A_31] : memref<640xi32, #tpu.memory_space<vmem>> -> memref<16xi32, #tpu.memory_space<vmem>>
    %dma_start3A_33 = arith.constant 0 : i32
    %dma_start3A_34 = arith.constant 0 : i32
    %dma_start3A_35 = tpu.memref_slice %arg3[%dma_start3A_33, %dma_start3A_34] : memref<1000x1000xf32, #tpu.memory_space<hbm>> -> memref<1000x1000xf32, #tpu.memory_space<hbm>>
    tpu.enqueue_indirect_dma source(%dma_start3A_35 : memref<1000x1000xf32, #tpu.memory_space<hbm>>) target(%dma_start3A_30 : memref<16x1000xf32, #tpu.memory_space<vmem>>) offsets(%dma_start3A_32 : memref<16xi32, #tpu.memory_space<vmem>>) semaphore(%arg10 : memref<!tpu.dma_semaphore, #tpu.memory_space<semaphore_mem>>)
    %dma_start3A_36 = arith.constant 64 : i32
    %dma_start3A_37 = arith.constant 0 : i32
    %dma_start3A_38 = tpu.memref_slice %arg6[%dma_start3A_36, %dma_start3A_37] : memref<80x1000xf32, #tpu.memory_space<vmem>> -> memref<16x1000xf32, #tpu.memory_space<vmem>>
    %dma_start3A_39 = arith.constant 64 : i32
    %dma_start3A_40 = tpu.memref_slice %arg5[%dma_start3A_39] : memref<640xi32, #tpu.memory_space<vmem>> -> memref<16xi32, #tpu.memory_space<vmem>>
    %dma_start3A_41 = arith.constant 0 : i32
    %dma_start3A_42 = arith.constant 0 : i32
    %dma_start3A_43 = tpu.memref_slice %arg3[%dma_start3A_41, %dma_start3A_42] : memref<1000x1000xf32, #tpu.memory_space<hbm>> -> memref<1000x1000xf32, #tpu.memory_space<hbm>>
    tpu.enqueue_indirect_dma source(%dma_start3A_43 : memref<1000x1000xf32, #tpu.memory_space<hbm>>) target(%dma_start3A_38 : memref<16x1000xf32, #tpu.memory_space<vmem>>) offsets(%dma_start3A_40 : memref<16xi32, #tpu.memory_space<vmem>>) semaphore(%arg11 : memref<!tpu.dma_semaphore, #tpu.memory_space<semaphore_mem>>)
    %dma_wait3A = arith.constant 0 : i32
    %dma_wait3A_44 = arith.constant 0 : i32
    %dma_wait3A_45 = tpu.memref_slice %arg6[%dma_wait3A, %dma_wait3A_44] : memref<80x1000xf32, #tpu.memory_space<vmem>> -> memref<16x1000xf32, #tpu.memory_space<vmem>>
    %dma_wait3A_46 = arith.constant 0 : i32
    %dma_wait3A_47 = tpu.memref_slice %arg5[%dma_wait3A_46] : memref<640xi32, #tpu.memory_space<vmem>> -> memref<16xi32, #tpu.memory_space<vmem>>
    %dma_wait3A_48 = arith.constant 0 : i32
    %dma_wait3A_49 = arith.constant 0 : i32
    %dma_wait3A_50 = tpu.memref_slice %arg3[%dma_wait3A_48, %dma_wait3A_49] : memref<1000x1000xf32, #tpu.memory_space<hbm>> -> memref<1000x1000xf32, #tpu.memory_space<hbm>>
    tpu.wait_indirect_dma semaphore(%arg7 : memref<!tpu.dma_semaphore, #tpu.memory_space<semaphore_mem>>) src(%dma_wait3A_50 : memref<1000x1000xf32, #tpu.memory_space<hbm>>) dst(%dma_wait3A_45 : memref<16x1000xf32, #tpu.memory_space<vmem>>)
    %dma_wait3A_51 = arith.constant 16 : i32
    %dma_wait3A_52 = arith.constant 0 : i32
    %dma_wait3A_53 = tpu.memref_slice %arg6[%dma_wait3A_51, %dma_wait3A_52] : memref<80x1000xf32, #tpu.memory_space<vmem>> -> memref<16x1000xf32, #tpu.memory_space<vmem>>
    %dma_wait3A_54 = arith.constant 16 : i32
    %dma_wait3A_55 = tpu.memref_slice %arg5[%dma_wait3A_54] : memref<640xi32, #tpu.memory_space<vmem>> -> memref<16xi32, #tpu.memory_space<vmem>>
    %dma_wait3A_56 = arith.constant 0 : i32
    %dma_wait3A_57 = arith.constant 0 : i32
    %dma_wait3A_58 = tpu.memref_slice %arg3[%dma_wait3A_56, %dma_wait3A_57] : memref<1000x1000xf32, #tpu.memory_space<hbm>> -> memref<1000x1000xf32, #tpu.memory_space<hbm>>
    tpu.wait_indirect_dma semaphore(%arg8 : memref<!tpu.dma_semaphore, #tpu.memory_space<semaphore_mem>>) src(%dma_wait3A_58 : memref<1000x1000xf32, #tpu.memory_space<hbm>>) dst(%dma_wait3A_53 : memref<16x1000xf32, #tpu.memory_space<vmem>>)
    %add3A_59 = arith.constant 0 : i32
    %add3A_60 = arith.addi %mul3A_2, %add3A_59 : i32
    %dma_start3A_61 = arith.constant 0 : i32
    %dma_start3A_62 = arith.constant 0 : i32
    %dma_start3A_63 = tpu.memref_slice %arg6[%dma_start3A_61, %dma_start3A_62] : memref<80x1000xf32, #tpu.memory_space<vmem>> -> memref<20x1000xf32, #tpu.memory_space<vmem>>
    %dma_start3A_64 = arith.constant 0 : i32
    %dma_start3A_65 = arith.constant 0 : i32
    %dma_start3A_66 = tpu.memref_slice %arg4[%add3A_60, %dma_start3A_64, %dma_start3A_65] : memref<1024x20x1000xf32, #tpu.memory_space<hbm>> -> memref<1x20x1000xf32, #tpu.memory_space<hbm>>
    %dma_start3A_67 = tpu.memref_squeeze %dma_start3A_66 : memref<1x20x1000xf32, #tpu.memory_space<hbm>> -> memref<20x1000xf32, #tpu.memory_space<hbm>>
    %dma_start3A_68 = arith.constant 0 : i32
    %dma_start3A_69 = arith.constant 0 : i32
    %dma_start3A_70 = tpu.memref_slice %arg4[%add3A_60, %dma_start3A_68, %dma_start3A_69] : memref<1024x20x1000xf32, #tpu.memory_space<hbm>> -> memref<1x20x1000xf32, #tpu.memory_space<hbm>>
    %dma_start3A_71 = tpu.memref_squeeze %dma_start3A_70 : memref<1x20x1000xf32, #tpu.memory_space<hbm>> -> memref<20x1000xf32, #tpu.memory_space<hbm>>
    %dma_start3A_72 = arith.constant 0 : i32
    %dma_start3A_73 = arith.constant 0 : i32
    %dma_start3A_74 = tpu.memref_slice %arg6[%dma_start3A_72, %dma_start3A_73] : memref<80x1000xf32, #tpu.memory_space<vmem>> -> memref<20x1000xf32, #tpu.memory_space<vmem>>
    tpu.enqueue_dma source(%dma_start3A_74 : memref<20x1000xf32, #tpu.memory_space<vmem>>) target(%dma_start3A_71 : memref<20x1000xf32, #tpu.memory_space<hbm>>) target_semaphore(%arg12 : memref<!tpu.dma_semaphore, #tpu.memory_space<semaphore_mem>>)
    %dma_wait3A_75 = arith.constant 0 : i32
    %dma_wait3A_76 = arith.constant 0 : i32
    %dma_wait3A_77 = tpu.memref_slice %arg6[%dma_wait3A_75, %dma_wait3A_76] : memref<80x1000xf32, #tpu.memory_space<vmem>> -> memref<20x1000xf32, #tpu.memory_space<vmem>>
    %dma_wait3A_78 = arith.constant 0 : i32
    %dma_wait3A_79 = arith.constant 0 : i32
    %dma_wait3A_80 = tpu.memref_slice %arg4[%add3A_60, %dma_wait3A_78, %dma_wait3A_79] : memref<1024x20x1000xf32, #tpu.memory_space<hbm>> -> memref<1x20x1000xf32, #tpu.memory_space<hbm>>
    %dma_wait3A_81 = tpu.memref_squeeze %dma_wait3A_80 : memref<1x20x1000xf32, #tpu.memory_space<hbm>> -> memref<20x1000xf32, #tpu.memory_space<hbm>>
    %dma_wait3A_82 = arith.constant 0 : i32
    %dma_wait3A_83 = arith.constant 0 : i32
    %dma_wait3A_84 = tpu.memref_slice %arg4[%add3A_60, %dma_wait3A_82, %dma_wait3A_83] : memref<1024x20x1000xf32, #tpu.memory_space<hbm>> -> memref<1x20x1000xf32, #tpu.memory_space<hbm>>
    %dma_wait3A_85 = tpu.memref_squeeze %dma_wait3A_84 : memref<1x20x1000xf32, #tpu.memory_space<hbm>> -> memref<20x1000xf32, #tpu.memory_space<hbm>>
    %dma_wait3A_86 = arith.constant 0 : i32
    %dma_wait3A_87 = arith.constant 0 : i32
    %dma_wait3A_88 = tpu.memref_slice %arg6[%dma_wait3A_86, %dma_wait3A_87] : memref<80x1000xf32, #tpu.memory_space<vmem>> -> memref<20x1000xf32, #tpu.memory_space<vmem>>
    tpu.wait_dma2 semaphore(%arg12 : memref<!tpu.dma_semaphore, #tpu.memory_space<semaphore_mem>>) src(%dma_wait3A_88 : memref<20x1000xf32, #tpu.memory_space<vmem>>) dst(%dma_wait3A_85 : memref<20x1000xf32, #tpu.memory_space<hbm>>)
    %dma_start3A_89 = arith.constant 0 : i32
    %dma_start3A_90 = arith.constant 0 : i32
    %dma_start3A_91 = tpu.memref_slice %arg6[%dma_start3A_89, %dma_start3A_90] : memref<80x1000xf32, #tpu.memory_space<vmem>> -> memref<16x1000xf32, #tpu.memory_space<vmem>>
    %dma_start3A_92 = arith.constant 80 : i32
    %dma_start3A_93 = tpu.memref_slice %arg5[%dma_start3A_92] : memref<640xi32, #tpu.memory_space<vmem>> -> memref<16xi32, #tpu.memory_space<vmem>>
    %dma_start3A_94 = arith.constant 0 : i32
    %dma_start3A_95 = arith.constant 0 : i32
    %dma_start3A_96 = tpu.memref_slice %arg3[%dma_start3A_94, %dma_start3A_95] : memref<1000x1000xf32, #tpu.memory_space<hbm>> -> memref<1000x1000xf32, #tpu.memory_space<hbm>>
    tpu.enqueue_indirect_dma source(%dma_start3A_96 : memref<1000x1000xf32, #tpu.memory_space<hbm>>) target(%dma_start3A_91 : memref<16x1000xf32, #tpu.memory_space<vmem>>) offsets(%dma_start3A_93 : memref<16xi32, #tpu.memory_space<vmem>>) semaphore(%arg7 : memref<!tpu.dma_semaphore, #tpu.memory_space<semaphore_mem>>)
    %dma_wait3A_97 = arith.constant 32 : i32
    %dma_wait3A_98 = arith.constant 0 : i32
    %dma_wait3A_99 = tpu.memref_slice %arg6[%dma_wait3A_97, %dma_wait3A_98] : memref<80x1000xf32, #tpu.memory_space<vmem>> -> memref<16x1000xf32, #tpu.memory_space<vmem>>
    %dma_wait3A_100 = arith.constant 32 : i32
    %dma_wait3A_101 = tpu.memref_slice %arg5[%dma_wait3A_100] : memref<640xi32, #tpu.memory_space<vmem>> -> memref<16xi32, #tpu.memory_space<vmem>>
    %dma_wait3A_102 = arith.constant 0 : i32
    %dma_wait3A_103 = arith.constant 0 : i32
    %dma_wait3A_104 = tpu.memref_slice %arg3[%dma_wait3A_102, %dma_wait3A_103] : memref<1000x1000xf32, #tpu.memory_space<hbm>> -> memref<1000x1000xf32, #tpu.memory_space<hbm>>
    tpu.wait_indirect_dma semaphore(%arg9 : memref<!tpu.dma_semaphore, #tpu.memory_space<semaphore_mem>>) src(%dma_wait3A_104 : memref<1000x1000xf32, #tpu.memory_space<hbm>>) dst(%dma_wait3A_99 : memref<16x1000xf32, #tpu.memory_space<vmem>>)
    %add3A_105 = arith.constant 1 : i32
    %add3A_106 = arith.addi %mul3A_2, %add3A_105 : i32
    %dma_start3A_107 = arith.constant 20 : i32
    %dma_start3A_108 = arith.constant 0 : i32
    %dma_start3A_109 = tpu.memref_slice %arg6[%dma_start3A_107, %dma_start3A_108] : memref<80x1000xf32, #tpu.memory_space<vmem>> -> memref<20x1000xf32, #tpu.memory_space<vmem>>
    %dma_start3A_110 = arith.constant 0 : i32
    %dma_start3A_111 = arith.constant 0 : i32
    %dma_start3A_112 = tpu.memref_slice %arg4[%add3A_106, %dma_start3A_110, %dma_start3A_111] : memref<1024x20x1000xf32, #tpu.memory_space<hbm>> -> memref<1x20x1000xf32, #tpu.memory_space<hbm>>
    %dma_start3A_113 = tpu.memref_squeeze %dma_start3A_112 : memref<1x20x1000xf32, #tpu.memory_space<hbm>> -> memref<20x1000xf32, #tpu.memory_space<hbm>>
    %dma_start3A_114 = arith.constant 0 : i32
    %dma_start3A_115 = arith.constant 0 : i32
    %dma_start3A_116 = tpu.memref_slice %arg4[%add3A_106, %dma_start3A_114, %dma_start3A_115] : memref<1024x20x1000xf32, #tpu.memory_space<hbm>> -> memref<1x20x1000xf32, #tpu.memory_space<hbm>>
    %dma_start3A_117 = tpu.memref_squeeze %dma_start3A_116 : memref<1x20x1000xf32, #tpu.memory_space<hbm>> -> memref<20x1000xf32, #tpu.memory_space<hbm>>
    %dma_start3A_118 = arith.constant 20 : i32
    %dma_start3A_119 = arith.constant 0 : i32
    %dma_start3A_120 = tpu.memref_slice %arg6[%dma_start3A_118, %dma_start3A_119] : memref<80x1000xf32, #tpu.memory_space<vmem>> -> memref<20x1000xf32, #tpu.memory_space<vmem>>
    tpu.enqueue_dma source(%dma_start3A_120 : memref<20x1000xf32, #tpu.memory_space<vmem>>) target(%dma_start3A_117 : memref<20x1000xf32, #tpu.memory_space<hbm>>) target_semaphore(%arg13 : memref<!tpu.dma_semaphore, #tpu.memory_space<semaphore_mem>>)
    %dma_wait3A_121 = arith.constant 20 : i32
    %dma_wait3A_122 = arith.constant 0 : i32
    %dma_wait3A_123 = tpu.memref_slice %arg6[%dma_wait3A_121, %dma_wait3A_122] : memref<80x1000xf32, #tpu.memory_space<vmem>> -> memref<20x1000xf32, #tpu.memory_space<vmem>>
    %dma_wait3A_124 = arith.constant 0 : i32
    %dma_wait3A_125 = arith.constant 0 : i32
    %dma_wait3A_126 = tpu.memref_slice %arg4[%add3A_106, %dma_wait3A_124, %dma_wait3A_125] : memref<1024x20x1000xf32, #tpu.memory_space<hbm>> -> memref<1x20x1000xf32, #tpu.memory_space<hbm>>
    %dma_wait3A_127 = tpu.memref_squeeze %dma_wait3A_126 : memref<1x20x1000xf32, #tpu.memory_space<hbm>> -> memref<20x1000xf32, #tpu.memory_space<hbm>>
    %dma_wait3A_128 = arith.constant 0 : i32
    %dma_wait3A_129 = arith.constant 0 : i32
    %dma_wait3A_130 = tpu.memref_slice %arg4[%add3A_106, %dma_wait3A_128, %dma_wait3A_129] : memref<1024x20x1000xf32, #tpu.memory_space<hbm>> -> memref<1x20x1000xf32, #tpu.memory_space<hbm>>
    %dma_wait3A_131 = tpu.memref_squeeze %dma_wait3A_130 : memref<1x20x1000xf32, #tpu.memory_space<hbm>> -> memref<20x1000xf32, #tpu.memory_space<hbm>>
    %dma_wait3A_132 = arith.constant 20 : i32
    %dma_wait3A_133 = arith.constant 0 : i32
    %dma_wait3A_134 = tpu.memref_slice %arg6[%dma_wait3A_132, %dma_wait3A_133] : memref<80x1000xf32, #tpu.memory_space<vmem>> -> memref<20x1000xf32, #tpu.memory_space<vmem>>
    tpu.wait_dma2 semaphore(%arg13 : memref<!tpu.dma_semaphore, #tpu.memory_space<semaphore_mem>>) src(%dma_wait3A_134 : memref<20x1000xf32, #tpu.memory_space<vmem>>) dst(%dma_wait3A_131 : memref<20x1000xf32, #tpu.memory_space<hbm>>)
    %dma_start3A_135 = arith.constant 16 : i32
    %dma_start3A_136 = arith.constant 0 : i32
    %dma_start3A_137 = tpu.memref_slice %arg6[%dma_start3A_135, %dma_start3A_136] : memref<80x1000xf32, #tpu.memory_space<vmem>> -> memref<16x1000xf32, #tpu.memory_space<vmem>>
    %dma_start3A_138 = arith.constant 96 : i32
    %dma_start3A_139 = tpu.memref_slice %arg5[%dma_start3A_138] : memref<640xi32, #tpu.memory_space<vmem>> -> memref<16xi32, #tpu.memory_space<vmem>>
    %dma_start3A_140 = arith.constant 0 : i32
    %dma_start3A_141 = arith.constant 0 : i32
    %dma_start3A_142 = tpu.memref_slice %arg3[%dma_start3A_140, %dma_start3A_141] : memref<1000x1000xf32, #tpu.memory_space<hbm>> -> memref<1000x1000xf32, #tpu.memory_space<hbm>>
    tpu.enqueue_indirect_dma source(%dma_start3A_142 : memref<1000x1000xf32, #tpu.memory_space<hbm>>) target(%dma_start3A_137 : memref<16x1000xf32, #tpu.memory_space<vmem>>) offsets(%dma_start3A_139 : memref<16xi32, #tpu.memory_space<vmem>>) semaphore(%arg8 : memref<!tpu.dma_semaphore, #tpu.memory_space<semaphore_mem>>)
    %dma_wait3A_143 = arith.constant 48 : i32
    %dma_wait3A_144 = arith.constant 0 : i32
    %dma_wait3A_145 = tpu.memref_slice %arg6[%dma_wait3A_143, %dma_wait3A_144] : memref<80x1000xf32, #tpu.memory_space<vmem>> -> memref<16x1000xf32, #tpu.memory_space<vmem>>
    %dma_wait3A_146 = arith.constant 48 : i32
    %dma_wait3A_147 = tpu.memref_slice %arg5[%dma_wait3A_146] : memref<640xi32, #tpu.memory_space<vmem>> -> memref<16xi32, #tpu.memory_space<vmem>>
    %dma_wait3A_148 = arith.constant 0 : i32
    %dma_wait3A_149 = arith.constant 0 : i32
    %dma_wait3A_150 = tpu.memref_slice %arg3[%dma_wait3A_148, %dma_wait3A_149] : memref<1000x1000xf32, #tpu.memory_space<hbm>> -> memref<1000x1000xf32, #tpu.memory_space<hbm>>
    tpu.wait_indirect_dma semaphore(%arg10 : memref<!tpu.dma_semaphore, #tpu.memory_space<semaphore_mem>>) src(%dma_wait3A_150 : memref<1000x1000xf32, #tpu.memory_space<hbm>>) dst(%dma_wait3A_145 : memref<16x1000xf32, #tpu.memory_space<vmem>>)
    %add3A_151 = arith.constant 2 : i32
    %add3A_152 = arith.addi %mul3A_2, %add3A_151 : i32
    %dma_start3A_153 = arith.constant 40 : i32
    %dma_start3A_154 = arith.constant 0 : i32
    %dma_start3A_155 = tpu.memref_slice %arg6[%dma_start3A_153, %dma_start3A_154] : memref<80x1000xf32, #tpu.memory_space<vmem>> -> memref<20x1000xf32, #tpu.memory_space<vmem>>
    %dma_start3A_156 = arith.constant 0 : i32
    %dma_start3A_157 = arith.constant 0 : i32
    %dma_start3A_158 = tpu.memref_slice %arg4[%add3A_152, %dma_start3A_156, %dma_start3A_157] : memref<1024x20x1000xf32, #tpu.memory_space<hbm>> -> memref<1x20x1000xf32, #tpu.memory_space<hbm>>
    %dma_start3A_159 = tpu.memref_squeeze %dma_start3A_158 : memref<1x20x1000xf32, #tpu.memory_space<hbm>> -> memref<20x1000xf32, #tpu.memory_space<hbm>>
    %dma_start3A_160 = arith.constant 0 : i32
    %dma_start3A_161 = arith.constant 0 : i32
    %dma_start3A_162 = tpu.memref_slice %arg4[%add3A_152, %dma_start3A_160, %dma_start3A_161] : memref<1024x20x1000xf32, #tpu.memory_space<hbm>> -> memref<1x20x1000xf32, #tpu.memory_space<hbm>>
    %dma_start3A_163 = tpu.memref_squeeze %dma_start3A_162 : memref<1x20x1000xf32, #tpu.memory_space<hbm>> -> memref<20x1000xf32, #tpu.memory_space<hbm>>
    %dma_start3A_164 = arith.constant 40 : i32
    %dma_start3A_165 = arith.constant 0 : i32
    %dma_start3A_166 = tpu.memref_slice %arg6[%dma_start3A_164, %dma_start3A_165] : memref<80x1000xf32, #tpu.memory_space<vmem>> -> memref<20x1000xf32, #tpu.memory_space<vmem>>
    tpu.enqueue_dma source(%dma_start3A_166 : memref<20x1000xf32, #tpu.memory_space<vmem>>) target(%dma_start3A_163 : memref<20x1000xf32, #tpu.memory_space<hbm>>) target_semaphore(%arg12 : memref<!tpu.dma_semaphore, #tpu.memory_space<semaphore_mem>>)
    %dma_wait3A_167 = arith.constant 40 : i32
    %dma_wait3A_168 = arith.constant 0 : i32
    %dma_wait3A_169 = tpu.memref_slice %arg6[%dma_wait3A_167, %dma_wait3A_168] : memref<80x1000xf32, #tpu.memory_space<vmem>> -> memref<20x1000xf32, #tpu.memory_space<vmem>>
    %dma_wait3A_170 = arith.constant 0 : i32
    %dma_wait3A_171 = arith.constant 0 : i32
    %dma_wait3A_172 = tpu.memref_slice %arg4[%add3A_152, %dma_wait3A_170, %dma_wait3A_171] : memref<1024x20x1000xf32, #tpu.memory_space<hbm>> -> memref<1x20x1000xf32, #tpu.memory_space<hbm>>
    %dma_wait3A_173 = tpu.memref_squeeze %dma_wait3A_172 : memref<1x20x1000xf32, #tpu.memory_space<hbm>> -> memref<20x1000xf32, #tpu.memory_space<hbm>>
    %dma_wait3A_174 = arith.constant 0 : i32
    %dma_wait3A_175 = arith.constant 0 : i32
    %dma_wait3A_176 = tpu.memref_slice %arg4[%add3A_152, %dma_wait3A_174, %dma_wait3A_175] : memref<1024x20x1000xf32, #tpu.memory_space<hbm>> -> memref<1x20x1000xf32, #tpu.memory_space<hbm>>
    %dma_wait3A_177 = tpu.memref_squeeze %dma_wait3A_176 : memref<1x20x1000xf32, #tpu.memory_space<hbm>> -> memref<20x1000xf32, #tpu.memory_space<hbm>>
    %dma_wait3A_178 = arith.constant 40 : i32
    %dma_wait3A_179 = arith.constant 0 : i32
    %dma_wait3A_180 = tpu.memref_slice %arg6[%dma_wait3A_178, %dma_wait3A_179] : memref<80x1000xf32, #tpu.memory_space<vmem>> -> memref<20x1000xf32, #tpu.memory_space<vmem>>
    tpu.wait_dma2 semaphore(%arg12 : memref<!tpu.dma_semaphore, #tpu.memory_space<semaphore_mem>>) src(%dma_wait3A_180 : memref<20x1000xf32, #tpu.memory_space<vmem>>) dst(%dma_wait3A_177 : memref<20x1000xf32, #tpu.memory_space<hbm>>)
    %dma_start3A_181 = arith.constant 32 : i32
    %dma_start3A_182 = arith.constant 0 : i32
    %dma_start3A_183 = tpu.memref_slice %arg6[%dma_start3A_181, %dma_start3A_182] : memref<80x1000xf32, #tpu.memory_space<vmem>> -> memref<16x1000xf32, #tpu.memory_space<vmem>>
    %dma_start3A_184 = arith.constant 112 : i32
    %dma_start3A_185 = tpu.memref_slice %arg5[%dma_start3A_184] : memref<640xi32, #tpu.memory_space<vmem>> -> memref<16xi32, #tpu.memory_space<vmem>>
    %dma_start3A_186 = arith.constant 0 : i32
    %dma_start3A_187 = arith.constant 0 : i32
    %dma_start3A_188 = tpu.memref_slice %arg3[%dma_start3A_186, %dma_start3A_187] : memref<1000x1000xf32, #tpu.memory_space<hbm>> -> memref<1000x1000xf32, #tpu.memory_space<hbm>>
    tpu.enqueue_indirect_dma source(%dma_start3A_188 : memref<1000x1000xf32, #tpu.memory_space<hbm>>) target(%dma_start3A_183 : memref<16x1000xf32, #tpu.memory_space<vmem>>) offsets(%dma_start3A_185 : memref<16xi32, #tpu.memory_space<vmem>>) semaphore(%arg9 : memref<!tpu.dma_semaphore, #tpu.memory_space<semaphore_mem>>)
    %dma_wait3A_189 = arith.constant 64 : i32
    %dma_wait3A_190 = arith.constant 0 : i32
    %dma_wait3A_191 = tpu.memref_slice %arg6[%dma_wait3A_189, %dma_wait3A_190] : memref<80x1000xf32, #tpu.memory_space<vmem>> -> memref<16x1000xf32, #tpu.memory_space<vmem>>
    %dma_wait3A_192 = arith.constant 64 : i32
    %dma_wait3A_193 = tpu.memref_slice %arg5[%dma_wait3A_192] : memref<640xi32, #tpu.memory_space<vmem>> -> memref<16xi32, #tpu.memory_space<vmem>>
    %dma_wait3A_194 = arith.constant 0 : i32
    %dma_wait3A_195 = arith.constant 0 : i32
    %dma_wait3A_196 = tpu.memref_slice %arg3[%dma_wait3A_194, %dma_wait3A_195] : memref<1000x1000xf32, #tpu.memory_space<hbm>> -> memref<1000x1000xf32, #tpu.memory_space<hbm>>
    tpu.wait_indirect_dma semaphore(%arg11 : memref<!tpu.dma_semaphore, #tpu.memory_space<semaphore_mem>>) src(%dma_wait3A_196 : memref<1000x1000xf32, #tpu.memory_space<hbm>>) dst(%dma_wait3A_191 : memref<16x1000xf32, #tpu.memory_space<vmem>>)
    %add3A_197 = arith.constant 3 : i32
    %add3A_198 = arith.addi %mul3A_2, %add3A_197 : i32
    %dma_start3A_199 = arith.constant 60 : i32
    %dma_start3A_200 = arith.constant 0 : i32
    %dma_start3A_201 = tpu.memref_slice %arg6[%dma_start3A_199, %dma_start3A_200] : memref<80x1000xf32, #tpu.memory_space<vmem>> -> memref<20x1000xf32, #tpu.memory_space<vmem>>
    %dma_start3A_202 = arith.constant 0 : i32
    %dma_start3A_203 = arith.constant 0 : i32
    %dma_start3A_204 = tpu.memref_slice %arg4[%add3A_198, %dma_start3A_202, %dma_start3A_203] : memref<1024x20x1000xf32, #tpu.memory_space<hbm>> -> memref<1x20x1000xf32, #tpu.memory_space<hbm>>
    %dma_start3A_205 = tpu.memref_squeeze %dma_start3A_204 : memref<1x20x1000xf32, #tpu.memory_space<hbm>> -> memref<20x1000xf32, #tpu.memory_space<hbm>>
    %dma_start3A_206 = arith.constant 0 : i32
    %dma_start3A_207 = arith.constant 0 : i32
    %dma_start3A_208 = tpu.memref_slice %arg4[%add3A_198, %dma_start3A_206, %dma_start3A_207] : memref<1024x20x1000xf32, #tpu.memory_space<hbm>> -> memref<1x20x1000xf32, #tpu.memory_space<hbm>>
    %dma_start3A_209 = tpu.memref_squeeze %dma_start3A_208 : memref<1x20x1000xf32, #tpu.memory_space<hbm>> -> memref<20x1000xf32, #tpu.memory_space<hbm>>
    %dma_start3A_210 = arith.constant 60 : i32
    %dma_start3A_211 = arith.constant 0 : i32
    %dma_start3A_212 = tpu.memref_slice %arg6[%dma_start3A_210, %dma_start3A_211] : memref<80x1000xf32, #tpu.memory_space<vmem>> -> memref<20x1000xf32, #tpu.memory_space<vmem>>
    tpu.enqueue_dma source(%dma_start3A_212 : memref<20x1000xf32, #tpu.memory_space<vmem>>) target(%dma_start3A_209 : memref<20x1000xf32, #tpu.memory_space<hbm>>) target_semaphore(%arg13 : memref<!tpu.dma_semaphore, #tpu.memory_space<semaphore_mem>>)
    %dma_wait3A_213 = arith.constant 60 : i32
    %dma_wait3A_214 = arith.constant 0 : i32
    %dma_wait3A_215 = tpu.memref_slice %arg6[%dma_wait3A_213, %dma_wait3A_214] : memref<80x1000xf32, #tpu.memory_space<vmem>> -> memref<20x1000xf32, #tpu.memory_space<vmem>>
    %dma_wait3A_216 = arith.constant 0 : i32
    %dma_wait3A_217 = arith.constant 0 : i32
    %dma_wait3A_218 = tpu.memref_slice %arg4[%add3A_198, %dma_wait3A_216, %dma_wait3A_217] : memref<1024x20x1000xf32, #tpu.memory_space<hbm>> -> memref<1x20x1000xf32, #tpu.memory_space<hbm>>
    %dma_wait3A_219 = tpu.memref_squeeze %dma_wait3A_218 : memref<1x20x1000xf32, #tpu.memory_space<hbm>> -> memref<20x1000xf32, #tpu.memory_space<hbm>>
    %dma_wait3A_220 = arith.constant 0 : i32
    %dma_wait3A_221 = arith.constant 0 : i32
    %dma_wait3A_222 = tpu.memref_slice %arg4[%add3A_198, %dma_wait3A_220, %dma_wait3A_221] : memref<1024x20x1000xf32, #tpu.memory_space<hbm>> -> memref<1x20x1000xf32, #tpu.memory_space<hbm>>
    %dma_wait3A_223 = tpu.memref_squeeze %dma_wait3A_222 : memref<1x20x1000xf32, #tpu.memory_space<hbm>> -> memref<20x1000xf32, #tpu.memory_space<hbm>>
    %dma_wait3A_224 = arith.constant 60 : i32
    %dma_wait3A_225 = arith.constant 0 : i32
    %dma_wait3A_226 = tpu.memref_slice %arg6[%dma_wait3A_224, %dma_wait3A_225] : memref<80x1000xf32, #tpu.memory_space<vmem>> -> memref<20x1000xf32, #tpu.memory_space<vmem>>
    tpu.wait_dma2 semaphore(%arg13 : memref<!tpu.dma_semaphore, #tpu.memory_space<semaphore_mem>>) src(%dma_wait3A_226 : memref<20x1000xf32, #tpu.memory_space<vmem>>) dst(%dma_wait3A_223 : memref<20x1000xf32, #tpu.memory_space<hbm>>)
    %dma_start3A_227 = arith.constant 48 : i32
    %dma_start3A_228 = arith.constant 0 : i32
    %dma_start3A_229 = tpu.memref_slice %arg6[%dma_start3A_227, %dma_start3A_228] : memref<80x1000xf32, #tpu.memory_space<vmem>> -> memref<16x1000xf32, #tpu.memory_space<vmem>>
    %dma_start3A_230 = arith.constant 128 : i32
    %dma_start3A_231 = tpu.memref_slice %arg5[%dma_start3A_230] : memref<640xi32, #tpu.memory_space<vmem>> -> memref<16xi32, #tpu.memory_space<vmem>>
    %dma_start3A_232 = arith.constant 0 : i32
    %dma_start3A_233 = arith.constant 0 : i32
    %dma_start3A_234 = tpu.memref_slice %arg3[%dma_start3A_232, %dma_start3A_233] : memref<1000x1000xf32, #tpu.memory_space<hbm>> -> memref<1000x1000xf32, #tpu.memory_space<hbm>>
    tpu.enqueue_indirect_dma source(%dma_start3A_234 : memref<1000x1000xf32, #tpu.memory_space<hbm>>) target(%dma_start3A_229 : memref<16x1000xf32, #tpu.memory_space<vmem>>) offsets(%dma_start3A_231 : memref<16xi32, #tpu.memory_space<vmem>>) semaphore(%arg10 : memref<!tpu.dma_semaphore, #tpu.memory_space<semaphore_mem>>)
    %dma_start3A_235 = arith.constant 64 : i32
    %dma_start3A_236 = arith.constant 0 : i32
    %dma_start3A_237 = tpu.memref_slice %arg6[%dma_start3A_235, %dma_start3A_236] : memref<80x1000xf32, #tpu.memory_space<vmem>> -> memref<16x1000xf32, #tpu.memory_space<vmem>>
    %dma_start3A_238 = arith.constant 144 : i32
    %dma_start3A_239 = tpu.memref_slice %arg5[%dma_start3A_238] : memref<640xi32, #tpu.memory_space<vmem>> -> memref<16xi32, #tpu.memory_space<vmem>>
    %dma_start3A_240 = arith.constant 0 : i32
    %dma_start3A_241 = arith.constant 0 : i32
    %dma_start3A_242 = tpu.memref_slice %arg3[%dma_start3A_240, %dma_start3A_241] : memref<1000x1000xf32, #tpu.memory_space<hbm>> -> memref<1000x1000xf32, #tpu.memory_space<hbm>>
    tpu.enqueue_indirect_dma source(%dma_start3A_242 : memref<1000x1000xf32, #tpu.memory_space<hbm>>) target(%dma_start3A_237 : memref<16x1000xf32, #tpu.memory_space<vmem>>) offsets(%dma_start3A_239 : memref<16xi32, #tpu.memory_space<vmem>>) semaphore(%arg11 : memref<!tpu.dma_semaphore, #tpu.memory_space<semaphore_mem>>)
    %dma_wait3A_243 = arith.constant 0 : i32
    %dma_wait3A_244 = arith.constant 0 : i32
    %dma_wait3A_245 = tpu.memref_slice %arg6[%dma_wait3A_243, %dma_wait3A_244] : memref<80x1000xf32, #tpu.memory_space<vmem>> -> memref<16x1000xf32, #tpu.memory_space<vmem>>
    %dma_wait3A_246 = arith.constant 80 : i32
    %dma_wait3A_247 = tpu.memref_slice %arg5[%dma_wait3A_246] : memref<640xi32, #tpu.memory_space<vmem>> -> memref<16xi32, #tpu.memory_space<vmem>>
    %dma_wait3A_248 = arith.constant 0 : i32
    %dma_wait3A_249 = arith.constant 0 : i32
    %dma_wait3A_250 = tpu.memref_slice %arg3[%dma_wait3A_248, %dma_wait3A_249] : memref<1000x1000xf32, #tpu.memory_space<hbm>> -> memref<1000x1000xf32, #tpu.memory_space<hbm>>
    tpu.wait_indirect_dma semaphore(%arg7 : memref<!tpu.dma_semaphore, #tpu.memory_space<semaphore_mem>>) src(%dma_wait3A_250 : memref<1000x1000xf32, #tpu.memory_space<hbm>>) dst(%dma_wait3A_245 : memref<16x1000xf32, #tpu.memory_space<vmem>>)
    %dma_wait3A_251 = arith.constant 16 : i32
    %dma_wait3A_252 = arith.constant 0 : i32
    %dma_wait3A_253 = tpu.memref_slice %arg6[%dma_wait3A_251, %dma_wait3A_252] : memref<80x1000xf32, #tpu.memory_space<vmem>> -> memref<16x1000xf32, #tpu.memory_space<vmem>>
    %dma_wait3A_254 = arith.constant 96 : i32
    %dma_wait3A_255 = tpu.memref_slice %arg5[%dma_wait3A_254] : memref<640xi32, #tpu.memory_space<vmem>> -> memref<16xi32, #tpu.memory_space<vmem>>
    %dma_wait3A_256 = arith.constant 0 : i32
    %dma_wait3A_257 = arith.constant 0 : i32
    %dma_wait3A_258 = tpu.memref_slice %arg3[%dma_wait3A_256, %dma_wait3A_257] : memref<1000x1000xf32, #tpu.memory_space<hbm>> -> memref<1000x1000xf32, #tpu.memory_space<hbm>>
    tpu.wait_indirect_dma semaphore(%arg8 : memref<!tpu.dma_semaphore, #tpu.memory_space<semaphore_mem>>) src(%dma_wait3A_258 : memref<1000x1000xf32, #tpu.memory_space<hbm>>) dst(%dma_wait3A_253 : memref<16x1000xf32, #tpu.memory_space<vmem>>)
    %add3A_259 = arith.constant 4 : i32
    %add3A_260 = arith.addi %mul3A_2, %add3A_259 : i32
    %dma_start3A_261 = arith.constant 0 : i32
    %dma_start3A_262 = arith.constant 0 : i32
    %dma_start3A_263 = tpu.memref_slice %arg6[%dma_start3A_261, %dma_start3A_262] : memref<80x1000xf32, #tpu.memory_space<vmem>> -> memref<20x1000xf32, #tpu.memory_space<vmem>>
    %dma_start3A_264 = arith.constant 0 : i32
    %dma_start3A_265 = arith.constant 0 : i32
    %dma_start3A_266 = tpu.memref_slice %arg4[%add3A_260, %dma_start3A_264, %dma_start3A_265] : memref<1024x20x1000xf32, #tpu.memory_space<hbm>> -> memref<1x20x1000xf32, #tpu.memory_space<hbm>>
    %dma_start3A_267 = tpu.memref_squeeze %dma_start3A_266 : memref<1x20x1000xf32, #tpu.memory_space<hbm>> -> memref<20x1000xf32, #tpu.memory_space<hbm>>
    %dma_start3A_268 = arith.constant 0 : i32
    %dma_start3A_269 = arith.constant 0 : i32
    %dma_start3A_270 = tpu.memref_slice %arg4[%add3A_260, %dma_start3A_268, %dma_start3A_269] : memref<1024x20x1000xf32, #tpu.memory_space<hbm>> -> memref<1x20x1000xf32, #tpu.memory_space<hbm>>
    %dma_start3A_271 = tpu.memref_squeeze %dma_start3A_270 : memref<1x20x1000xf32, #tpu.memory_space<hbm>> -> memref<20x1000xf32, #tpu.memory_space<hbm>>
    %dma_start3A_272 = arith.constant 0 : i32
    %dma_start3A_273 = arith.constant 0 : i32
    %dma_start3A_274 = tpu.memref_slice %arg6[%dma_start3A_272, %dma_start3A_273] : memref<80x1000xf32, #tpu.memory_space<vmem>> -> memref<20x1000xf32, #tpu.memory_space<vmem>>
    tpu.enqueue_dma source(%dma_start3A_274 : memref<20x1000xf32, #tpu.memory_space<vmem>>) target(%dma_start3A_271 : memref<20x1000xf32, #tpu.memory_space<hbm>>) target_semaphore(%arg12 : memref<!tpu.dma_semaphore, #tpu.memory_space<semaphore_mem>>)
    %dma_wait3A_275 = arith.constant 0 : i32
    %dma_wait3A_276 = arith.constant 0 : i32
    %dma_wait3A_277 = tpu.memref_slice %arg6[%dma_wait3A_275, %dma_wait3A_276] : memref<80x1000xf32, #tpu.memory_space<vmem>> -> memref<20x1000xf32, #tpu.memory_space<vmem>>
    %dma_wait3A_278 = arith.constant 0 : i32
    %dma_wait3A_279 = arith.constant 0 : i32
    %dma_wait3A_280 = tpu.memref_slice %arg4[%add3A_260, %dma_wait3A_278, %dma_wait3A_279] : memref<1024x20x1000xf32, #tpu.memory_space<hbm>> -> memref<1x20x1000xf32, #tpu.memory_space<hbm>>
    %dma_wait3A_281 = tpu.memref_squeeze %dma_wait3A_280 : memref<1x20x1000xf32, #tpu.memory_space<hbm>> -> memref<20x1000xf32, #tpu.memory_space<hbm>>
    %dma_wait3A_282 = arith.constant 0 : i32
    %dma_wait3A_283 = arith.constant 0 : i32
    %dma_wait3A_284 = tpu.memref_slice %arg4[%add3A_260, %dma_wait3A_282, %dma_wait3A_283] : memref<1024x20x1000xf32, #tpu.memory_space<hbm>> -> memref<1x20x1000xf32, #tpu.memory_space<hbm>>
    %dma_wait3A_285 = tpu.memref_squeeze %dma_wait3A_284 : memref<1x20x1000xf32, #tpu.memory_space<hbm>> -> memref<20x1000xf32, #tpu.memory_space<hbm>>
    %dma_wait3A_286 = arith.constant 0 : i32
    %dma_wait3A_287 = arith.constant 0 : i32
    %dma_wait3A_288 = tpu.memref_slice %arg6[%dma_wait3A_286, %dma_wait3A_287] : memref<80x1000xf32, #tpu.memory_space<vmem>> -> memref<20x1000xf32, #tpu.memory_space<vmem>>
    tpu.wait_dma2 semaphore(%arg12 : memref<!tpu.dma_semaphore, #tpu.memory_space<semaphore_mem>>) src(%dma_wait3A_288 : memref<20x1000xf32, #tpu.memory_space<vmem>>) dst(%dma_wait3A_285 : memref<20x1000xf32, #tpu.memory_space<hbm>>)
    %dma_start3A_289 = arith.constant 0 : i32
    %dma_start3A_290 = arith.constant 0 : i32
    %dma_start3A_291 = tpu.memref_slice %arg6[%dma_start3A_289, %dma_start3A_290] : memref<80x1000xf32, #tpu.memory_space<vmem>> -> memref<16x1000xf32, #tpu.memory_space<vmem>>
    %dma_start3A_292 = arith.constant 160 : i32
    %dma_start3A_293 = tpu.memref_slice %arg5[%dma_start3A_292] : memref<640xi32, #tpu.memory_space<vmem>> -> memref<16xi32, #tpu.memory_space<vmem>>
    %dma_start3A_294 = arith.constant 0 : i32
    %dma_start3A_295 = arith.constant 0 : i32
    %dma_start3A_296 = tpu.memref_slice %arg3[%dma_start3A_294, %dma_start3A_295] : memref<1000x1000xf32, #tpu.memory_space<hbm>> -> memref<1000x1000xf32, #tpu.memory_space<hbm>>
    tpu.enqueue_indirect_dma source(%dma_start3A_296 : memref<1000x1000xf32, #tpu.memory_space<hbm>>) target(%dma_start3A_291 : memref<16x1000xf32, #tpu.memory_space<vmem>>) offsets(%dma_start3A_293 : memref<16xi32, #tpu.memory_space<vmem>>) semaphore(%arg7 : memref<!tpu.dma_semaphore, #tpu.memory_space<semaphore_mem>>)
    %dma_wait3A_297 = arith.constant 32 : i32
    %dma_wait3A_298 = arith.constant 0 : i32
    %dma_wait3A_299 = tpu.memref_slice %arg6[%dma_wait3A_297, %dma_wait3A_298] : memref<80x1000xf32, #tpu.memory_space<vmem>> -> memref<16x1000xf32, #tpu.memory_space<vmem>>
    %dma_wait3A_300 = arith.constant 112 : i32
    %dma_wait3A_301 = tpu.memref_slice %arg5[%dma_wait3A_300] : memref<640xi32, #tpu.memory_space<vmem>> -> memref<16xi32, #tpu.memory_space<vmem>>
    %dma_wait3A_302 = arith.constant 0 : i32
    %dma_wait3A_303 = arith.constant 0 : i32
    %dma_wait3A_304 = tpu.memref_slice %arg3[%dma_wait3A_302, %dma_wait3A_303] : memref<1000x1000xf32, #tpu.memory_space<hbm>> -> memref<1000x1000xf32, #tpu.memory_space<hbm>>
    tpu.wait_indirect_dma semaphore(%arg9 : memref<!tpu.dma_semaphore, #tpu.memory_space<semaphore_mem>>) src(%dma_wait3A_304 : memref<1000x1000xf32, #tpu.memory_space<hbm>>) dst(%dma_wait3A_299 : memref<16x1000xf32, #tpu.memory_space<vmem>>)
    %add3A_305 = arith.constant 5 : i32
    %add3A_306 = arith.addi %mul3A_2, %add3A_305 : i32
    %dma_start3A_307 = arith.constant 20 : i32
    %dma_start3A_308 = arith.constant 0 : i32
    %dma_start3A_309 = tpu.memref_slice %arg6[%dma_start3A_307, %dma_start3A_308] : memref<80x1000xf32, #tpu.memory_space<vmem>> -> memref<20x1000xf32, #tpu.memory_space<vmem>>
    %dma_start3A_310 = arith.constant 0 : i32
    %dma_start3A_311 = arith.constant 0 : i32
    %dma_start3A_312 = tpu.memref_slice %arg4[%add3A_306, %dma_start3A_310, %dma_start3A_311] : memref<1024x20x1000xf32, #tpu.memory_space<hbm>> -> memref<1x20x1000xf32, #tpu.memory_space<hbm>>
    %dma_start3A_313 = tpu.memref_squeeze %dma_start3A_312 : memref<1x20x1000xf32, #tpu.memory_space<hbm>> -> memref<20x1000xf32, #tpu.memory_space<hbm>>
    %dma_start3A_314 = arith.constant 0 : i32
    %dma_start3A_315 = arith.constant 0 : i32
    %dma_start3A_316 = tpu.memref_slice %arg4[%add3A_306, %dma_start3A_314, %dma_start3A_315] : memref<1024x20x1000xf32, #tpu.memory_space<hbm>> -> memref<1x20x1000xf32, #tpu.memory_space<hbm>>
    %dma_start3A_317 = tpu.memref_squeeze %dma_start3A_316 : memref<1x20x1000xf32, #tpu.memory_space<hbm>> -> memref<20x1000xf32, #tpu.memory_space<hbm>>
    %dma_start3A_318 = arith.constant 20 : i32
    %dma_start3A_319 = arith.constant 0 : i32
    %dma_start3A_320 = tpu.memref_slice %arg6[%dma_start3A_318, %dma_start3A_319] : memref<80x1000xf32, #tpu.memory_space<vmem>> -> memref<20x1000xf32, #tpu.memory_space<vmem>>
    tpu.enqueue_dma source(%dma_start3A_320 : memref<20x1000xf32, #tpu.memory_space<vmem>>) target(%dma_start3A_317 : memref<20x1000xf32, #tpu.memory_space<hbm>>) target_semaphore(%arg13 : memref<!tpu.dma_semaphore, #tpu.memory_space<semaphore_mem>>)
    %dma_wait3A_321 = arith.constant 20 : i32
    %dma_wait3A_322 = arith.constant 0 : i32
    %dma_wait3A_323 = tpu.memref_slice %arg6[%dma_wait3A_321, %dma_wait3A_322] : memref<80x1000xf32, #tpu.memory_space<vmem>> -> memref<20x1000xf32, #tpu.memory_space<vmem>>
    %dma_wait3A_324 = arith.constant 0 : i32
    %dma_wait3A_325 = arith.constant 0 : i32
    %dma_wait3A_326 = tpu.memref_slice %arg4[%add3A_306, %dma_wait3A_324, %dma_wait3A_325] : memref<1024x20x1000xf32, #tpu.memory_space<hbm>> -> memref<1x20x1000xf32, #tpu.memory_space<hbm>>
    %dma_wait3A_327 = tpu.memref_squeeze %dma_wait3A_326 : memref<1x20x1000xf32, #tpu.memory_space<hbm>> -> memref<20x1000xf32, #tpu.memory_space<hbm>>
    %dma_wait3A_328 = arith.constant 0 : i32
    %dma_wait3A_329 = arith.constant 0 : i32
    %dma_wait3A_330 = tpu.memref_slice %arg4[%add3A_306, %dma_wait3A_328, %dma_wait3A_329] : memref<1024x20x1000xf32, #tpu.memory_space<hbm>> -> memref<1x20x1000xf32, #tpu.memory_space<hbm>>
    %dma_wait3A_331 = tpu.memref_squeeze %dma_wait3A_330 : memref<1x20x1000xf32, #tpu.memory_space<hbm>> -> memref<20x1000xf32, #tpu.memory_space<hbm>>
    %dma_wait3A_332 = arith.constant 20 : i32
    %dma_wait3A_333 = arith.constant 0 : i32
    %dma_wait3A_334 = tpu.memref_slice %arg6[%dma_wait3A_332, %dma_wait3A_333] : memref<80x1000xf32, #tpu.memory_space<vmem>> -> memref<20x1000xf32, #tpu.memory_space<vmem>>
    tpu.wait_dma2 semaphore(%arg13 : memref<!tpu.dma_semaphore, #tpu.memory_space<semaphore_mem>>) src(%dma_wait3A_334 : memref<20x1000xf32, #tpu.memory_space<vmem>>) dst(%dma_wait3A_331 : memref<20x1000xf32, #tpu.memory_space<hbm>>)
    %dma_start3A_335 = arith.constant 16 : i32
    %dma_start3A_336 = arith.constant 0 : i32
    %dma_start3A_337 = tpu.memref_slice %arg6[%dma_start3A_335, %dma_start3A_336] : memref<80x1000xf32, #tpu.memory_space<vmem>> -> memref<16x1000xf32, #tpu.memory_space<vmem>>
    %dma_start3A_338 = arith.constant 176 : i32
    %dma_start3A_339 = tpu.memref_slice %arg5[%dma_start3A_338] : memref<640xi32, #tpu.memory_space<vmem>> -> memref<16xi32, #tpu.memory_space<vmem>>
    %dma_start3A_340 = arith.constant 0 : i32
    %dma_start3A_341 = arith.constant 0 : i32
    %dma_start3A_342 = tpu.memref_slice %arg3[%dma_start3A_340, %dma_start3A_341] : memref<1000x1000xf32, #tpu.memory_space<hbm>> -> memref<1000x1000xf32, #tpu.memory_space<hbm>>
    tpu.enqueue_indirect_dma source(%dma_start3A_342 : memref<1000x1000xf32, #tpu.memory_space<hbm>>) target(%dma_start3A_337 : memref<16x1000xf32, #tpu.memory_space<vmem>>) offsets(%dma_start3A_339 : memref<16xi32, #tpu.memory_space<vmem>>) semaphore(%arg8 : memref<!tpu.dma_semaphore, #tpu.memory_space<semaphore_mem>>)
    %dma_wait3A_343 = arith.constant 48 : i32
    %dma_wait3A_344 = arith.constant 0 : i32
    %dma_wait3A_345 = tpu.memref_slice %arg6[%dma_wait3A_343, %dma_wait3A_344] : memref<80x1000xf32, #tpu.memory_space<vmem>> -> memref<16x1000xf32, #tpu.memory_space<vmem>>
    %dma_wait3A_346 = arith.constant 128 : i32
    %dma_wait3A_347 = tpu.memref_slice %arg5[%dma_wait3A_346] : memref<640xi32, #tpu.memory_space<vmem>> -> memref<16xi32, #tpu.memory_space<vmem>>
    %dma_wait3A_348 = arith.constant 0 : i32
    %dma_wait3A_349 = arith.constant 0 : i32
    %dma_wait3A_350 = tpu.memref_slice %arg3[%dma_wait3A_348, %dma_wait3A_349] : memref<1000x1000xf32, #tpu.memory_space<hbm>> -> memref<1000x1000xf32, #tpu.memory_space<hbm>>
    tpu.wait_indirect_dma semaphore(%arg10 : memref<!tpu.dma_semaphore, #tpu.memory_space<semaphore_mem>>) src(%dma_wait3A_350 : memref<1000x1000xf32, #tpu.memory_space<hbm>>) dst(%dma_wait3A_345 : memref<16x1000xf32, #tpu.memory_space<vmem>>)
    %add3A_351 = arith.constant 6 : i32
    %add3A_352 = arith.addi %mul3A_2, %add3A_351 : i32
    %dma_start3A_353 = arith.constant 40 : i32
    %dma_start3A_354 = arith.constant 0 : i32
    %dma_start3A_355 = tpu.memref_slice %arg6[%dma_start3A_353, %dma_start3A_354] : memref<80x1000xf32, #tpu.memory_space<vmem>> -> memref<20x1000xf32, #tpu.memory_space<vmem>>
    %dma_start3A_356 = arith.constant 0 : i32
    %dma_start3A_357 = arith.constant 0 : i32
    %dma_start3A_358 = tpu.memref_slice %arg4[%add3A_352, %dma_start3A_356, %dma_start3A_357] : memref<1024x20x1000xf32, #tpu.memory_space<hbm>> -> memref<1x20x1000xf32, #tpu.memory_space<hbm>>
    %dma_start3A_359 = tpu.memref_squeeze %dma_start3A_358 : memref<1x20x1000xf32, #tpu.memory_space<hbm>> -> memref<20x1000xf32, #tpu.memory_space<hbm>>
    %dma_start3A_360 = arith.constant 0 : i32
    %dma_start3A_361 = arith.constant 0 : i32
    %dma_start3A_362 = tpu.memref_slice %arg4[%add3A_352, %dma_start3A_360, %dma_start3A_361] : memref<1024x20x1000xf32, #tpu.memory_space<hbm>> -> memref<1x20x1000xf32, #tpu.memory_space<hbm>>
    %dma_start3A_363 = tpu.memref_squeeze %dma_start3A_362 : memref<1x20x1000xf32, #tpu.memory_space<hbm>> -> memref<20x1000xf32, #tpu.memory_space<hbm>>
    %dma_start3A_364 = arith.constant 40 : i32
    %dma_start3A_365 = arith.constant 0 : i32
    %dma_start3A_366 = tpu.memref_slice %arg6[%dma_start3A_364, %dma_start3A_365] : memref<80x1000xf32, #tpu.memory_space<vmem>> -> memref<20x1000xf32, #tpu.memory_space<vmem>>
    tpu.enqueue_dma source(%dma_start3A_366 : memref<20x1000xf32, #tpu.memory_space<vmem>>) target(%dma_start3A_363 : memref<20x1000xf32, #tpu.memory_space<hbm>>) target_semaphore(%arg12 : memref<!tpu.dma_semaphore, #tpu.memory_space<semaphore_mem>>)
    %dma_wait3A_367 = arith.constant 40 : i32
    %dma_wait3A_368 = arith.constant 0 : i32
    %dma_wait3A_369 = tpu.memref_slice %arg6[%dma_wait3A_367, %dma_wait3A_368] : memref<80x1000xf32, #tpu.memory_space<vmem>> -> memref<20x1000xf32, #tpu.memory_space<vmem>>
    %dma_wait3A_370 = arith.constant 0 : i32
    %dma_wait3A_371 = arith.constant 0 : i32
    %dma_wait3A_372 = tpu.memref_slice %arg4[%add3A_352, %dma_wait3A_370, %dma_wait3A_371] : memref<1024x20x1000xf32, #tpu.memory_space<hbm>> -> memref<1x20x1000xf32, #tpu.memory_space<hbm>>
    %dma_wait3A_373 = tpu.memref_squeeze %dma_wait3A_372 : memref<1x20x1000xf32, #tpu.memory_space<hbm>> -> memref<20x1000xf32, #tpu.memory_space<hbm>>
    %dma_wait3A_374 = arith.constant 0 : i32
    %dma_wait3A_375 = arith.constant 0 : i32
    %dma_wait3A_376 = tpu.memref_slice %arg4[%add3A_352, %dma_wait3A_374, %dma_wait3A_375] : memref<1024x20x1000xf32, #tpu.memory_space<hbm>> -> memref<1x20x1000xf32, #tpu.memory_space<hbm>>
    %dma_wait3A_377 = tpu.memref_squeeze %dma_wait3A_376 : memref<1x20x1000xf32, #tpu.memory_space<hbm>> -> memref<20x1000xf32, #tpu.memory_space<hbm>>
    %dma_wait3A_378 = arith.constant 40 : i32
    %dma_wait3A_379 = arith.constant 0 : i32
    %dma_wait3A_380 = tpu.memref_slice %arg6[%dma_wait3A_378, %dma_wait3A_379] : memref<80x1000xf32, #tpu.memory_space<vmem>> -> memref<20x1000xf32, #tpu.memory_space<vmem>>
    tpu.wait_dma2 semaphore(%arg12 : memref<!tpu.dma_semaphore, #tpu.memory_space<semaphore_mem>>) src(%dma_wait3A_380 : memref<20x1000xf32, #tpu.memory_space<vmem>>) dst(%dma_wait3A_377 : memref<20x1000xf32, #tpu.memory_space<hbm>>)
    %dma_start3A_381 = arith.constant 32 : i32
    %dma_start3A_382 = arith.constant 0 : i32
    %dma_start3A_383 = tpu.memref_slice %arg6[%dma_start3A_381, %dma_start3A_382] : memref<80x1000xf32, #tpu.memory_space<vmem>> -> memref<16x1000xf32, #tpu.memory_space<vmem>>
    %dma_start3A_384 = arith.constant 192 : i32
    %dma_start3A_385 = tpu.memref_slice %arg5[%dma_start3A_384] : memref<640xi32, #tpu.memory_space<vmem>> -> memref<16xi32, #tpu.memory_space<vmem>>
    %dma_start3A_386 = arith.constant 0 : i32
    %dma_start3A_387 = arith.constant 0 : i32
    %dma_start3A_388 = tpu.memref_slice %arg3[%dma_start3A_386, %dma_start3A_387] : memref<1000x1000xf32, #tpu.memory_space<hbm>> -> memref<1000x1000xf32, #tpu.memory_space<hbm>>
    tpu.enqueue_indirect_dma source(%dma_start3A_388 : memref<1000x1000xf32, #tpu.memory_space<hbm>>) target(%dma_start3A_383 : memref<16x1000xf32, #tpu.memory_space<vmem>>) offsets(%dma_start3A_385 : memref<16xi32, #tpu.memory_space<vmem>>) semaphore(%arg9 : memref<!tpu.dma_semaphore, #tpu.memory_space<semaphore_mem>>)
    %dma_wait3A_389 = arith.constant 64 : i32
    %dma_wait3A_390 = arith.constant 0 : i32
    %dma_wait3A_391 = tpu.memref_slice %arg6[%dma_wait3A_389, %dma_wait3A_390] : memref<80x1000xf32, #tpu.memory_space<vmem>> -> memref<16x1000xf32, #tpu.memory_space<vmem>>
    %dma_wait3A_392 = arith.constant 144 : i32
    %dma_wait3A_393 = tpu.memref_slice %arg5[%dma_wait3A_392] : memref<640xi32, #tpu.memory_space<vmem>> -> memref<16xi32, #tpu.memory_space<vmem>>
    %dma_wait3A_394 = arith.constant 0 : i32
    %dma_wait3A_395 = arith.constant 0 : i32
    %dma_wait3A_396 = tpu.memref_slice %arg3[%dma_wait3A_394, %dma_wait3A_395] : memref<1000x1000xf32, #tpu.memory_space<hbm>> -> memref<1000x1000xf32, #tpu.memory_space<hbm>>
    tpu.wait_indirect_dma semaphore(%arg11 : memref<!tpu.dma_semaphore, #tpu.memory_space<semaphore_mem>>) src(%dma_wait3A_396 : memref<1000x1000xf32, #tpu.memory_space<hbm>>) dst(%dma_wait3A_391 : memref<16x1000xf32, #tpu.memory_space<vmem>>)
    %add3A_397 = arith.constant 7 : i32
    %add3A_398 = arith.addi %mul3A_2, %add3A_397 : i32
    %dma_start3A_399 = arith.constant 60 : i32
    %dma_start3A_400 = arith.constant 0 : i32
    %dma_start3A_401 = tpu.memref_slice %arg6[%dma_start3A_399, %dma_start3A_400] : memref<80x1000xf32, #tpu.memory_space<vmem>> -> memref<20x1000xf32, #tpu.memory_space<vmem>>
    %dma_start3A_402 = arith.constant 0 : i32
    %dma_start3A_403 = arith.constant 0 : i32
    %dma_start3A_404 = tpu.memref_slice %arg4[%add3A_398, %dma_start3A_402, %dma_start3A_403] : memref<1024x20x1000xf32, #tpu.memory_space<hbm>> -> memref<1x20x1000xf32, #tpu.memory_space<hbm>>
    %dma_start3A_405 = tpu.memref_squeeze %dma_start3A_404 : memref<1x20x1000xf32, #tpu.memory_space<hbm>> -> memref<20x1000xf32, #tpu.memory_space<hbm>>
    %dma_start3A_406 = arith.constant 0 : i32
    %dma_start3A_407 = arith.constant 0 : i32
    %dma_start3A_408 = tpu.memref_slice %arg4[%add3A_398, %dma_start3A_406, %dma_start3A_407] : memref<1024x20x1000xf32, #tpu.memory_space<hbm>> -> memref<1x20x1000xf32, #tpu.memory_space<hbm>>
    %dma_start3A_409 = tpu.memref_squeeze %dma_start3A_408 : memref<1x20x1000xf32, #tpu.memory_space<hbm>> -> memref<20x1000xf32, #tpu.memory_space<hbm>>
    %dma_start3A_410 = arith.constant 60 : i32
    %dma_start3A_411 = arith.constant 0 : i32
    %dma_start3A_412 = tpu.memref_slice %arg6[%dma_start3A_410, %dma_start3A_411] : memref<80x1000xf32, #tpu.memory_space<vmem>> -> memref<20x1000xf32, #tpu.memory_space<vmem>>
    tpu.enqueue_dma source(%dma_start3A_412 : memref<20x1000xf32, #tpu.memory_space<vmem>>) target(%dma_start3A_409 : memref<20x1000xf32, #tpu.memory_space<hbm>>) target_semaphore(%arg13 : memref<!tpu.dma_semaphore, #tpu.memory_space<semaphore_mem>>)
    %dma_wait3A_413 = arith.constant 60 : i32
    %dma_wait3A_414 = arith.constant 0 : i32
    %dma_wait3A_415 = tpu.memref_slice %arg6[%dma_wait3A_413, %dma_wait3A_414] : memref<80x1000xf32, #tpu.memory_space<vmem>> -> memref<20x1000xf32, #tpu.memory_space<vmem>>
    %dma_wait3A_416 = arith.constant 0 : i32
    %dma_wait3A_417 = arith.constant 0 : i32
    %dma_wait3A_418 = tpu.memref_slice %arg4[%add3A_398, %dma_wait3A_416, %dma_wait3A_417] : memref<1024x20x1000xf32, #tpu.memory_space<hbm>> -> memref<1x20x1000xf32, #tpu.memory_space<hbm>>
    %dma_wait3A_419 = tpu.memref_squeeze %dma_wait3A_418 : memref<1x20x1000xf32, #tpu.memory_space<hbm>> -> memref<20x1000xf32, #tpu.memory_space<hbm>>
    %dma_wait3A_420 = arith.constant 0 : i32
    %dma_wait3A_421 = arith.constant 0 : i32
    %dma_wait3A_422 = tpu.memref_slice %arg4[%add3A_398, %dma_wait3A_420, %dma_wait3A_421] : memref<1024x20x1000xf32, #tpu.memory_space<hbm>> -> memref<1x20x1000xf32, #tpu.memory_space<hbm>>
    %dma_wait3A_423 = tpu.memref_squeeze %dma_wait3A_422 : memref<1x20x1000xf32, #tpu.memory_space<hbm>> -> memref<20x1000xf32, #tpu.memory_space<hbm>>
    %dma_wait3A_424 = arith.constant 60 : i32
    %dma_wait3A_425 = arith.constant 0 : i32
    %dma_wait3A_426 = tpu.memref_slice %arg6[%dma_wait3A_424, %dma_wait3A_425] : memref<80x1000xf32, #tpu.memory_space<vmem>> -> memref<20x1000xf32, #tpu.memory_space<vmem>>
    tpu.wait_dma2 semaphore(%arg13 : memref<!tpu.dma_semaphore, #tpu.memory_space<semaphore_mem>>) src(%dma_wait3A_426 : memref<20x1000xf32, #tpu.memory_space<vmem>>) dst(%dma_wait3A_423 : memref<20x1000xf32, #tpu.memory_space<hbm>>)
    %dma_start3A_427 = arith.constant 48 : i32
    %dma_start3A_428 = arith.constant 0 : i32
    %dma_start3A_429 = tpu.memref_slice %arg6[%dma_start3A_427, %dma_start3A_428] : memref<80x1000xf32, #tpu.memory_space<vmem>> -> memref<16x1000xf32, #tpu.memory_space<vmem>>
    %dma_start3A_430 = arith.constant 208 : i32
    %dma_start3A_431 = tpu.memref_slice %arg5[%dma_start3A_430] : memref<640xi32, #tpu.memory_space<vmem>> -> memref<16xi32, #tpu.memory_space<vmem>>
    %dma_start3A_432 = arith.constant 0 : i32
    %dma_start3A_433 = arith.constant 0 : i32
    %dma_start3A_434 = tpu.memref_slice %arg3[%dma_start3A_432, %dma_start3A_433] : memref<1000x1000xf32, #tpu.memory_space<hbm>> -> memref<1000x1000xf32, #tpu.memory_space<hbm>>
    tpu.enqueue_indirect_dma source(%dma_start3A_434 : memref<1000x1000xf32, #tpu.memory_space<hbm>>) target(%dma_start3A_429 : memref<16x1000xf32, #tpu.memory_space<vmem>>) offsets(%dma_start3A_431 : memref<16xi32, #tpu.memory_space<vmem>>) semaphore(%arg10 : memref<!tpu.dma_semaphore, #tpu.memory_space<semaphore_mem>>)
    %dma_start3A_435 = arith.constant 64 : i32
    %dma_start3A_436 = arith.constant 0 : i32
    %dma_start3A_437 = tpu.memref_slice %arg6[%dma_start3A_435, %dma_start3A_436] : memref<80x1000xf32, #tpu.memory_space<vmem>> -> memref<16x1000xf32, #tpu.memory_space<vmem>>
    %dma_start3A_438 = arith.constant 224 : i32
    %dma_start3A_439 = tpu.memref_slice %arg5[%dma_start3A_438] : memref<640xi32, #tpu.memory_space<vmem>> -> memref<16xi32, #tpu.memory_space<vmem>>
    %dma_start3A_440 = arith.constant 0 : i32
    %dma_start3A_441 = arith.constant 0 : i32
    %dma_start3A_442 = tpu.memref_slice %arg3[%dma_start3A_440, %dma_start3A_441] : memref<1000x1000xf32, #tpu.memory_space<hbm>> -> memref<1000x1000xf32, #tpu.memory_space<hbm>>
    tpu.enqueue_indirect_dma source(%dma_start3A_442 : memref<1000x1000xf32, #tpu.memory_space<hbm>>) target(%dma_start3A_437 : memref<16x1000xf32, #tpu.memory_space<vmem>>) offsets(%dma_start3A_439 : memref<16xi32, #tpu.memory_space<vmem>>) semaphore(%arg11 : memref<!tpu.dma_semaphore, #tpu.memory_space<semaphore_mem>>)
    %dma_wait3A_443 = arith.constant 0 : i32
    %dma_wait3A_444 = arith.constant 0 : i32
    %dma_wait3A_445 = tpu.memref_slice %arg6[%dma_wait3A_443, %dma_wait3A_444] : memref<80x1000xf32, #tpu.memory_space<vmem>> -> memref<16x1000xf32, #tpu.memory_space<vmem>>
    %dma_wait3A_446 = arith.constant 160 : i32
    %dma_wait3A_447 = tpu.memref_slice %arg5[%dma_wait3A_446] : memref<640xi32, #tpu.memory_space<vmem>> -> memref<16xi32, #tpu.memory_space<vmem>>
    %dma_wait3A_448 = arith.constant 0 : i32
    %dma_wait3A_449 = arith.constant 0 : i32
    %dma_wait3A_450 = tpu.memref_slice %arg3[%dma_wait3A_448, %dma_wait3A_449] : memref<1000x1000xf32, #tpu.memory_space<hbm>> -> memref<1000x1000xf32, #tpu.memory_space<hbm>>
    tpu.wait_indirect_dma semaphore(%arg7 : memref<!tpu.dma_semaphore, #tpu.memory_space<semaphore_mem>>) src(%dma_wait3A_450 : memref<1000x1000xf32, #tpu.memory_space<hbm>>) dst(%dma_wait3A_445 : memref<16x1000xf32, #tpu.memory_space<vmem>>)
    %dma_wait3A_451 = arith.constant 16 : i32
    %dma_wait3A_452 = arith.constant 0 : i32
    %dma_wait3A_453 = tpu.memref_slice %arg6[%dma_wait3A_451, %dma_wait3A_452] : memref<80x1000xf32, #tpu.memory_space<vmem>> -> memref<16x1000xf32, #tpu.memory_space<vmem>>
    %dma_wait3A_454 = arith.constant 176 : i32
    %dma_wait3A_455 = tpu.memref_slice %arg5[%dma_wait3A_454] : memref<640xi32, #tpu.memory_space<vmem>> -> memref<16xi32, #tpu.memory_space<vmem>>
    %dma_wait3A_456 = arith.constant 0 : i32
    %dma_wait3A_457 = arith.constant 0 : i32
    %dma_wait3A_458 = tpu.memref_slice %arg3[%dma_wait3A_456, %dma_wait3A_457] : memref<1000x1000xf32, #tpu.memory_space<hbm>> -> memref<1000x1000xf32, #tpu.memory_space<hbm>>
    tpu.wait_indirect_dma semaphore(%arg8 : memref<!tpu.dma_semaphore, #tpu.memory_space<semaphore_mem>>) src(%dma_wait3A_458 : memref<1000x1000xf32, #tpu.memory_space<hbm>>) dst(%dma_wait3A_453 : memref<16x1000xf32, #tpu.memory_space<vmem>>)
    %add3A_459 = arith.constant 8 : i32
    %add3A_460 = arith.addi %mul3A_2, %add3A_459 : i32
    %dma_start3A_461 = arith.constant 0 : i32
    %dma_start3A_462 = arith.constant 0 : i32
    %dma_start3A_463 = tpu.memref_slice %arg6[%dma_start3A_461, %dma_start3A_462] : memref<80x1000xf32, #tpu.memory_space<vmem>> -> memref<20x1000xf32, #tpu.memory_space<vmem>>
    %dma_start3A_464 = arith.constant 0 : i32
    %dma_start3A_465 = arith.constant 0 : i32
    %dma_start3A_466 = tpu.memref_slice %arg4[%add3A_460, %dma_start3A_464, %dma_start3A_465] : memref<1024x20x1000xf32, #tpu.memory_space<hbm>> -> memref<1x20x1000xf32, #tpu.memory_space<hbm>>
    %dma_start3A_467 = tpu.memref_squeeze %dma_start3A_466 : memref<1x20x1000xf32, #tpu.memory_space<hbm>> -> memref<20x1000xf32, #tpu.memory_space<hbm>>
    %dma_start3A_468 = arith.constant 0 : i32
    %dma_start3A_469 = arith.constant 0 : i32
    %dma_start3A_470 = tpu.memref_slice %arg4[%add3A_460, %dma_start3A_468, %dma_start3A_469] : memref<1024x20x1000xf32, #tpu.memory_space<hbm>> -> memref<1x20x1000xf32, #tpu.memory_space<hbm>>
    %dma_start3A_471 = tpu.memref_squeeze %dma_start3A_470 : memref<1x20x1000xf32, #tpu.memory_space<hbm>> -> memref<20x1000xf32, #tpu.memory_space<hbm>>
    %dma_start3A_472 = arith.constant 0 : i32
    %dma_start3A_473 = arith.constant 0 : i32
    %dma_start3A_474 = tpu.memref_slice %arg6[%dma_start3A_472, %dma_start3A_473] : memref<80x1000xf32, #tpu.memory_space<vmem>> -> memref<20x1000xf32, #tpu.memory_space<vmem>>
    tpu.enqueue_dma source(%dma_start3A_474 : memref<20x1000xf32, #tpu.memory_space<vmem>>) target(%dma_start3A_471 : memref<20x1000xf32, #tpu.memory_space<hbm>>) target_semaphore(%arg12 : memref<!tpu.dma_semaphore, #tpu.memory_space<semaphore_mem>>)
    %dma_wait3A_475 = arith.constant 0 : i32
    %dma_wait3A_476 = arith.constant 0 : i32
    %dma_wait3A_477 = tpu.memref_slice %arg6[%dma_wait3A_475, %dma_wait3A_476] : memref<80x1000xf32, #tpu.memory_space<vmem>> -> memref<20x1000xf32, #tpu.memory_space<vmem>>
    %dma_wait3A_478 = arith.constant 0 : i32
    %dma_wait3A_479 = arith.constant 0 : i32
    %dma_wait3A_480 = tpu.memref_slice %arg4[%add3A_460, %dma_wait3A_478, %dma_wait3A_479] : memref<1024x20x1000xf32, #tpu.memory_space<hbm>> -> memref<1x20x1000xf32, #tpu.memory_space<hbm>>
    %dma_wait3A_481 = tpu.memref_squeeze %dma_wait3A_480 : memref<1x20x1000xf32, #tpu.memory_space<hbm>> -> memref<20x1000xf32, #tpu.memory_space<hbm>>
    %dma_wait3A_482 = arith.constant 0 : i32
    %dma_wait3A_483 = arith.constant 0 : i32
    %dma_wait3A_484 = tpu.memref_slice %arg4[%add3A_460, %dma_wait3A_482, %dma_wait3A_483] : memref<1024x20x1000xf32, #tpu.memory_space<hbm>> -> memref<1x20x1000xf32, #tpu.memory_space<hbm>>
    %dma_wait3A_485 = tpu.memref_squeeze %dma_wait3A_484 : memref<1x20x1000xf32, #tpu.memory_space<hbm>> -> memref<20x1000xf32, #tpu.memory_space<hbm>>
    %dma_wait3A_486 = arith.constant 0 : i32
    %dma_wait3A_487 = arith.constant 0 : i32
    %dma_wait3A_488 = tpu.memref_slice %arg6[%dma_wait3A_486, %dma_wait3A_487] : memref<80x1000xf32, #tpu.memory_space<vmem>> -> memref<20x1000xf32, #tpu.memory_space<vmem>>
    tpu.wait_dma2 semaphore(%arg12 : memref<!tpu.dma_semaphore, #tpu.memory_space<semaphore_mem>>) src(%dma_wait3A_488 : memref<20x1000xf32, #tpu.memory_space<vmem>>) dst(%dma_wait3A_485 : memref<20x1000xf32, #tpu.memory_space<hbm>>)
    %dma_start3A_489 = arith.constant 0 : i32
    %dma_start3A_490 = arith.constant 0 : i32
    %dma_start3A_491 = tpu.memref_slice %arg6[%dma_start3A_489, %dma_start3A_490] : memref<80x1000xf32, #tpu.memory_space<vmem>> -> memref<16x1000xf32, #tpu.memory_space<vmem>>
    %dma_start3A_492 = arith.constant 240 : i32
    %dma_start3A_493 = tpu.memref_slice %arg5[%dma_start3A_492] : memref<640xi32, #tpu.memory_space<vmem>> -> memref<16xi32, #tpu.memory_space<vmem>>
    %dma_start3A_494 = arith.constant 0 : i32
    %dma_start3A_495 = arith.constant 0 : i32
    %dma_start3A_496 = tpu.memref_slice %arg3[%dma_start3A_494, %dma_start3A_495] : memref<1000x1000xf32, #tpu.memory_space<hbm>> -> memref<1000x1000xf32, #tpu.memory_space<hbm>>
    tpu.enqueue_indirect_dma source(%dma_start3A_496 : memref<1000x1000xf32, #tpu.memory_space<hbm>>) target(%dma_start3A_491 : memref<16x1000xf32, #tpu.memory_space<vmem>>) offsets(%dma_start3A_493 : memref<16xi32, #tpu.memory_space<vmem>>) semaphore(%arg7 : memref<!tpu.dma_semaphore, #tpu.memory_space<semaphore_mem>>)
    %dma_wait3A_497 = arith.constant 32 : i32
    %dma_wait3A_498 = arith.constant 0 : i32
    %dma_wait3A_499 = tpu.memref_slice %arg6[%dma_wait3A_497, %dma_wait3A_498] : memref<80x1000xf32, #tpu.memory_space<vmem>> -> memref<16x1000xf32, #tpu.memory_space<vmem>>
    %dma_wait3A_500 = arith.constant 192 : i32
    %dma_wait3A_501 = tpu.memref_slice %arg5[%dma_wait3A_500] : memref<640xi32, #tpu.memory_space<vmem>> -> memref<16xi32, #tpu.memory_space<vmem>>
    %dma_wait3A_502 = arith.constant 0 : i32
    %dma_wait3A_503 = arith.constant 0 : i32
    %dma_wait3A_504 = tpu.memref_slice %arg3[%dma_wait3A_502, %dma_wait3A_503] : memref<1000x1000xf32, #tpu.memory_space<hbm>> -> memref<1000x1000xf32, #tpu.memory_space<hbm>>
    tpu.wait_indirect_dma semaphore(%arg9 : memref<!tpu.dma_semaphore, #tpu.memory_space<semaphore_mem>>) src(%dma_wait3A_504 : memref<1000x1000xf32, #tpu.memory_space<hbm>>) dst(%dma_wait3A_499 : memref<16x1000xf32, #tpu.memory_space<vmem>>)
    %add3A_505 = arith.constant 9 : i32
    %add3A_506 = arith.addi %mul3A_2, %add3A_505 : i32
    %dma_start3A_507 = arith.constant 20 : i32
    %dma_start3A_508 = arith.constant 0 : i32
    %dma_start3A_509 = tpu.memref_slice %arg6[%dma_start3A_507, %dma_start3A_508] : memref<80x1000xf32, #tpu.memory_space<vmem>> -> memref<20x1000xf32, #tpu.memory_space<vmem>>
    %dma_start3A_510 = arith.constant 0 : i32
    %dma_start3A_511 = arith.constant 0 : i32
    %dma_start3A_512 = tpu.memref_slice %arg4[%add3A_506, %dma_start3A_510, %dma_start3A_511] : memref<1024x20x1000xf32, #tpu.memory_space<hbm>> -> memref<1x20x1000xf32, #tpu.memory_space<hbm>>
    %dma_start3A_513 = tpu.memref_squeeze %dma_start3A_512 : memref<1x20x1000xf32, #tpu.memory_space<hbm>> -> memref<20x1000xf32, #tpu.memory_space<hbm>>
    %dma_start3A_514 = arith.constant 0 : i32
    %dma_start3A_515 = arith.constant 0 : i32
    %dma_start3A_516 = tpu.memref_slice %arg4[%add3A_506, %dma_start3A_514, %dma_start3A_515] : memref<1024x20x1000xf32, #tpu.memory_space<hbm>> -> memref<1x20x1000xf32, #tpu.memory_space<hbm>>
    %dma_start3A_517 = tpu.memref_squeeze %dma_start3A_516 : memref<1x20x1000xf32, #tpu.memory_space<hbm>> -> memref<20x1000xf32, #tpu.memory_space<hbm>>
    %dma_start3A_518 = arith.constant 20 : i32
    %dma_start3A_519 = arith.constant 0 : i32
    %dma_start3A_520 = tpu.memref_slice %arg6[%dma_start3A_518, %dma_start3A_519] : memref<80x1000xf32, #tpu.memory_space<vmem>> -> memref<20x1000xf32, #tpu.memory_space<vmem>>
    tpu.enqueue_dma source(%dma_start3A_520 : memref<20x1000xf32, #tpu.memory_space<vmem>>) target(%dma_start3A_517 : memref<20x1000xf32, #tpu.memory_space<hbm>>) target_semaphore(%arg13 : memref<!tpu.dma_semaphore, #tpu.memory_space<semaphore_mem>>)
    %dma_wait3A_521 = arith.constant 20 : i32
    %dma_wait3A_522 = arith.constant 0 : i32
    %dma_wait3A_523 = tpu.memref_slice %arg6[%dma_wait3A_521, %dma_wait3A_522] : memref<80x1000xf32, #tpu.memory_space<vmem>> -> memref<20x1000xf32, #tpu.memory_space<vmem>>
    %dma_wait3A_524 = arith.constant 0 : i32
    %dma_wait3A_525 = arith.constant 0 : i32
    %dma_wait3A_526 = tpu.memref_slice %arg4[%add3A_506, %dma_wait3A_524, %dma_wait3A_525] : memref<1024x20x1000xf32, #tpu.memory_space<hbm>> -> memref<1x20x1000xf32, #tpu.memory_space<hbm>>
    %dma_wait3A_527 = tpu.memref_squeeze %dma_wait3A_526 : memref<1x20x1000xf32, #tpu.memory_space<hbm>> -> memref<20x1000xf32, #tpu.memory_space<hbm>>
    %dma_wait3A_528 = arith.constant 0 : i32
    %dma_wait3A_529 = arith.constant 0 : i32
    %dma_wait3A_530 = tpu.memref_slice %arg4[%add3A_506, %dma_wait3A_528, %dma_wait3A_529] : memref<1024x20x1000xf32, #tpu.memory_space<hbm>> -> memref<1x20x1000xf32, #tpu.memory_space<hbm>>
    %dma_wait3A_531 = tpu.memref_squeeze %dma_wait3A_530 : memref<1x20x1000xf32, #tpu.memory_space<hbm>> -> memref<20x1000xf32, #tpu.memory_space<hbm>>
    %dma_wait3A_532 = arith.constant 20 : i32
    %dma_wait3A_533 = arith.constant 0 : i32
    %dma_wait3A_534 = tpu.memref_slice %arg6[%dma_wait3A_532, %dma_wait3A_533] : memref<80x1000xf32, #tpu.memory_space<vmem>> -> memref<20x1000xf32, #tpu.memory_space<vmem>>
    tpu.wait_dma2 semaphore(%arg13 : memref<!tpu.dma_semaphore, #tpu.memory_space<semaphore_mem>>) src(%dma_wait3A_534 : memref<20x1000xf32, #tpu.memory_space<vmem>>) dst(%dma_wait3A_531 : memref<20x1000xf32, #tpu.memory_space<hbm>>)
    %dma_start3A_535 = arith.constant 16 : i32
    %dma_start3A_536 = arith.constant 0 : i32
    %dma_start3A_537 = tpu.memref_slice %arg6[%dma_start3A_535, %dma_start3A_536] : memref<80x1000xf32, #tpu.memory_space<vmem>> -> memref<16x1000xf32, #tpu.memory_space<vmem>>
    %dma_start3A_538 = arith.constant 256 : i32
    %dma_start3A_539 = tpu.memref_slice %arg5[%dma_start3A_538] : memref<640xi32, #tpu.memory_space<vmem>> -> memref<16xi32, #tpu.memory_space<vmem>>
    %dma_start3A_540 = arith.constant 0 : i32
    %dma_start3A_541 = arith.constant 0 : i32
    %dma_start3A_542 = tpu.memref_slice %arg3[%dma_start3A_540, %dma_start3A_541] : memref<1000x1000xf32, #tpu.memory_space<hbm>> -> memref<1000x1000xf32, #tpu.memory_space<hbm>>
    tpu.enqueue_indirect_dma source(%dma_start3A_542 : memref<1000x1000xf32, #tpu.memory_space<hbm>>) target(%dma_start3A_537 : memref<16x1000xf32, #tpu.memory_space<vmem>>) offsets(%dma_start3A_539 : memref<16xi32, #tpu.memory_space<vmem>>) semaphore(%arg8 : memref<!tpu.dma_semaphore, #tpu.memory_space<semaphore_mem>>)
    %dma_wait3A_543 = arith.constant 48 : i32
    %dma_wait3A_544 = arith.constant 0 : i32
    %dma_wait3A_545 = tpu.memref_slice %arg6[%dma_wait3A_543, %dma_wait3A_544] : memref<80x1000xf32, #tpu.memory_space<vmem>> -> memref<16x1000xf32, #tpu.memory_space<vmem>>
    %dma_wait3A_546 = arith.constant 208 : i32
    %dma_wait3A_547 = tpu.memref_slice %arg5[%dma_wait3A_546] : memref<640xi32, #tpu.memory_space<vmem>> -> memref<16xi32, #tpu.memory_space<vmem>>
    %dma_wait3A_548 = arith.constant 0 : i32
    %dma_wait3A_549 = arith.constant 0 : i32
    %dma_wait3A_550 = tpu.memref_slice %arg3[%dma_wait3A_548, %dma_wait3A_549] : memref<1000x1000xf32, #tpu.memory_space<hbm>> -> memref<1000x1000xf32, #tpu.memory_space<hbm>>
    tpu.wait_indirect_dma semaphore(%arg10 : memref<!tpu.dma_semaphore, #tpu.memory_space<semaphore_mem>>) src(%dma_wait3A_550 : memref<1000x1000xf32, #tpu.memory_space<hbm>>) dst(%dma_wait3A_545 : memref<16x1000xf32, #tpu.memory_space<vmem>>)
    %add3A_551 = arith.constant 10 : i32
    %add3A_552 = arith.addi %mul3A_2, %add3A_551 : i32
    %dma_start3A_553 = arith.constant 40 : i32
    %dma_start3A_554 = arith.constant 0 : i32
    %dma_start3A_555 = tpu.memref_slice %arg6[%dma_start3A_553, %dma_start3A_554] : memref<80x1000xf32, #tpu.memory_space<vmem>> -> memref<20x1000xf32, #tpu.memory_space<vmem>>
    %dma_start3A_556 = arith.constant 0 : i32
    %dma_start3A_557 = arith.constant 0 : i32
    %dma_start3A_558 = tpu.memref_slice %arg4[%add3A_552, %dma_start3A_556, %dma_start3A_557] : memref<1024x20x1000xf32, #tpu.memory_space<hbm>> -> memref<1x20x1000xf32, #tpu.memory_space<hbm>>
    %dma_start3A_559 = tpu.memref_squeeze %dma_start3A_558 : memref<1x20x1000xf32, #tpu.memory_space<hbm>> -> memref<20x1000xf32, #tpu.memory_space<hbm>>
    %dma_start3A_560 = arith.constant 0 : i32
    %dma_start3A_561 = arith.constant 0 : i32
    %dma_start3A_562 = tpu.memref_slice %arg4[%add3A_552, %dma_start3A_560, %dma_start3A_561] : memref<1024x20x1000xf32, #tpu.memory_space<hbm>> -> memref<1x20x1000xf32, #tpu.memory_space<hbm>>
    %dma_start3A_563 = tpu.memref_squeeze %dma_start3A_562 : memref<1x20x1000xf32, #tpu.memory_space<hbm>> -> memref<20x1000xf32, #tpu.memory_space<hbm>>
    %dma_start3A_564 = arith.constant 40 : i32
    %dma_start3A_565 = arith.constant 0 : i32
    %dma_start3A_566 = tpu.memref_slice %arg6[%dma_start3A_564, %dma_start3A_565] : memref<80x1000xf32, #tpu.memory_space<vmem>> -> memref<20x1000xf32, #tpu.memory_space<vmem>>
    tpu.enqueue_dma source(%dma_start3A_566 : memref<20x1000xf32, #tpu.memory_space<vmem>>) target(%dma_start3A_563 : memref<20x1000xf32, #tpu.memory_space<hbm>>) target_semaphore(%arg12 : memref<!tpu.dma_semaphore, #tpu.memory_space<semaphore_mem>>)
    %dma_wait3A_567 = arith.constant 40 : i32
    %dma_wait3A_568 = arith.constant 0 : i32
    %dma_wait3A_569 = tpu.memref_slice %arg6[%dma_wait3A_567, %dma_wait3A_568] : memref<80x1000xf32, #tpu.memory_space<vmem>> -> memref<20x1000xf32, #tpu.memory_space<vmem>>
    %dma_wait3A_570 = arith.constant 0 : i32
    %dma_wait3A_571 = arith.constant 0 : i32
    %dma_wait3A_572 = tpu.memref_slice %arg4[%add3A_552, %dma_wait3A_570, %dma_wait3A_571] : memref<1024x20x1000xf32, #tpu.memory_space<hbm>> -> memref<1x20x1000xf32, #tpu.memory_space<hbm>>
    %dma_wait3A_573 = tpu.memref_squeeze %dma_wait3A_572 : memref<1x20x1000xf32, #tpu.memory_space<hbm>> -> memref<20x1000xf32, #tpu.memory_space<hbm>>
    %dma_wait3A_574 = arith.constant 0 : i32
    %dma_wait3A_575 = arith.constant 0 : i32
    %dma_wait3A_576 = tpu.memref_slice %arg4[%add3A_552, %dma_wait3A_574, %dma_wait3A_575] : memref<1024x20x1000xf32, #tpu.memory_space<hbm>> -> memref<1x20x1000xf32, #tpu.memory_space<hbm>>
    %dma_wait3A_577 = tpu.memref_squeeze %dma_wait3A_576 : memref<1x20x1000xf32, #tpu.memory_space<hbm>> -> memref<20x1000xf32, #tpu.memory_space<hbm>>
    %dma_wait3A_578 = arith.constant 40 : i32
    %dma_wait3A_579 = arith.constant 0 : i32
    %dma_wait3A_580 = tpu.memref_slice %arg6[%dma_wait3A_578, %dma_wait3A_579] : memref<80x1000xf32, #tpu.memory_space<vmem>> -> memref<20x1000xf32, #tpu.memory_space<vmem>>
    tpu.wait_dma2 semaphore(%arg12 : memref<!tpu.dma_semaphore, #tpu.memory_space<semaphore_mem>>) src(%dma_wait3A_580 : memref<20x1000xf32, #tpu.memory_space<vmem>>) dst(%dma_wait3A_577 : memref<20x1000xf32, #tpu.memory_space<hbm>>)
    %dma_start3A_581 = arith.constant 32 : i32
    %dma_start3A_582 = arith.constant 0 : i32
    %dma_start3A_583 = tpu.memref_slice %arg6[%dma_start3A_581, %dma_start3A_582] : memref<80x1000xf32, #tpu.memory_space<vmem>> -> memref<16x1000xf32, #tpu.memory_space<vmem>>
    %dma_start3A_584 = arith.constant 272 : i32
    %dma_start3A_585 = tpu.memref_slice %arg5[%dma_start3A_584] : memref<640xi32, #tpu.memory_space<vmem>> -> memref<16xi32, #tpu.memory_space<vmem>>
    %dma_start3A_586 = arith.constant 0 : i32
    %dma_start3A_587 = arith.constant 0 : i32
    %dma_start3A_588 = tpu.memref_slice %arg3[%dma_start3A_586, %dma_start3A_587] : memref<1000x1000xf32, #tpu.memory_space<hbm>> -> memref<1000x1000xf32, #tpu.memory_space<hbm>>
    tpu.enqueue_indirect_dma source(%dma_start3A_588 : memref<1000x1000xf32, #tpu.memory_space<hbm>>) target(%dma_start3A_583 : memref<16x1000xf32, #tpu.memory_space<vmem>>) offsets(%dma_start3A_585 : memref<16xi32, #tpu.memory_space<vmem>>) semaphore(%arg9 : memref<!tpu.dma_semaphore, #tpu.memory_space<semaphore_mem>>)
    %dma_wait3A_589 = arith.constant 64 : i32
    %dma_wait3A_590 = arith.constant 0 : i32
    %dma_wait3A_591 = tpu.memref_slice %arg6[%dma_wait3A_589, %dma_wait3A_590] : memref<80x1000xf32, #tpu.memory_space<vmem>> -> memref<16x1000xf32, #tpu.memory_space<vmem>>
    %dma_wait3A_592 = arith.constant 224 : i32
    %dma_wait3A_593 = tpu.memref_slice %arg5[%dma_wait3A_592] : memref<640xi32, #tpu.memory_space<vmem>> -> memref<16xi32, #tpu.memory_space<vmem>>
    %dma_wait3A_594 = arith.constant 0 : i32
    %dma_wait3A_595 = arith.constant 0 : i32
    %dma_wait3A_596 = tpu.memref_slice %arg3[%dma_wait3A_594, %dma_wait3A_595] : memref<1000x1000xf32, #tpu.memory_space<hbm>> -> memref<1000x1000xf32, #tpu.memory_space<hbm>>
    tpu.wait_indirect_dma semaphore(%arg11 : memref<!tpu.dma_semaphore, #tpu.memory_space<semaphore_mem>>) src(%dma_wait3A_596 : memref<1000x1000xf32, #tpu.memory_space<hbm>>) dst(%dma_wait3A_591 : memref<16x1000xf32, #tpu.memory_space<vmem>>)
    %add3A_597 = arith.constant 11 : i32
    %add3A_598 = arith.addi %mul3A_2, %add3A_597 : i32
    %dma_start3A_599 = arith.constant 60 : i32
    %dma_start3A_600 = arith.constant 0 : i32
    %dma_start3A_601 = tpu.memref_slice %arg6[%dma_start3A_599, %dma_start3A_600] : memref<80x1000xf32, #tpu.memory_space<vmem>> -> memref<20x1000xf32, #tpu.memory_space<vmem>>
    %dma_start3A_602 = arith.constant 0 : i32
    %dma_start3A_603 = arith.constant 0 : i32
    %dma_start3A_604 = tpu.memref_slice %arg4[%add3A_598, %dma_start3A_602, %dma_start3A_603] : memref<1024x20x1000xf32, #tpu.memory_space<hbm>> -> memref<1x20x1000xf32, #tpu.memory_space<hbm>>
    %dma_start3A_605 = tpu.memref_squeeze %dma_start3A_604 : memref<1x20x1000xf32, #tpu.memory_space<hbm>> -> memref<20x1000xf32, #tpu.memory_space<hbm>>
    %dma_start3A_606 = arith.constant 0 : i32
    %dma_start3A_607 = arith.constant 0 : i32
    %dma_start3A_608 = tpu.memref_slice %arg4[%add3A_598, %dma_start3A_606, %dma_start3A_607] : memref<1024x20x1000xf32, #tpu.memory_space<hbm>> -> memref<1x20x1000xf32, #tpu.memory_space<hbm>>
    %dma_start3A_609 = tpu.memref_squeeze %dma_start3A_608 : memref<1x20x1000xf32, #tpu.memory_space<hbm>> -> memref<20x1000xf32, #tpu.memory_space<hbm>>
    %dma_start3A_610 = arith.constant 60 : i32
    %dma_start3A_611 = arith.constant 0 : i32
    %dma_start3A_612 = tpu.memref_slice %arg6[%dma_start3A_610, %dma_start3A_611] : memref<80x1000xf32, #tpu.memory_space<vmem>> -> memref<20x1000xf32, #tpu.memory_space<vmem>>
    tpu.enqueue_dma source(%dma_start3A_612 : memref<20x1000xf32, #tpu.memory_space<vmem>>) target(%dma_start3A_609 : memref<20x1000xf32, #tpu.memory_space<hbm>>) target_semaphore(%arg13 : memref<!tpu.dma_semaphore, #tpu.memory_space<semaphore_mem>>)
    %dma_wait3A_613 = arith.constant 60 : i32
    %dma_wait3A_614 = arith.constant 0 : i32
    %dma_wait3A_615 = tpu.memref_slice %arg6[%dma_wait3A_613, %dma_wait3A_614] : memref<80x1000xf32, #tpu.memory_space<vmem>> -> memref<20x1000xf32, #tpu.memory_space<vmem>>
    %dma_wait3A_616 = arith.constant 0 : i32
    %dma_wait3A_617 = arith.constant 0 : i32
    %dma_wait3A_618 = tpu.memref_slice %arg4[%add3A_598, %dma_wait3A_616, %dma_wait3A_617] : memref<1024x20x1000xf32, #tpu.memory_space<hbm>> -> memref<1x20x1000xf32, #tpu.memory_space<hbm>>
    %dma_wait3A_619 = tpu.memref_squeeze %dma_wait3A_618 : memref<1x20x1000xf32, #tpu.memory_space<hbm>> -> memref<20x1000xf32, #tpu.memory_space<hbm>>
    %dma_wait3A_620 = arith.constant 0 : i32
    %dma_wait3A_621 = arith.constant 0 : i32
    %dma_wait3A_622 = tpu.memref_slice %arg4[%add3A_598, %dma_wait3A_620, %dma_wait3A_621] : memref<1024x20x1000xf32, #tpu.memory_space<hbm>> -> memref<1x20x1000xf32, #tpu.memory_space<hbm>>
    %dma_wait3A_623 = tpu.memref_squeeze %dma_wait3A_622 : memref<1x20x1000xf32, #tpu.memory_space<hbm>> -> memref<20x1000xf32, #tpu.memory_space<hbm>>
    %dma_wait3A_624 = arith.constant 60 : i32
    %dma_wait3A_625 = arith.constant 0 : i32
    %dma_wait3A_626 = tpu.memref_slice %arg6[%dma_wait3A_624, %dma_wait3A_625] : memref<80x1000xf32, #tpu.memory_space<vmem>> -> memref<20x1000xf32, #tpu.memory_space<vmem>>
    tpu.wait_dma2 semaphore(%arg13 : memref<!tpu.dma_semaphore, #tpu.memory_space<semaphore_mem>>) src(%dma_wait3A_626 : memref<20x1000xf32, #tpu.memory_space<vmem>>) dst(%dma_wait3A_623 : memref<20x1000xf32, #tpu.memory_space<hbm>>)
    %dma_start3A_627 = arith.constant 48 : i32
    %dma_start3A_628 = arith.constant 0 : i32
    %dma_start3A_629 = tpu.memref_slice %arg6[%dma_start3A_627, %dma_start3A_628] : memref<80x1000xf32, #tpu.memory_space<vmem>> -> memref<16x1000xf32, #tpu.memory_space<vmem>>
    %dma_start3A_630 = arith.constant 288 : i32
    %dma_start3A_631 = tpu.memref_slice %arg5[%dma_start3A_630] : memref<640xi32, #tpu.memory_space<vmem>> -> memref<16xi32, #tpu.memory_space<vmem>>
    %dma_start3A_632 = arith.constant 0 : i32
    %dma_start3A_633 = arith.constant 0 : i32
    %dma_start3A_634 = tpu.memref_slice %arg3[%dma_start3A_632, %dma_start3A_633] : memref<1000x1000xf32, #tpu.memory_space<hbm>> -> memref<1000x1000xf32, #tpu.memory_space<hbm>>
    tpu.enqueue_indirect_dma source(%dma_start3A_634 : memref<1000x1000xf32, #tpu.memory_space<hbm>>) target(%dma_start3A_629 : memref<16x1000xf32, #tpu.memory_space<vmem>>) offsets(%dma_start3A_631 : memref<16xi32, #tpu.memory_space<vmem>>) semaphore(%arg10 : memref<!tpu.dma_semaphore, #tpu.memory_space<semaphore_mem>>)
    %dma_start3A_635 = arith.constant 64 : i32
    %dma_start3A_636 = arith.constant 0 : i32
    %dma_start3A_637 = tpu.memref_slice %arg6[%dma_start3A_635, %dma_start3A_636] : memref<80x1000xf32, #tpu.memory_space<vmem>> -> memref<16x1000xf32, #tpu.memory_space<vmem>>
    %dma_start3A_638 = arith.constant 304 : i32
    %dma_start3A_639 = tpu.memref_slice %arg5[%dma_start3A_638] : memref<640xi32, #tpu.memory_space<vmem>> -> memref<16xi32, #tpu.memory_space<vmem>>
    %dma_start3A_640 = arith.constant 0 : i32
    %dma_start3A_641 = arith.constant 0 : i32
    %dma_start3A_642 = tpu.memref_slice %arg3[%dma_start3A_640, %dma_start3A_641] : memref<1000x1000xf32, #tpu.memory_space<hbm>> -> memref<1000x1000xf32, #tpu.memory_space<hbm>>
    tpu.enqueue_indirect_dma source(%dma_start3A_642 : memref<1000x1000xf32, #tpu.memory_space<hbm>>) target(%dma_start3A_637 : memref<16x1000xf32, #tpu.memory_space<vmem>>) offsets(%dma_start3A_639 : memref<16xi32, #tpu.memory_space<vmem>>) semaphore(%arg11 : memref<!tpu.dma_semaphore, #tpu.memory_space<semaphore_mem>>)
    %dma_wait3A_643 = arith.constant 0 : i32
    %dma_wait3A_644 = arith.constant 0 : i32
    %dma_wait3A_645 = tpu.memref_slice %arg6[%dma_wait3A_643, %dma_wait3A_644] : memref<80x1000xf32, #tpu.memory_space<vmem>> -> memref<16x1000xf32, #tpu.memory_space<vmem>>
    %dma_wait3A_646 = arith.constant 240 : i32
    %dma_wait3A_647 = tpu.memref_slice %arg5[%dma_wait3A_646] : memref<640xi32, #tpu.memory_space<vmem>> -> memref<16xi32, #tpu.memory_space<vmem>>
    %dma_wait3A_648 = arith.constant 0 : i32
    %dma_wait3A_649 = arith.constant 0 : i32
    %dma_wait3A_650 = tpu.memref_slice %arg3[%dma_wait3A_648, %dma_wait3A_649] : memref<1000x1000xf32, #tpu.memory_space<hbm>> -> memref<1000x1000xf32, #tpu.memory_space<hbm>>
    tpu.wait_indirect_dma semaphore(%arg7 : memref<!tpu.dma_semaphore, #tpu.memory_space<semaphore_mem>>) src(%dma_wait3A_650 : memref<1000x1000xf32, #tpu.memory_space<hbm>>) dst(%dma_wait3A_645 : memref<16x1000xf32, #tpu.memory_space<vmem>>)
    %dma_wait3A_651 = arith.constant 16 : i32
    %dma_wait3A_652 = arith.constant 0 : i32
    %dma_wait3A_653 = tpu.memref_slice %arg6[%dma_wait3A_651, %dma_wait3A_652] : memref<80x1000xf32, #tpu.memory_space<vmem>> -> memref<16x1000xf32, #tpu.memory_space<vmem>>
    %dma_wait3A_654 = arith.constant 256 : i32
    %dma_wait3A_655 = tpu.memref_slice %arg5[%dma_wait3A_654] : memref<640xi32, #tpu.memory_space<vmem>> -> memref<16xi32, #tpu.memory_space<vmem>>
    %dma_wait3A_656 = arith.constant 0 : i32
    %dma_wait3A_657 = arith.constant 0 : i32
    %dma_wait3A_658 = tpu.memref_slice %arg3[%dma_wait3A_656, %dma_wait3A_657] : memref<1000x1000xf32, #tpu.memory_space<hbm>> -> memref<1000x1000xf32, #tpu.memory_space<hbm>>
    tpu.wait_indirect_dma semaphore(%arg8 : memref<!tpu.dma_semaphore, #tpu.memory_space<semaphore_mem>>) src(%dma_wait3A_658 : memref<1000x1000xf32, #tpu.memory_space<hbm>>) dst(%dma_wait3A_653 : memref<16x1000xf32, #tpu.memory_space<vmem>>)
    %add3A_659 = arith.constant 12 : i32
    %add3A_660 = arith.addi %mul3A_2, %add3A_659 : i32
    %dma_start3A_661 = arith.constant 0 : i32
    %dma_start3A_662 = arith.constant 0 : i32
    %dma_start3A_663 = tpu.memref_slice %arg6[%dma_start3A_661, %dma_start3A_662] : memref<80x1000xf32, #tpu.memory_space<vmem>> -> memref<20x1000xf32, #tpu.memory_space<vmem>>
    %dma_start3A_664 = arith.constant 0 : i32
    %dma_start3A_665 = arith.constant 0 : i32
    %dma_start3A_666 = tpu.memref_slice %arg4[%add3A_660, %dma_start3A_664, %dma_start3A_665] : memref<1024x20x1000xf32, #tpu.memory_space<hbm>> -> memref<1x20x1000xf32, #tpu.memory_space<hbm>>
    %dma_start3A_667 = tpu.memref_squeeze %dma_start3A_666 : memref<1x20x1000xf32, #tpu.memory_space<hbm>> -> memref<20x1000xf32, #tpu.memory_space<hbm>>
    %dma_start3A_668 = arith.constant 0 : i32
    %dma_start3A_669 = arith.constant 0 : i32
    %dma_start3A_670 = tpu.memref_slice %arg4[%add3A_660, %dma_start3A_668, %dma_start3A_669] : memref<1024x20x1000xf32, #tpu.memory_space<hbm>> -> memref<1x20x1000xf32, #tpu.memory_space<hbm>>
    %dma_start3A_671 = tpu.memref_squeeze %dma_start3A_670 : memref<1x20x1000xf32, #tpu.memory_space<hbm>> -> memref<20x1000xf32, #tpu.memory_space<hbm>>
    %dma_start3A_672 = arith.constant 0 : i32
    %dma_start3A_673 = arith.constant 0 : i32
    %dma_start3A_674 = tpu.memref_slice %arg6[%dma_start3A_672, %dma_start3A_673] : memref<80x1000xf32, #tpu.memory_space<vmem>> -> memref<20x1000xf32, #tpu.memory_space<vmem>>
    tpu.enqueue_dma source(%dma_start3A_674 : memref<20x1000xf32, #tpu.memory_space<vmem>>) target(%dma_start3A_671 : memref<20x1000xf32, #tpu.memory_space<hbm>>) target_semaphore(%arg12 : memref<!tpu.dma_semaphore, #tpu.memory_space<semaphore_mem>>)
    %dma_wait3A_675 = arith.constant 0 : i32
    %dma_wait3A_676 = arith.constant 0 : i32
    %dma_wait3A_677 = tpu.memref_slice %arg6[%dma_wait3A_675, %dma_wait3A_676] : memref<80x1000xf32, #tpu.memory_space<vmem>> -> memref<20x1000xf32, #tpu.memory_space<vmem>>
    %dma_wait3A_678 = arith.constant 0 : i32
    %dma_wait3A_679 = arith.constant 0 : i32
    %dma_wait3A_680 = tpu.memref_slice %arg4[%add3A_660, %dma_wait3A_678, %dma_wait3A_679] : memref<1024x20x1000xf32, #tpu.memory_space<hbm>> -> memref<1x20x1000xf32, #tpu.memory_space<hbm>>
    %dma_wait3A_681 = tpu.memref_squeeze %dma_wait3A_680 : memref<1x20x1000xf32, #tpu.memory_space<hbm>> -> memref<20x1000xf32, #tpu.memory_space<hbm>>
    %dma_wait3A_682 = arith.constant 0 : i32
    %dma_wait3A_683 = arith.constant 0 : i32
    %dma_wait3A_684 = tpu.memref_slice %arg4[%add3A_660, %dma_wait3A_682, %dma_wait3A_683] : memref<1024x20x1000xf32, #tpu.memory_space<hbm>> -> memref<1x20x1000xf32, #tpu.memory_space<hbm>>
    %dma_wait3A_685 = tpu.memref_squeeze %dma_wait3A_684 : memref<1x20x1000xf32, #tpu.memory_space<hbm>> -> memref<20x1000xf32, #tpu.memory_space<hbm>>
    %dma_wait3A_686 = arith.constant 0 : i32
    %dma_wait3A_687 = arith.constant 0 : i32
    %dma_wait3A_688 = tpu.memref_slice %arg6[%dma_wait3A_686, %dma_wait3A_687] : memref<80x1000xf32, #tpu.memory_space<vmem>> -> memref<20x1000xf32, #tpu.memory_space<vmem>>
    tpu.wait_dma2 semaphore(%arg12 : memref<!tpu.dma_semaphore, #tpu.memory_space<semaphore_mem>>) src(%dma_wait3A_688 : memref<20x1000xf32, #tpu.memory_space<vmem>>) dst(%dma_wait3A_685 : memref<20x1000xf32, #tpu.memory_space<hbm>>)
    %dma_start3A_689 = arith.constant 0 : i32
    %dma_start3A_690 = arith.constant 0 : i32
    %dma_start3A_691 = tpu.memref_slice %arg6[%dma_start3A_689, %dma_start3A_690] : memref<80x1000xf32, #tpu.memory_space<vmem>> -> memref<16x1000xf32, #tpu.memory_space<vmem>>
    %dma_start3A_692 = arith.constant 320 : i32
    %dma_start3A_693 = tpu.memref_slice %arg5[%dma_start3A_692] : memref<640xi32, #tpu.memory_space<vmem>> -> memref<16xi32, #tpu.memory_space<vmem>>
    %dma_start3A_694 = arith.constant 0 : i32
    %dma_start3A_695 = arith.constant 0 : i32
    %dma_start3A_696 = tpu.memref_slice %arg3[%dma_start3A_694, %dma_start3A_695] : memref<1000x1000xf32, #tpu.memory_space<hbm>> -> memref<1000x1000xf32, #tpu.memory_space<hbm>>
    tpu.enqueue_indirect_dma source(%dma_start3A_696 : memref<1000x1000xf32, #tpu.memory_space<hbm>>) target(%dma_start3A_691 : memref<16x1000xf32, #tpu.memory_space<vmem>>) offsets(%dma_start3A_693 : memref<16xi32, #tpu.memory_space<vmem>>) semaphore(%arg7 : memref<!tpu.dma_semaphore, #tpu.memory_space<semaphore_mem>>)
    %dma_wait3A_697 = arith.constant 32 : i32
    %dma_wait3A_698 = arith.constant 0 : i32
    %dma_wait3A_699 = tpu.memref_slice %arg6[%dma_wait3A_697, %dma_wait3A_698] : memref<80x1000xf32, #tpu.memory_space<vmem>> -> memref<16x1000xf32, #tpu.memory_space<vmem>>
    %dma_wait3A_700 = arith.constant 272 : i32
    %dma_wait3A_701 = tpu.memref_slice %arg5[%dma_wait3A_700] : memref<640xi32, #tpu.memory_space<vmem>> -> memref<16xi32, #tpu.memory_space<vmem>>
    %dma_wait3A_702 = arith.constant 0 : i32
    %dma_wait3A_703 = arith.constant 0 : i32
    %dma_wait3A_704 = tpu.memref_slice %arg3[%dma_wait3A_702, %dma_wait3A_703] : memref<1000x1000xf32, #tpu.memory_space<hbm>> -> memref<1000x1000xf32, #tpu.memory_space<hbm>>
    tpu.wait_indirect_dma semaphore(%arg9 : memref<!tpu.dma_semaphore, #tpu.memory_space<semaphore_mem>>) src(%dma_wait3A_704 : memref<1000x1000xf32, #tpu.memory_space<hbm>>) dst(%dma_wait3A_699 : memref<16x1000xf32, #tpu.memory_space<vmem>>)
    %add3A_705 = arith.constant 13 : i32
    %add3A_706 = arith.addi %mul3A_2, %add3A_705 : i32
    %dma_start3A_707 = arith.constant 20 : i32
    %dma_start3A_708 = arith.constant 0 : i32
    %dma_start3A_709 = tpu.memref_slice %arg6[%dma_start3A_707, %dma_start3A_708] : memref<80x1000xf32, #tpu.memory_space<vmem>> -> memref<20x1000xf32, #tpu.memory_space<vmem>>
    %dma_start3A_710 = arith.constant 0 : i32
    %dma_start3A_711 = arith.constant 0 : i32
    %dma_start3A_712 = tpu.memref_slice %arg4[%add3A_706, %dma_start3A_710, %dma_start3A_711] : memref<1024x20x1000xf32, #tpu.memory_space<hbm>> -> memref<1x20x1000xf32, #tpu.memory_space<hbm>>
    %dma_start3A_713 = tpu.memref_squeeze %dma_start3A_712 : memref<1x20x1000xf32, #tpu.memory_space<hbm>> -> memref<20x1000xf32, #tpu.memory_space<hbm>>
    %dma_start3A_714 = arith.constant 0 : i32
    %dma_start3A_715 = arith.constant 0 : i32
    %dma_start3A_716 = tpu.memref_slice %arg4[%add3A_706, %dma_start3A_714, %dma_start3A_715] : memref<1024x20x1000xf32, #tpu.memory_space<hbm>> -> memref<1x20x1000xf32, #tpu.memory_space<hbm>>
    %dma_start3A_717 = tpu.memref_squeeze %dma_start3A_716 : memref<1x20x1000xf32, #tpu.memory_space<hbm>> -> memref<20x1000xf32, #tpu.memory_space<hbm>>
    %dma_start3A_718 = arith.constant 20 : i32
    %dma_start3A_719 = arith.constant 0 : i32
    %dma_start3A_720 = tpu.memref_slice %arg6[%dma_start3A_718, %dma_start3A_719] : memref<80x1000xf32, #tpu.memory_space<vmem>> -> memref<20x1000xf32, #tpu.memory_space<vmem>>
    tpu.enqueue_dma source(%dma_start3A_720 : memref<20x1000xf32, #tpu.memory_space<vmem>>) target(%dma_start3A_717 : memref<20x1000xf32, #tpu.memory_space<hbm>>) target_semaphore(%arg13 : memref<!tpu.dma_semaphore, #tpu.memory_space<semaphore_mem>>)
    %dma_wait3A_721 = arith.constant 20 : i32
    %dma_wait3A_722 = arith.constant 0 : i32
    %dma_wait3A_723 = tpu.memref_slice %arg6[%dma_wait3A_721, %dma_wait3A_722] : memref<80x1000xf32, #tpu.memory_space<vmem>> -> memref<20x1000xf32, #tpu.memory_space<vmem>>
    %dma_wait3A_724 = arith.constant 0 : i32
    %dma_wait3A_725 = arith.constant 0 : i32
    %dma_wait3A_726 = tpu.memref_slice %arg4[%add3A_706, %dma_wait3A_724, %dma_wait3A_725] : memref<1024x20x1000xf32, #tpu.memory_space<hbm>> -> memref<1x20x1000xf32, #tpu.memory_space<hbm>>
    %dma_wait3A_727 = tpu.memref_squeeze %dma_wait3A_726 : memref<1x20x1000xf32, #tpu.memory_space<hbm>> -> memref<20x1000xf32, #tpu.memory_space<hbm>>
    %dma_wait3A_728 = arith.constant 0 : i32
    %dma_wait3A_729 = arith.constant 0 : i32
    %dma_wait3A_730 = tpu.memref_slice %arg4[%add3A_706, %dma_wait3A_728, %dma_wait3A_729] : memref<1024x20x1000xf32, #tpu.memory_space<hbm>> -> memref<1x20x1000xf32, #tpu.memory_space<hbm>>
    %dma_wait3A_731 = tpu.memref_squeeze %dma_wait3A_730 : memref<1x20x1000xf32, #tpu.memory_space<hbm>> -> memref<20x1000xf32, #tpu.memory_space<hbm>>
    %dma_wait3A_732 = arith.constant 20 : i32
    %dma_wait3A_733 = arith.constant 0 : i32
    %dma_wait3A_734 = tpu.memref_slice %arg6[%dma_wait3A_732, %dma_wait3A_733] : memref<80x1000xf32, #tpu.memory_space<vmem>> -> memref<20x1000xf32, #tpu.memory_space<vmem>>
    tpu.wait_dma2 semaphore(%arg13 : memref<!tpu.dma_semaphore, #tpu.memory_space<semaphore_mem>>) src(%dma_wait3A_734 : memref<20x1000xf32, #tpu.memory_space<vmem>>) dst(%dma_wait3A_731 : memref<20x1000xf32, #tpu.memory_space<hbm>>)
    %dma_start3A_735 = arith.constant 16 : i32
    %dma_start3A_736 = arith.constant 0 : i32
    %dma_start3A_737 = tpu.memref_slice %arg6[%dma_start3A_735, %dma_start3A_736] : memref<80x1000xf32, #tpu.memory_space<vmem>> -> memref<16x1000xf32, #tpu.memory_space<vmem>>
    %dma_start3A_738 = arith.constant 336 : i32
    %dma_start3A_739 = tpu.memref_slice %arg5[%dma_start3A_738] : memref<640xi32, #tpu.memory_space<vmem>> -> memref<16xi32, #tpu.memory_space<vmem>>
    %dma_start3A_740 = arith.constant 0 : i32
    %dma_start3A_741 = arith.constant 0 : i32
    %dma_start3A_742 = tpu.memref_slice %arg3[%dma_start3A_740, %dma_start3A_741] : memref<1000x1000xf32, #tpu.memory_space<hbm>> -> memref<1000x1000xf32, #tpu.memory_space<hbm>>
    tpu.enqueue_indirect_dma source(%dma_start3A_742 : memref<1000x1000xf32, #tpu.memory_space<hbm>>) target(%dma_start3A_737 : memref<16x1000xf32, #tpu.memory_space<vmem>>) offsets(%dma_start3A_739 : memref<16xi32, #tpu.memory_space<vmem>>) semaphore(%arg8 : memref<!tpu.dma_semaphore, #tpu.memory_space<semaphore_mem>>)
    %dma_wait3A_743 = arith.constant 48 : i32
    %dma_wait3A_744 = arith.constant 0 : i32
    %dma_wait3A_745 = tpu.memref_slice %arg6[%dma_wait3A_743, %dma_wait3A_744] : memref<80x1000xf32, #tpu.memory_space<vmem>> -> memref<16x1000xf32, #tpu.memory_space<vmem>>
    %dma_wait3A_746 = arith.constant 288 : i32
    %dma_wait3A_747 = tpu.memref_slice %arg5[%dma_wait3A_746] : memref<640xi32, #tpu.memory_space<vmem>> -> memref<16xi32, #tpu.memory_space<vmem>>
    %dma_wait3A_748 = arith.constant 0 : i32
    %dma_wait3A_749 = arith.constant 0 : i32
    %dma_wait3A_750 = tpu.memref_slice %arg3[%dma_wait3A_748, %dma_wait3A_749] : memref<1000x1000xf32, #tpu.memory_space<hbm>> -> memref<1000x1000xf32, #tpu.memory_space<hbm>>
    tpu.wait_indirect_dma semaphore(%arg10 : memref<!tpu.dma_semaphore, #tpu.memory_space<semaphore_mem>>) src(%dma_wait3A_750 : memref<1000x1000xf32, #tpu.memory_space<hbm>>) dst(%dma_wait3A_745 : memref<16x1000xf32, #tpu.memory_space<vmem>>)
    %add3A_751 = arith.constant 14 : i32
    %add3A_752 = arith.addi %mul3A_2, %add3A_751 : i32
    %dma_start3A_753 = arith.constant 40 : i32
    %dma_start3A_754 = arith.constant 0 : i32
    %dma_start3A_755 = tpu.memref_slice %arg6[%dma_start3A_753, %dma_start3A_754] : memref<80x1000xf32, #tpu.memory_space<vmem>> -> memref<20x1000xf32, #tpu.memory_space<vmem>>
    %dma_start3A_756 = arith.constant 0 : i32
    %dma_start3A_757 = arith.constant 0 : i32
    %dma_start3A_758 = tpu.memref_slice %arg4[%add3A_752, %dma_start3A_756, %dma_start3A_757] : memref<1024x20x1000xf32, #tpu.memory_space<hbm>> -> memref<1x20x1000xf32, #tpu.memory_space<hbm>>
    %dma_start3A_759 = tpu.memref_squeeze %dma_start3A_758 : memref<1x20x1000xf32, #tpu.memory_space<hbm>> -> memref<20x1000xf32, #tpu.memory_space<hbm>>
    %dma_start3A_760 = arith.constant 0 : i32
    %dma_start3A_761 = arith.constant 0 : i32
    %dma_start3A_762 = tpu.memref_slice %arg4[%add3A_752, %dma_start3A_760, %dma_start3A_761] : memref<1024x20x1000xf32, #tpu.memory_space<hbm>> -> memref<1x20x1000xf32, #tpu.memory_space<hbm>>
    %dma_start3A_763 = tpu.memref_squeeze %dma_start3A_762 : memref<1x20x1000xf32, #tpu.memory_space<hbm>> -> memref<20x1000xf32, #tpu.memory_space<hbm>>
    %dma_start3A_764 = arith.constant 40 : i32
    %dma_start3A_765 = arith.constant 0 : i32
    %dma_start3A_766 = tpu.memref_slice %arg6[%dma_start3A_764, %dma_start3A_765] : memref<80x1000xf32, #tpu.memory_space<vmem>> -> memref<20x1000xf32, #tpu.memory_space<vmem>>
    tpu.enqueue_dma source(%dma_start3A_766 : memref<20x1000xf32, #tpu.memory_space<vmem>>) target(%dma_start3A_763 : memref<20x1000xf32, #tpu.memory_space<hbm>>) target_semaphore(%arg12 : memref<!tpu.dma_semaphore, #tpu.memory_space<semaphore_mem>>)
    %dma_wait3A_767 = arith.constant 40 : i32
    %dma_wait3A_768 = arith.constant 0 : i32
    %dma_wait3A_769 = tpu.memref_slice %arg6[%dma_wait3A_767, %dma_wait3A_768] : memref<80x1000xf32, #tpu.memory_space<vmem>> -> memref<20x1000xf32, #tpu.memory_space<vmem>>
    %dma_wait3A_770 = arith.constant 0 : i32
    %dma_wait3A_771 = arith.constant 0 : i32
    %dma_wait3A_772 = tpu.memref_slice %arg4[%add3A_752, %dma_wait3A_770, %dma_wait3A_771] : memref<1024x20x1000xf32, #tpu.memory_space<hbm>> -> memref<1x20x1000xf32, #tpu.memory_space<hbm>>
    %dma_wait3A_773 = tpu.memref_squeeze %dma_wait3A_772 : memref<1x20x1000xf32, #tpu.memory_space<hbm>> -> memref<20x1000xf32, #tpu.memory_space<hbm>>
    %dma_wait3A_774 = arith.constant 0 : i32
    %dma_wait3A_775 = arith.constant 0 : i32
    %dma_wait3A_776 = tpu.memref_slice %arg4[%add3A_752, %dma_wait3A_774, %dma_wait3A_775] : memref<1024x20x1000xf32, #tpu.memory_space<hbm>> -> memref<1x20x1000xf32, #tpu.memory_space<hbm>>
    %dma_wait3A_777 = tpu.memref_squeeze %dma_wait3A_776 : memref<1x20x1000xf32, #tpu.memory_space<hbm>> -> memref<20x1000xf32, #tpu.memory_space<hbm>>
    %dma_wait3A_778 = arith.constant 40 : i32
    %dma_wait3A_779 = arith.constant 0 : i32
    %dma_wait3A_780 = tpu.memref_slice %arg6[%dma_wait3A_778, %dma_wait3A_779] : memref<80x1000xf32, #tpu.memory_space<vmem>> -> memref<20x1000xf32, #tpu.memory_space<vmem>>
    tpu.wait_dma2 semaphore(%arg12 : memref<!tpu.dma_semaphore, #tpu.memory_space<semaphore_mem>>) src(%dma_wait3A_780 : memref<20x1000xf32, #tpu.memory_space<vmem>>) dst(%dma_wait3A_777 : memref<20x1000xf32, #tpu.memory_space<hbm>>)
    %dma_start3A_781 = arith.constant 32 : i32
    %dma_start3A_782 = arith.constant 0 : i32
    %dma_start3A_783 = tpu.memref_slice %arg6[%dma_start3A_781, %dma_start3A_782] : memref<80x1000xf32, #tpu.memory_space<vmem>> -> memref<16x1000xf32, #tpu.memory_space<vmem>>
    %dma_start3A_784 = arith.constant 352 : i32
    %dma_start3A_785 = tpu.memref_slice %arg5[%dma_start3A_784] : memref<640xi32, #tpu.memory_space<vmem>> -> memref<16xi32, #tpu.memory_space<vmem>>
    %dma_start3A_786 = arith.constant 0 : i32
    %dma_start3A_787 = arith.constant 0 : i32
    %dma_start3A_788 = tpu.memref_slice %arg3[%dma_start3A_786, %dma_start3A_787] : memref<1000x1000xf32, #tpu.memory_space<hbm>> -> memref<1000x1000xf32, #tpu.memory_space<hbm>>
    tpu.enqueue_indirect_dma source(%dma_start3A_788 : memref<1000x1000xf32, #tpu.memory_space<hbm>>) target(%dma_start3A_783 : memref<16x1000xf32, #tpu.memory_space<vmem>>) offsets(%dma_start3A_785 : memref<16xi32, #tpu.memory_space<vmem>>) semaphore(%arg9 : memref<!tpu.dma_semaphore, #tpu.memory_space<semaphore_mem>>)
    %dma_wait3A_789 = arith.constant 64 : i32
    %dma_wait3A_790 = arith.constant 0 : i32
    %dma_wait3A_791 = tpu.memref_slice %arg6[%dma_wait3A_789, %dma_wait3A_790] : memref<80x1000xf32, #tpu.memory_space<vmem>> -> memref<16x1000xf32, #tpu.memory_space<vmem>>
    %dma_wait3A_792 = arith.constant 304 : i32
    %dma_wait3A_793 = tpu.memref_slice %arg5[%dma_wait3A_792] : memref<640xi32, #tpu.memory_space<vmem>> -> memref<16xi32, #tpu.memory_space<vmem>>
    %dma_wait3A_794 = arith.constant 0 : i32
    %dma_wait3A_795 = arith.constant 0 : i32
    %dma_wait3A_796 = tpu.memref_slice %arg3[%dma_wait3A_794, %dma_wait3A_795] : memref<1000x1000xf32, #tpu.memory_space<hbm>> -> memref<1000x1000xf32, #tpu.memory_space<hbm>>
    tpu.wait_indirect_dma semaphore(%arg11 : memref<!tpu.dma_semaphore, #tpu.memory_space<semaphore_mem>>) src(%dma_wait3A_796 : memref<1000x1000xf32, #tpu.memory_space<hbm>>) dst(%dma_wait3A_791 : memref<16x1000xf32, #tpu.memory_space<vmem>>)
    %add3A_797 = arith.constant 15 : i32
    %add3A_798 = arith.addi %mul3A_2, %add3A_797 : i32
    %dma_start3A_799 = arith.constant 60 : i32
    %dma_start3A_800 = arith.constant 0 : i32
    %dma_start3A_801 = tpu.memref_slice %arg6[%dma_start3A_799, %dma_start3A_800] : memref<80x1000xf32, #tpu.memory_space<vmem>> -> memref<20x1000xf32, #tpu.memory_space<vmem>>
    %dma_start3A_802 = arith.constant 0 : i32
    %dma_start3A_803 = arith.constant 0 : i32
    %dma_start3A_804 = tpu.memref_slice %arg4[%add3A_798, %dma_start3A_802, %dma_start3A_803] : memref<1024x20x1000xf32, #tpu.memory_space<hbm>> -> memref<1x20x1000xf32, #tpu.memory_space<hbm>>
    %dma_start3A_805 = tpu.memref_squeeze %dma_start3A_804 : memref<1x20x1000xf32, #tpu.memory_space<hbm>> -> memref<20x1000xf32, #tpu.memory_space<hbm>>
    %dma_start3A_806 = arith.constant 0 : i32
    %dma_start3A_807 = arith.constant 0 : i32
    %dma_start3A_808 = tpu.memref_slice %arg4[%add3A_798, %dma_start3A_806, %dma_start3A_807] : memref<1024x20x1000xf32, #tpu.memory_space<hbm>> -> memref<1x20x1000xf32, #tpu.memory_space<hbm>>
    %dma_start3A_809 = tpu.memref_squeeze %dma_start3A_808 : memref<1x20x1000xf32, #tpu.memory_space<hbm>> -> memref<20x1000xf32, #tpu.memory_space<hbm>>
    %dma_start3A_810 = arith.constant 60 : i32
    %dma_start3A_811 = arith.constant 0 : i32
    %dma_start3A_812 = tpu.memref_slice %arg6[%dma_start3A_810, %dma_start3A_811] : memref<80x1000xf32, #tpu.memory_space<vmem>> -> memref<20x1000xf32, #tpu.memory_space<vmem>>
    tpu.enqueue_dma source(%dma_start3A_812 : memref<20x1000xf32, #tpu.memory_space<vmem>>) target(%dma_start3A_809 : memref<20x1000xf32, #tpu.memory_space<hbm>>) target_semaphore(%arg13 : memref<!tpu.dma_semaphore, #tpu.memory_space<semaphore_mem>>)
    %dma_wait3A_813 = arith.constant 60 : i32
    %dma_wait3A_814 = arith.constant 0 : i32
    %dma_wait3A_815 = tpu.memref_slice %arg6[%dma_wait3A_813, %dma_wait3A_814] : memref<80x1000xf32, #tpu.memory_space<vmem>> -> memref<20x1000xf32, #tpu.memory_space<vmem>>
    %dma_wait3A_816 = arith.constant 0 : i32
    %dma_wait3A_817 = arith.constant 0 : i32
    %dma_wait3A_818 = tpu.memref_slice %arg4[%add3A_798, %dma_wait3A_816, %dma_wait3A_817] : memref<1024x20x1000xf32, #tpu.memory_space<hbm>> -> memref<1x20x1000xf32, #tpu.memory_space<hbm>>
    %dma_wait3A_819 = tpu.memref_squeeze %dma_wait3A_818 : memref<1x20x1000xf32, #tpu.memory_space<hbm>> -> memref<20x1000xf32, #tpu.memory_space<hbm>>
    %dma_wait3A_820 = arith.constant 0 : i32
    %dma_wait3A_821 = arith.constant 0 : i32
    %dma_wait3A_822 = tpu.memref_slice %arg4[%add3A_798, %dma_wait3A_820, %dma_wait3A_821] : memref<1024x20x1000xf32, #tpu.memory_space<hbm>> -> memref<1x20x1000xf32, #tpu.memory_space<hbm>>
    %dma_wait3A_823 = tpu.memref_squeeze %dma_wait3A_822 : memref<1x20x1000xf32, #tpu.memory_space<hbm>> -> memref<20x1000xf32, #tpu.memory_space<hbm>>
    %dma_wait3A_824 = arith.constant 60 : i32
    %dma_wait3A_825 = arith.constant 0 : i32
    %dma_wait3A_826 = tpu.memref_slice %arg6[%dma_wait3A_824, %dma_wait3A_825] : memref<80x1000xf32, #tpu.memory_space<vmem>> -> memref<20x1000xf32, #tpu.memory_space<vmem>>
    tpu.wait_dma2 semaphore(%arg13 : memref<!tpu.dma_semaphore, #tpu.memory_space<semaphore_mem>>) src(%dma_wait3A_826 : memref<20x1000xf32, #tpu.memory_space<vmem>>) dst(%dma_wait3A_823 : memref<20x1000xf32, #tpu.memory_space<hbm>>)
    %dma_start3A_827 = arith.constant 48 : i32
    %dma_start3A_828 = arith.constant 0 : i32
    %dma_start3A_829 = tpu.memref_slice %arg6[%dma_start3A_827, %dma_start3A_828] : memref<80x1000xf32, #tpu.memory_space<vmem>> -> memref<16x1000xf32, #tpu.memory_space<vmem>>
    %dma_start3A_830 = arith.constant 368 : i32
    %dma_start3A_831 = tpu.memref_slice %arg5[%dma_start3A_830] : memref<640xi32, #tpu.memory_space<vmem>> -> memref<16xi32, #tpu.memory_space<vmem>>
    %dma_start3A_832 = arith.constant 0 : i32
    %dma_start3A_833 = arith.constant 0 : i32
    %dma_start3A_834 = tpu.memref_slice %arg3[%dma_start3A_832, %dma_start3A_833] : memref<1000x1000xf32, #tpu.memory_space<hbm>> -> memref<1000x1000xf32, #tpu.memory_space<hbm>>
    tpu.enqueue_indirect_dma source(%dma_start3A_834 : memref<1000x1000xf32, #tpu.memory_space<hbm>>) target(%dma_start3A_829 : memref<16x1000xf32, #tpu.memory_space<vmem>>) offsets(%dma_start3A_831 : memref<16xi32, #tpu.memory_space<vmem>>) semaphore(%arg10 : memref<!tpu.dma_semaphore, #tpu.memory_space<semaphore_mem>>)
    %dma_start3A_835 = arith.constant 64 : i32
    %dma_start3A_836 = arith.constant 0 : i32
    %dma_start3A_837 = tpu.memref_slice %arg6[%dma_start3A_835, %dma_start3A_836] : memref<80x1000xf32, #tpu.memory_space<vmem>> -> memref<16x1000xf32, #tpu.memory_space<vmem>>
    %dma_start3A_838 = arith.constant 384 : i32
    %dma_start3A_839 = tpu.memref_slice %arg5[%dma_start3A_838] : memref<640xi32, #tpu.memory_space<vmem>> -> memref<16xi32, #tpu.memory_space<vmem>>
    %dma_start3A_840 = arith.constant 0 : i32
    %dma_start3A_841 = arith.constant 0 : i32
    %dma_start3A_842 = tpu.memref_slice %arg3[%dma_start3A_840, %dma_start3A_841] : memref<1000x1000xf32, #tpu.memory_space<hbm>> -> memref<1000x1000xf32, #tpu.memory_space<hbm>>
    tpu.enqueue_indirect_dma source(%dma_start3A_842 : memref<1000x1000xf32, #tpu.memory_space<hbm>>) target(%dma_start3A_837 : memref<16x1000xf32, #tpu.memory_space<vmem>>) offsets(%dma_start3A_839 : memref<16xi32, #tpu.memory_space<vmem>>) semaphore(%arg11 : memref<!tpu.dma_semaphore, #tpu.memory_space<semaphore_mem>>)
    %dma_wait3A_843 = arith.constant 0 : i32
    %dma_wait3A_844 = arith.constant 0 : i32
    %dma_wait3A_845 = tpu.memref_slice %arg6[%dma_wait3A_843, %dma_wait3A_844] : memref<80x1000xf32, #tpu.memory_space<vmem>> -> memref<16x1000xf32, #tpu.memory_space<vmem>>
    %dma_wait3A_846 = arith.constant 320 : i32
    %dma_wait3A_847 = tpu.memref_slice %arg5[%dma_wait3A_846] : memref<640xi32, #tpu.memory_space<vmem>> -> memref<16xi32, #tpu.memory_space<vmem>>
    %dma_wait3A_848 = arith.constant 0 : i32
    %dma_wait3A_849 = arith.constant 0 : i32
    %dma_wait3A_850 = tpu.memref_slice %arg3[%dma_wait3A_848, %dma_wait3A_849] : memref<1000x1000xf32, #tpu.memory_space<hbm>> -> memref<1000x1000xf32, #tpu.memory_space<hbm>>
    tpu.wait_indirect_dma semaphore(%arg7 : memref<!tpu.dma_semaphore, #tpu.memory_space<semaphore_mem>>) src(%dma_wait3A_850 : memref<1000x1000xf32, #tpu.memory_space<hbm>>) dst(%dma_wait3A_845 : memref<16x1000xf32, #tpu.memory_space<vmem>>)
    %dma_wait3A_851 = arith.constant 16 : i32
    %dma_wait3A_852 = arith.constant 0 : i32
    %dma_wait3A_853 = tpu.memref_slice %arg6[%dma_wait3A_851, %dma_wait3A_852] : memref<80x1000xf32, #tpu.memory_space<vmem>> -> memref<16x1000xf32, #tpu.memory_space<vmem>>
    %dma_wait3A_854 = arith.constant 336 : i32
    %dma_wait3A_855 = tpu.memref_slice %arg5[%dma_wait3A_854] : memref<640xi32, #tpu.memory_space<vmem>> -> memref<16xi32, #tpu.memory_space<vmem>>
    %dma_wait3A_856 = arith.constant 0 : i32
    %dma_wait3A_857 = arith.constant 0 : i32
    %dma_wait3A_858 = tpu.memref_slice %arg3[%dma_wait3A_856, %dma_wait3A_857] : memref<1000x1000xf32, #tpu.memory_space<hbm>> -> memref<1000x1000xf32, #tpu.memory_space<hbm>>
    tpu.wait_indirect_dma semaphore(%arg8 : memref<!tpu.dma_semaphore, #tpu.memory_space<semaphore_mem>>) src(%dma_wait3A_858 : memref<1000x1000xf32, #tpu.memory_space<hbm>>) dst(%dma_wait3A_853 : memref<16x1000xf32, #tpu.memory_space<vmem>>)
    %add3A_859 = arith.constant 16 : i32
    %add3A_860 = arith.addi %mul3A_2, %add3A_859 : i32
    %dma_start3A_861 = arith.constant 0 : i32
    %dma_start3A_862 = arith.constant 0 : i32
    %dma_start3A_863 = tpu.memref_slice %arg6[%dma_start3A_861, %dma_start3A_862] : memref<80x1000xf32, #tpu.memory_space<vmem>> -> memref<20x1000xf32, #tpu.memory_space<vmem>>
    %dma_start3A_864 = arith.constant 0 : i32
    %dma_start3A_865 = arith.constant 0 : i32
    %dma_start3A_866 = tpu.memref_slice %arg4[%add3A_860, %dma_start3A_864, %dma_start3A_865] : memref<1024x20x1000xf32, #tpu.memory_space<hbm>> -> memref<1x20x1000xf32, #tpu.memory_space<hbm>>
    %dma_start3A_867 = tpu.memref_squeeze %dma_start3A_866 : memref<1x20x1000xf32, #tpu.memory_space<hbm>> -> memref<20x1000xf32, #tpu.memory_space<hbm>>
    %dma_start3A_868 = arith.constant 0 : i32
    %dma_start3A_869 = arith.constant 0 : i32
    %dma_start3A_870 = tpu.memref_slice %arg4[%add3A_860, %dma_start3A_868, %dma_start3A_869] : memref<1024x20x1000xf32, #tpu.memory_space<hbm>> -> memref<1x20x1000xf32, #tpu.memory_space<hbm>>
    %dma_start3A_871 = tpu.memref_squeeze %dma_start3A_870 : memref<1x20x1000xf32, #tpu.memory_space<hbm>> -> memref<20x1000xf32, #tpu.memory_space<hbm>>
    %dma_start3A_872 = arith.constant 0 : i32
    %dma_start3A_873 = arith.constant 0 : i32
    %dma_start3A_874 = tpu.memref_slice %arg6[%dma_start3A_872, %dma_start3A_873] : memref<80x1000xf32, #tpu.memory_space<vmem>> -> memref<20x1000xf32, #tpu.memory_space<vmem>>
    tpu.enqueue_dma source(%dma_start3A_874 : memref<20x1000xf32, #tpu.memory_space<vmem>>) target(%dma_start3A_871 : memref<20x1000xf32, #tpu.memory_space<hbm>>) target_semaphore(%arg12 : memref<!tpu.dma_semaphore, #tpu.memory_space<semaphore_mem>>)
    %dma_wait3A_875 = arith.constant 0 : i32
    %dma_wait3A_876 = arith.constant 0 : i32
    %dma_wait3A_877 = tpu.memref_slice %arg6[%dma_wait3A_875, %dma_wait3A_876] : memref<80x1000xf32, #tpu.memory_space<vmem>> -> memref<20x1000xf32, #tpu.memory_space<vmem>>
    %dma_wait3A_878 = arith.constant 0 : i32
    %dma_wait3A_879 = arith.constant 0 : i32
    %dma_wait3A_880 = tpu.memref_slice %arg4[%add3A_860, %dma_wait3A_878, %dma_wait3A_879] : memref<1024x20x1000xf32, #tpu.memory_space<hbm>> -> memref<1x20x1000xf32, #tpu.memory_space<hbm>>
    %dma_wait3A_881 = tpu.memref_squeeze %dma_wait3A_880 : memref<1x20x1000xf32, #tpu.memory_space<hbm>> -> memref<20x1000xf32, #tpu.memory_space<hbm>>
    %dma_wait3A_882 = arith.constant 0 : i32
    %dma_wait3A_883 = arith.constant 0 : i32
    %dma_wait3A_884 = tpu.memref_slice %arg4[%add3A_860, %dma_wait3A_882, %dma_wait3A_883] : memref<1024x20x1000xf32, #tpu.memory_space<hbm>> -> memref<1x20x1000xf32, #tpu.memory_space<hbm>>
    %dma_wait3A_885 = tpu.memref_squeeze %dma_wait3A_884 : memref<1x20x1000xf32, #tpu.memory_space<hbm>> -> memref<20x1000xf32, #tpu.memory_space<hbm>>
    %dma_wait3A_886 = arith.constant 0 : i32
    %dma_wait3A_887 = arith.constant 0 : i32
    %dma_wait3A_888 = tpu.memref_slice %arg6[%dma_wait3A_886, %dma_wait3A_887] : memref<80x1000xf32, #tpu.memory_space<vmem>> -> memref<20x1000xf32, #tpu.memory_space<vmem>>
    tpu.wait_dma2 semaphore(%arg12 : memref<!tpu.dma_semaphore, #tpu.memory_space<semaphore_mem>>) src(%dma_wait3A_888 : memref<20x1000xf32, #tpu.memory_space<vmem>>) dst(%dma_wait3A_885 : memref<20x1000xf32, #tpu.memory_space<hbm>>)
    %dma_start3A_889 = arith.constant 0 : i32
    %dma_start3A_890 = arith.constant 0 : i32
    %dma_start3A_891 = tpu.memref_slice %arg6[%dma_start3A_889, %dma_start3A_890] : memref<80x1000xf32, #tpu.memory_space<vmem>> -> memref<16x1000xf32, #tpu.memory_space<vmem>>
    %dma_start3A_892 = arith.constant 400 : i32
    %dma_start3A_893 = tpu.memref_slice %arg5[%dma_start3A_892] : memref<640xi32, #tpu.memory_space<vmem>> -> memref<16xi32, #tpu.memory_space<vmem>>
    %dma_start3A_894 = arith.constant 0 : i32
    %dma_start3A_895 = arith.constant 0 : i32
    %dma_start3A_896 = tpu.memref_slice %arg3[%dma_start3A_894, %dma_start3A_895] : memref<1000x1000xf32, #tpu.memory_space<hbm>> -> memref<1000x1000xf32, #tpu.memory_space<hbm>>
    tpu.enqueue_indirect_dma source(%dma_start3A_896 : memref<1000x1000xf32, #tpu.memory_space<hbm>>) target(%dma_start3A_891 : memref<16x1000xf32, #tpu.memory_space<vmem>>) offsets(%dma_start3A_893 : memref<16xi32, #tpu.memory_space<vmem>>) semaphore(%arg7 : memref<!tpu.dma_semaphore, #tpu.memory_space<semaphore_mem>>)
    %dma_wait3A_897 = arith.constant 32 : i32
    %dma_wait3A_898 = arith.constant 0 : i32
    %dma_wait3A_899 = tpu.memref_slice %arg6[%dma_wait3A_897, %dma_wait3A_898] : memref<80x1000xf32, #tpu.memory_space<vmem>> -> memref<16x1000xf32, #tpu.memory_space<vmem>>
    %dma_wait3A_900 = arith.constant 352 : i32
    %dma_wait3A_901 = tpu.memref_slice %arg5[%dma_wait3A_900] : memref<640xi32, #tpu.memory_space<vmem>> -> memref<16xi32, #tpu.memory_space<vmem>>
    %dma_wait3A_902 = arith.constant 0 : i32
    %dma_wait3A_903 = arith.constant 0 : i32
    %dma_wait3A_904 = tpu.memref_slice %arg3[%dma_wait3A_902, %dma_wait3A_903] : memref<1000x1000xf32, #tpu.memory_space<hbm>> -> memref<1000x1000xf32, #tpu.memory_space<hbm>>
    tpu.wait_indirect_dma semaphore(%arg9 : memref<!tpu.dma_semaphore, #tpu.memory_space<semaphore_mem>>) src(%dma_wait3A_904 : memref<1000x1000xf32, #tpu.memory_space<hbm>>) dst(%dma_wait3A_899 : memref<16x1000xf32, #tpu.memory_space<vmem>>)
    %add3A_905 = arith.constant 17 : i32
    %add3A_906 = arith.addi %mul3A_2, %add3A_905 : i32
    %dma_start3A_907 = arith.constant 20 : i32
    %dma_start3A_908 = arith.constant 0 : i32
    %dma_start3A_909 = tpu.memref_slice %arg6[%dma_start3A_907, %dma_start3A_908] : memref<80x1000xf32, #tpu.memory_space<vmem>> -> memref<20x1000xf32, #tpu.memory_space<vmem>>
    %dma_start3A_910 = arith.constant 0 : i32
    %dma_start3A_911 = arith.constant 0 : i32
    %dma_start3A_912 = tpu.memref_slice %arg4[%add3A_906, %dma_start3A_910, %dma_start3A_911] : memref<1024x20x1000xf32, #tpu.memory_space<hbm>> -> memref<1x20x1000xf32, #tpu.memory_space<hbm>>
    %dma_start3A_913 = tpu.memref_squeeze %dma_start3A_912 : memref<1x20x1000xf32, #tpu.memory_space<hbm>> -> memref<20x1000xf32, #tpu.memory_space<hbm>>
    %dma_start3A_914 = arith.constant 0 : i32
    %dma_start3A_915 = arith.constant 0 : i32
    %dma_start3A_916 = tpu.memref_slice %arg4[%add3A_906, %dma_start3A_914, %dma_start3A_915] : memref<1024x20x1000xf32, #tpu.memory_space<hbm>> -> memref<1x20x1000xf32, #tpu.memory_space<hbm>>
    %dma_start3A_917 = tpu.memref_squeeze %dma_start3A_916 : memref<1x20x1000xf32, #tpu.memory_space<hbm>> -> memref<20x1000xf32, #tpu.memory_space<hbm>>
    %dma_start3A_918 = arith.constant 20 : i32
    %dma_start3A_919 = arith.constant 0 : i32
    %dma_start3A_920 = tpu.memref_slice %arg6[%dma_start3A_918, %dma_start3A_919] : memref<80x1000xf32, #tpu.memory_space<vmem>> -> memref<20x1000xf32, #tpu.memory_space<vmem>>
    tpu.enqueue_dma source(%dma_start3A_920 : memref<20x1000xf32, #tpu.memory_space<vmem>>) target(%dma_start3A_917 : memref<20x1000xf32, #tpu.memory_space<hbm>>) target_semaphore(%arg13 : memref<!tpu.dma_semaphore, #tpu.memory_space<semaphore_mem>>)
    %dma_wait3A_921 = arith.constant 20 : i32
    %dma_wait3A_922 = arith.constant 0 : i32
    %dma_wait3A_923 = tpu.memref_slice %arg6[%dma_wait3A_921, %dma_wait3A_922] : memref<80x1000xf32, #tpu.memory_space<vmem>> -> memref<20x1000xf32, #tpu.memory_space<vmem>>
    %dma_wait3A_924 = arith.constant 0 : i32
    %dma_wait3A_925 = arith.constant 0 : i32
    %dma_wait3A_926 = tpu.memref_slice %arg4[%add3A_906, %dma_wait3A_924, %dma_wait3A_925] : memref<1024x20x1000xf32, #tpu.memory_space<hbm>> -> memref<1x20x1000xf32, #tpu.memory_space<hbm>>
    %dma_wait3A_927 = tpu.memref_squeeze %dma_wait3A_926 : memref<1x20x1000xf32, #tpu.memory_space<hbm>> -> memref<20x1000xf32, #tpu.memory_space<hbm>>
    %dma_wait3A_928 = arith.constant 0 : i32
    %dma_wait3A_929 = arith.constant 0 : i32
    %dma_wait3A_930 = tpu.memref_slice %arg4[%add3A_906, %dma_wait3A_928, %dma_wait3A_929] : memref<1024x20x1000xf32, #tpu.memory_space<hbm>> -> memref<1x20x1000xf32, #tpu.memory_space<hbm>>
    %dma_wait3A_931 = tpu.memref_squeeze %dma_wait3A_930 : memref<1x20x1000xf32, #tpu.memory_space<hbm>> -> memref<20x1000xf32, #tpu.memory_space<hbm>>
    %dma_wait3A_932 = arith.constant 20 : i32
    %dma_wait3A_933 = arith.constant 0 : i32
    %dma_wait3A_934 = tpu.memref_slice %arg6[%dma_wait3A_932, %dma_wait3A_933] : memref<80x1000xf32, #tpu.memory_space<vmem>> -> memref<20x1000xf32, #tpu.memory_space<vmem>>
    tpu.wait_dma2 semaphore(%arg13 : memref<!tpu.dma_semaphore, #tpu.memory_space<semaphore_mem>>) src(%dma_wait3A_934 : memref<20x1000xf32, #tpu.memory_space<vmem>>) dst(%dma_wait3A_931 : memref<20x1000xf32, #tpu.memory_space<hbm>>)
    %dma_start3A_935 = arith.constant 16 : i32
    %dma_start3A_936 = arith.constant 0 : i32
    %dma_start3A_937 = tpu.memref_slice %arg6[%dma_start3A_935, %dma_start3A_936] : memref<80x1000xf32, #tpu.memory_space<vmem>> -> memref<16x1000xf32, #tpu.memory_space<vmem>>
    %dma_start3A_938 = arith.constant 416 : i32
    %dma_start3A_939 = tpu.memref_slice %arg5[%dma_start3A_938] : memref<640xi32, #tpu.memory_space<vmem>> -> memref<16xi32, #tpu.memory_space<vmem>>
    %dma_start3A_940 = arith.constant 0 : i32
    %dma_start3A_941 = arith.constant 0 : i32
    %dma_start3A_942 = tpu.memref_slice %arg3[%dma_start3A_940, %dma_start3A_941] : memref<1000x1000xf32, #tpu.memory_space<hbm>> -> memref<1000x1000xf32, #tpu.memory_space<hbm>>
    tpu.enqueue_indirect_dma source(%dma_start3A_942 : memref<1000x1000xf32, #tpu.memory_space<hbm>>) target(%dma_start3A_937 : memref<16x1000xf32, #tpu.memory_space<vmem>>) offsets(%dma_start3A_939 : memref<16xi32, #tpu.memory_space<vmem>>) semaphore(%arg8 : memref<!tpu.dma_semaphore, #tpu.memory_space<semaphore_mem>>)
    %dma_wait3A_943 = arith.constant 48 : i32
    %dma_wait3A_944 = arith.constant 0 : i32
    %dma_wait3A_945 = tpu.memref_slice %arg6[%dma_wait3A_943, %dma_wait3A_944] : memref<80x1000xf32, #tpu.memory_space<vmem>> -> memref<16x1000xf32, #tpu.memory_space<vmem>>
    %dma_wait3A_946 = arith.constant 368 : i32
    %dma_wait3A_947 = tpu.memref_slice %arg5[%dma_wait3A_946] : memref<640xi32, #tpu.memory_space<vmem>> -> memref<16xi32, #tpu.memory_space<vmem>>
    %dma_wait3A_948 = arith.constant 0 : i32
    %dma_wait3A_949 = arith.constant 0 : i32
    %dma_wait3A_950 = tpu.memref_slice %arg3[%dma_wait3A_948, %dma_wait3A_949] : memref<1000x1000xf32, #tpu.memory_space<hbm>> -> memref<1000x1000xf32, #tpu.memory_space<hbm>>
    tpu.wait_indirect_dma semaphore(%arg10 : memref<!tpu.dma_semaphore, #tpu.memory_space<semaphore_mem>>) src(%dma_wait3A_950 : memref<1000x1000xf32, #tpu.memory_space<hbm>>) dst(%dma_wait3A_945 : memref<16x1000xf32, #tpu.memory_space<vmem>>)
    %add3A_951 = arith.constant 18 : i32
    %add3A_952 = arith.addi %mul3A_2, %add3A_951 : i32
    %dma_start3A_953 = arith.constant 40 : i32
    %dma_start3A_954 = arith.constant 0 : i32
    %dma_start3A_955 = tpu.memref_slice %arg6[%dma_start3A_953, %dma_start3A_954] : memref<80x1000xf32, #tpu.memory_space<vmem>> -> memref<20x1000xf32, #tpu.memory_space<vmem>>
    %dma_start3A_956 = arith.constant 0 : i32
    %dma_start3A_957 = arith.constant 0 : i32
    %dma_start3A_958 = tpu.memref_slice %arg4[%add3A_952, %dma_start3A_956, %dma_start3A_957] : memref<1024x20x1000xf32, #tpu.memory_space<hbm>> -> memref<1x20x1000xf32, #tpu.memory_space<hbm>>
    %dma_start3A_959 = tpu.memref_squeeze %dma_start3A_958 : memref<1x20x1000xf32, #tpu.memory_space<hbm>> -> memref<20x1000xf32, #tpu.memory_space<hbm>>
    %dma_start3A_960 = arith.constant 0 : i32
    %dma_start3A_961 = arith.constant 0 : i32
    %dma_start3A_962 = tpu.memref_slice %arg4[%add3A_952, %dma_start3A_960, %dma_start3A_961] : memref<1024x20x1000xf32, #tpu.memory_space<hbm>> -> memref<1x20x1000xf32, #tpu.memory_space<hbm>>
    %dma_start3A_963 = tpu.memref_squeeze %dma_start3A_962 : memref<1x20x1000xf32, #tpu.memory_space<hbm>> -> memref<20x1000xf32, #tpu.memory_space<hbm>>
    %dma_start3A_964 = arith.constant 40 : i32
    %dma_start3A_965 = arith.constant 0 : i32
    %dma_start3A_966 = tpu.memref_slice %arg6[%dma_start3A_964, %dma_start3A_965] : memref<80x1000xf32, #tpu.memory_space<vmem>> -> memref<20x1000xf32, #tpu.memory_space<vmem>>
    tpu.enqueue_dma source(%dma_start3A_966 : memref<20x1000xf32, #tpu.memory_space<vmem>>) target(%dma_start3A_963 : memref<20x1000xf32, #tpu.memory_space<hbm>>) target_semaphore(%arg12 : memref<!tpu.dma_semaphore, #tpu.memory_space<semaphore_mem>>)
    %dma_wait3A_967 = arith.constant 40 : i32
    %dma_wait3A_968 = arith.constant 0 : i32
    %dma_wait3A_969 = tpu.memref_slice %arg6[%dma_wait3A_967, %dma_wait3A_968] : memref<80x1000xf32, #tpu.memory_space<vmem>> -> memref<20x1000xf32, #tpu.memory_space<vmem>>
    %dma_wait3A_970 = arith.constant 0 : i32
    %dma_wait3A_971 = arith.constant 0 : i32
    %dma_wait3A_972 = tpu.memref_slice %arg4[%add3A_952, %dma_wait3A_970, %dma_wait3A_971] : memref<1024x20x1000xf32, #tpu.memory_space<hbm>> -> memref<1x20x1000xf32, #tpu.memory_space<hbm>>
    %dma_wait3A_973 = tpu.memref_squeeze %dma_wait3A_972 : memref<1x20x1000xf32, #tpu.memory_space<hbm>> -> memref<20x1000xf32, #tpu.memory_space<hbm>>
    %dma_wait3A_974 = arith.constant 0 : i32
    %dma_wait3A_975 = arith.constant 0 : i32
    %dma_wait3A_976 = tpu.memref_slice %arg4[%add3A_952, %dma_wait3A_974, %dma_wait3A_975] : memref<1024x20x1000xf32, #tpu.memory_space<hbm>> -> memref<1x20x1000xf32, #tpu.memory_space<hbm>>
    %dma_wait3A_977 = tpu.memref_squeeze %dma_wait3A_976 : memref<1x20x1000xf32, #tpu.memory_space<hbm>> -> memref<20x1000xf32, #tpu.memory_space<hbm>>
    %dma_wait3A_978 = arith.constant 40 : i32
    %dma_wait3A_979 = arith.constant 0 : i32
    %dma_wait3A_980 = tpu.memref_slice %arg6[%dma_wait3A_978, %dma_wait3A_979] : memref<80x1000xf32, #tpu.memory_space<vmem>> -> memref<20x1000xf32, #tpu.memory_space<vmem>>
    tpu.wait_dma2 semaphore(%arg12 : memref<!tpu.dma_semaphore, #tpu.memory_space<semaphore_mem>>) src(%dma_wait3A_980 : memref<20x1000xf32, #tpu.memory_space<vmem>>) dst(%dma_wait3A_977 : memref<20x1000xf32, #tpu.memory_space<hbm>>)
    %dma_start3A_981 = arith.constant 32 : i32
    %dma_start3A_982 = arith.constant 0 : i32
    %dma_start3A_983 = tpu.memref_slice %arg6[%dma_start3A_981, %dma_start3A_982] : memref<80x1000xf32, #tpu.memory_space<vmem>> -> memref<16x1000xf32, #tpu.memory_space<vmem>>
    %dma_start3A_984 = arith.constant 432 : i32
    %dma_start3A_985 = tpu.memref_slice %arg5[%dma_start3A_984] : memref<640xi32, #tpu.memory_space<vmem>> -> memref<16xi32, #tpu.memory_space<vmem>>
    %dma_start3A_986 = arith.constant 0 : i32
    %dma_start3A_987 = arith.constant 0 : i32
    %dma_start3A_988 = tpu.memref_slice %arg3[%dma_start3A_986, %dma_start3A_987] : memref<1000x1000xf32, #tpu.memory_space<hbm>> -> memref<1000x1000xf32, #tpu.memory_space<hbm>>
    tpu.enqueue_indirect_dma source(%dma_start3A_988 : memref<1000x1000xf32, #tpu.memory_space<hbm>>) target(%dma_start3A_983 : memref<16x1000xf32, #tpu.memory_space<vmem>>) offsets(%dma_start3A_985 : memref<16xi32, #tpu.memory_space<vmem>>) semaphore(%arg9 : memref<!tpu.dma_semaphore, #tpu.memory_space<semaphore_mem>>)
    %dma_wait3A_989 = arith.constant 64 : i32
    %dma_wait3A_990 = arith.constant 0 : i32
    %dma_wait3A_991 = tpu.memref_slice %arg6[%dma_wait3A_989, %dma_wait3A_990] : memref<80x1000xf32, #tpu.memory_space<vmem>> -> memref<16x1000xf32, #tpu.memory_space<vmem>>
    %dma_wait3A_992 = arith.constant 384 : i32
    %dma_wait3A_993 = tpu.memref_slice %arg5[%dma_wait3A_992] : memref<640xi32, #tpu.memory_space<vmem>> -> memref<16xi32, #tpu.memory_space<vmem>>
    %dma_wait3A_994 = arith.constant 0 : i32
    %dma_wait3A_995 = arith.constant 0 : i32
    %dma_wait3A_996 = tpu.memref_slice %arg3[%dma_wait3A_994, %dma_wait3A_995] : memref<1000x1000xf32, #tpu.memory_space<hbm>> -> memref<1000x1000xf32, #tpu.memory_space<hbm>>
    tpu.wait_indirect_dma semaphore(%arg11 : memref<!tpu.dma_semaphore, #tpu.memory_space<semaphore_mem>>) src(%dma_wait3A_996 : memref<1000x1000xf32, #tpu.memory_space<hbm>>) dst(%dma_wait3A_991 : memref<16x1000xf32, #tpu.memory_space<vmem>>)
    %add3A_997 = arith.constant 19 : i32
    %add3A_998 = arith.addi %mul3A_2, %add3A_997 : i32
    %dma_start3A_999 = arith.constant 60 : i32
    %dma_start3A_1000 = arith.constant 0 : i32
    %dma_start3A_1001 = tpu.memref_slice %arg6[%dma_start3A_999, %dma_start3A_1000] : memref<80x1000xf32, #tpu.memory_space<vmem>> -> memref<20x1000xf32, #tpu.memory_space<vmem>>
    %dma_start3A_1002 = arith.constant 0 : i32
    %dma_start3A_1003 = arith.constant 0 : i32
    %dma_start3A_1004 = tpu.memref_slice %arg4[%add3A_998, %dma_start3A_1002, %dma_start3A_1003] : memref<1024x20x1000xf32, #tpu.memory_space<hbm>> -> memref<1x20x1000xf32, #tpu.memory_space<hbm>>
    %dma_start3A_1005 = tpu.memref_squeeze %dma_start3A_1004 : memref<1x20x1000xf32, #tpu.memory_space<hbm>> -> memref<20x1000xf32, #tpu.memory_space<hbm>>
    %dma_start3A_1006 = arith.constant 0 : i32
    %dma_start3A_1007 = arith.constant 0 : i32
    %dma_start3A_1008 = tpu.memref_slice %arg4[%add3A_998, %dma_start3A_1006, %dma_start3A_1007] : memref<1024x20x1000xf32, #tpu.memory_space<hbm>> -> memref<1x20x1000xf32, #tpu.memory_space<hbm>>
    %dma_start3A_1009 = tpu.memref_squeeze %dma_start3A_1008 : memref<1x20x1000xf32, #tpu.memory_space<hbm>> -> memref<20x1000xf32, #tpu.memory_space<hbm>>
    %dma_start3A_1010 = arith.constant 60 : i32
    %dma_start3A_1011 = arith.constant 0 : i32
    %dma_start3A_1012 = tpu.memref_slice %arg6[%dma_start3A_1010, %dma_start3A_1011] : memref<80x1000xf32, #tpu.memory_space<vmem>> -> memref<20x1000xf32, #tpu.memory_space<vmem>>
    tpu.enqueue_dma source(%dma_start3A_1012 : memref<20x1000xf32, #tpu.memory_space<vmem>>) target(%dma_start3A_1009 : memref<20x1000xf32, #tpu.memory_space<hbm>>) target_semaphore(%arg13 : memref<!tpu.dma_semaphore, #tpu.memory_space<semaphore_mem>>)
    %dma_wait3A_1013 = arith.constant 60 : i32
    %dma_wait3A_1014 = arith.constant 0 : i32
    %dma_wait3A_1015 = tpu.memref_slice %arg6[%dma_wait3A_1013, %dma_wait3A_1014] : memref<80x1000xf32, #tpu.memory_space<vmem>> -> memref<20x1000xf32, #tpu.memory_space<vmem>>
    %dma_wait3A_1016 = arith.constant 0 : i32
    %dma_wait3A_1017 = arith.constant 0 : i32
    %dma_wait3A_1018 = tpu.memref_slice %arg4[%add3A_998, %dma_wait3A_1016, %dma_wait3A_1017] : memref<1024x20x1000xf32, #tpu.memory_space<hbm>> -> memref<1x20x1000xf32, #tpu.memory_space<hbm>>
    %dma_wait3A_1019 = tpu.memref_squeeze %dma_wait3A_1018 : memref<1x20x1000xf32, #tpu.memory_space<hbm>> -> memref<20x1000xf32, #tpu.memory_space<hbm>>
    %dma_wait3A_1020 = arith.constant 0 : i32
    %dma_wait3A_1021 = arith.constant 0 : i32
    %dma_wait3A_1022 = tpu.memref_slice %arg4[%add3A_998, %dma_wait3A_1020, %dma_wait3A_1021] : memref<1024x20x1000xf32, #tpu.memory_space<hbm>> -> memref<1x20x1000xf32, #tpu.memory_space<hbm>>
    %dma_wait3A_1023 = tpu.memref_squeeze %dma_wait3A_1022 : memref<1x20x1000xf32, #tpu.memory_space<hbm>> -> memref<20x1000xf32, #tpu.memory_space<hbm>>
    %dma_wait3A_1024 = arith.constant 60 : i32
    %dma_wait3A_1025 = arith.constant 0 : i32
    %dma_wait3A_1026 = tpu.memref_slice %arg6[%dma_wait3A_1024, %dma_wait3A_1025] : memref<80x1000xf32, #tpu.memory_space<vmem>> -> memref<20x1000xf32, #tpu.memory_space<vmem>>
    tpu.wait_dma2 semaphore(%arg13 : memref<!tpu.dma_semaphore, #tpu.memory_space<semaphore_mem>>) src(%dma_wait3A_1026 : memref<20x1000xf32, #tpu.memory_space<vmem>>) dst(%dma_wait3A_1023 : memref<20x1000xf32, #tpu.memory_space<hbm>>)
    %dma_start3A_1027 = arith.constant 48 : i32
    %dma_start3A_1028 = arith.constant 0 : i32
    %dma_start3A_1029 = tpu.memref_slice %arg6[%dma_start3A_1027, %dma_start3A_1028] : memref<80x1000xf32, #tpu.memory_space<vmem>> -> memref<16x1000xf32, #tpu.memory_space<vmem>>
    %dma_start3A_1030 = arith.constant 448 : i32
    %dma_start3A_1031 = tpu.memref_slice %arg5[%dma_start3A_1030] : memref<640xi32, #tpu.memory_space<vmem>> -> memref<16xi32, #tpu.memory_space<vmem>>
    %dma_start3A_1032 = arith.constant 0 : i32
    %dma_start3A_1033 = arith.constant 0 : i32
    %dma_start3A_1034 = tpu.memref_slice %arg3[%dma_start3A_1032, %dma_start3A_1033] : memref<1000x1000xf32, #tpu.memory_space<hbm>> -> memref<1000x1000xf32, #tpu.memory_space<hbm>>
    tpu.enqueue_indirect_dma source(%dma_start3A_1034 : memref<1000x1000xf32, #tpu.memory_space<hbm>>) target(%dma_start3A_1029 : memref<16x1000xf32, #tpu.memory_space<vmem>>) offsets(%dma_start3A_1031 : memref<16xi32, #tpu.memory_space<vmem>>) semaphore(%arg10 : memref<!tpu.dma_semaphore, #tpu.memory_space<semaphore_mem>>)
    %dma_start3A_1035 = arith.constant 64 : i32
    %dma_start3A_1036 = arith.constant 0 : i32
    %dma_start3A_1037 = tpu.memref_slice %arg6[%dma_start3A_1035, %dma_start3A_1036] : memref<80x1000xf32, #tpu.memory_space<vmem>> -> memref<16x1000xf32, #tpu.memory_space<vmem>>
    %dma_start3A_1038 = arith.constant 464 : i32
    %dma_start3A_1039 = tpu.memref_slice %arg5[%dma_start3A_1038] : memref<640xi32, #tpu.memory_space<vmem>> -> memref<16xi32, #tpu.memory_space<vmem>>
    %dma_start3A_1040 = arith.constant 0 : i32
    %dma_start3A_1041 = arith.constant 0 : i32
    %dma_start3A_1042 = tpu.memref_slice %arg3[%dma_start3A_1040, %dma_start3A_1041] : memref<1000x1000xf32, #tpu.memory_space<hbm>> -> memref<1000x1000xf32, #tpu.memory_space<hbm>>
    tpu.enqueue_indirect_dma source(%dma_start3A_1042 : memref<1000x1000xf32, #tpu.memory_space<hbm>>) target(%dma_start3A_1037 : memref<16x1000xf32, #tpu.memory_space<vmem>>) offsets(%dma_start3A_1039 : memref<16xi32, #tpu.memory_space<vmem>>) semaphore(%arg11 : memref<!tpu.dma_semaphore, #tpu.memory_space<semaphore_mem>>)
    %dma_wait3A_1043 = arith.constant 0 : i32
    %dma_wait3A_1044 = arith.constant 0 : i32
    %dma_wait3A_1045 = tpu.memref_slice %arg6[%dma_wait3A_1043, %dma_wait3A_1044] : memref<80x1000xf32, #tpu.memory_space<vmem>> -> memref<16x1000xf32, #tpu.memory_space<vmem>>
    %dma_wait3A_1046 = arith.constant 400 : i32
    %dma_wait3A_1047 = tpu.memref_slice %arg5[%dma_wait3A_1046] : memref<640xi32, #tpu.memory_space<vmem>> -> memref<16xi32, #tpu.memory_space<vmem>>
    %dma_wait3A_1048 = arith.constant 0 : i32
    %dma_wait3A_1049 = arith.constant 0 : i32
    %dma_wait3A_1050 = tpu.memref_slice %arg3[%dma_wait3A_1048, %dma_wait3A_1049] : memref<1000x1000xf32, #tpu.memory_space<hbm>> -> memref<1000x1000xf32, #tpu.memory_space<hbm>>
    tpu.wait_indirect_dma semaphore(%arg7 : memref<!tpu.dma_semaphore, #tpu.memory_space<semaphore_mem>>) src(%dma_wait3A_1050 : memref<1000x1000xf32, #tpu.memory_space<hbm>>) dst(%dma_wait3A_1045 : memref<16x1000xf32, #tpu.memory_space<vmem>>)
    %dma_wait3A_1051 = arith.constant 16 : i32
    %dma_wait3A_1052 = arith.constant 0 : i32
    %dma_wait3A_1053 = tpu.memref_slice %arg6[%dma_wait3A_1051, %dma_wait3A_1052] : memref<80x1000xf32, #tpu.memory_space<vmem>> -> memref<16x1000xf32, #tpu.memory_space<vmem>>
    %dma_wait3A_1054 = arith.constant 416 : i32
    %dma_wait3A_1055 = tpu.memref_slice %arg5[%dma_wait3A_1054] : memref<640xi32, #tpu.memory_space<vmem>> -> memref<16xi32, #tpu.memory_space<vmem>>
    %dma_wait3A_1056 = arith.constant 0 : i32
    %dma_wait3A_1057 = arith.constant 0 : i32
    %dma_wait3A_1058 = tpu.memref_slice %arg3[%dma_wait3A_1056, %dma_wait3A_1057] : memref<1000x1000xf32, #tpu.memory_space<hbm>> -> memref<1000x1000xf32, #tpu.memory_space<hbm>>
    tpu.wait_indirect_dma semaphore(%arg8 : memref<!tpu.dma_semaphore, #tpu.memory_space<semaphore_mem>>) src(%dma_wait3A_1058 : memref<1000x1000xf32, #tpu.memory_space<hbm>>) dst(%dma_wait3A_1053 : memref<16x1000xf32, #tpu.memory_space<vmem>>)
    %add3A_1059 = arith.constant 20 : i32
    %add3A_1060 = arith.addi %mul3A_2, %add3A_1059 : i32
    %dma_start3A_1061 = arith.constant 0 : i32
    %dma_start3A_1062 = arith.constant 0 : i32
    %dma_start3A_1063 = tpu.memref_slice %arg6[%dma_start3A_1061, %dma_start3A_1062] : memref<80x1000xf32, #tpu.memory_space<vmem>> -> memref<20x1000xf32, #tpu.memory_space<vmem>>
    %dma_start3A_1064 = arith.constant 0 : i32
    %dma_start3A_1065 = arith.constant 0 : i32
    %dma_start3A_1066 = tpu.memref_slice %arg4[%add3A_1060, %dma_start3A_1064, %dma_start3A_1065] : memref<1024x20x1000xf32, #tpu.memory_space<hbm>> -> memref<1x20x1000xf32, #tpu.memory_space<hbm>>
    %dma_start3A_1067 = tpu.memref_squeeze %dma_start3A_1066 : memref<1x20x1000xf32, #tpu.memory_space<hbm>> -> memref<20x1000xf32, #tpu.memory_space<hbm>>
    %dma_start3A_1068 = arith.constant 0 : i32
    %dma_start3A_1069 = arith.constant 0 : i32
    %dma_start3A_1070 = tpu.memref_slice %arg4[%add3A_1060, %dma_start3A_1068, %dma_start3A_1069] : memref<1024x20x1000xf32, #tpu.memory_space<hbm>> -> memref<1x20x1000xf32, #tpu.memory_space<hbm>>
    %dma_start3A_1071 = tpu.memref_squeeze %dma_start3A_1070 : memref<1x20x1000xf32, #tpu.memory_space<hbm>> -> memref<20x1000xf32, #tpu.memory_space<hbm>>
    %dma_start3A_1072 = arith.constant 0 : i32
    %dma_start3A_1073 = arith.constant 0 : i32
    %dma_start3A_1074 = tpu.memref_slice %arg6[%dma_start3A_1072, %dma_start3A_1073] : memref<80x1000xf32, #tpu.memory_space<vmem>> -> memref<20x1000xf32, #tpu.memory_space<vmem>>
    tpu.enqueue_dma source(%dma_start3A_1074 : memref<20x1000xf32, #tpu.memory_space<vmem>>) target(%dma_start3A_1071 : memref<20x1000xf32, #tpu.memory_space<hbm>>) target_semaphore(%arg12 : memref<!tpu.dma_semaphore, #tpu.memory_space<semaphore_mem>>)
    %dma_wait3A_1075 = arith.constant 0 : i32
    %dma_wait3A_1076 = arith.constant 0 : i32
    %dma_wait3A_1077 = tpu.memref_slice %arg6[%dma_wait3A_1075, %dma_wait3A_1076] : memref<80x1000xf32, #tpu.memory_space<vmem>> -> memref<20x1000xf32, #tpu.memory_space<vmem>>
    %dma_wait3A_1078 = arith.constant 0 : i32
    %dma_wait3A_1079 = arith.constant 0 : i32
    %dma_wait3A_1080 = tpu.memref_slice %arg4[%add3A_1060, %dma_wait3A_1078, %dma_wait3A_1079] : memref<1024x20x1000xf32, #tpu.memory_space<hbm>> -> memref<1x20x1000xf32, #tpu.memory_space<hbm>>
    %dma_wait3A_1081 = tpu.memref_squeeze %dma_wait3A_1080 : memref<1x20x1000xf32, #tpu.memory_space<hbm>> -> memref<20x1000xf32, #tpu.memory_space<hbm>>
    %dma_wait3A_1082 = arith.constant 0 : i32
    %dma_wait3A_1083 = arith.constant 0 : i32
    %dma_wait3A_1084 = tpu.memref_slice %arg4[%add3A_1060, %dma_wait3A_1082, %dma_wait3A_1083] : memref<1024x20x1000xf32, #tpu.memory_space<hbm>> -> memref<1x20x1000xf32, #tpu.memory_space<hbm>>
    %dma_wait3A_1085 = tpu.memref_squeeze %dma_wait3A_1084 : memref<1x20x1000xf32, #tpu.memory_space<hbm>> -> memref<20x1000xf32, #tpu.memory_space<hbm>>
    %dma_wait3A_1086 = arith.constant 0 : i32
    %dma_wait3A_1087 = arith.constant 0 : i32
    %dma_wait3A_1088 = tpu.memref_slice %arg6[%dma_wait3A_1086, %dma_wait3A_1087] : memref<80x1000xf32, #tpu.memory_space<vmem>> -> memref<20x1000xf32, #tpu.memory_space<vmem>>
    tpu.wait_dma2 semaphore(%arg12 : memref<!tpu.dma_semaphore, #tpu.memory_space<semaphore_mem>>) src(%dma_wait3A_1088 : memref<20x1000xf32, #tpu.memory_space<vmem>>) dst(%dma_wait3A_1085 : memref<20x1000xf32, #tpu.memory_space<hbm>>)
    %dma_start3A_1089 = arith.constant 0 : i32
    %dma_start3A_1090 = arith.constant 0 : i32
    %dma_start3A_1091 = tpu.memref_slice %arg6[%dma_start3A_1089, %dma_start3A_1090] : memref<80x1000xf32, #tpu.memory_space<vmem>> -> memref<16x1000xf32, #tpu.memory_space<vmem>>
    %dma_start3A_1092 = arith.constant 480 : i32
    %dma_start3A_1093 = tpu.memref_slice %arg5[%dma_start3A_1092] : memref<640xi32, #tpu.memory_space<vmem>> -> memref<16xi32, #tpu.memory_space<vmem>>
    %dma_start3A_1094 = arith.constant 0 : i32
    %dma_start3A_1095 = arith.constant 0 : i32
    %dma_start3A_1096 = tpu.memref_slice %arg3[%dma_start3A_1094, %dma_start3A_1095] : memref<1000x1000xf32, #tpu.memory_space<hbm>> -> memref<1000x1000xf32, #tpu.memory_space<hbm>>
    tpu.enqueue_indirect_dma source(%dma_start3A_1096 : memref<1000x1000xf32, #tpu.memory_space<hbm>>) target(%dma_start3A_1091 : memref<16x1000xf32, #tpu.memory_space<vmem>>) offsets(%dma_start3A_1093 : memref<16xi32, #tpu.memory_space<vmem>>) semaphore(%arg7 : memref<!tpu.dma_semaphore, #tpu.memory_space<semaphore_mem>>)
    %dma_wait3A_1097 = arith.constant 32 : i32
    %dma_wait3A_1098 = arith.constant 0 : i32
    %dma_wait3A_1099 = tpu.memref_slice %arg6[%dma_wait3A_1097, %dma_wait3A_1098] : memref<80x1000xf32, #tpu.memory_space<vmem>> -> memref<16x1000xf32, #tpu.memory_space<vmem>>
    %dma_wait3A_1100 = arith.constant 432 : i32
    %dma_wait3A_1101 = tpu.memref_slice %arg5[%dma_wait3A_1100] : memref<640xi32, #tpu.memory_space<vmem>> -> memref<16xi32, #tpu.memory_space<vmem>>
    %dma_wait3A_1102 = arith.constant 0 : i32
    %dma_wait3A_1103 = arith.constant 0 : i32
    %dma_wait3A_1104 = tpu.memref_slice %arg3[%dma_wait3A_1102, %dma_wait3A_1103] : memref<1000x1000xf32, #tpu.memory_space<hbm>> -> memref<1000x1000xf32, #tpu.memory_space<hbm>>
    tpu.wait_indirect_dma semaphore(%arg9 : memref<!tpu.dma_semaphore, #tpu.memory_space<semaphore_mem>>) src(%dma_wait3A_1104 : memref<1000x1000xf32, #tpu.memory_space<hbm>>) dst(%dma_wait3A_1099 : memref<16x1000xf32, #tpu.memory_space<vmem>>)
    %add3A_1105 = arith.constant 21 : i32
    %add3A_1106 = arith.addi %mul3A_2, %add3A_1105 : i32
    %dma_start3A_1107 = arith.constant 20 : i32
    %dma_start3A_1108 = arith.constant 0 : i32
    %dma_start3A_1109 = tpu.memref_slice %arg6[%dma_start3A_1107, %dma_start3A_1108] : memref<80x1000xf32, #tpu.memory_space<vmem>> -> memref<20x1000xf32, #tpu.memory_space<vmem>>
    %dma_start3A_1110 = arith.constant 0 : i32
    %dma_start3A_1111 = arith.constant 0 : i32
    %dma_start3A_1112 = tpu.memref_slice %arg4[%add3A_1106, %dma_start3A_1110, %dma_start3A_1111] : memref<1024x20x1000xf32, #tpu.memory_space<hbm>> -> memref<1x20x1000xf32, #tpu.memory_space<hbm>>
    %dma_start3A_1113 = tpu.memref_squeeze %dma_start3A_1112 : memref<1x20x1000xf32, #tpu.memory_space<hbm>> -> memref<20x1000xf32, #tpu.memory_space<hbm>>
    %dma_start3A_1114 = arith.constant 0 : i32
    %dma_start3A_1115 = arith.constant 0 : i32
    %dma_start3A_1116 = tpu.memref_slice %arg4[%add3A_1106, %dma_start3A_1114, %dma_start3A_1115] : memref<1024x20x1000xf32, #tpu.memory_space<hbm>> -> memref<1x20x1000xf32, #tpu.memory_space<hbm>>
    %dma_start3A_1117 = tpu.memref_squeeze %dma_start3A_1116 : memref<1x20x1000xf32, #tpu.memory_space<hbm>> -> memref<20x1000xf32, #tpu.memory_space<hbm>>
    %dma_start3A_1118 = arith.constant 20 : i32
    %dma_start3A_1119 = arith.constant 0 : i32
    %dma_start3A_1120 = tpu.memref_slice %arg6[%dma_start3A_1118, %dma_start3A_1119] : memref<80x1000xf32, #tpu.memory_space<vmem>> -> memref<20x1000xf32, #tpu.memory_space<vmem>>
    tpu.enqueue_dma source(%dma_start3A_1120 : memref<20x1000xf32, #tpu.memory_space<vmem>>) target(%dma_start3A_1117 : memref<20x1000xf32, #tpu.memory_space<hbm>>) target_semaphore(%arg13 : memref<!tpu.dma_semaphore, #tpu.memory_space<semaphore_mem>>)
    %dma_wait3A_1121 = arith.constant 20 : i32
    %dma_wait3A_1122 = arith.constant 0 : i32
    %dma_wait3A_1123 = tpu.memref_slice %arg6[%dma_wait3A_1121, %dma_wait3A_1122] : memref<80x1000xf32, #tpu.memory_space<vmem>> -> memref<20x1000xf32, #tpu.memory_space<vmem>>
    %dma_wait3A_1124 = arith.constant 0 : i32
    %dma_wait3A_1125 = arith.constant 0 : i32
    %dma_wait3A_1126 = tpu.memref_slice %arg4[%add3A_1106, %dma_wait3A_1124, %dma_wait3A_1125] : memref<1024x20x1000xf32, #tpu.memory_space<hbm>> -> memref<1x20x1000xf32, #tpu.memory_space<hbm>>
    %dma_wait3A_1127 = tpu.memref_squeeze %dma_wait3A_1126 : memref<1x20x1000xf32, #tpu.memory_space<hbm>> -> memref<20x1000xf32, #tpu.memory_space<hbm>>
    %dma_wait3A_1128 = arith.constant 0 : i32
    %dma_wait3A_1129 = arith.constant 0 : i32
    %dma_wait3A_1130 = tpu.memref_slice %arg4[%add3A_1106, %dma_wait3A_1128, %dma_wait3A_1129] : memref<1024x20x1000xf32, #tpu.memory_space<hbm>> -> memref<1x20x1000xf32, #tpu.memory_space<hbm>>
    %dma_wait3A_1131 = tpu.memref_squeeze %dma_wait3A_1130 : memref<1x20x1000xf32, #tpu.memory_space<hbm>> -> memref<20x1000xf32, #tpu.memory_space<hbm>>
    %dma_wait3A_1132 = arith.constant 20 : i32
    %dma_wait3A_1133 = arith.constant 0 : i32
    %dma_wait3A_1134 = tpu.memref_slice %arg6[%dma_wait3A_1132, %dma_wait3A_1133] : memref<80x1000xf32, #tpu.memory_space<vmem>> -> memref<20x1000xf32, #tpu.memory_space<vmem>>
    tpu.wait_dma2 semaphore(%arg13 : memref<!tpu.dma_semaphore, #tpu.memory_space<semaphore_mem>>) src(%dma_wait3A_1134 : memref<20x1000xf32, #tpu.memory_space<vmem>>) dst(%dma_wait3A_1131 : memref<20x1000xf32, #tpu.memory_space<hbm>>)
    %dma_start3A_1135 = arith.constant 16 : i32
    %dma_start3A_1136 = arith.constant 0 : i32
    %dma_start3A_1137 = tpu.memref_slice %arg6[%dma_start3A_1135, %dma_start3A_1136] : memref<80x1000xf32, #tpu.memory_space<vmem>> -> memref<16x1000xf32, #tpu.memory_space<vmem>>
    %dma_start3A_1138 = arith.constant 496 : i32
    %dma_start3A_1139 = tpu.memref_slice %arg5[%dma_start3A_1138] : memref<640xi32, #tpu.memory_space<vmem>> -> memref<16xi32, #tpu.memory_space<vmem>>
    %dma_start3A_1140 = arith.constant 0 : i32
    %dma_start3A_1141 = arith.constant 0 : i32
    %dma_start3A_1142 = tpu.memref_slice %arg3[%dma_start3A_1140, %dma_start3A_1141] : memref<1000x1000xf32, #tpu.memory_space<hbm>> -> memref<1000x1000xf32, #tpu.memory_space<hbm>>
    tpu.enqueue_indirect_dma source(%dma_start3A_1142 : memref<1000x1000xf32, #tpu.memory_space<hbm>>) target(%dma_start3A_1137 : memref<16x1000xf32, #tpu.memory_space<vmem>>) offsets(%dma_start3A_1139 : memref<16xi32, #tpu.memory_space<vmem>>) semaphore(%arg8 : memref<!tpu.dma_semaphore, #tpu.memory_space<semaphore_mem>>)
    %dma_wait3A_1143 = arith.constant 48 : i32
    %dma_wait3A_1144 = arith.constant 0 : i32
    %dma_wait3A_1145 = tpu.memref_slice %arg6[%dma_wait3A_1143, %dma_wait3A_1144] : memref<80x1000xf32, #tpu.memory_space<vmem>> -> memref<16x1000xf32, #tpu.memory_space<vmem>>
    %dma_wait3A_1146 = arith.constant 448 : i32
    %dma_wait3A_1147 = tpu.memref_slice %arg5[%dma_wait3A_1146] : memref<640xi32, #tpu.memory_space<vmem>> -> memref<16xi32, #tpu.memory_space<vmem>>
    %dma_wait3A_1148 = arith.constant 0 : i32
    %dma_wait3A_1149 = arith.constant 0 : i32
    %dma_wait3A_1150 = tpu.memref_slice %arg3[%dma_wait3A_1148, %dma_wait3A_1149] : memref<1000x1000xf32, #tpu.memory_space<hbm>> -> memref<1000x1000xf32, #tpu.memory_space<hbm>>
    tpu.wait_indirect_dma semaphore(%arg10 : memref<!tpu.dma_semaphore, #tpu.memory_space<semaphore_mem>>) src(%dma_wait3A_1150 : memref<1000x1000xf32, #tpu.memory_space<hbm>>) dst(%dma_wait3A_1145 : memref<16x1000xf32, #tpu.memory_space<vmem>>)
    %add3A_1151 = arith.constant 22 : i32
    %add3A_1152 = arith.addi %mul3A_2, %add3A_1151 : i32
    %dma_start3A_1153 = arith.constant 40 : i32
    %dma_start3A_1154 = arith.constant 0 : i32
    %dma_start3A_1155 = tpu.memref_slice %arg6[%dma_start3A_1153, %dma_start3A_1154] : memref<80x1000xf32, #tpu.memory_space<vmem>> -> memref<20x1000xf32, #tpu.memory_space<vmem>>
    %dma_start3A_1156 = arith.constant 0 : i32
    %dma_start3A_1157 = arith.constant 0 : i32
    %dma_start3A_1158 = tpu.memref_slice %arg4[%add3A_1152, %dma_start3A_1156, %dma_start3A_1157] : memref<1024x20x1000xf32, #tpu.memory_space<hbm>> -> memref<1x20x1000xf32, #tpu.memory_space<hbm>>
    %dma_start3A_1159 = tpu.memref_squeeze %dma_start3A_1158 : memref<1x20x1000xf32, #tpu.memory_space<hbm>> -> memref<20x1000xf32, #tpu.memory_space<hbm>>
    %dma_start3A_1160 = arith.constant 0 : i32
    %dma_start3A_1161 = arith.constant 0 : i32
    %dma_start3A_1162 = tpu.memref_slice %arg4[%add3A_1152, %dma_start3A_1160, %dma_start3A_1161] : memref<1024x20x1000xf32, #tpu.memory_space<hbm>> -> memref<1x20x1000xf32, #tpu.memory_space<hbm>>
    %dma_start3A_1163 = tpu.memref_squeeze %dma_start3A_1162 : memref<1x20x1000xf32, #tpu.memory_space<hbm>> -> memref<20x1000xf32, #tpu.memory_space<hbm>>
    %dma_start3A_1164 = arith.constant 40 : i32
    %dma_start3A_1165 = arith.constant 0 : i32
    %dma_start3A_1166 = tpu.memref_slice %arg6[%dma_start3A_1164, %dma_start3A_1165] : memref<80x1000xf32, #tpu.memory_space<vmem>> -> memref<20x1000xf32, #tpu.memory_space<vmem>>
    tpu.enqueue_dma source(%dma_start3A_1166 : memref<20x1000xf32, #tpu.memory_space<vmem>>) target(%dma_start3A_1163 : memref<20x1000xf32, #tpu.memory_space<hbm>>) target_semaphore(%arg12 : memref<!tpu.dma_semaphore, #tpu.memory_space<semaphore_mem>>)
    %dma_wait3A_1167 = arith.constant 40 : i32
    %dma_wait3A_1168 = arith.constant 0 : i32
    %dma_wait3A_1169 = tpu.memref_slice %arg6[%dma_wait3A_1167, %dma_wait3A_1168] : memref<80x1000xf32, #tpu.memory_space<vmem>> -> memref<20x1000xf32, #tpu.memory_space<vmem>>
    %dma_wait3A_1170 = arith.constant 0 : i32
    %dma_wait3A_1171 = arith.constant 0 : i32
    %dma_wait3A_1172 = tpu.memref_slice %arg4[%add3A_1152, %dma_wait3A_1170, %dma_wait3A_1171] : memref<1024x20x1000xf32, #tpu.memory_space<hbm>> -> memref<1x20x1000xf32, #tpu.memory_space<hbm>>
    %dma_wait3A_1173 = tpu.memref_squeeze %dma_wait3A_1172 : memref<1x20x1000xf32, #tpu.memory_space<hbm>> -> memref<20x1000xf32, #tpu.memory_space<hbm>>
    %dma_wait3A_1174 = arith.constant 0 : i32
    %dma_wait3A_1175 = arith.constant 0 : i32
    %dma_wait3A_1176 = tpu.memref_slice %arg4[%add3A_1152, %dma_wait3A_1174, %dma_wait3A_1175] : memref<1024x20x1000xf32, #tpu.memory_space<hbm>> -> memref<1x20x1000xf32, #tpu.memory_space<hbm>>
    %dma_wait3A_1177 = tpu.memref_squeeze %dma_wait3A_1176 : memref<1x20x1000xf32, #tpu.memory_space<hbm>> -> memref<20x1000xf32, #tpu.memory_space<hbm>>
    %dma_wait3A_1178 = arith.constant 40 : i32
    %dma_wait3A_1179 = arith.constant 0 : i32
    %dma_wait3A_1180 = tpu.memref_slice %arg6[%dma_wait3A_1178, %dma_wait3A_1179] : memref<80x1000xf32, #tpu.memory_space<vmem>> -> memref<20x1000xf32, #tpu.memory_space<vmem>>
    tpu.wait_dma2 semaphore(%arg12 : memref<!tpu.dma_semaphore, #tpu.memory_space<semaphore_mem>>) src(%dma_wait3A_1180 : memref<20x1000xf32, #tpu.memory_space<vmem>>) dst(%dma_wait3A_1177 : memref<20x1000xf32, #tpu.memory_space<hbm>>)
    %dma_start3A_1181 = arith.constant 32 : i32
    %dma_start3A_1182 = arith.constant 0 : i32
    %dma_start3A_1183 = tpu.memref_slice %arg6[%dma_start3A_1181, %dma_start3A_1182] : memref<80x1000xf32, #tpu.memory_space<vmem>> -> memref<16x1000xf32, #tpu.memory_space<vmem>>
    %dma_start3A_1184 = arith.constant 512 : i32
    %dma_start3A_1185 = tpu.memref_slice %arg5[%dma_start3A_1184] : memref<640xi32, #tpu.memory_space<vmem>> -> memref<16xi32, #tpu.memory_space<vmem>>
    %dma_start3A_1186 = arith.constant 0 : i32
    %dma_start3A_1187 = arith.constant 0 : i32
    %dma_start3A_1188 = tpu.memref_slice %arg3[%dma_start3A_1186, %dma_start3A_1187] : memref<1000x1000xf32, #tpu.memory_space<hbm>> -> memref<1000x1000xf32, #tpu.memory_space<hbm>>
    tpu.enqueue_indirect_dma source(%dma_start3A_1188 : memref<1000x1000xf32, #tpu.memory_space<hbm>>) target(%dma_start3A_1183 : memref<16x1000xf32, #tpu.memory_space<vmem>>) offsets(%dma_start3A_1185 : memref<16xi32, #tpu.memory_space<vmem>>) semaphore(%arg9 : memref<!tpu.dma_semaphore, #tpu.memory_space<semaphore_mem>>)
    %dma_wait3A_1189 = arith.constant 64 : i32
    %dma_wait3A_1190 = arith.constant 0 : i32
    %dma_wait3A_1191 = tpu.memref_slice %arg6[%dma_wait3A_1189, %dma_wait3A_1190] : memref<80x1000xf32, #tpu.memory_space<vmem>> -> memref<16x1000xf32, #tpu.memory_space<vmem>>
    %dma_wait3A_1192 = arith.constant 464 : i32
    %dma_wait3A_1193 = tpu.memref_slice %arg5[%dma_wait3A_1192] : memref<640xi32, #tpu.memory_space<vmem>> -> memref<16xi32, #tpu.memory_space<vmem>>
    %dma_wait3A_1194 = arith.constant 0 : i32
    %dma_wait3A_1195 = arith.constant 0 : i32
    %dma_wait3A_1196 = tpu.memref_slice %arg3[%dma_wait3A_1194, %dma_wait3A_1195] : memref<1000x1000xf32, #tpu.memory_space<hbm>> -> memref<1000x1000xf32, #tpu.memory_space<hbm>>
    tpu.wait_indirect_dma semaphore(%arg11 : memref<!tpu.dma_semaphore, #tpu.memory_space<semaphore_mem>>) src(%dma_wait3A_1196 : memref<1000x1000xf32, #tpu.memory_space<hbm>>) dst(%dma_wait3A_1191 : memref<16x1000xf32, #tpu.memory_space<vmem>>)
    %add3A_1197 = arith.constant 23 : i32
    %add3A_1198 = arith.addi %mul3A_2, %add3A_1197 : i32
    %dma_start3A_1199 = arith.constant 60 : i32
    %dma_start3A_1200 = arith.constant 0 : i32
    %dma_start3A_1201 = tpu.memref_slice %arg6[%dma_start3A_1199, %dma_start3A_1200] : memref<80x1000xf32, #tpu.memory_space<vmem>> -> memref<20x1000xf32, #tpu.memory_space<vmem>>
    %dma_start3A_1202 = arith.constant 0 : i32
    %dma_start3A_1203 = arith.constant 0 : i32
    %dma_start3A_1204 = tpu.memref_slice %arg4[%add3A_1198, %dma_start3A_1202, %dma_start3A_1203] : memref<1024x20x1000xf32, #tpu.memory_space<hbm>> -> memref<1x20x1000xf32, #tpu.memory_space<hbm>>
    %dma_start3A_1205 = tpu.memref_squeeze %dma_start3A_1204 : memref<1x20x1000xf32, #tpu.memory_space<hbm>> -> memref<20x1000xf32, #tpu.memory_space<hbm>>
    %dma_start3A_1206 = arith.constant 0 : i32
    %dma_start3A_1207 = arith.constant 0 : i32
    %dma_start3A_1208 = tpu.memref_slice %arg4[%add3A_1198, %dma_start3A_1206, %dma_start3A_1207] : memref<1024x20x1000xf32, #tpu.memory_space<hbm>> -> memref<1x20x1000xf32, #tpu.memory_space<hbm>>
    %dma_start3A_1209 = tpu.memref_squeeze %dma_start3A_1208 : memref<1x20x1000xf32, #tpu.memory_space<hbm>> -> memref<20x1000xf32, #tpu.memory_space<hbm>>
    %dma_start3A_1210 = arith.constant 60 : i32
    %dma_start3A_1211 = arith.constant 0 : i32
    %dma_start3A_1212 = tpu.memref_slice %arg6[%dma_start3A_1210, %dma_start3A_1211] : memref<80x1000xf32, #tpu.memory_space<vmem>> -> memref<20x1000xf32, #tpu.memory_space<vmem>>
    tpu.enqueue_dma source(%dma_start3A_1212 : memref<20x1000xf32, #tpu.memory_space<vmem>>) target(%dma_start3A_1209 : memref<20x1000xf32, #tpu.memory_space<hbm>>) target_semaphore(%arg13 : memref<!tpu.dma_semaphore, #tpu.memory_space<semaphore_mem>>)
    %dma_wait3A_1213 = arith.constant 60 : i32
    %dma_wait3A_1214 = arith.constant 0 : i32
    %dma_wait3A_1215 = tpu.memref_slice %arg6[%dma_wait3A_1213, %dma_wait3A_1214] : memref<80x1000xf32, #tpu.memory_space<vmem>> -> memref<20x1000xf32, #tpu.memory_space<vmem>>
    %dma_wait3A_1216 = arith.constant 0 : i32
    %dma_wait3A_1217 = arith.constant 0 : i32
    %dma_wait3A_1218 = tpu.memref_slice %arg4[%add3A_1198, %dma_wait3A_1216, %dma_wait3A_1217] : memref<1024x20x1000xf32, #tpu.memory_space<hbm>> -> memref<1x20x1000xf32, #tpu.memory_space<hbm>>
    %dma_wait3A_1219 = tpu.memref_squeeze %dma_wait3A_1218 : memref<1x20x1000xf32, #tpu.memory_space<hbm>> -> memref<20x1000xf32, #tpu.memory_space<hbm>>
    %dma_wait3A_1220 = arith.constant 0 : i32
    %dma_wait3A_1221 = arith.constant 0 : i32
    %dma_wait3A_1222 = tpu.memref_slice %arg4[%add3A_1198, %dma_wait3A_1220, %dma_wait3A_1221] : memref<1024x20x1000xf32, #tpu.memory_space<hbm>> -> memref<1x20x1000xf32, #tpu.memory_space<hbm>>
    %dma_wait3A_1223 = tpu.memref_squeeze %dma_wait3A_1222 : memref<1x20x1000xf32, #tpu.memory_space<hbm>> -> memref<20x1000xf32, #tpu.memory_space<hbm>>
    %dma_wait3A_1224 = arith.constant 60 : i32
    %dma_wait3A_1225 = arith.constant 0 : i32
    %dma_wait3A_1226 = tpu.memref_slice %arg6[%dma_wait3A_1224, %dma_wait3A_1225] : memref<80x1000xf32, #tpu.memory_space<vmem>> -> memref<20x1000xf32, #tpu.memory_space<vmem>>
    tpu.wait_dma2 semaphore(%arg13 : memref<!tpu.dma_semaphore, #tpu.memory_space<semaphore_mem>>) src(%dma_wait3A_1226 : memref<20x1000xf32, #tpu.memory_space<vmem>>) dst(%dma_wait3A_1223 : memref<20x1000xf32, #tpu.memory_space<hbm>>)
    %dma_start3A_1227 = arith.constant 48 : i32
    %dma_start3A_1228 = arith.constant 0 : i32
    %dma_start3A_1229 = tpu.memref_slice %arg6[%dma_start3A_1227, %dma_start3A_1228] : memref<80x1000xf32, #tpu.memory_space<vmem>> -> memref<16x1000xf32, #tpu.memory_space<vmem>>
    %dma_start3A_1230 = arith.constant 528 : i32
    %dma_start3A_1231 = tpu.memref_slice %arg5[%dma_start3A_1230] : memref<640xi32, #tpu.memory_space<vmem>> -> memref<16xi32, #tpu.memory_space<vmem>>
    %dma_start3A_1232 = arith.constant 0 : i32
    %dma_start3A_1233 = arith.constant 0 : i32
    %dma_start3A_1234 = tpu.memref_slice %arg3[%dma_start3A_1232, %dma_start3A_1233] : memref<1000x1000xf32, #tpu.memory_space<hbm>> -> memref<1000x1000xf32, #tpu.memory_space<hbm>>
    tpu.enqueue_indirect_dma source(%dma_start3A_1234 : memref<1000x1000xf32, #tpu.memory_space<hbm>>) target(%dma_start3A_1229 : memref<16x1000xf32, #tpu.memory_space<vmem>>) offsets(%dma_start3A_1231 : memref<16xi32, #tpu.memory_space<vmem>>) semaphore(%arg10 : memref<!tpu.dma_semaphore, #tpu.memory_space<semaphore_mem>>)
    %dma_start3A_1235 = arith.constant 64 : i32
    %dma_start3A_1236 = arith.constant 0 : i32
    %dma_start3A_1237 = tpu.memref_slice %arg6[%dma_start3A_1235, %dma_start3A_1236] : memref<80x1000xf32, #tpu.memory_space<vmem>> -> memref<16x1000xf32, #tpu.memory_space<vmem>>
    %dma_start3A_1238 = arith.constant 544 : i32
    %dma_start3A_1239 = tpu.memref_slice %arg5[%dma_start3A_1238] : memref<640xi32, #tpu.memory_space<vmem>> -> memref<16xi32, #tpu.memory_space<vmem>>
    %dma_start3A_1240 = arith.constant 0 : i32
    %dma_start3A_1241 = arith.constant 0 : i32
    %dma_start3A_1242 = tpu.memref_slice %arg3[%dma_start3A_1240, %dma_start3A_1241] : memref<1000x1000xf32, #tpu.memory_space<hbm>> -> memref<1000x1000xf32, #tpu.memory_space<hbm>>
    tpu.enqueue_indirect_dma source(%dma_start3A_1242 : memref<1000x1000xf32, #tpu.memory_space<hbm>>) target(%dma_start3A_1237 : memref<16x1000xf32, #tpu.memory_space<vmem>>) offsets(%dma_start3A_1239 : memref<16xi32, #tpu.memory_space<vmem>>) semaphore(%arg11 : memref<!tpu.dma_semaphore, #tpu.memory_space<semaphore_mem>>)
    %dma_wait3A_1243 = arith.constant 0 : i32
    %dma_wait3A_1244 = arith.constant 0 : i32
    %dma_wait3A_1245 = tpu.memref_slice %arg6[%dma_wait3A_1243, %dma_wait3A_1244] : memref<80x1000xf32, #tpu.memory_space<vmem>> -> memref<16x1000xf32, #tpu.memory_space<vmem>>
    %dma_wait3A_1246 = arith.constant 480 : i32
    %dma_wait3A_1247 = tpu.memref_slice %arg5[%dma_wait3A_1246] : memref<640xi32, #tpu.memory_space<vmem>> -> memref<16xi32, #tpu.memory_space<vmem>>
    %dma_wait3A_1248 = arith.constant 0 : i32
    %dma_wait3A_1249 = arith.constant 0 : i32
    %dma_wait3A_1250 = tpu.memref_slice %arg3[%dma_wait3A_1248, %dma_wait3A_1249] : memref<1000x1000xf32, #tpu.memory_space<hbm>> -> memref<1000x1000xf32, #tpu.memory_space<hbm>>
    tpu.wait_indirect_dma semaphore(%arg7 : memref<!tpu.dma_semaphore, #tpu.memory_space<semaphore_mem>>) src(%dma_wait3A_1250 : memref<1000x1000xf32, #tpu.memory_space<hbm>>) dst(%dma_wait3A_1245 : memref<16x1000xf32, #tpu.memory_space<vmem>>)
    %dma_wait3A_1251 = arith.constant 16 : i32
    %dma_wait3A_1252 = arith.constant 0 : i32
    %dma_wait3A_1253 = tpu.memref_slice %arg6[%dma_wait3A_1251, %dma_wait3A_1252] : memref<80x1000xf32, #tpu.memory_space<vmem>> -> memref<16x1000xf32, #tpu.memory_space<vmem>>
    %dma_wait3A_1254 = arith.constant 496 : i32
    %dma_wait3A_1255 = tpu.memref_slice %arg5[%dma_wait3A_1254] : memref<640xi32, #tpu.memory_space<vmem>> -> memref<16xi32, #tpu.memory_space<vmem>>
    %dma_wait3A_1256 = arith.constant 0 : i32
    %dma_wait3A_1257 = arith.constant 0 : i32
    %dma_wait3A_1258 = tpu.memref_slice %arg3[%dma_wait3A_1256, %dma_wait3A_1257] : memref<1000x1000xf32, #tpu.memory_space<hbm>> -> memref<1000x1000xf32, #tpu.memory_space<hbm>>
    tpu.wait_indirect_dma semaphore(%arg8 : memref<!tpu.dma_semaphore, #tpu.memory_space<semaphore_mem>>) src(%dma_wait3A_1258 : memref<1000x1000xf32, #tpu.memory_space<hbm>>) dst(%dma_wait3A_1253 : memref<16x1000xf32, #tpu.memory_space<vmem>>)
    %add3A_1259 = arith.constant 24 : i32
    %add3A_1260 = arith.addi %mul3A_2, %add3A_1259 : i32
    %dma_start3A_1261 = arith.constant 0 : i32
    %dma_start3A_1262 = arith.constant 0 : i32
    %dma_start3A_1263 = tpu.memref_slice %arg6[%dma_start3A_1261, %dma_start3A_1262] : memref<80x1000xf32, #tpu.memory_space<vmem>> -> memref<20x1000xf32, #tpu.memory_space<vmem>>
    %dma_start3A_1264 = arith.constant 0 : i32
    %dma_start3A_1265 = arith.constant 0 : i32
    %dma_start3A_1266 = tpu.memref_slice %arg4[%add3A_1260, %dma_start3A_1264, %dma_start3A_1265] : memref<1024x20x1000xf32, #tpu.memory_space<hbm>> -> memref<1x20x1000xf32, #tpu.memory_space<hbm>>
    %dma_start3A_1267 = tpu.memref_squeeze %dma_start3A_1266 : memref<1x20x1000xf32, #tpu.memory_space<hbm>> -> memref<20x1000xf32, #tpu.memory_space<hbm>>
    %dma_start3A_1268 = arith.constant 0 : i32
    %dma_start3A_1269 = arith.constant 0 : i32
    %dma_start3A_1270 = tpu.memref_slice %arg4[%add3A_1260, %dma_start3A_1268, %dma_start3A_1269] : memref<1024x20x1000xf32, #tpu.memory_space<hbm>> -> memref<1x20x1000xf32, #tpu.memory_space<hbm>>
    %dma_start3A_1271 = tpu.memref_squeeze %dma_start3A_1270 : memref<1x20x1000xf32, #tpu.memory_space<hbm>> -> memref<20x1000xf32, #tpu.memory_space<hbm>>
    %dma_start3A_1272 = arith.constant 0 : i32
    %dma_start3A_1273 = arith.constant 0 : i32
    %dma_start3A_1274 = tpu.memref_slice %arg6[%dma_start3A_1272, %dma_start3A_1273] : memref<80x1000xf32, #tpu.memory_space<vmem>> -> memref<20x1000xf32, #tpu.memory_space<vmem>>
    tpu.enqueue_dma source(%dma_start3A_1274 : memref<20x1000xf32, #tpu.memory_space<vmem>>) target(%dma_start3A_1271 : memref<20x1000xf32, #tpu.memory_space<hbm>>) target_semaphore(%arg12 : memref<!tpu.dma_semaphore, #tpu.memory_space<semaphore_mem>>)
    %dma_wait3A_1275 = arith.constant 0 : i32
    %dma_wait3A_1276 = arith.constant 0 : i32
    %dma_wait3A_1277 = tpu.memref_slice %arg6[%dma_wait3A_1275, %dma_wait3A_1276] : memref<80x1000xf32, #tpu.memory_space<vmem>> -> memref<20x1000xf32, #tpu.memory_space<vmem>>
    %dma_wait3A_1278 = arith.constant 0 : i32
    %dma_wait3A_1279 = arith.constant 0 : i32
    %dma_wait3A_1280 = tpu.memref_slice %arg4[%add3A_1260, %dma_wait3A_1278, %dma_wait3A_1279] : memref<1024x20x1000xf32, #tpu.memory_space<hbm>> -> memref<1x20x1000xf32, #tpu.memory_space<hbm>>
    %dma_wait3A_1281 = tpu.memref_squeeze %dma_wait3A_1280 : memref<1x20x1000xf32, #tpu.memory_space<hbm>> -> memref<20x1000xf32, #tpu.memory_space<hbm>>
    %dma_wait3A_1282 = arith.constant 0 : i32
    %dma_wait3A_1283 = arith.constant 0 : i32
    %dma_wait3A_1284 = tpu.memref_slice %arg4[%add3A_1260, %dma_wait3A_1282, %dma_wait3A_1283] : memref<1024x20x1000xf32, #tpu.memory_space<hbm>> -> memref<1x20x1000xf32, #tpu.memory_space<hbm>>
    %dma_wait3A_1285 = tpu.memref_squeeze %dma_wait3A_1284 : memref<1x20x1000xf32, #tpu.memory_space<hbm>> -> memref<20x1000xf32, #tpu.memory_space<hbm>>
    %dma_wait3A_1286 = arith.constant 0 : i32
    %dma_wait3A_1287 = arith.constant 0 : i32
    %dma_wait3A_1288 = tpu.memref_slice %arg6[%dma_wait3A_1286, %dma_wait3A_1287] : memref<80x1000xf32, #tpu.memory_space<vmem>> -> memref<20x1000xf32, #tpu.memory_space<vmem>>
    tpu.wait_dma2 semaphore(%arg12 : memref<!tpu.dma_semaphore, #tpu.memory_space<semaphore_mem>>) src(%dma_wait3A_1288 : memref<20x1000xf32, #tpu.memory_space<vmem>>) dst(%dma_wait3A_1285 : memref<20x1000xf32, #tpu.memory_space<hbm>>)
    %dma_start3A_1289 = arith.constant 0 : i32
    %dma_start3A_1290 = arith.constant 0 : i32
    %dma_start3A_1291 = tpu.memref_slice %arg6[%dma_start3A_1289, %dma_start3A_1290] : memref<80x1000xf32, #tpu.memory_space<vmem>> -> memref<16x1000xf32, #tpu.memory_space<vmem>>
    %dma_start3A_1292 = arith.constant 560 : i32
    %dma_start3A_1293 = tpu.memref_slice %arg5[%dma_start3A_1292] : memref<640xi32, #tpu.memory_space<vmem>> -> memref<16xi32, #tpu.memory_space<vmem>>
    %dma_start3A_1294 = arith.constant 0 : i32
    %dma_start3A_1295 = arith.constant 0 : i32
    %dma_start3A_1296 = tpu.memref_slice %arg3[%dma_start3A_1294, %dma_start3A_1295] : memref<1000x1000xf32, #tpu.memory_space<hbm>> -> memref<1000x1000xf32, #tpu.memory_space<hbm>>
    tpu.enqueue_indirect_dma source(%dma_start3A_1296 : memref<1000x1000xf32, #tpu.memory_space<hbm>>) target(%dma_start3A_1291 : memref<16x1000xf32, #tpu.memory_space<vmem>>) offsets(%dma_start3A_1293 : memref<16xi32, #tpu.memory_space<vmem>>) semaphore(%arg7 : memref<!tpu.dma_semaphore, #tpu.memory_space<semaphore_mem>>)
    %dma_wait3A_1297 = arith.constant 32 : i32
    %dma_wait3A_1298 = arith.constant 0 : i32
    %dma_wait3A_1299 = tpu.memref_slice %arg6[%dma_wait3A_1297, %dma_wait3A_1298] : memref<80x1000xf32, #tpu.memory_space<vmem>> -> memref<16x1000xf32, #tpu.memory_space<vmem>>
    %dma_wait3A_1300 = arith.constant 512 : i32
    %dma_wait3A_1301 = tpu.memref_slice %arg5[%dma_wait3A_1300] : memref<640xi32, #tpu.memory_space<vmem>> -> memref<16xi32, #tpu.memory_space<vmem>>
    %dma_wait3A_1302 = arith.constant 0 : i32
    %dma_wait3A_1303 = arith.constant 0 : i32
    %dma_wait3A_1304 = tpu.memref_slice %arg3[%dma_wait3A_1302, %dma_wait3A_1303] : memref<1000x1000xf32, #tpu.memory_space<hbm>> -> memref<1000x1000xf32, #tpu.memory_space<hbm>>
    tpu.wait_indirect_dma semaphore(%arg9 : memref<!tpu.dma_semaphore, #tpu.memory_space<semaphore_mem>>) src(%dma_wait3A_1304 : memref<1000x1000xf32, #tpu.memory_space<hbm>>) dst(%dma_wait3A_1299 : memref<16x1000xf32, #tpu.memory_space<vmem>>)
    %add3A_1305 = arith.constant 25 : i32
    %add3A_1306 = arith.addi %mul3A_2, %add3A_1305 : i32
    %dma_start3A_1307 = arith.constant 20 : i32
    %dma_start3A_1308 = arith.constant 0 : i32
    %dma_start3A_1309 = tpu.memref_slice %arg6[%dma_start3A_1307, %dma_start3A_1308] : memref<80x1000xf32, #tpu.memory_space<vmem>> -> memref<20x1000xf32, #tpu.memory_space<vmem>>
    %dma_start3A_1310 = arith.constant 0 : i32
    %dma_start3A_1311 = arith.constant 0 : i32
    %dma_start3A_1312 = tpu.memref_slice %arg4[%add3A_1306, %dma_start3A_1310, %dma_start3A_1311] : memref<1024x20x1000xf32, #tpu.memory_space<hbm>> -> memref<1x20x1000xf32, #tpu.memory_space<hbm>>
    %dma_start3A_1313 = tpu.memref_squeeze %dma_start3A_1312 : memref<1x20x1000xf32, #tpu.memory_space<hbm>> -> memref<20x1000xf32, #tpu.memory_space<hbm>>
    %dma_start3A_1314 = arith.constant 0 : i32
    %dma_start3A_1315 = arith.constant 0 : i32
    %dma_start3A_1316 = tpu.memref_slice %arg4[%add3A_1306, %dma_start3A_1314, %dma_start3A_1315] : memref<1024x20x1000xf32, #tpu.memory_space<hbm>> -> memref<1x20x1000xf32, #tpu.memory_space<hbm>>
    %dma_start3A_1317 = tpu.memref_squeeze %dma_start3A_1316 : memref<1x20x1000xf32, #tpu.memory_space<hbm>> -> memref<20x1000xf32, #tpu.memory_space<hbm>>
    %dma_start3A_1318 = arith.constant 20 : i32
    %dma_start3A_1319 = arith.constant 0 : i32
    %dma_start3A_1320 = tpu.memref_slice %arg6[%dma_start3A_1318, %dma_start3A_1319] : memref<80x1000xf32, #tpu.memory_space<vmem>> -> memref<20x1000xf32, #tpu.memory_space<vmem>>
    tpu.enqueue_dma source(%dma_start3A_1320 : memref<20x1000xf32, #tpu.memory_space<vmem>>) target(%dma_start3A_1317 : memref<20x1000xf32, #tpu.memory_space<hbm>>) target_semaphore(%arg13 : memref<!tpu.dma_semaphore, #tpu.memory_space<semaphore_mem>>)
    %dma_wait3A_1321 = arith.constant 20 : i32
    %dma_wait3A_1322 = arith.constant 0 : i32
    %dma_wait3A_1323 = tpu.memref_slice %arg6[%dma_wait3A_1321, %dma_wait3A_1322] : memref<80x1000xf32, #tpu.memory_space<vmem>> -> memref<20x1000xf32, #tpu.memory_space<vmem>>
    %dma_wait3A_1324 = arith.constant 0 : i32
    %dma_wait3A_1325 = arith.constant 0 : i32
    %dma_wait3A_1326 = tpu.memref_slice %arg4[%add3A_1306, %dma_wait3A_1324, %dma_wait3A_1325] : memref<1024x20x1000xf32, #tpu.memory_space<hbm>> -> memref<1x20x1000xf32, #tpu.memory_space<hbm>>
    %dma_wait3A_1327 = tpu.memref_squeeze %dma_wait3A_1326 : memref<1x20x1000xf32, #tpu.memory_space<hbm>> -> memref<20x1000xf32, #tpu.memory_space<hbm>>
    %dma_wait3A_1328 = arith.constant 0 : i32
    %dma_wait3A_1329 = arith.constant 0 : i32
    %dma_wait3A_1330 = tpu.memref_slice %arg4[%add3A_1306, %dma_wait3A_1328, %dma_wait3A_1329] : memref<1024x20x1000xf32, #tpu.memory_space<hbm>> -> memref<1x20x1000xf32, #tpu.memory_space<hbm>>
    %dma_wait3A_1331 = tpu.memref_squeeze %dma_wait3A_1330 : memref<1x20x1000xf32, #tpu.memory_space<hbm>> -> memref<20x1000xf32, #tpu.memory_space<hbm>>
    %dma_wait3A_1332 = arith.constant 20 : i32
    %dma_wait3A_1333 = arith.constant 0 : i32
    %dma_wait3A_1334 = tpu.memref_slice %arg6[%dma_wait3A_1332, %dma_wait3A_1333] : memref<80x1000xf32, #tpu.memory_space<vmem>> -> memref<20x1000xf32, #tpu.memory_space<vmem>>
    tpu.wait_dma2 semaphore(%arg13 : memref<!tpu.dma_semaphore, #tpu.memory_space<semaphore_mem>>) src(%dma_wait3A_1334 : memref<20x1000xf32, #tpu.memory_space<vmem>>) dst(%dma_wait3A_1331 : memref<20x1000xf32, #tpu.memory_space<hbm>>)
    %dma_start3A_1335 = arith.constant 16 : i32
    %dma_start3A_1336 = arith.constant 0 : i32
    %dma_start3A_1337 = tpu.memref_slice %arg6[%dma_start3A_1335, %dma_start3A_1336] : memref<80x1000xf32, #tpu.memory_space<vmem>> -> memref<16x1000xf32, #tpu.memory_space<vmem>>
    %dma_start3A_1338 = arith.constant 576 : i32
    %dma_start3A_1339 = tpu.memref_slice %arg5[%dma_start3A_1338] : memref<640xi32, #tpu.memory_space<vmem>> -> memref<16xi32, #tpu.memory_space<vmem>>
    %dma_start3A_1340 = arith.constant 0 : i32
    %dma_start3A_1341 = arith.constant 0 : i32
    %dma_start3A_1342 = tpu.memref_slice %arg3[%dma_start3A_1340, %dma_start3A_1341] : memref<1000x1000xf32, #tpu.memory_space<hbm>> -> memref<1000x1000xf32, #tpu.memory_space<hbm>>
    tpu.enqueue_indirect_dma source(%dma_start3A_1342 : memref<1000x1000xf32, #tpu.memory_space<hbm>>) target(%dma_start3A_1337 : memref<16x1000xf32, #tpu.memory_space<vmem>>) offsets(%dma_start3A_1339 : memref<16xi32, #tpu.memory_space<vmem>>) semaphore(%arg8 : memref<!tpu.dma_semaphore, #tpu.memory_space<semaphore_mem>>)
    %dma_wait3A_1343 = arith.constant 48 : i32
    %dma_wait3A_1344 = arith.constant 0 : i32
    %dma_wait3A_1345 = tpu.memref_slice %arg6[%dma_wait3A_1343, %dma_wait3A_1344] : memref<80x1000xf32, #tpu.memory_space<vmem>> -> memref<16x1000xf32, #tpu.memory_space<vmem>>
    %dma_wait3A_1346 = arith.constant 528 : i32
    %dma_wait3A_1347 = tpu.memref_slice %arg5[%dma_wait3A_1346] : memref<640xi32, #tpu.memory_space<vmem>> -> memref<16xi32, #tpu.memory_space<vmem>>
    %dma_wait3A_1348 = arith.constant 0 : i32
    %dma_wait3A_1349 = arith.constant 0 : i32
    %dma_wait3A_1350 = tpu.memref_slice %arg3[%dma_wait3A_1348, %dma_wait3A_1349] : memref<1000x1000xf32, #tpu.memory_space<hbm>> -> memref<1000x1000xf32, #tpu.memory_space<hbm>>
    tpu.wait_indirect_dma semaphore(%arg10 : memref<!tpu.dma_semaphore, #tpu.memory_space<semaphore_mem>>) src(%dma_wait3A_1350 : memref<1000x1000xf32, #tpu.memory_space<hbm>>) dst(%dma_wait3A_1345 : memref<16x1000xf32, #tpu.memory_space<vmem>>)
    %add3A_1351 = arith.constant 26 : i32
    %add3A_1352 = arith.addi %mul3A_2, %add3A_1351 : i32
    %dma_start3A_1353 = arith.constant 40 : i32
    %dma_start3A_1354 = arith.constant 0 : i32
    %dma_start3A_1355 = tpu.memref_slice %arg6[%dma_start3A_1353, %dma_start3A_1354] : memref<80x1000xf32, #tpu.memory_space<vmem>> -> memref<20x1000xf32, #tpu.memory_space<vmem>>
    %dma_start3A_1356 = arith.constant 0 : i32
    %dma_start3A_1357 = arith.constant 0 : i32
    %dma_start3A_1358 = tpu.memref_slice %arg4[%add3A_1352, %dma_start3A_1356, %dma_start3A_1357] : memref<1024x20x1000xf32, #tpu.memory_space<hbm>> -> memref<1x20x1000xf32, #tpu.memory_space<hbm>>
    %dma_start3A_1359 = tpu.memref_squeeze %dma_start3A_1358 : memref<1x20x1000xf32, #tpu.memory_space<hbm>> -> memref<20x1000xf32, #tpu.memory_space<hbm>>
    %dma_start3A_1360 = arith.constant 0 : i32
    %dma_start3A_1361 = arith.constant 0 : i32
    %dma_start3A_1362 = tpu.memref_slice %arg4[%add3A_1352, %dma_start3A_1360, %dma_start3A_1361] : memref<1024x20x1000xf32, #tpu.memory_space<hbm>> -> memref<1x20x1000xf32, #tpu.memory_space<hbm>>
    %dma_start3A_1363 = tpu.memref_squeeze %dma_start3A_1362 : memref<1x20x1000xf32, #tpu.memory_space<hbm>> -> memref<20x1000xf32, #tpu.memory_space<hbm>>
    %dma_start3A_1364 = arith.constant 40 : i32
    %dma_start3A_1365 = arith.constant 0 : i32
    %dma_start3A_1366 = tpu.memref_slice %arg6[%dma_start3A_1364, %dma_start3A_1365] : memref<80x1000xf32, #tpu.memory_space<vmem>> -> memref<20x1000xf32, #tpu.memory_space<vmem>>
    tpu.enqueue_dma source(%dma_start3A_1366 : memref<20x1000xf32, #tpu.memory_space<vmem>>) target(%dma_start3A_1363 : memref<20x1000xf32, #tpu.memory_space<hbm>>) target_semaphore(%arg12 : memref<!tpu.dma_semaphore, #tpu.memory_space<semaphore_mem>>)
    %dma_wait3A_1367 = arith.constant 40 : i32
    %dma_wait3A_1368 = arith.constant 0 : i32
    %dma_wait3A_1369 = tpu.memref_slice %arg6[%dma_wait3A_1367, %dma_wait3A_1368] : memref<80x1000xf32, #tpu.memory_space<vmem>> -> memref<20x1000xf32, #tpu.memory_space<vmem>>
    %dma_wait3A_1370 = arith.constant 0 : i32
    %dma_wait3A_1371 = arith.constant 0 : i32
    %dma_wait3A_1372 = tpu.memref_slice %arg4[%add3A_1352, %dma_wait3A_1370, %dma_wait3A_1371] : memref<1024x20x1000xf32, #tpu.memory_space<hbm>> -> memref<1x20x1000xf32, #tpu.memory_space<hbm>>
    %dma_wait3A_1373 = tpu.memref_squeeze %dma_wait3A_1372 : memref<1x20x1000xf32, #tpu.memory_space<hbm>> -> memref<20x1000xf32, #tpu.memory_space<hbm>>
    %dma_wait3A_1374 = arith.constant 0 : i32
    %dma_wait3A_1375 = arith.constant 0 : i32
    %dma_wait3A_1376 = tpu.memref_slice %arg4[%add3A_1352, %dma_wait3A_1374, %dma_wait3A_1375] : memref<1024x20x1000xf32, #tpu.memory_space<hbm>> -> memref<1x20x1000xf32, #tpu.memory_space<hbm>>
    %dma_wait3A_1377 = tpu.memref_squeeze %dma_wait3A_1376 : memref<1x20x1000xf32, #tpu.memory_space<hbm>> -> memref<20x1000xf32, #tpu.memory_space<hbm>>
    %dma_wait3A_1378 = arith.constant 40 : i32
    %dma_wait3A_1379 = arith.constant 0 : i32
    %dma_wait3A_1380 = tpu.memref_slice %arg6[%dma_wait3A_1378, %dma_wait3A_1379] : memref<80x1000xf32, #tpu.memory_space<vmem>> -> memref<20x1000xf32, #tpu.memory_space<vmem>>
    tpu.wait_dma2 semaphore(%arg12 : memref<!tpu.dma_semaphore, #tpu.memory_space<semaphore_mem>>) src(%dma_wait3A_1380 : memref<20x1000xf32, #tpu.memory_space<vmem>>) dst(%dma_wait3A_1377 : memref<20x1000xf32, #tpu.memory_space<hbm>>)
    %dma_start3A_1381 = arith.constant 32 : i32
    %dma_start3A_1382 = arith.constant 0 : i32
    %dma_start3A_1383 = tpu.memref_slice %arg6[%dma_start3A_1381, %dma_start3A_1382] : memref<80x1000xf32, #tpu.memory_space<vmem>> -> memref<16x1000xf32, #tpu.memory_space<vmem>>
    %dma_start3A_1384 = arith.constant 592 : i32
    %dma_start3A_1385 = tpu.memref_slice %arg5[%dma_start3A_1384] : memref<640xi32, #tpu.memory_space<vmem>> -> memref<16xi32, #tpu.memory_space<vmem>>
    %dma_start3A_1386 = arith.constant 0 : i32
    %dma_start3A_1387 = arith.constant 0 : i32
    %dma_start3A_1388 = tpu.memref_slice %arg3[%dma_start3A_1386, %dma_start3A_1387] : memref<1000x1000xf32, #tpu.memory_space<hbm>> -> memref<1000x1000xf32, #tpu.memory_space<hbm>>
    tpu.enqueue_indirect_dma source(%dma_start3A_1388 : memref<1000x1000xf32, #tpu.memory_space<hbm>>) target(%dma_start3A_1383 : memref<16x1000xf32, #tpu.memory_space<vmem>>) offsets(%dma_start3A_1385 : memref<16xi32, #tpu.memory_space<vmem>>) semaphore(%arg9 : memref<!tpu.dma_semaphore, #tpu.memory_space<semaphore_mem>>)
    %dma_wait3A_1389 = arith.constant 64 : i32
    %dma_wait3A_1390 = arith.constant 0 : i32
    %dma_wait3A_1391 = tpu.memref_slice %arg6[%dma_wait3A_1389, %dma_wait3A_1390] : memref<80x1000xf32, #tpu.memory_space<vmem>> -> memref<16x1000xf32, #tpu.memory_space<vmem>>
    %dma_wait3A_1392 = arith.constant 544 : i32
    %dma_wait3A_1393 = tpu.memref_slice %arg5[%dma_wait3A_1392] : memref<640xi32, #tpu.memory_space<vmem>> -> memref<16xi32, #tpu.memory_space<vmem>>
    %dma_wait3A_1394 = arith.constant 0 : i32
    %dma_wait3A_1395 = arith.constant 0 : i32
    %dma_wait3A_1396 = tpu.memref_slice %arg3[%dma_wait3A_1394, %dma_wait3A_1395] : memref<1000x1000xf32, #tpu.memory_space<hbm>> -> memref<1000x1000xf32, #tpu.memory_space<hbm>>
    tpu.wait_indirect_dma semaphore(%arg11 : memref<!tpu.dma_semaphore, #tpu.memory_space<semaphore_mem>>) src(%dma_wait3A_1396 : memref<1000x1000xf32, #tpu.memory_space<hbm>>) dst(%dma_wait3A_1391 : memref<16x1000xf32, #tpu.memory_space<vmem>>)
    %add3A_1397 = arith.constant 27 : i32
    %add3A_1398 = arith.addi %mul3A_2, %add3A_1397 : i32
    %dma_start3A_1399 = arith.constant 60 : i32
    %dma_start3A_1400 = arith.constant 0 : i32
    %dma_start3A_1401 = tpu.memref_slice %arg6[%dma_start3A_1399, %dma_start3A_1400] : memref<80x1000xf32, #tpu.memory_space<vmem>> -> memref<20x1000xf32, #tpu.memory_space<vmem>>
    %dma_start3A_1402 = arith.constant 0 : i32
    %dma_start3A_1403 = arith.constant 0 : i32
    %dma_start3A_1404 = tpu.memref_slice %arg4[%add3A_1398, %dma_start3A_1402, %dma_start3A_1403] : memref<1024x20x1000xf32, #tpu.memory_space<hbm>> -> memref<1x20x1000xf32, #tpu.memory_space<hbm>>
    %dma_start3A_1405 = tpu.memref_squeeze %dma_start3A_1404 : memref<1x20x1000xf32, #tpu.memory_space<hbm>> -> memref<20x1000xf32, #tpu.memory_space<hbm>>
    %dma_start3A_1406 = arith.constant 0 : i32
    %dma_start3A_1407 = arith.constant 0 : i32
    %dma_start3A_1408 = tpu.memref_slice %arg4[%add3A_1398, %dma_start3A_1406, %dma_start3A_1407] : memref<1024x20x1000xf32, #tpu.memory_space<hbm>> -> memref<1x20x1000xf32, #tpu.memory_space<hbm>>
    %dma_start3A_1409 = tpu.memref_squeeze %dma_start3A_1408 : memref<1x20x1000xf32, #tpu.memory_space<hbm>> -> memref<20x1000xf32, #tpu.memory_space<hbm>>
    %dma_start3A_1410 = arith.constant 60 : i32
    %dma_start3A_1411 = arith.constant 0 : i32
    %dma_start3A_1412 = tpu.memref_slice %arg6[%dma_start3A_1410, %dma_start3A_1411] : memref<80x1000xf32, #tpu.memory_space<vmem>> -> memref<20x1000xf32, #tpu.memory_space<vmem>>
    tpu.enqueue_dma source(%dma_start3A_1412 : memref<20x1000xf32, #tpu.memory_space<vmem>>) target(%dma_start3A_1409 : memref<20x1000xf32, #tpu.memory_space<hbm>>) target_semaphore(%arg13 : memref<!tpu.dma_semaphore, #tpu.memory_space<semaphore_mem>>)
    %dma_wait3A_1413 = arith.constant 60 : i32
    %dma_wait3A_1414 = arith.constant 0 : i32
    %dma_wait3A_1415 = tpu.memref_slice %arg6[%dma_wait3A_1413, %dma_wait3A_1414] : memref<80x1000xf32, #tpu.memory_space<vmem>> -> memref<20x1000xf32, #tpu.memory_space<vmem>>
    %dma_wait3A_1416 = arith.constant 0 : i32
    %dma_wait3A_1417 = arith.constant 0 : i32
    %dma_wait3A_1418 = tpu.memref_slice %arg4[%add3A_1398, %dma_wait3A_1416, %dma_wait3A_1417] : memref<1024x20x1000xf32, #tpu.memory_space<hbm>> -> memref<1x20x1000xf32, #tpu.memory_space<hbm>>
    %dma_wait3A_1419 = tpu.memref_squeeze %dma_wait3A_1418 : memref<1x20x1000xf32, #tpu.memory_space<hbm>> -> memref<20x1000xf32, #tpu.memory_space<hbm>>
    %dma_wait3A_1420 = arith.constant 0 : i32
    %dma_wait3A_1421 = arith.constant 0 : i32
    %dma_wait3A_1422 = tpu.memref_slice %arg4[%add3A_1398, %dma_wait3A_1420, %dma_wait3A_1421] : memref<1024x20x1000xf32, #tpu.memory_space<hbm>> -> memref<1x20x1000xf32, #tpu.memory_space<hbm>>
    %dma_wait3A_1423 = tpu.memref_squeeze %dma_wait3A_1422 : memref<1x20x1000xf32, #tpu.memory_space<hbm>> -> memref<20x1000xf32, #tpu.memory_space<hbm>>
    %dma_wait3A_1424 = arith.constant 60 : i32
    %dma_wait3A_1425 = arith.constant 0 : i32
    %dma_wait3A_1426 = tpu.memref_slice %arg6[%dma_wait3A_1424, %dma_wait3A_1425] : memref<80x1000xf32, #tpu.memory_space<vmem>> -> memref<20x1000xf32, #tpu.memory_space<vmem>>
    tpu.wait_dma2 semaphore(%arg13 : memref<!tpu.dma_semaphore, #tpu.memory_space<semaphore_mem>>) src(%dma_wait3A_1426 : memref<20x1000xf32, #tpu.memory_space<vmem>>) dst(%dma_wait3A_1423 : memref<20x1000xf32, #tpu.memory_space<hbm>>)
    %dma_start3A_1427 = arith.constant 48 : i32
    %dma_start3A_1428 = arith.constant 0 : i32
    %dma_start3A_1429 = tpu.memref_slice %arg6[%dma_start3A_1427, %dma_start3A_1428] : memref<80x1000xf32, #tpu.memory_space<vmem>> -> memref<16x1000xf32, #tpu.memory_space<vmem>>
    %dma_start3A_1430 = arith.constant 608 : i32
    %dma_start3A_1431 = tpu.memref_slice %arg5[%dma_start3A_1430] : memref<640xi32, #tpu.memory_space<vmem>> -> memref<16xi32, #tpu.memory_space<vmem>>
    %dma_start3A_1432 = arith.constant 0 : i32
    %dma_start3A_1433 = arith.constant 0 : i32
    %dma_start3A_1434 = tpu.memref_slice %arg3[%dma_start3A_1432, %dma_start3A_1433] : memref<1000x1000xf32, #tpu.memory_space<hbm>> -> memref<1000x1000xf32, #tpu.memory_space<hbm>>
    tpu.enqueue_indirect_dma source(%dma_start3A_1434 : memref<1000x1000xf32, #tpu.memory_space<hbm>>) target(%dma_start3A_1429 : memref<16x1000xf32, #tpu.memory_space<vmem>>) offsets(%dma_start3A_1431 : memref<16xi32, #tpu.memory_space<vmem>>) semaphore(%arg10 : memref<!tpu.dma_semaphore, #tpu.memory_space<semaphore_mem>>)
    %dma_start3A_1435 = arith.constant 64 : i32
    %dma_start3A_1436 = arith.constant 0 : i32
    %dma_start3A_1437 = tpu.memref_slice %arg6[%dma_start3A_1435, %dma_start3A_1436] : memref<80x1000xf32, #tpu.memory_space<vmem>> -> memref<16x1000xf32, #tpu.memory_space<vmem>>
    %dma_start3A_1438 = arith.constant 624 : i32
    %dma_start3A_1439 = tpu.memref_slice %arg5[%dma_start3A_1438] : memref<640xi32, #tpu.memory_space<vmem>> -> memref<16xi32, #tpu.memory_space<vmem>>
    %dma_start3A_1440 = arith.constant 0 : i32
    %dma_start3A_1441 = arith.constant 0 : i32
    %dma_start3A_1442 = tpu.memref_slice %arg3[%dma_start3A_1440, %dma_start3A_1441] : memref<1000x1000xf32, #tpu.memory_space<hbm>> -> memref<1000x1000xf32, #tpu.memory_space<hbm>>
    tpu.enqueue_indirect_dma source(%dma_start3A_1442 : memref<1000x1000xf32, #tpu.memory_space<hbm>>) target(%dma_start3A_1437 : memref<16x1000xf32, #tpu.memory_space<vmem>>) offsets(%dma_start3A_1439 : memref<16xi32, #tpu.memory_space<vmem>>) semaphore(%arg11 : memref<!tpu.dma_semaphore, #tpu.memory_space<semaphore_mem>>)
    %dma_wait3A_1443 = arith.constant 0 : i32
    %dma_wait3A_1444 = arith.constant 0 : i32
    %dma_wait3A_1445 = tpu.memref_slice %arg6[%dma_wait3A_1443, %dma_wait3A_1444] : memref<80x1000xf32, #tpu.memory_space<vmem>> -> memref<16x1000xf32, #tpu.memory_space<vmem>>
    %dma_wait3A_1446 = arith.constant 560 : i32
    %dma_wait3A_1447 = tpu.memref_slice %arg5[%dma_wait3A_1446] : memref<640xi32, #tpu.memory_space<vmem>> -> memref<16xi32, #tpu.memory_space<vmem>>
    %dma_wait3A_1448 = arith.constant 0 : i32
    %dma_wait3A_1449 = arith.constant 0 : i32
    %dma_wait3A_1450 = tpu.memref_slice %arg3[%dma_wait3A_1448, %dma_wait3A_1449] : memref<1000x1000xf32, #tpu.memory_space<hbm>> -> memref<1000x1000xf32, #tpu.memory_space<hbm>>
    tpu.wait_indirect_dma semaphore(%arg7 : memref<!tpu.dma_semaphore, #tpu.memory_space<semaphore_mem>>) src(%dma_wait3A_1450 : memref<1000x1000xf32, #tpu.memory_space<hbm>>) dst(%dma_wait3A_1445 : memref<16x1000xf32, #tpu.memory_space<vmem>>)
    %dma_wait3A_1451 = arith.constant 16 : i32
    %dma_wait3A_1452 = arith.constant 0 : i32
    %dma_wait3A_1453 = tpu.memref_slice %arg6[%dma_wait3A_1451, %dma_wait3A_1452] : memref<80x1000xf32, #tpu.memory_space<vmem>> -> memref<16x1000xf32, #tpu.memory_space<vmem>>
    %dma_wait3A_1454 = arith.constant 576 : i32
    %dma_wait3A_1455 = tpu.memref_slice %arg5[%dma_wait3A_1454] : memref<640xi32, #tpu.memory_space<vmem>> -> memref<16xi32, #tpu.memory_space<vmem>>
    %dma_wait3A_1456 = arith.constant 0 : i32
    %dma_wait3A_1457 = arith.constant 0 : i32
    %dma_wait3A_1458 = tpu.memref_slice %arg3[%dma_wait3A_1456, %dma_wait3A_1457] : memref<1000x1000xf32, #tpu.memory_space<hbm>> -> memref<1000x1000xf32, #tpu.memory_space<hbm>>
    tpu.wait_indirect_dma semaphore(%arg8 : memref<!tpu.dma_semaphore, #tpu.memory_space<semaphore_mem>>) src(%dma_wait3A_1458 : memref<1000x1000xf32, #tpu.memory_space<hbm>>) dst(%dma_wait3A_1453 : memref<16x1000xf32, #tpu.memory_space<vmem>>)
    %add3A_1459 = arith.constant 28 : i32
    %add3A_1460 = arith.addi %mul3A_2, %add3A_1459 : i32
    %dma_start3A_1461 = arith.constant 0 : i32
    %dma_start3A_1462 = arith.constant 0 : i32
    %dma_start3A_1463 = tpu.memref_slice %arg6[%dma_start3A_1461, %dma_start3A_1462] : memref<80x1000xf32, #tpu.memory_space<vmem>> -> memref<20x1000xf32, #tpu.memory_space<vmem>>
    %dma_start3A_1464 = arith.constant 0 : i32
    %dma_start3A_1465 = arith.constant 0 : i32
    %dma_start3A_1466 = tpu.memref_slice %arg4[%add3A_1460, %dma_start3A_1464, %dma_start3A_1465] : memref<1024x20x1000xf32, #tpu.memory_space<hbm>> -> memref<1x20x1000xf32, #tpu.memory_space<hbm>>
    %dma_start3A_1467 = tpu.memref_squeeze %dma_start3A_1466 : memref<1x20x1000xf32, #tpu.memory_space<hbm>> -> memref<20x1000xf32, #tpu.memory_space<hbm>>
    %dma_start3A_1468 = arith.constant 0 : i32
    %dma_start3A_1469 = arith.constant 0 : i32
    %dma_start3A_1470 = tpu.memref_slice %arg4[%add3A_1460, %dma_start3A_1468, %dma_start3A_1469] : memref<1024x20x1000xf32, #tpu.memory_space<hbm>> -> memref<1x20x1000xf32, #tpu.memory_space<hbm>>
    %dma_start3A_1471 = tpu.memref_squeeze %dma_start3A_1470 : memref<1x20x1000xf32, #tpu.memory_space<hbm>> -> memref<20x1000xf32, #tpu.memory_space<hbm>>
    %dma_start3A_1472 = arith.constant 0 : i32
    %dma_start3A_1473 = arith.constant 0 : i32
    %dma_start3A_1474 = tpu.memref_slice %arg6[%dma_start3A_1472, %dma_start3A_1473] : memref<80x1000xf32, #tpu.memory_space<vmem>> -> memref<20x1000xf32, #tpu.memory_space<vmem>>
    tpu.enqueue_dma source(%dma_start3A_1474 : memref<20x1000xf32, #tpu.memory_space<vmem>>) target(%dma_start3A_1471 : memref<20x1000xf32, #tpu.memory_space<hbm>>) target_semaphore(%arg12 : memref<!tpu.dma_semaphore, #tpu.memory_space<semaphore_mem>>)
    %dma_wait3A_1475 = arith.constant 32 : i32
    %dma_wait3A_1476 = arith.constant 0 : i32
    %dma_wait3A_1477 = tpu.memref_slice %arg6[%dma_wait3A_1475, %dma_wait3A_1476] : memref<80x1000xf32, #tpu.memory_space<vmem>> -> memref<16x1000xf32, #tpu.memory_space<vmem>>
    %dma_wait3A_1478 = arith.constant 592 : i32
    %dma_wait3A_1479 = tpu.memref_slice %arg5[%dma_wait3A_1478] : memref<640xi32, #tpu.memory_space<vmem>> -> memref<16xi32, #tpu.memory_space<vmem>>
    %dma_wait3A_1480 = arith.constant 0 : i32
    %dma_wait3A_1481 = arith.constant 0 : i32
    %dma_wait3A_1482 = tpu.memref_slice %arg3[%dma_wait3A_1480, %dma_wait3A_1481] : memref<1000x1000xf32, #tpu.memory_space<hbm>> -> memref<1000x1000xf32, #tpu.memory_space<hbm>>
    tpu.wait_indirect_dma semaphore(%arg9 : memref<!tpu.dma_semaphore, #tpu.memory_space<semaphore_mem>>) src(%dma_wait3A_1482 : memref<1000x1000xf32, #tpu.memory_space<hbm>>) dst(%dma_wait3A_1477 : memref<16x1000xf32, #tpu.memory_space<vmem>>)
    %add3A_1483 = arith.constant 29 : i32
    %add3A_1484 = arith.addi %mul3A_2, %add3A_1483 : i32
    %dma_start3A_1485 = arith.constant 20 : i32
    %dma_start3A_1486 = arith.constant 0 : i32
    %dma_start3A_1487 = tpu.memref_slice %arg6[%dma_start3A_1485, %dma_start3A_1486] : memref<80x1000xf32, #tpu.memory_space<vmem>> -> memref<20x1000xf32, #tpu.memory_space<vmem>>
    %dma_start3A_1488 = arith.constant 0 : i32
    %dma_start3A_1489 = arith.constant 0 : i32
    %dma_start3A_1490 = tpu.memref_slice %arg4[%add3A_1484, %dma_start3A_1488, %dma_start3A_1489] : memref<1024x20x1000xf32, #tpu.memory_space<hbm>> -> memref<1x20x1000xf32, #tpu.memory_space<hbm>>
    %dma_start3A_1491 = tpu.memref_squeeze %dma_start3A_1490 : memref<1x20x1000xf32, #tpu.memory_space<hbm>> -> memref<20x1000xf32, #tpu.memory_space<hbm>>
    %dma_start3A_1492 = arith.constant 0 : i32
    %dma_start3A_1493 = arith.constant 0 : i32
    %dma_start3A_1494 = tpu.memref_slice %arg4[%add3A_1484, %dma_start3A_1492, %dma_start3A_1493] : memref<1024x20x1000xf32, #tpu.memory_space<hbm>> -> memref<1x20x1000xf32, #tpu.memory_space<hbm>>
    %dma_start3A_1495 = tpu.memref_squeeze %dma_start3A_1494 : memref<1x20x1000xf32, #tpu.memory_space<hbm>> -> memref<20x1000xf32, #tpu.memory_space<hbm>>
    %dma_start3A_1496 = arith.constant 20 : i32
    %dma_start3A_1497 = arith.constant 0 : i32
    %dma_start3A_1498 = tpu.memref_slice %arg6[%dma_start3A_1496, %dma_start3A_1497] : memref<80x1000xf32, #tpu.memory_space<vmem>> -> memref<20x1000xf32, #tpu.memory_space<vmem>>
    tpu.enqueue_dma source(%dma_start3A_1498 : memref<20x1000xf32, #tpu.memory_space<vmem>>) target(%dma_start3A_1495 : memref<20x1000xf32, #tpu.memory_space<hbm>>) target_semaphore(%arg13 : memref<!tpu.dma_semaphore, #tpu.memory_space<semaphore_mem>>)
    %dma_wait3A_1499 = arith.constant 48 : i32
    %dma_wait3A_1500 = arith.constant 0 : i32
    %dma_wait3A_1501 = tpu.memref_slice %arg6[%dma_wait3A_1499, %dma_wait3A_1500] : memref<80x1000xf32, #tpu.memory_space<vmem>> -> memref<16x1000xf32, #tpu.memory_space<vmem>>
    %dma_wait3A_1502 = arith.constant 608 : i32
    %dma_wait3A_1503 = tpu.memref_slice %arg5[%dma_wait3A_1502] : memref<640xi32, #tpu.memory_space<vmem>> -> memref<16xi32, #tpu.memory_space<vmem>>
    %dma_wait3A_1504 = arith.constant 0 : i32
    %dma_wait3A_1505 = arith.constant 0 : i32
    %dma_wait3A_1506 = tpu.memref_slice %arg3[%dma_wait3A_1504, %dma_wait3A_1505] : memref<1000x1000xf32, #tpu.memory_space<hbm>> -> memref<1000x1000xf32, #tpu.memory_space<hbm>>
    tpu.wait_indirect_dma semaphore(%arg10 : memref<!tpu.dma_semaphore, #tpu.memory_space<semaphore_mem>>) src(%dma_wait3A_1506 : memref<1000x1000xf32, #tpu.memory_space<hbm>>) dst(%dma_wait3A_1501 : memref<16x1000xf32, #tpu.memory_space<vmem>>)
    %add3A_1507 = arith.constant 30 : i32
    %add3A_1508 = arith.addi %mul3A_2, %add3A_1507 : i32
    %dma_start3A_1509 = arith.constant 40 : i32
    %dma_start3A_1510 = arith.constant 0 : i32
    %dma_start3A_1511 = tpu.memref_slice %arg6[%dma_start3A_1509, %dma_start3A_1510] : memref<80x1000xf32, #tpu.memory_space<vmem>> -> memref<20x1000xf32, #tpu.memory_space<vmem>>
    %dma_start3A_1512 = arith.constant 0 : i32
    %dma_start3A_1513 = arith.constant 0 : i32
    %dma_start3A_1514 = tpu.memref_slice %arg4[%add3A_1508, %dma_start3A_1512, %dma_start3A_1513] : memref<1024x20x1000xf32, #tpu.memory_space<hbm>> -> memref<1x20x1000xf32, #tpu.memory_space<hbm>>
    %dma_start3A_1515 = tpu.memref_squeeze %dma_start3A_1514 : memref<1x20x1000xf32, #tpu.memory_space<hbm>> -> memref<20x1000xf32, #tpu.memory_space<hbm>>
    %dma_start3A_1516 = arith.constant 0 : i32
    %dma_start3A_1517 = arith.constant 0 : i32
    %dma_start3A_1518 = tpu.memref_slice %arg4[%add3A_1508, %dma_start3A_1516, %dma_start3A_1517] : memref<1024x20x1000xf32, #tpu.memory_space<hbm>> -> memref<1x20x1000xf32, #tpu.memory_space<hbm>>
    %dma_start3A_1519 = tpu.memref_squeeze %dma_start3A_1518 : memref<1x20x1000xf32, #tpu.memory_space<hbm>> -> memref<20x1000xf32, #tpu.memory_space<hbm>>
    %dma_start3A_1520 = arith.constant 40 : i32
    %dma_start3A_1521 = arith.constant 0 : i32
    %dma_start3A_1522 = tpu.memref_slice %arg6[%dma_start3A_1520, %dma_start3A_1521] : memref<80x1000xf32, #tpu.memory_space<vmem>> -> memref<20x1000xf32, #tpu.memory_space<vmem>>
    tpu.enqueue_dma source(%dma_start3A_1522 : memref<20x1000xf32, #tpu.memory_space<vmem>>) target(%dma_start3A_1519 : memref<20x1000xf32, #tpu.memory_space<hbm>>) target_semaphore(%arg12 : memref<!tpu.dma_semaphore, #tpu.memory_space<semaphore_mem>>)
    %dma_wait3A_1523 = arith.constant 64 : i32
    %dma_wait3A_1524 = arith.constant 0 : i32
    %dma_wait3A_1525 = tpu.memref_slice %arg6[%dma_wait3A_1523, %dma_wait3A_1524] : memref<80x1000xf32, #tpu.memory_space<vmem>> -> memref<16x1000xf32, #tpu.memory_space<vmem>>
    %dma_wait3A_1526 = arith.constant 624 : i32
    %dma_wait3A_1527 = tpu.memref_slice %arg5[%dma_wait3A_1526] : memref<640xi32, #tpu.memory_space<vmem>> -> memref<16xi32, #tpu.memory_space<vmem>>
    %dma_wait3A_1528 = arith.constant 0 : i32
    %dma_wait3A_1529 = arith.constant 0 : i32
    %dma_wait3A_1530 = tpu.memref_slice %arg3[%dma_wait3A_1528, %dma_wait3A_1529] : memref<1000x1000xf32, #tpu.memory_space<hbm>> -> memref<1000x1000xf32, #tpu.memory_space<hbm>>
    tpu.wait_indirect_dma semaphore(%arg11 : memref<!tpu.dma_semaphore, #tpu.memory_space<semaphore_mem>>) src(%dma_wait3A_1530 : memref<1000x1000xf32, #tpu.memory_space<hbm>>) dst(%dma_wait3A_1525 : memref<16x1000xf32, #tpu.memory_space<vmem>>)
    %add3A_1531 = arith.constant 31 : i32
    %add3A_1532 = arith.addi %mul3A_2, %add3A_1531 : i32
    %dma_start3A_1533 = arith.constant 60 : i32
    %dma_start3A_1534 = arith.constant 0 : i32
    %dma_start3A_1535 = tpu.memref_slice %arg6[%dma_start3A_1533, %dma_start3A_1534] : memref<80x1000xf32, #tpu.memory_space<vmem>> -> memref<20x1000xf32, #tpu.memory_space<vmem>>
    %dma_start3A_1536 = arith.constant 0 : i32
    %dma_start3A_1537 = arith.constant 0 : i32
    %dma_start3A_1538 = tpu.memref_slice %arg4[%add3A_1532, %dma_start3A_1536, %dma_start3A_1537] : memref<1024x20x1000xf32, #tpu.memory_space<hbm>> -> memref<1x20x1000xf32, #tpu.memory_space<hbm>>
    %dma_start3A_1539 = tpu.memref_squeeze %dma_start3A_1538 : memref<1x20x1000xf32, #tpu.memory_space<hbm>> -> memref<20x1000xf32, #tpu.memory_space<hbm>>
    %dma_start3A_1540 = arith.constant 0 : i32
    %dma_start3A_1541 = arith.constant 0 : i32
    %dma_start3A_1542 = tpu.memref_slice %arg4[%add3A_1532, %dma_start3A_1540, %dma_start3A_1541] : memref<1024x20x1000xf32, #tpu.memory_space<hbm>> -> memref<1x20x1000xf32, #tpu.memory_space<hbm>>
    %dma_start3A_1543 = tpu.memref_squeeze %dma_start3A_1542 : memref<1x20x1000xf32, #tpu.memory_space<hbm>> -> memref<20x1000xf32, #tpu.memory_space<hbm>>
    %dma_start3A_1544 = arith.constant 60 : i32
    %dma_start3A_1545 = arith.constant 0 : i32
    %dma_start3A_1546 = tpu.memref_slice %arg6[%dma_start3A_1544, %dma_start3A_1545] : memref<80x1000xf32, #tpu.memory_space<vmem>> -> memref<20x1000xf32, #tpu.memory_space<vmem>>
    tpu.enqueue_dma source(%dma_start3A_1546 : memref<20x1000xf32, #tpu.memory_space<vmem>>) target(%dma_start3A_1543 : memref<20x1000xf32, #tpu.memory_space<hbm>>) target_semaphore(%arg13 : memref<!tpu.dma_semaphore, #tpu.memory_space<semaphore_mem>>)
    %dma_wait3A_1547 = arith.constant 0 : i32
    %dma_wait3A_1548 = arith.constant 0 : i32
    %dma_wait3A_1549 = tpu.memref_slice %arg6[%dma_wait3A_1547, %dma_wait3A_1548] : memref<80x1000xf32, #tpu.memory_space<vmem>> -> memref<20x1000xf32, #tpu.memory_space<vmem>>
    %dma_wait3A_1550 = arith.constant 0 : i32
    %dma_wait3A_1551 = arith.constant 0 : i32
    %dma_wait3A_1552 = tpu.memref_slice %arg4[%add3A_1460, %dma_wait3A_1550, %dma_wait3A_1551] : memref<1024x20x1000xf32, #tpu.memory_space<hbm>> -> memref<1x20x1000xf32, #tpu.memory_space<hbm>>
    %dma_wait3A_1553 = tpu.memref_squeeze %dma_wait3A_1552 : memref<1x20x1000xf32, #tpu.memory_space<hbm>> -> memref<20x1000xf32, #tpu.memory_space<hbm>>
    %dma_wait3A_1554 = arith.constant 0 : i32
    %dma_wait3A_1555 = arith.constant 0 : i32
    %dma_wait3A_1556 = tpu.memref_slice %arg4[%add3A_1460, %dma_wait3A_1554, %dma_wait3A_1555] : memref<1024x20x1000xf32, #tpu.memory_space<hbm>> -> memref<1x20x1000xf32, #tpu.memory_space<hbm>>
    %dma_wait3A_1557 = tpu.memref_squeeze %dma_wait3A_1556 : memref<1x20x1000xf32, #tpu.memory_space<hbm>> -> memref<20x1000xf32, #tpu.memory_space<hbm>>
    %dma_wait3A_1558 = arith.constant 0 : i32
    %dma_wait3A_1559 = arith.constant 0 : i32
    %dma_wait3A_1560 = tpu.memref_slice %arg6[%dma_wait3A_1558, %dma_wait3A_1559] : memref<80x1000xf32, #tpu.memory_space<vmem>> -> memref<20x1000xf32, #tpu.memory_space<vmem>>
    tpu.wait_dma2 semaphore(%arg12 : memref<!tpu.dma_semaphore, #tpu.memory_space<semaphore_mem>>) src(%dma_wait3A_1560 : memref<20x1000xf32, #tpu.memory_space<vmem>>) dst(%dma_wait3A_1557 : memref<20x1000xf32, #tpu.memory_space<hbm>>)
    %dma_wait3A_1561 = arith.constant 20 : i32
    %dma_wait3A_1562 = arith.constant 0 : i32
    %dma_wait3A_1563 = tpu.memref_slice %arg6[%dma_wait3A_1561, %dma_wait3A_1562] : memref<80x1000xf32, #tpu.memory_space<vmem>> -> memref<20x1000xf32, #tpu.memory_space<vmem>>
    %dma_wait3A_1564 = arith.constant 0 : i32
    %dma_wait3A_1565 = arith.constant 0 : i32
    %dma_wait3A_1566 = tpu.memref_slice %arg4[%add3A_1484, %dma_wait3A_1564, %dma_wait3A_1565] : memref<1024x20x1000xf32, #tpu.memory_space<hbm>> -> memref<1x20x1000xf32, #tpu.memory_space<hbm>>
    %dma_wait3A_1567 = tpu.memref_squeeze %dma_wait3A_1566 : memref<1x20x1000xf32, #tpu.memory_space<hbm>> -> memref<20x1000xf32, #tpu.memory_space<hbm>>
    %dma_wait3A_1568 = arith.constant 0 : i32
    %dma_wait3A_1569 = arith.constant 0 : i32
    %dma_wait3A_1570 = tpu.memref_slice %arg4[%add3A_1484, %dma_wait3A_1568, %dma_wait3A_1569] : memref<1024x20x1000xf32, #tpu.memory_space<hbm>> -> memref<1x20x1000xf32, #tpu.memory_space<hbm>>
    %dma_wait3A_1571 = tpu.memref_squeeze %dma_wait3A_1570 : memref<1x20x1000xf32, #tpu.memory_space<hbm>> -> memref<20x1000xf32, #tpu.memory_space<hbm>>
    %dma_wait3A_1572 = arith.constant 20 : i32
    %dma_wait3A_1573 = arith.constant 0 : i32
    %dma_wait3A_1574 = tpu.memref_slice %arg6[%dma_wait3A_1572, %dma_wait3A_1573] : memref<80x1000xf32, #tpu.memory_space<vmem>> -> memref<20x1000xf32, #tpu.memory_space<vmem>>
    tpu.wait_dma2 semaphore(%arg13 : memref<!tpu.dma_semaphore, #tpu.memory_space<semaphore_mem>>) src(%dma_wait3A_1574 : memref<20x1000xf32, #tpu.memory_space<vmem>>) dst(%dma_wait3A_1571 : memref<20x1000xf32, #tpu.memory_space<hbm>>)
    %dma_wait3A_1575 = arith.constant 40 : i32
    %dma_wait3A_1576 = arith.constant 0 : i32
    %dma_wait3A_1577 = tpu.memref_slice %arg6[%dma_wait3A_1575, %dma_wait3A_1576] : memref<80x1000xf32, #tpu.memory_space<vmem>> -> memref<20x1000xf32, #tpu.memory_space<vmem>>
    %dma_wait3A_1578 = arith.constant 0 : i32
    %dma_wait3A_1579 = arith.constant 0 : i32
    %dma_wait3A_1580 = tpu.memref_slice %arg4[%add3A_1508, %dma_wait3A_1578, %dma_wait3A_1579] : memref<1024x20x1000xf32, #tpu.memory_space<hbm>> -> memref<1x20x1000xf32, #tpu.memory_space<hbm>>
    %dma_wait3A_1581 = tpu.memref_squeeze %dma_wait3A_1580 : memref<1x20x1000xf32, #tpu.memory_space<hbm>> -> memref<20x1000xf32, #tpu.memory_space<hbm>>
    %dma_wait3A_1582 = arith.constant 0 : i32
    %dma_wait3A_1583 = arith.constant 0 : i32
    %dma_wait3A_1584 = tpu.memref_slice %arg4[%add3A_1508, %dma_wait3A_1582, %dma_wait3A_1583] : memref<1024x20x1000xf32, #tpu.memory_space<hbm>> -> memref<1x20x1000xf32, #tpu.memory_space<hbm>>
    %dma_wait3A_1585 = tpu.memref_squeeze %dma_wait3A_1584 : memref<1x20x1000xf32, #tpu.memory_space<hbm>> -> memref<20x1000xf32, #tpu.memory_space<hbm>>
    %dma_wait3A_1586 = arith.constant 40 : i32
    %dma_wait3A_1587 = arith.constant 0 : i32
    %dma_wait3A_1588 = tpu.memref_slice %arg6[%dma_wait3A_1586, %dma_wait3A_1587] : memref<80x1000xf32, #tpu.memory_space<vmem>> -> memref<20x1000xf32, #tpu.memory_space<vmem>>
    tpu.wait_dma2 semaphore(%arg12 : memref<!tpu.dma_semaphore, #tpu.memory_space<semaphore_mem>>) src(%dma_wait3A_1588 : memref<20x1000xf32, #tpu.memory_space<vmem>>) dst(%dma_wait3A_1585 : memref<20x1000xf32, #tpu.memory_space<hbm>>)
    %dma_wait3A_1589 = arith.constant 60 : i32
    %dma_wait3A_1590 = arith.constant 0 : i32
    %dma_wait3A_1591 = tpu.memref_slice %arg6[%dma_wait3A_1589, %dma_wait3A_1590] : memref<80x1000xf32, #tpu.memory_space<vmem>> -> memref<20x1000xf32, #tpu.memory_space<vmem>>
    %dma_wait3A_1592 = arith.constant 0 : i32
    %dma_wait3A_1593 = arith.constant 0 : i32
    %dma_wait3A_1594 = tpu.memref_slice %arg4[%add3A_1532, %dma_wait3A_1592, %dma_wait3A_1593] : memref<1024x20x1000xf32, #tpu.memory_space<hbm>> -> memref<1x20x1000xf32, #tpu.memory_space<hbm>>
    %dma_wait3A_1595 = tpu.memref_squeeze %dma_wait3A_1594 : memref<1x20x1000xf32, #tpu.memory_space<hbm>> -> memref<20x1000xf32, #tpu.memory_space<hbm>>
    %dma_wait3A_1596 = arith.constant 0 : i32
    %dma_wait3A_1597 = arith.constant 0 : i32
    %dma_wait3A_1598 = tpu.memref_slice %arg4[%add3A_1532, %dma_wait3A_1596, %dma_wait3A_1597] : memref<1024x20x1000xf32, #tpu.memory_space<hbm>> -> memref<1x20x1000xf32, #tpu.memory_space<hbm>>
    %dma_wait3A_1599 = tpu.memref_squeeze %dma_wait3A_1598 : memref<1x20x1000xf32, #tpu.memory_space<hbm>> -> memref<20x1000xf32, #tpu.memory_space<hbm>>
    %dma_wait3A_1600 = arith.constant 60 : i32
    %dma_wait3A_1601 = arith.constant 0 : i32
    %dma_wait3A_1602 = tpu.memref_slice %arg6[%dma_wait3A_1600, %dma_wait3A_1601] : memref<80x1000xf32, #tpu.memory_space<vmem>> -> memref<20x1000xf32, #tpu.memory_space<vmem>>
    tpu.wait_dma2 semaphore(%arg13 : memref<!tpu.dma_semaphore, #tpu.memory_space<semaphore_mem>>) src(%dma_wait3A_1602 : memref<20x1000xf32, #tpu.memory_space<vmem>>) dst(%dma_wait3A_1599 : memref<20x1000xf32, #tpu.memory_space<hbm>>)
    return
  }
}

</mosaic_0001>

<sc_bundles>
// kernel: kernel.3.cloned.1.call-start
scs
__scs_entry_jumppad:
0x0: {  	(pc) =	sbr.rel $0x88, $3  }
0x1: {  	(tag) =	ssettag $0x0;
	lr =	simm.s32 $0x1  }
0x2: {  	[smem:$0x3F9F] =	sst lr;
	_ =	strace $0xD0000000  }
0x3: {  	_ = 	snop  }
0x4: {  	_ = 	snop  }
0x5: {  	_ = 	snop  }
0x6: {  	_ = 	snop  }
0x7: {  	_ = 	snop  }
__scs_overlays_trampoline_lowered:
0x8: {  	[smem:$0x3FAE] =	sst s0  }
0x9: {  	[smem:$0x3FAF] =	sst s1  }
0xa: {  	[smem:$0x3FB0] =	sst s2  }
0xb: {  	[smem:$0x3FB1] =	sst s3  }
0xc: {  	[smem:$0x3FB2] =	sst s4  }
0xd: {  	[smem:$0x3FB3] =	sst s5  }
0xe: {  	[smem:$0x3FB4] =	sst s6  }
0xf: {  	[smem:$0x3FB5] =	sst s7  }
0x10: {  	[smem:$0x3FB6] =	sst s8  }
0x11: {  	[smem:$0x3FB7] =	sst s9;
	s0 =	simm.s32 @!p0 $0x0  }
0x12: {  	s1 =	sld [smem:$0x3F9D];
	s0 =	simm.s32 @p0 $0x1  }
0x13: {  	[smem:$0x3FB8] =	sst s0;
	s0 =	simm.s32 @!p1 $0x0  }
0x14: {  	s2 =	sld [smem:$0x3F9C];
	s0 =	simm.s32 @p1 $0x1  }
0x15: {  	[smem:$0x3FB9] =	sst s0;
	s0 =	simm.s32 @!p2 $0x0  }
0x16: {  	s3 =	sld [smem:$0x3FDB];
	s0 =	simm.s32 @p2 $0x1  }
0x17: {  	s4 =	simm.s32 $0x1BF5;
	[smem:$0x3FBB] =	sst s0  }
0x18: {  	s0 =	sld [smem:$0x3F9E];
	_ =	swait.ge [sflag:s4], $0x0  }
0x19: {  	s7 =	sld [smem:$0x3F9F]  }
0x1a: {  	s8 =	sadd.s32 $0xFFFFE003, lr  }
0x1b: {  	s9 =	sadd.s32 $0xFFFFFEF7, lr;
	s5 =	simm.s32 $0xFFFFFFFF;
	p2 =	slt.u32 s8, $0xFFFFF086  }
0x1c: {  	p1 =	slt.u32 s9, $0xF7A;
	s5 =	simm.s32 @!p2 $0x0  }
0x1d: {  	s5 =	simm.s32 @p1 $0x1;
	p0 =	seq.s32 s7, s2  }
0x1e: {  	s7 =	smul.u32 @!p0 $0xF7A, s2;
	p2 =	seq.s32 @!p0 s5, $0x0  }
0x1f: {  	s9 =	smul.u32 $0xF7A, s1;
	s8 =	simm.s32 @!p0 $0x1BF5;
	p2 =	por !p2, p0  }
0x20: {  	[sflag:s8] =	ssyncset.s32 @!p0 $0xFFFFF086;
	s6 =	sadd.s32 @!p0 s3, s7;
	s7 =	simm.s32 @!p0 $0x108  }
0x21: {  	s3 =	sadd.s32 s3, s9;
	s6 =	sadd.s32 @!p0 $0x88, s6;
	s7 =	simm.s32 @p2 $0x1082  }
0x22: {  	[simem:s7], [sflag:s8] =	dma.local @!p0 [hbm:s6], $0xF7A  }
0x23: {  	s9 =	sor.u32 $0xD0000000, s2;
	s6 =	simm.s32 $0x108;
	_ =	swait.ge @!p0 [sflag:s8], $0x0  }
0x24: {  	s3 =	sadd.s32 $0x88, s3;
	s6 =	simm.s32 @!p1 $0x1082;
	[sflag:s4] =	ssyncset.s32 $0xFFFFF086  }
0x25: {  	[simem:s6], [sflag:s4] =	dma.local [hbm:s3], $0xF7A  }
0x26: {  	[smem:$0x3F9F] =	sst s1;
	(tag) =	ssettag s2;
	_ =	strace s9  }
0x27: {  	s1 =	sld [smem:$0x3FAF]  }
0x28: {  	s2 =	sld [smem:$0x3FB0]  }
0x29: {  	s4 =	sld [smem:$0x3FB2]  }
0x2a: {  	p0 =	seq.s32 s5, $0x0;
	s5 =	sld [smem:$0x3FB3]  }
0x2b: {  	s6 =	sld [smem:$0x3FB4]  }
0x2c: {  	s7 =	sld [smem:$0x3FB5]  }
0x2d: {  	s3 =	simm.s32 $0x108;
	s8 =	sld [smem:$0x3FB6]  }
0x2e: {  	s3 =	simm.s32 @!p0 $0x1082;
	s9 =	sld [smem:$0x3FB7]  }
0x2f: {  	lr =	sadd.s32 s0, s3;
	s0 =	sld [smem:$0x3FAE]  }
0x30: {  	s3 =	sld [smem:$0x3FB1]  }
0x31: {  	[smem:$0x3FBA] =	sst s10  }
0x32: {  	s10 =	sld [smem:$0x3FB8];
	_ =	sdelay $0x3  }
0x33: {  	p0 =	seq.s32 s10, $0x1;
	s10 =	sld [smem:$0x3FBA];
	_ =	sdelay $0x3  }
0x34: {  	[smem:$0x3FBA] =	sst s10  }
0x35: {  	s10 =	sld [smem:$0x3FB9];
	_ =	sdelay $0x3  }
0x36: {  	p1 =	seq.s32 s10, $0x1;
	s10 =	sld [smem:$0x3FBA];
	_ =	sdelay $0x3  }
0x37: {  	[smem:$0x3FBA] =	sst s10  }
0x38: {  	s10 =	sld [smem:$0x3FBB]  }
0x39: {  	_ = 	snop;
	(pc) =	sbr.ind lr, $3  }
0x3a: {  	_ = 	snop  }
0x3b: {  	_ = 	snop  }
0x3c: {  	p2 =	seq.s32 s10, $0x1;
	s10 =	sld [smem:$0x3FBA]  }
0x3d: {  	_ =	shalt  }
0x3e: {  	_ =	shalt  }
0x3f: {  	_ =	shalt  }
0x40: {  	_ =	shalt  }
0x41: {  	_ =	shalt  }
0x42: {  	_ =	shalt  }
0x43: {  	_ =	shalt  }
0x44: {  	_ =	shalt  }
0x45: {  	_ =	shalt  }
0x46: {  	_ =	shalt  }
0x47: {  	_ =	shalt  }
0x48: {  	_ =	shalt  }
0x49: {  	_ =	shalt  }
0x4a: {  	_ =	shalt  }
0x4b: {  	_ =	shalt  }
0x4c: {  	_ =	shalt  }
0x4d: {  	_ =	shalt  }
0x4e: {  	_ =	shalt  }
0x4f: {  	_ =	shalt  }
0x50: {  	_ =	shalt  }
0x51: {  	_ =	shalt  }
0x52: {  	_ =	shalt  }
0x53: {  	_ =	shalt  }
0x54: {  	_ =	shalt  }
0x55: {  	_ =	shalt  }
0x56: {  	_ =	shalt  }
0x57: {  	_ =	shalt  }
0x58: {  	_ =	shalt  }
0x59: {  	_ =	shalt  }
0x5a: {  	_ =	shalt  }
0x5b: {  	_ =	shalt  }
0x5c: {  	_ =	shalt  }
0x5d: {  	_ =	shalt  }
0x5e: {  	_ =	shalt  }
0x5f: {  	_ =	shalt  }
0x60: {  	_ =	shalt  }
0x61: {  	_ =	shalt  }
0x62: {  	_ =	shalt  }
0x63: {  	_ =	shalt  }
0x64: {  	_ =	shalt  }
0x65: {  	_ =	shalt  }
0x66: {  	_ =	shalt  }
0x67: {  	_ =	shalt  }
0x68: {  	_ =	shalt  }
0x69: {  	_ =	shalt  }
0x6a: {  	_ =	shalt  }
0x6b: {  	_ =	shalt  }
0x6c: {  	_ =	shalt  }
0x6d: {  	_ =	shalt  }
0x6e: {  	_ =	shalt  }
0x6f: {  	_ =	shalt  }
0x70: {  	_ =	shalt  }
0x71: {  	_ =	shalt  }
0x72: {  	_ =	shalt  }
0x73: {  	_ =	shalt  }
0x74: {  	_ =	shalt  }
0x75: {  	_ =	shalt  }
0x76: {  	_ =	shalt  }
0x77: {  	_ =	shalt  }
0x78: {  	_ =	shalt  }
0x79: {  	_ =	shalt  }
0x7a: {  	_ =	shalt  }
0x7b: {  	_ =	shalt  }
0x7c: {  	_ =	shalt  }
0x7d: {  	_ =	shalt  }
0x7e: {  	_ =	shalt  }
0x7f: {  	_ =	shalt  }
0x80: {  	_ =	shalt  }
0x81: {  	_ =	shalt  }
0x82: {  	_ =	shalt  }
0x83: {  	_ =	shalt  }
0x84: {  	_ =	shalt  }
0x85: {  	_ =	shalt  }
0x86: {  	_ =	shalt  }
0x87: {  	_ =	shalt  }
.Lfunc_end0:
.L_simem_size_0:
called_computation.1_lowered:
.L_overlay_start_0:
0x88: {  	s2 =	sld [smem:$0x3FD9]  }
0x89: {  	s3 =	sld [smem:$0x3FFE];
	_ =	sdelay $0x1  }
0x8a: {  	s1 =	srdreg.scid  }
0x8b: {  	s0 =	sand.u32 $0x1, s1  }
0x8c: {  	s17 =	sshll.u32 s0, $0xA;
	s2 =	sadd.s32 s3, s2  }
0x8d: {  	s2 =	sadd.s32 s2, s17  }
0x8e: {  	[smem:$0x3FC6] =	sst s2  }
0x8f: {  	_ = 	snop  }
0x90: {  	s2 =	sld [smem:$0x3FD0];
	(tm) =	ssettm $0x1  }
0x91: {  	s18 =	sld [smem:$0x3FFB];
	_ =	sdelay $0x3  }
0x92: {  	_ =	strace s18  }
0x93: {  	s3 =	sld [smem:$0x3FFC];
	_ =	sdelay $0x3  }
0x94: {  	_ =	strace s3  }
0x95: {  	s3 =	sld [smem:$0x3FFD];
	_ =	sdelay $0x3  }
0x96: {  	_ =	strace s3  }
0x97: {  	_ =	strace $0x8FFFFFFF  }
0x98: {  	s19 =	sld [smem:$0x3FDB];
	_ =	sdelay $0x1  }
0x99: {  	s4 =	simm.s32 $_scs_section_size  }
0x9a: {  	s5 =	simm.s32 $_size__tile_overlayer_lowered;
	s6 =	simm.s32 $_tile_overlayer_lowered  }
0x9b: {  	s22 =	simm.s32 $0x1BFF;
	s21 =	sshll.u32 s6, $0x1;
	s3 =	sadd.s32 s4, s19  }
0x9c: {  	s7 =	simm.s32 $0x0;
	s20 =	sshll.u32 s5, $0x1;
	s5 =	sadd.s32 s21, s3  }
0x9d: {  	[timem:s7], [sflag:s22] =	dma.local [hbm:s5], s20  }
0x9e: {  	_ =	swait.ge [sflag:s22], s20  }
0x9f: {  	s4 =	ssub.s32 $0x0, s20;
	[sflag:s22] =	ssyncset.done $0x0  }
0xa0: {  	[sflag:s22] =	ssyncadd.s32 s4;
	_ =	sdelay $0x1  }
0xa1: {  	s23 =	simm.s32 $0x1B8B  }
0xa2: {  	_ =	swait.ge [sflag:s23], $0x1  }
0xa3: {  	[sflag:s23] =	ssyncset.done $0x0  }
0xa4: {  	s25 =	simm.s32 $0x1B8E;
	s24 =	sld [smem:$0x3FFE];
	[sflag:s23] =	ssyncadd.s32 $0xFFFFFFFF  }
0xa5: {  	s26 =	simm.s32 $execute0_lowered;
	[smem:$0x3FD2] =	sst s25  }
0xa6: {  	s5 =	sshll.u32 s26, $0x1;
	_ =	strace $0x80000046;
	[dreg:$0x1] =	wrdreg $0xFFFFFFFF  }
0xa7: {  	s28 =	simm.s32 $_size_execute0_lowered;
	s3 =	sadd.s32 s3, s5;
	[dreg:$0x0] =	wrdreg $0x0  }
0xa8: {  	s5 =	sshll.u32 s28, $0x1;
	[dreg:$0x2] =	wrdreg s3  }
0xa9: {  	[dreg:$0x3] =	wrdreg s5  }
0xaa: {  	[dreg:$0x4] =	wrdreg $0xC0  }
0xab: {  	_ =	task [dreg:s7], $0x5FFFF  }
0xac: {  	[dreg:$0x1] =	wrdreg $0xFFFFFFFF  }
0xad: {  	[dreg:$0x0] =	wrdreg $0x60  }
0xae: {  	[dreg:$0x2] =	wrdreg s24  }
0xaf: {  	[dreg:$0x3] =	wrdreg s2  }
0xb0: {  	[dreg:$0x4] =	wrdreg $0x9  }
0xb1: {  	_ =	task.clear_ibuf [dreg:s7], $0x5FFFF;
	_ =	strace $0x90000046  }
0xb2: {  	s29 =	simm.s32 $0x9;
	_ =	strace $0x80000048  }
0xb3: {  	_ =	swait.ge [sflag:s29], $0x1  }
0xb4: {  	[sflag:s29] =	ssyncadd.s32 $0xFFFFFFFF  }
0xb5: {  	_ =	strace $0x90000048  }
0xb6: {  	_ =	sfence  }
0xb7: {  	s30 =	sld [smem:$0x0];
	_ =	sdelay $0x2  }
0xb8: {  	s31 =	sshll.u32 s1, $0xD;
	s1 =	sshrl.u32 s1, $0x2  }
0xb9: {  	s3 =	sand.u32 $0x4000, s31;
	s1 =	sadd.s32 s1, s30  }
0xba: {  	s0 =	sor.u32 s3, s0;
	s1 =	sshll.u32 s1, $0x11  }
0xbb: {  	s0 =	sor.u32 s1, s0  }
0xbc: {  	s0 =	sadd.s32 $0x8F2B, s0  }
0xbd: {  	[sflag:s0] =	ssyncadd.remote.s32 $0x1  }
0xbe: {  	_ =	sfence.sel $0xFFFF  }
0xbf: {  	[dreg:$0x0] =	wrdreg $0xFFFFFFFF;
	(pc) =	sbr.abs _section_cstart, $3  }
0xc0: {  	[dreg:$0x1] =	wrdreg $0xFFFFFFFF  }
0xc1: {  	_ =	task.clear_ibuf [dreg:s7], $0x2FFFF;
	_ =	strace $0x9FFFFFFF  }
0xc2: {  	(tm) =	ssettm $0x7FFFFFFF  }
0xc3: {  	_ =	shalt  }
tec
execute0_lowered:
.L_overlay_start_1:
0x0: {  	(tag) =	ssettag $0x1  }
0x1: {  	s0 =	srdreg.scid;
	s20 =	stileid.u32  }
0x2: {  	s1 =	sand.u32 $0x1, s0;
	s5 =	sshll.u32 s20, $0x1  }
0x3: {  	s0 =	sor.u32 s1, s5  }
0x4: {  	s5 =	smul.u32 $0x50, s0  }
0x5: {  	s3 =	rddreg [dreg:$0x0];
	s2 =	simm.s32 $0x0;
	s6 =	smul.u32 $0x9C400, s0  }
0x6: {  	[smem:$0x7FF] =	sst s2;
	s0 =	smul.u32 $0x13880, s0  }
0x7: {  	s4 =	rddreg [dreg:$0x1];
	_ =	strace $0x80000047  }
0x8: {  	s5 =	sadd.s32 s5, s3;
	s6 =	sshrl.u32 s6, $0x3;
	s0 =	sadd.s32 s4, s0  }
0x9: {  	s5 =	sadd.s32 $0x800, s5;
	s4 =	sadd.s32 s4, s6;
	[dreg:$0x4] =	wrdreg s0  }
0xa: {  	[dreg:$0x3] =	wrdreg s5;
	s6 =	sadd.s32 $0x9C4, s4  }
0xb: {  	s7 =	sadd.s32 $0x1388, s4;
	[dreg:$0x5] =	wrdreg s6  }
0xc: {  	s8 =	sadd.s32 $0x1D4C, s4;
	[dreg:$0x6] =	wrdreg s7  }
0xd: {  	s9 =	sadd.s32 $0x2710, s4;
	[dreg:$0x7] =	wrdreg s8  }
0xe: {  	s10 =	sadd.s32 $0x30D4, s4;
	[dreg:$0x8] =	wrdreg s9  }
0xf: {  	s11 =	sadd.s32 $0x3A98, s4;
	[dreg:$0x9] =	wrdreg s10  }
0x10: {  	s12 =	sadd.s32 $0x445C, s4;
	[dreg:$0xa] =	wrdreg s11  }
0x11: {  	s13 =	sadd.s32 $0x4E20, s4;
	[dreg:$0xb] =	wrdreg s12  }
0x12: {  	s14 =	sadd.s32 $0x57E4, s4;
	[dreg:$0xc] =	wrdreg s13  }
0x13: {  	s15 =	sadd.s32 $0x61A8, s4;
	[dreg:$0xd] =	wrdreg s14  }
0x14: {  	s16 =	sadd.s32 $0x6B6C, s4;
	[dreg:$0xe] =	wrdreg s15  }
0x15: {  	s17 =	sadd.s32 $0x7530, s4;
	[dreg:$0xf] =	wrdreg s16  }
0x16: {  	s18 =	sadd.s32 $0x7EF4, s4;
	[dreg:$0x10] =	wrdreg s17  }
0x17: {  	s19 =	sadd.s32 $0x88B8, s4;
	[dreg:$0x11] =	wrdreg s18  }
0x18: {  	s21 =	sadd.s32 $0x927C, s4;
	[dreg:$0x12] =	wrdreg s19  }
0x19: {  	s22 =	sadd.s32 $0x9C40, s4;
	[dreg:$0x13] =	wrdreg s21  }
0x1a: {  	s23 =	sadd.s32 $0xA604, s4;
	[dreg:$0x14] =	wrdreg s22  }
0x1b: {  	s24 =	sadd.s32 $0xAFC8, s4;
	[dreg:$0x15] =	wrdreg s23  }
0x1c: {  	s25 =	sadd.s32 $0xB98C, s4;
	[dreg:$0x16] =	wrdreg s24  }
0x1d: {  	s26 =	sadd.s32 $0xC350, s4;
	[dreg:$0x17] =	wrdreg s25  }
0x1e: {  	s5 =	sadd.s32 $0xCD14, s4;
	[dreg:$0x18] =	wrdreg s26  }
0x1f: {  	[dreg:$0x19] =	wrdreg s5  }
0x20: {  	s6 =	sadd.s32 $0xD6D8, s4;
	s0 =	rddreg [dreg:$0x3]  }
0x21: {  	s7 =	sadd.s32 $0xE09C, s4;
	[dreg:$0x1a] =	wrdreg s6  }
0x22: {  	s8 =	sadd.s32 $0xEA60, s4;
	[dreg:$0x1b] =	wrdreg s7  }
0x23: {  	s9 =	sadd.s32 $0xF424, s4;
	[dreg:$0x1c] =	wrdreg s8  }
0x24: {  	s10 =	sadd.s32 $0xFDE8, s4;
	[dreg:$0x1d] =	wrdreg s9  }
0x25: {  	s11 =	sadd.s32 $0x107AC, s4;
	[dreg:$0x1e] =	wrdreg s10  }
0x26: {  	s12 =	sadd.s32 $0x11170, s4;
	[dreg:$0x1f] =	wrdreg s11  }
0x27: {  	s13 =	sadd.s32 $0x11B34, s4;
	[smem:$0x7DE] =	sst s12  }
0x28: {  	s14 =	sadd.s32 $0x124F8, s4;
	[smem:$0x7DF] =	sst s13  }
0x29: {  	s15 =	sadd.s32 $0x12EBC, s4;
	[smem:$0x7E0] =	sst s14  }
0x2a: {  	s16 =	simm.s32 $0x20;
	[smem:$0x7E1] =	sst s15  }
0x2b: {  	s17 =	simm.s32 $0x30;
	[smem:$0x7E2] =	sst s16  }
0x2c: {  	s18 =	simm.s32 $0x40;
	[smem:$0x7E3] =	sst s17  }
0x2d: {  	s19 =	simm.s32 $0x50;
	[smem:$0x7E4] =	sst s18  }
0x2e: {  	s31 =	simm.s32 $0x8;
	s21 =	simm.s32 $0x60;
	[smem:$0x7E5] =	sst s19  }
0x2f: {  	s30 =	simm.s32 $0x1F0;
	s22 =	simm.s32 $0x70;
	[smem:$0x7E6] =	sst s21  }
0x30: {  	s29 =	simm.s32 $0x200;
	s23 =	simm.s32 $0x80;
	[smem:$0x7E7] =	sst s22  }
0x31: {  	p0 =	por $0x0, $0x0;
	s24 =	simm.s32 $0x90;
	[smem:$0x7E8] =	sst s23  }
0x32: {  	s28 =	simm.s32 $0x220;
	s26 =	simm.s32 $0xA0;
	[smem:$0x7E9] =	sst s24  }
0x33: {  	s1 =	ssub.s32 $0x2, s1;
	s4 =	simm.s32 $0xB0;
	[smem:$0x7EA] =	sst s26  }
0x34: {  	s25 =	sshrl.u32 s1, $0x1;
	s5 =	simm.s32 $0xC0;
	[smem:$0x7EB] =	sst s4  }
0x35: {  	s3 =	sadd.s32 $0x1200, s3;
	s1 =	ssub.s32 s1, s25;
	[smem:$0x7EC] =	sst s5  }
0x36: {  	s6 =	simm.s32 $0xD0;
	s7 =	simm.s32 $0x10;
	s8 =	simm.s32 $0xE0  }
0x37: {  	s5 =	simm.s32 $0x280;
	s9 =	simm.s32 $0xF0;
	[smem:$0x7ED] =	sst s6  }
0x38: {  	s19 =	simm.s32 $0x4100;
	s10 =	simm.s32 $0x100;
	[smem:$0x7EE] =	sst s8  }
0x39: {  	s14 =	simm.s32 $0x7F80;
	s11 =	simm.s32 $0x110;
	[smem:$0x7EF] =	sst s9  }
0x3a: {  	s12 =	simm.s32 $0x120;
	s13 =	simm.s32 $0x130;
	[smem:$0x7F0] =	sst s10  }
0x3b: {  	s15 =	simm.s32 $0x140;
	s16 =	simm.s32 $0x150;
	[smem:$0x7F1] =	sst s11  }
0x3c: {  	s4 =	simm.s32 $0x6;
	s17 =	simm.s32 $0x160;
	[smem:$0x7F2] =	sst s12  }
0x3d: {  	s18 =	simm.s32 $0x170;
	s21 =	simm.s32 $0x180;
	[smem:$0x7F3] =	sst s13  }
0x3e: {  	s22 =	simm.s32 $0x190;
	s23 =	simm.s32 $0x1A0;
	[smem:$0x7F4] =	sst s15  }
0x3f: {  	s24 =	simm.s32 $0x1B0;
	s25 =	simm.s32 $0x1C0;
	[smem:$0x7F5] =	sst s16  }
0x40: {  	s26 =	simm.s32 $0x1D0;
	s1 =	smax.u32 s1, $0x1;
	[smem:$0x7F6] =	sst s17  }
0x41: {  	s8 =	simm.s32 $0xBE00;
	s10 =	simm.s32 $0xFC80;
	[smem:$0x7F7] =	sst s18  }
0x42: {  	s11 =	simm.s32 $0x1;
	s9 =	simm.s32 $0x2;
	[smem:$0x7F8] =	sst s21  }
0x43: {  	s12 =	simm.s32 $0x3;
	s13 =	simm.s32 $0x50A0;
	[smem:$0x7F9] =	sst s22  }
0x44: {  	s6 =	simm.s32 $0x7;
	[smem:$0x7FA] =	sst s23;
	p1 =	sne.s32 s1, $0x1  }
.Ltmp0:
0x45: {  	s15 =	simm.s32 $0x4;
	[smem:$0x7FB] =	sst s24;
	(pc) =	sbr.rel @!p1 .LBB2_1-.Ltmp0, $4  }
0x46: {  	s17 =	simm.s32 $0x9EC0;
	s16 =	simm.s32 $0x5;
	[smem:$0x7FC] =	sst s25  }
0x47: {  	s18 =	simm.s32 $0xECE0;
	[smem:$0x7FD] =	sst s26;
	s26 =	simm.s32 $0x1E0  }
0x48: {  	s25 =	simm.s32 $0x230;
	s24 =	simm.s32 $0x240;
	s23 =	simm.s32 $0x250  }
0x49: {  	s21 =	simm.s32 $0x260;
	s22 =	simm.s32 $0x270;
	s1 =	sadd.s32 $0xFFFFFFFF, s1  }
0x4a: {  	[tilespmem:s2], [sflag:$0x8] =	stream.linear.gather [hbm4b:s0+s2], $0x280, $0x38;
	[tilespmem:$0x13B00] =	vst v63  }
0x4b: {  	_ =	swait.ge [sflag:s31], $0x280  }
0x4c: {  	[sflag:s31] =	ssyncset.done $0x0  }
0x4d: {  	[sflag:s31] =	ssyncadd.s32 $0xFFFFFD80  }
0x4e: {  	[tilespmem:s5], [sflag:$0x1] =	stream.indirect.gather [hbm4b:s3+s7], $0x3E8, s2, s7, $0xb8;
	[tilespmem:$0x13B00] =	vst v63  }
0x4f: {  	s0 =	sld [smem:$0x7E2]  }
0x50: {  	[tilespmem:s19], [sflag:$0x2] =	stream.indirect.gather [hbm4b:s3+s7], $0x3E8, s7, s7, $0xb8;
	[tilespmem:$0x13B00] =	vst v63  }
0x51: {  	s20 =	smov.u32 s1;
	s1 =	sld [smem:$0x7E3]  }
0x52: {  	[tilespmem:s14], [sflag:$0x3] =	stream.indirect.gather [hbm4b:s3+s7], $0x3E8, s0, s7, $0xb8;
	[tilespmem:$0x13B00] =	vst v63  }
0x53: {  	s0 =	sld [smem:$0x7E4]  }
0x54: {  	[tilespmem:s8], [sflag:$0x4] =	stream.indirect.gather [hbm4b:s3+s7], $0x3E8, s1, s7, $0xb8;
	[tilespmem:$0x13B00] =	vst v63  }
0x55: {  	_ = 	snop  }
0x56: {  	[tilespmem:s10], [sflag:$0x5] =	stream.indirect.gather [hbm4b:s3+s7], $0x3E8, s0, s7, $0xb8;
	[tilespmem:$0x13B00] =	vst v63  }
0x57: {  	_ =	swait.ge [sflag:s11], $0x3E80  }
0x58: {  	[sflag:s11] =	ssyncset.done $0x0  }
0x59: {  	[sflag:s11] =	ssyncadd.s32 $0xFFFFC180  }
0x5a: {  	_ =	swait.ge [sflag:s9], $0x3E80  }
0x5b: {  	[sflag:s9] =	ssyncset.done $0x0  }
0x5c: {  	s1 =	rddreg [dreg:$0x4];
	[sflag:s9] =	ssyncadd.s32 $0xFFFFC180  }
0x5d: {  	[hbm4b:s1+s2] =	stream.linear.scatter [tilespmem:s5], [sflag:$0x6], $0x4E20, $0x38;
	[tilespmem:$0x13B00] =	vst v63  }
0x5e: {  	_ =	swait.ge [sflag:s4], $0x4E20  }
0x5f: {  	s1 =	sld [smem:$0x7E5]  }
0x60: {  	[sflag:s4] =	ssyncset.done $0x0  }
0x61: {  	[sflag:s4] =	ssyncadd.s32 $0xFFFFB1E0  }
0x62: {  	[tilespmem:s5], [sflag:$0x1] =	stream.indirect.gather [hbm4b:s3+s7], $0x3E8, s1, s7, $0xb8;
	[tilespmem:$0x13B00] =	vst v63  }
0x63: {  	_ =	swait.ge [sflag:s12], $0x3E80  }
0x64: {  	[sflag:s12] =	ssyncset.done $0x0  }
0x65: {  	s1 =	rddreg [dreg:$0x5];
	[sflag:s12] =	ssyncadd.s32 $0xFFFFC180  }
0x66: {  	[hbm4b:s1+s2] =	stream.linear.scatter [tilespmem:s13], [sflag:$0x7], $0x4E20, $0x38;
	[tilespmem:$0x13B00] =	vst v63  }
0x67: {  	_ =	swait.ge [sflag:s6], $0x4E20  }
0x68: {  	s1 =	sld [smem:$0x7E6]  }
0x69: {  	[sflag:s6] =	ssyncset.done $0x0  }
0x6a: {  	[sflag:s6] =	ssyncadd.s32 $0xFFFFB1E0  }
0x6b: {  	[tilespmem:s19], [sflag:$0x2] =	stream.indirect.gather [hbm4b:s3+s7], $0x3E8, s1, s7, $0xb8;
	[tilespmem:$0x13B00] =	vst v63  }
0x6c: {  	_ =	swait.ge [sflag:s15], $0x3E80  }
0x6d: {  	[sflag:s15] =	ssyncset.done $0x0  }
0x6e: {  	s1 =	rddreg [dreg:$0x6];
	[sflag:s15] =	ssyncadd.s32 $0xFFFFC180  }
0x6f: {  	[hbm4b:s1+s2] =	stream.linear.scatter [tilespmem:s17], [sflag:$0x6], $0x4E20, $0x38;
	[tilespmem:$0x13B00] =	vst v63  }
0x70: {  	_ =	swait.ge [sflag:s4], $0x4E20  }
0x71: {  	s1 =	sld [smem:$0x7E7]  }
0x72: {  	[sflag:s4] =	ssyncset.done $0x0  }
0x73: {  	[sflag:s4] =	ssyncadd.s32 $0xFFFFB1E0  }
0x74: {  	[tilespmem:s14], [sflag:$0x3] =	stream.indirect.gather [hbm4b:s3+s7], $0x3E8, s1, s7, $0xb8;
	[tilespmem:$0x13B00] =	vst v63  }
0x75: {  	_ =	swait.ge [sflag:s16], $0x3E80  }
0x76: {  	[sflag:s16] =	ssyncset.done $0x0  }
0x77: {  	s1 =	rddreg [dreg:$0x7];
	[sflag:s16] =	ssyncadd.s32 $0xFFFFC180  }
0x78: {  	[hbm4b:s1+s2] =	stream.linear.scatter [tilespmem:s18], [sflag:$0x7], $0x4E20, $0x38;
	[tilespmem:$0x13B00] =	vst v63  }
0x79: {  	_ =	swait.ge [sflag:s6], $0x4E20  }
0x7a: {  	s0 =	sld [smem:$0x7E8]  }
0x7b: {  	[sflag:s6] =	ssyncset.done $0x0  }
0x7c: {  	s1 =	sld [smem:$0x7E9];
	[sflag:s6] =	ssyncadd.s32 $0xFFFFB1E0  }
0x7d: {  	[tilespmem:s8], [sflag:$0x4] =	stream.indirect.gather [hbm4b:s3+s7], $0x3E8, s0, s7, $0xb8;
	[tilespmem:$0x13B00] =	vst v63  }
0x7e: {  	_ = 	snop  }
0x7f: {  	[tilespmem:s10], [sflag:$0x5] =	stream.indirect.gather [hbm4b:s3+s7], $0x3E8, s1, s7, $0xb8;
	[tilespmem:$0x13B00] =	vst v63  }
0x80: {  	_ =	swait.ge [sflag:s11], $0x3E80  }
0x81: {  	[sflag:s11] =	ssyncset.done $0x0  }
0x82: {  	[sflag:s11] =	ssyncadd.s32 $0xFFFFC180  }
0x83: {  	_ =	swait.ge [sflag:s9], $0x3E80  }
0x84: {  	[sflag:s9] =	ssyncset.done $0x0  }
0x85: {  	s1 =	rddreg [dreg:$0x8];
	[sflag:s9] =	ssyncadd.s32 $0xFFFFC180  }
0x86: {  	[hbm4b:s1+s2] =	stream.linear.scatter [tilespmem:s5], [sflag:$0x6], $0x4E20, $0x38;
	[tilespmem:$0x13B00] =	vst v63  }
0x87: {  	_ =	swait.ge [sflag:s4], $0x4E20  }
0x88: {  	s1 =	sld [smem:$0x7EA]  }
0x89: {  	[sflag:s4] =	ssyncset.done $0x0  }
0x8a: {  	[sflag:s4] =	ssyncadd.s32 $0xFFFFB1E0  }
0x8b: {  	[tilespmem:s5], [sflag:$0x1] =	stream.indirect.gather [hbm4b:s3+s7], $0x3E8, s1, s7, $0xb8;
	[tilespmem:$0x13B00] =	vst v63  }
0x8c: {  	_ =	swait.ge [sflag:s12], $0x3E80  }
0x8d: {  	[sflag:s12] =	ssyncset.done $0x0  }
0x8e: {  	s1 =	rddreg [dreg:$0x9];
	[sflag:s12] =	ssyncadd.s32 $0xFFFFC180  }
0x8f: {  	[hbm4b:s1+s2] =	stream.linear.scatter [tilespmem:s13], [sflag:$0x7], $0x4E20, $0x38;
	[tilespmem:$0x13B00] =	vst v63  }
0x90: {  	_ =	swait.ge [sflag:s6], $0x4E20  }
0x91: {  	s1 =	sld [smem:$0x7EB]  }
0x92: {  	[sflag:s6] =	ssyncset.done $0x0  }
0x93: {  	[sflag:s6] =	ssyncadd.s32 $0xFFFFB1E0  }
0x94: {  	[tilespmem:s19], [sflag:$0x2] =	stream.indirect.gather [hbm4b:s3+s7], $0x3E8, s1, s7, $0xb8;
	[tilespmem:$0x13B00] =	vst v63  }
0x95: {  	_ =	swait.ge [sflag:s15], $0x3E80  }
0x96: {  	[sflag:s15] =	ssyncset.done $0x0  }
0x97: {  	s1 =	rddreg [dreg:$0xa];
	[sflag:s15] =	ssyncadd.s32 $0xFFFFC180  }
0x98: {  	[hbm4b:s1+s2] =	stream.linear.scatter [tilespmem:s17], [sflag:$0x6], $0x4E20, $0x38;
	[tilespmem:$0x13B00] =	vst v63  }
0x99: {  	_ =	swait.ge [sflag:s4], $0x4E20  }
0x9a: {  	s1 =	sld [smem:$0x7EC]  }
0x9b: {  	[sflag:s4] =	ssyncset.done $0x0  }
0x9c: {  	[sflag:s4] =	ssyncadd.s32 $0xFFFFB1E0  }
0x9d: {  	[tilespmem:s14], [sflag:$0x3] =	stream.indirect.gather [hbm4b:s3+s7], $0x3E8, s1, s7, $0xb8;
	[tilespmem:$0x13B00] =	vst v63  }
0x9e: {  	_ =	swait.ge [sflag:s16], $0x3E80  }
0x9f: {  	[sflag:s16] =	ssyncset.done $0x0  }
0xa0: {  	s1 =	rddreg [dreg:$0xb];
	[sflag:s16] =	ssyncadd.s32 $0xFFFFC180  }
0xa1: {  	[hbm4b:s1+s2] =	stream.linear.scatter [tilespmem:s18], [sflag:$0x7], $0x4E20, $0x38;
	[tilespmem:$0x13B00] =	vst v63  }
0xa2: {  	_ =	swait.ge [sflag:s6], $0x4E20  }
0xa3: {  	s0 =	sld [smem:$0x7ED]  }
0xa4: {  	[sflag:s6] =	ssyncset.done $0x0  }
0xa5: {  	s1 =	sld [smem:$0x7EE];
	[sflag:s6] =	ssyncadd.s32 $0xFFFFB1E0  }
0xa6: {  	[tilespmem:s8], [sflag:$0x4] =	stream.indirect.gather [hbm4b:s3+s7], $0x3E8, s0, s7, $0xb8;
	[tilespmem:$0x13B00] =	vst v63  }
0xa7: {  	_ = 	snop  }
0xa8: {  	[tilespmem:s10], [sflag:$0x5] =	stream.indirect.gather [hbm4b:s3+s7], $0x3E8, s1, s7, $0xb8;
	[tilespmem:$0x13B00] =	vst v63  }
0xa9: {  	_ =	swait.ge [sflag:s11], $0x3E80  }
0xaa: {  	[sflag:s11] =	ssyncset.done $0x0  }
0xab: {  	[sflag:s11] =	ssyncadd.s32 $0xFFFFC180  }
0xac: {  	_ =	swait.ge [sflag:s9], $0x3E80  }
0xad: {  	[sflag:s9] =	ssyncset.done $0x0  }
0xae: {  	s1 =	rddreg [dreg:$0xc];
	[sflag:s9] =	ssyncadd.s32 $0xFFFFC180  }
0xaf: {  	[hbm4b:s1+s2] =	stream.linear.scatter [tilespmem:s5], [sflag:$0x6], $0x4E20, $0x38;
	[tilespmem:$0x13B00] =	vst v63  }
0xb0: {  	_ =	swait.ge [sflag:s4], $0x4E20  }
0xb1: {  	s1 =	sld [smem:$0x7EF]  }
0xb2: {  	[sflag:s4] =	ssyncset.done $0x0  }
0xb3: {  	[sflag:s4] =	ssyncadd.s32 $0xFFFFB1E0  }
0xb4: {  	[tilespmem:s5], [sflag:$0x1] =	stream.indirect.gather [hbm4b:s3+s7], $0x3E8, s1, s7, $0xb8;
	[tilespmem:$0x13B00] =	vst v63  }
0xb5: {  	_ =	swait.ge [sflag:s12], $0x3E80  }
0xb6: {  	[sflag:s12] =	ssyncset.done $0x0  }
0xb7: {  	s1 =	rddreg [dreg:$0xd];
	[sflag:s12] =	ssyncadd.s32 $0xFFFFC180  }
0xb8: {  	[hbm4b:s1+s2] =	stream.linear.scatter [tilespmem:s13], [sflag:$0x7], $0x4E20, $0x38;
	[tilespmem:$0x13B00] =	vst v63  }
0xb9: {  	_ =	swait.ge [sflag:s6], $0x4E20  }
0xba: {  	s1 =	sld [smem:$0x7F0]  }
0xbb: {  	[sflag:s6] =	ssyncset.done $0x0  }
0xbc: {  	[sflag:s6] =	ssyncadd.s32 $0xFFFFB1E0  }
0xbd: {  	[tilespmem:s19], [sflag:$0x2] =	stream.indirect.gather [hbm4b:s3+s7], $0x3E8, s1, s7, $0xb8;
	[tilespmem:$0x13B00] =	vst v63  }
0xbe: {  	_ =	swait.ge [sflag:s15], $0x3E80  }
0xbf: {  	[sflag:s15] =	ssyncset.done $0x0  }
0xc0: {  	s1 =	rddreg [dreg:$0xe];
	[sflag:s15] =	ssyncadd.s32 $0xFFFFC180  }
0xc1: {  	[hbm4b:s1+s2] =	stream.linear.scatter [tilespmem:s17], [sflag:$0x6], $0x4E20, $0x38;
	[tilespmem:$0x13B00] =	vst v63  }
0xc2: {  	_ =	swait.ge [sflag:s4], $0x4E20  }
0xc3: {  	s1 =	sld [smem:$0x7F1]  }
0xc4: {  	[sflag:s4] =	ssyncset.done $0x0  }
0xc5: {  	[sflag:s4] =	ssyncadd.s32 $0xFFFFB1E0  }
0xc6: {  	[tilespmem:s14], [sflag:$0x3] =	stream.indirect.gather [hbm4b:s3+s7], $0x3E8, s1, s7, $0xb8;
	[tilespmem:$0x13B00] =	vst v63  }
0xc7: {  	_ =	swait.ge [sflag:s16], $0x3E80  }
0xc8: {  	[sflag:s16] =	ssyncset.done $0x0  }
0xc9: {  	s1 =	rddreg [dreg:$0xf];
	[sflag:s16] =	ssyncadd.s32 $0xFFFFC180  }
0xca: {  	[hbm4b:s1+s2] =	stream.linear.scatter [tilespmem:s18], [sflag:$0x7], $0x4E20, $0x38;
	[tilespmem:$0x13B00] =	vst v63  }
0xcb: {  	_ =	swait.ge [sflag:s6], $0x4E20  }
0xcc: {  	s0 =	sld [smem:$0x7F2]  }
0xcd: {  	[sflag:s6] =	ssyncset.done $0x0  }
0xce: {  	s1 =	sld [smem:$0x7F3];
	[sflag:s6] =	ssyncadd.s32 $0xFFFFB1E0  }
0xcf: {  	[tilespmem:s8], [sflag:$0x4] =	stream.indirect.gather [hbm4b:s3+s7], $0x3E8, s0, s7, $0xb8;
	[tilespmem:$0x13B00] =	vst v63  }
0xd0: {  	_ = 	snop  }
0xd1: {  	[tilespmem:s10], [sflag:$0x5] =	stream.indirect.gather [hbm4b:s3+s7], $0x3E8, s1, s7, $0xb8;
	[tilespmem:$0x13B00] =	vst v63  }
0xd2: {  	_ =	swait.ge [sflag:s11], $0x3E80  }
0xd3: {  	[sflag:s11] =	ssyncset.done $0x0  }
0xd4: {  	[sflag:s11] =	ssyncadd.s32 $0xFFFFC180  }
0xd5: {  	_ =	swait.ge [sflag:s9], $0x3E80  }
0xd6: {  	[sflag:s9] =	ssyncset.done $0x0  }
0xd7: {  	s1 =	rddreg [dreg:$0x10];
	[sflag:s9] =	ssyncadd.s32 $0xFFFFC180  }
0xd8: {  	[hbm4b:s1+s2] =	stream.linear.scatter [tilespmem:s5], [sflag:$0x6], $0x4E20, $0x38;
	[tilespmem:$0x13B00] =	vst v63  }
0xd9: {  	_ =	swait.ge [sflag:s4], $0x4E20  }
0xda: {  	s1 =	sld [smem:$0x7F4]  }
0xdb: {  	[sflag:s4] =	ssyncset.done $0x0  }
0xdc: {  	[sflag:s4] =	ssyncadd.s32 $0xFFFFB1E0  }
0xdd: {  	[tilespmem:s5], [sflag:$0x1] =	stream.indirect.gather [hbm4b:s3+s7], $0x3E8, s1, s7, $0xb8;
	[tilespmem:$0x13B00] =	vst v63  }
0xde: {  	_ =	swait.ge [sflag:s12], $0x3E80  }
0xdf: {  	[sflag:s12] =	ssyncset.done $0x0  }
0xe0: {  	s1 =	rddreg [dreg:$0x11];
	[sflag:s12] =	ssyncadd.s32 $0xFFFFC180  }
0xe1: {  	[hbm4b:s1+s2] =	stream.linear.scatter [tilespmem:s13], [sflag:$0x7], $0x4E20, $0x38;
	[tilespmem:$0x13B00] =	vst v63  }
0xe2: {  	_ =	swait.ge [sflag:s6], $0x4E20  }
0xe3: {  	s1 =	sld [smem:$0x7F5]  }
0xe4: {  	[sflag:s6] =	ssyncset.done $0x0  }
0xe5: {  	[sflag:s6] =	ssyncadd.s32 $0xFFFFB1E0  }
0xe6: {  	[tilespmem:s19], [sflag:$0x2] =	stream.indirect.gather [hbm4b:s3+s7], $0x3E8, s1, s7, $0xb8;
	[tilespmem:$0x13B00] =	vst v63  }
0xe7: {  	_ =	swait.ge [sflag:s15], $0x3E80  }
0xe8: {  	[sflag:s15] =	ssyncset.done $0x0  }
0xe9: {  	s1 =	rddreg [dreg:$0x12];
	[sflag:s15] =	ssyncadd.s32 $0xFFFFC180  }
0xea: {  	[hbm4b:s1+s2] =	stream.linear.scatter [tilespmem:s17], [sflag:$0x6], $0x4E20, $0x38;
	[tilespmem:$0x13B00] =	vst v63  }
0xeb: {  	_ =	swait.ge [sflag:s4], $0x4E20  }
0xec: {  	s1 =	sld [smem:$0x7F6]  }
0xed: {  	[sflag:s4] =	ssyncset.done $0x0  }
0xee: {  	[sflag:s4] =	ssyncadd.s32 $0xFFFFB1E0  }
0xef: {  	[tilespmem:s14], [sflag:$0x3] =	stream.indirect.gather [hbm4b:s3+s7], $0x3E8, s1, s7, $0xb8;
	[tilespmem:$0x13B00] =	vst v63  }
0xf0: {  	_ =	swait.ge [sflag:s16], $0x3E80  }
0xf1: {  	[sflag:s16] =	ssyncset.done $0x0  }
0xf2: {  	s1 =	rddreg [dreg:$0x13];
	[sflag:s16] =	ssyncadd.s32 $0xFFFFC180  }
0xf3: {  	[hbm4b:s1+s2] =	stream.linear.scatter [tilespmem:s18], [sflag:$0x7], $0x4E20, $0x38;
	[tilespmem:$0x13B00] =	vst v63  }
0xf4: {  	_ =	swait.ge [sflag:s6], $0x4E20  }
0xf5: {  	s0 =	sld [smem:$0x7F7]  }
0xf6: {  	[sflag:s6] =	ssyncset.done $0x0  }
0xf7: {  	s1 =	sld [smem:$0x7F8];
	[sflag:s6] =	ssyncadd.s32 $0xFFFFB1E0  }
0xf8: {  	[tilespmem:s8], [sflag:$0x4] =	stream.indirect.gather [hbm4b:s3+s7], $0x3E8, s0, s7, $0xb8;
	[tilespmem:$0x13B00] =	vst v63  }
0xf9: {  	_ = 	snop  }
0xfa: {  	[tilespmem:s10], [sflag:$0x5] =	stream.indirect.gather [hbm4b:s3+s7], $0x3E8, s1, s7, $0xb8;
	[tilespmem:$0x13B00] =	vst v63  }
0xfb: {  	_ =	swait.ge [sflag:s11], $0x3E80  }
0xfc: {  	[sflag:s11] =	ssyncset.done $0x0  }
0xfd: {  	[sflag:s11] =	ssyncadd.s32 $0xFFFFC180  }
0xfe: {  	_ =	swait.ge [sflag:s9], $0x3E80  }
0xff: {  	[sflag:s9] =	ssyncset.done $0x0  }
0x100: {  	s1 =	rddreg [dreg:$0x14];
	[sflag:s9] =	ssyncadd.s32 $0xFFFFC180  }
0x101: {  	[hbm4b:s1+s2] =	stream.linear.scatter [tilespmem:s5], [sflag:$0x6], $0x4E20, $0x38;
	[tilespmem:$0x13B00] =	vst v63  }
0x102: {  	_ =	swait.ge [sflag:s4], $0x4E20  }
0x103: {  	s1 =	sld [smem:$0x7F9]  }
0x104: {  	[sflag:s4] =	ssyncset.done $0x0  }
0x105: {  	[sflag:s4] =	ssyncadd.s32 $0xFFFFB1E0  }
0x106: {  	[tilespmem:s5], [sflag:$0x1] =	stream.indirect.gather [hbm4b:s3+s7], $0x3E8, s1, s7, $0xb8;
	[tilespmem:$0x13B00] =	vst v63  }
0x107: {  	_ =	swait.ge [sflag:s12], $0x3E80  }
0x108: {  	[sflag:s12] =	ssyncset.done $0x0  }
0x109: {  	s1 =	rddreg [dreg:$0x15];
	[sflag:s12] =	ssyncadd.s32 $0xFFFFC180  }
0x10a: {  	[hbm4b:s1+s2] =	stream.linear.scatter [tilespmem:s13], [sflag:$0x7], $0x4E20, $0x38;
	[tilespmem:$0x13B00] =	vst v63  }
0x10b: {  	_ =	swait.ge [sflag:s6], $0x4E20  }
0x10c: {  	s1 =	sld [smem:$0x7FA]  }
0x10d: {  	[sflag:s6] =	ssyncset.done $0x0  }
0x10e: {  	[sflag:s6] =	ssyncadd.s32 $0xFFFFB1E0  }
0x10f: {  	[tilespmem:s19], [sflag:$0x2] =	stream.indirect.gather [hbm4b:s3+s7], $0x3E8, s1, s7, $0xb8;
	[tilespmem:$0x13B00] =	vst v63  }
0x110: {  	_ =	swait.ge [sflag:s15], $0x3E80  }
0x111: {  	[sflag:s15] =	ssyncset.done $0x0  }
0x112: {  	s1 =	rddreg [dreg:$0x16];
	[sflag:s15] =	ssyncadd.s32 $0xFFFFC180  }
0x113: {  	[hbm4b:s1+s2] =	stream.linear.scatter [tilespmem:s17], [sflag:$0x6], $0x4E20, $0x38;
	[tilespmem:$0x13B00] =	vst v63  }
0x114: {  	_ =	swait.ge [sflag:s4], $0x4E20  }
0x115: {  	s1 =	sld [smem:$0x7FB]  }
0x116: {  	[sflag:s4] =	ssyncset.done $0x0  }
0x117: {  	[sflag:s4] =	ssyncadd.s32 $0xFFFFB1E0  }
0x118: {  	[tilespmem:s14], [sflag:$0x3] =	stream.indirect.gather [hbm4b:s3+s7], $0x3E8, s1, s7, $0xb8;
	[tilespmem:$0x13B00] =	vst v63  }
0x119: {  	_ =	swait.ge [sflag:s16], $0x3E80  }
0x11a: {  	[sflag:s16] =	ssyncset.done $0x0  }
0x11b: {  	s1 =	rddreg [dreg:$0x17];
	[sflag:s16] =	ssyncadd.s32 $0xFFFFC180  }
0x11c: {  	[hbm4b:s1+s2] =	stream.linear.scatter [tilespmem:s18], [sflag:$0x7], $0x4E20, $0x38;
	[tilespmem:$0x13B00] =	vst v63  }
0x11d: {  	_ =	swait.ge [sflag:s6], $0x4E20  }
0x11e: {  	s0 =	sld [smem:$0x7FC]  }
0x11f: {  	[sflag:s6] =	ssyncset.done $0x0  }
0x120: {  	s1 =	sld [smem:$0x7FD];
	[sflag:s6] =	ssyncadd.s32 $0xFFFFB1E0  }
0x121: {  	[tilespmem:s8], [sflag:$0x4] =	stream.indirect.gather [hbm4b:s3+s7], $0x3E8, s0, s7, $0xb8;
	[tilespmem:$0x13B00] =	vst v63  }
0x122: {  	_ = 	snop  }
0x123: {  	[tilespmem:s10], [sflag:$0x5] =	stream.indirect.gather [hbm4b:s3+s7], $0x3E8, s1, s7, $0xb8;
	[tilespmem:$0x13B00] =	vst v63  }
0x124: {  	_ =	swait.ge [sflag:s11], $0x3E80  }
0x125: {  	[sflag:s11] =	ssyncset.done $0x0  }
0x126: {  	[sflag:s11] =	ssyncadd.s32 $0xFFFFC180  }
0x127: {  	_ =	swait.ge [sflag:s9], $0x3E80  }
0x128: {  	[sflag:s9] =	ssyncset.done $0x0  }
0x129: {  	s1 =	rddreg [dreg:$0x18];
	[sflag:s9] =	ssyncadd.s32 $0xFFFFC180  }
0x12a: {  	[hbm4b:s1+s2] =	stream.linear.scatter [tilespmem:s5], [sflag:$0x6], $0x4E20, $0x38;
	[tilespmem:$0x13B00] =	vst v63  }
0x12b: {  	_ =	swait.ge [sflag:s4], $0x4E20  }
0x12c: {  	[sflag:s4] =	ssyncset.done $0x0  }
0x12d: {  	[sflag:s4] =	ssyncadd.s32 $0xFFFFB1E0  }
0x12e: {  	[tilespmem:s5], [sflag:$0x1] =	stream.indirect.gather [hbm4b:s3+s7], $0x3E8, s26, s7, $0xb8;
	[tilespmem:$0x13B00] =	vst v63  }
0x12f: {  	_ =	swait.ge [sflag:s12], $0x3E80  }
0x130: {  	[sflag:s12] =	ssyncset.done $0x0  }
0x131: {  	s1 =	rddreg [dreg:$0x19];
	[sflag:s12] =	ssyncadd.s32 $0xFFFFC180  }
0x132: {  	[hbm4b:s1+s2] =	stream.linear.scatter [tilespmem:s13], [sflag:$0x7], $0x4E20, $0x38;
	[tilespmem:$0x13B00] =	vst v63  }
0x133: {  	_ =	swait.ge [sflag:s6], $0x4E20  }
0x134: {  	[sflag:s6] =	ssyncset.done $0x0  }
0x135: {  	[sflag:s6] =	ssyncadd.s32 $0xFFFFB1E0  }
0x136: {  	[tilespmem:s19], [sflag:$0x2] =	stream.indirect.gather [hbm4b:s3+s7], $0x3E8, s30, s7, $0xb8;
	[tilespmem:$0x13B00] =	vst v63  }
0x137: {  	_ =	swait.ge [sflag:s15], $0x3E80  }
0x138: {  	[sflag:s15] =	ssyncset.done $0x0  }
0x139: {  	s1 =	rddreg [dreg:$0x1a];
	[sflag:s15] =	ssyncadd.s32 $0xFFFFC180  }
0x13a: {  	[hbm4b:s1+s2] =	stream.linear.scatter [tilespmem:s17], [sflag:$0x6], $0x4E20, $0x38;
	[tilespmem:$0x13B00] =	vst v63  }
0x13b: {  	_ =	swait.ge [sflag:s4], $0x4E20  }
0x13c: {  	[sflag:s4] =	ssyncset.done $0x0  }
0x13d: {  	[sflag:s4] =	ssyncadd.s32 $0xFFFFB1E0  }
0x13e: {  	[tilespmem:s14], [sflag:$0x3] =	stream.indirect.gather [hbm4b:s3+s7], $0x3E8, s29, s7, $0xb8;
	[tilespmem:$0x13B00] =	vst v63  }
0x13f: {  	_ =	swait.ge [sflag:s16], $0x3E80  }
0x140: {  	[sflag:s16] =	ssyncset.done $0x0  }
0x141: {  	s1 =	rddreg [dreg:$0x1b];
	[sflag:s16] =	ssyncadd.s32 $0xFFFFC180  }
0x142: {  	[hbm4b:s1+s2] =	stream.linear.scatter [tilespmem:s18], [sflag:$0x7], $0x4E20, $0x38;
	[tilespmem:$0x13B00] =	vst v63  }
0x143: {  	_ =	swait.ge [sflag:s6], $0x4E20  }
0x144: {  	[sflag:s6] =	ssyncset.done $0x0  }
0x145: {  	s1 =	simm.s32 $0x210;
	[sflag:s6] =	ssyncadd.s32 $0xFFFFB1E0  }
0x146: {  	[tilespmem:s8], [sflag:$0x4] =	stream.indirect.gather [hbm4b:s3+s7], $0x3E8, s1, s7, $0xb8;
	[tilespmem:$0x13B00] =	vst v63  }
0x147: {  	_ = 	snop  }
0x148: {  	[tilespmem:s10], [sflag:$0x5] =	stream.indirect.gather [hbm4b:s3+s7], $0x3E8, s28, s7, $0xb8;
	[tilespmem:$0x13B00] =	vst v63  }
0x149: {  	_ =	swait.ge [sflag:s11], $0x3E80  }
0x14a: {  	[sflag:s11] =	ssyncset.done $0x0  }
0x14b: {  	[sflag:s11] =	ssyncadd.s32 $0xFFFFC180  }
0x14c: {  	_ =	swait.ge [sflag:s9], $0x3E80  }
0x14d: {  	[sflag:s9] =	ssyncset.done $0x0  }
0x14e: {  	s1 =	rddreg [dreg:$0x1c];
	[sflag:s9] =	ssyncadd.s32 $0xFFFFC180  }
0x14f: {  	[hbm4b:s1+s2] =	stream.linear.scatter [tilespmem:s5], [sflag:$0x6], $0x4E20, $0x38;
	[tilespmem:$0x13B00] =	vst v63  }
0x150: {  	_ =	swait.ge [sflag:s4], $0x4E20  }
0x151: {  	[sflag:s4] =	ssyncset.done $0x0  }
0x152: {  	[sflag:s4] =	ssyncadd.s32 $0xFFFFB1E0  }
0x153: {  	[tilespmem:s5], [sflag:$0x1] =	stream.indirect.gather [hbm4b:s3+s7], $0x3E8, s25, s7, $0xb8;
	[tilespmem:$0x13B00] =	vst v63  }
0x154: {  	_ =	swait.ge [sflag:s12], $0x3E80  }
0x155: {  	[sflag:s12] =	ssyncset.done $0x0  }
0x156: {  	s1 =	rddreg [dreg:$0x1d];
	[sflag:s12] =	ssyncadd.s32 $0xFFFFC180  }
0x157: {  	[hbm4b:s1+s2] =	stream.linear.scatter [tilespmem:s13], [sflag:$0x7], $0x4E20, $0x38;
	[tilespmem:$0x13B00] =	vst v63  }
0x158: {  	_ =	swait.ge [sflag:s6], $0x4E20  }
0x159: {  	[sflag:s6] =	ssyncset.done $0x0  }
0x15a: {  	[sflag:s6] =	ssyncadd.s32 $0xFFFFB1E0  }
0x15b: {  	[tilespmem:s19], [sflag:$0x2] =	stream.indirect.gather [hbm4b:s3+s7], $0x3E8, s24, s7, $0xb8;
	[tilespmem:$0x13B00] =	vst v63  }
0x15c: {  	_ =	swait.ge [sflag:s15], $0x3E80  }
0x15d: {  	[sflag:s15] =	ssyncset.done $0x0  }
0x15e: {  	s1 =	rddreg [dreg:$0x1e];
	[sflag:s15] =	ssyncadd.s32 $0xFFFFC180  }
0x15f: {  	[hbm4b:s1+s2] =	stream.linear.scatter [tilespmem:s17], [sflag:$0x6], $0x4E20, $0x38;
	[tilespmem:$0x13B00] =	vst v63  }
0x160: {  	_ =	swait.ge [sflag:s4], $0x4E20  }
0x161: {  	[sflag:s4] =	ssyncset.done $0x0  }
0x162: {  	[sflag:s4] =	ssyncadd.s32 $0xFFFFB1E0  }
0x163: {  	[tilespmem:s14], [sflag:$0x3] =	stream.indirect.gather [hbm4b:s3+s7], $0x3E8, s23, s7, $0xb8;
	[tilespmem:$0x13B00] =	vst v63  }
0x164: {  	_ =	swait.ge [sflag:s16], $0x3E80  }
0x165: {  	[sflag:s16] =	ssyncset.done $0x0  }
0x166: {  	s1 =	rddreg [dreg:$0x1f];
	[sflag:s16] =	ssyncadd.s32 $0xFFFFC180  }
0x167: {  	[hbm4b:s1+s2] =	stream.linear.scatter [tilespmem:s18], [sflag:$0x7], $0x4E20, $0x38;
	[tilespmem:$0x13B00] =	vst v63  }
0x168: {  	_ =	swait.ge [sflag:s6], $0x4E20  }
0x169: {  	[sflag:s6] =	ssyncset.done $0x0  }
0x16a: {  	[sflag:s6] =	ssyncadd.s32 $0xFFFFB1E0  }
0x16b: {  	[tilespmem:s8], [sflag:$0x4] =	stream.indirect.gather [hbm4b:s3+s7], $0x3E8, s21, s7, $0xb8;
	[tilespmem:$0x13B00] =	vst v63  }
0x16c: {  	_ = 	snop  }
0x16d: {  	[tilespmem:s10], [sflag:$0x5] =	stream.indirect.gather [hbm4b:s3+s7], $0x3E8, s22, s7, $0xb8;
	[tilespmem:$0x13B00] =	vst v63  }
0x16e: {  	_ =	swait.ge [sflag:s11], $0x3E80  }
0x16f: {  	[sflag:s11] =	ssyncset.done $0x0  }
0x170: {  	[sflag:s11] =	ssyncadd.s32 $0xFFFFC180  }
0x171: {  	_ =	swait.ge [sflag:s9], $0x3E80  }
0x172: {  	s1 =	sld [smem:$0x7DE]  }
0x173: {  	[sflag:s9] =	ssyncset.done $0x0  }
0x174: {  	[sflag:s9] =	ssyncadd.s32 $0xFFFFC180  }
0x175: {  	[hbm4b:s1+s2] =	stream.linear.scatter [tilespmem:s5], [sflag:$0x6], $0x4E20, $0x38;
	[tilespmem:$0x13B00] =	vst v63  }
0x176: {  	_ =	swait.ge [sflag:s12], $0x3E80  }
0x177: {  	s1 =	sld [smem:$0x7DF]  }
0x178: {  	[sflag:s12] =	ssyncset.done $0x0  }
0x179: {  	[sflag:s12] =	ssyncadd.s32 $0xFFFFC180  }
0x17a: {  	[hbm4b:s1+s2] =	stream.linear.scatter [tilespmem:s13], [sflag:$0x7], $0x4E20, $0x38;
	[tilespmem:$0x13B00] =	vst v63  }
0x17b: {  	_ =	swait.ge [sflag:s15], $0x3E80  }
0x17c: {  	s1 =	sld [smem:$0x7E0]  }
0x17d: {  	[sflag:s15] =	ssyncset.done $0x0  }
0x17e: {  	[sflag:s15] =	ssyncadd.s32 $0xFFFFC180  }
0x17f: {  	[hbm4b:s1+s2] =	stream.linear.scatter [tilespmem:s17], [sflag:$0x6], $0x4E20, $0x38;
	[tilespmem:$0x13B00] =	vst v63  }
0x180: {  	_ =	swait.ge [sflag:s16], $0x3E80  }
0x181: {  	s1 =	sld [smem:$0x7E1]  }
0x182: {  	[sflag:s16] =	ssyncset.done $0x0  }
0x183: {  	[sflag:s16] =	ssyncadd.s32 $0xFFFFC180  }
0x184: {  	[hbm4b:s1+s2] =	stream.linear.scatter [tilespmem:s18], [sflag:$0x7], $0x4E20, $0x38;
	[tilespmem:$0x13B00] =	vst v63  }
0x185: {  	_ =	swait.ge [sflag:s4], $0x4E20  }
0x186: {  	[sflag:s4] =	ssyncset.done $0x0  }
0x187: {  	[sflag:s4] =	ssyncadd.s32 $0xFFFFB1E0  }
0x188: {  	_ =	swait.ge [sflag:s6], $0x4E20  }
0x189: {  	[sflag:s6] =	ssyncset.done $0x0  }
0x18a: {  	p1 =	sne.s32 s20, $0x1;
	[sflag:s6] =	ssyncadd.s32 $0xFFFFB1E0  }
.Ltmp1:
0x18b: {  	_ =	swait.ge [sflag:s4], $0x4E20;
	(pc) =	sbr.rel @!p1 .LBB2_3-.Ltmp1, $4  }
0x18c: {  	[sflag:s4] =	ssyncset.done $0x0  }
0x18d: {  	[sflag:s4] =	ssyncadd.s32 $0xFFFFB1E0  }
0x18e: {  	p0 =	por $0x1, $0x1;
	_ =	swait.ge [sflag:s6], $0x4E20  }
0x18f: {  	s1 =	sadd.s32 $0xFFFFFFFF, s20;
	s0 =	rddreg [dreg:$0x3];
	[sflag:s6] =	ssyncset.done $0x0  }
.LBB2_4:
0x190: {  	[sflag:s6] =	ssyncadd.s32 $0xFFFFB1E0  }
0x191: {  	[tilespmem:s2], [sflag:$0x8] =	stream.linear.gather [hbm4b:s0+s2], $0x280, $0x38;
	[tilespmem:$0x13B00] =	vst v63  }
0x192: {  	_ =	swait.ge [sflag:s31], $0x280  }
0x193: {  	[sflag:s31] =	ssyncset.done $0x0  }
0x194: {  	[sflag:s31] =	ssyncadd.s32 $0xFFFFFD80  }
0x195: {  	[tilespmem:s5], [sflag:$0x1] =	stream.indirect.gather [hbm4b:s3+s7], $0x3E8, s2, s7, $0xb8;
	[tilespmem:$0x13B00] =	vst v63  }
0x196: {  	s0 =	sld [smem:$0x7E2]  }
0x197: {  	[tilespmem:s19], [sflag:$0x2] =	stream.indirect.gather [hbm4b:s3+s7], $0x3E8, s7, s7, $0xb8;
	[tilespmem:$0x13B00] =	vst v63  }
0x198: {  	s20 =	sld [smem:$0x7E3]  }
0x199: {  	[tilespmem:s14], [sflag:$0x3] =	stream.indirect.gather [hbm4b:s3+s7], $0x3E8, s0, s7, $0xb8;
	[tilespmem:$0x13B00] =	vst v63  }
0x19a: {  	s0 =	sld [smem:$0x7E4]  }
0x19b: {  	[tilespmem:s8], [sflag:$0x4] =	stream.indirect.gather [hbm4b:s3+s7], $0x3E8, s20, s7, $0xb8;
	[tilespmem:$0x13B00] =	vst v63  }
0x19c: {  	_ = 	snop  }
0x19d: {  	[tilespmem:s10], [sflag:$0x5] =	stream.indirect.gather [hbm4b:s3+s7], $0x3E8, s0, s7, $0xb8;
	[tilespmem:$0x13B00] =	vst v63  }
0x19e: {  	_ =	swait.ge [sflag:s11], $0x3E80  }
0x19f: {  	[sflag:s11] =	ssyncset.done $0x0  }
0x1a0: {  	[sflag:s11] =	ssyncadd.s32 $0xFFFFC180  }
0x1a1: {  	_ =	swait.ge [sflag:s9], $0x3E80  }
0x1a2: {  	[sflag:s9] =	ssyncset.done $0x0  }
0x1a3: {  	s20 =	rddreg [dreg:$0x4];
	[sflag:s9] =	ssyncadd.s32 $0xFFFFC180  }
0x1a4: {  	[hbm4b:s20+s2] =	stream.linear.scatter [tilespmem:s5], [sflag:$0x6], $0x4E20, $0x38;
	[tilespmem:$0x13B00] =	vst v63  }
0x1a5: {  	_ =	swait.ge [sflag:s4], $0x4E20  }
0x1a6: {  	s20 =	sld [smem:$0x7E5]  }
0x1a7: {  	[sflag:s4] =	ssyncset.done $0x0  }
0x1a8: {  	[sflag:s4] =	ssyncadd.s32 $0xFFFFB1E0  }
0x1a9: {  	[tilespmem:s5], [sflag:$0x1] =	stream.indirect.gather [hbm4b:s3+s7], $0x3E8, s20, s7, $0xb8;
	[tilespmem:$0x13B00] =	vst v63  }
0x1aa: {  	_ =	swait.ge [sflag:s12], $0x3E80  }
0x1ab: {  	[sflag:s12] =	ssyncset.done $0x0  }
0x1ac: {  	s20 =	rddreg [dreg:$0x5];
	[sflag:s12] =	ssyncadd.s32 $0xFFFFC180  }
0x1ad: {  	[hbm4b:s20+s2] =	stream.linear.scatter [tilespmem:s13], [sflag:$0x7], $0x4E20, $0x38;
	[tilespmem:$0x13B00] =	vst v63  }
0x1ae: {  	_ =	swait.ge [sflag:s6], $0x4E20  }
0x1af: {  	s20 =	sld [smem:$0x7E6]  }
0x1b0: {  	[sflag:s6] =	ssyncset.done $0x0  }
0x1b1: {  	[sflag:s6] =	ssyncadd.s32 $0xFFFFB1E0  }
0x1b2: {  	[tilespmem:s19], [sflag:$0x2] =	stream.indirect.gather [hbm4b:s3+s7], $0x3E8, s20, s7, $0xb8;
	[tilespmem:$0x13B00] =	vst v63  }
0x1b3: {  	_ =	swait.ge [sflag:s15], $0x3E80  }
0x1b4: {  	[sflag:s15] =	ssyncset.done $0x0  }
0x1b5: {  	s20 =	rddreg [dreg:$0x6];
	[sflag:s15] =	ssyncadd.s32 $0xFFFFC180  }
0x1b6: {  	[hbm4b:s20+s2] =	stream.linear.scatter [tilespmem:s17], [sflag:$0x6], $0x4E20, $0x38;
	[tilespmem:$0x13B00] =	vst v63  }
0x1b7: {  	_ =	swait.ge [sflag:s4], $0x4E20  }
0x1b8: {  	s20 =	sld [smem:$0x7E7]  }
0x1b9: {  	[sflag:s4] =	ssyncset.done $0x0  }
0x1ba: {  	[sflag:s4] =	ssyncadd.s32 $0xFFFFB1E0  }
0x1bb: {  	[tilespmem:s14], [sflag:$0x3] =	stream.indirect.gather [hbm4b:s3+s7], $0x3E8, s20, s7, $0xb8;
	[tilespmem:$0x13B00] =	vst v63  }
0x1bc: {  	_ =	swait.ge [sflag:s16], $0x3E80  }
0x1bd: {  	[sflag:s16] =	ssyncset.done $0x0  }
0x1be: {  	s20 =	rddreg [dreg:$0x7];
	[sflag:s16] =	ssyncadd.s32 $0xFFFFC180  }
0x1bf: {  	[hbm4b:s20+s2] =	stream.linear.scatter [tilespmem:s18], [sflag:$0x7], $0x4E20, $0x38;
	[tilespmem:$0x13B00] =	vst v63  }
0x1c0: {  	_ =	swait.ge [sflag:s6], $0x4E20  }
0x1c1: {  	s0 =	sld [smem:$0x7E8]  }
0x1c2: {  	[sflag:s6] =	ssyncset.done $0x0  }
0x1c3: {  	s20 =	sld [smem:$0x7E9];
	[sflag:s6] =	ssyncadd.s32 $0xFFFFB1E0  }
0x1c4: {  	[tilespmem:s8], [sflag:$0x4] =	stream.indirect.gather [hbm4b:s3+s7], $0x3E8, s0, s7, $0xb8;
	[tilespmem:$0x13B00] =	vst v63  }
0x1c5: {  	_ = 	snop  }
0x1c6: {  	[tilespmem:s10], [sflag:$0x5] =	stream.indirect.gather [hbm4b:s3+s7], $0x3E8, s20, s7, $0xb8;
	[tilespmem:$0x13B00] =	vst v63  }
0x1c7: {  	_ =	swait.ge [sflag:s11], $0x3E80  }
0x1c8: {  	[sflag:s11] =	ssyncset.done $0x0  }
0x1c9: {  	[sflag:s11] =	ssyncadd.s32 $0xFFFFC180  }
0x1ca: {  	_ =	swait.ge [sflag:s9], $0x3E80  }
0x1cb: {  	[sflag:s9] =	ssyncset.done $0x0  }
0x1cc: {  	s20 =	rddreg [dreg:$0x8];
	[sflag:s9] =	ssyncadd.s32 $0xFFFFC180  }
0x1cd: {  	[hbm4b:s20+s2] =	stream.linear.scatter [tilespmem:s5], [sflag:$0x6], $0x4E20, $0x38;
	[tilespmem:$0x13B00] =	vst v63  }
0x1ce: {  	_ =	swait.ge [sflag:s4], $0x4E20  }
0x1cf: {  	s20 =	sld [smem:$0x7EA]  }
0x1d0: {  	[sflag:s4] =	ssyncset.done $0x0  }
0x1d1: {  	[sflag:s4] =	ssyncadd.s32 $0xFFFFB1E0  }
0x1d2: {  	[tilespmem:s5], [sflag:$0x1] =	stream.indirect.gather [hbm4b:s3+s7], $0x3E8, s20, s7, $0xb8;
	[tilespmem:$0x13B00] =	vst v63  }
0x1d3: {  	_ =	swait.ge [sflag:s12], $0x3E80  }
0x1d4: {  	[sflag:s12] =	ssyncset.done $0x0  }
0x1d5: {  	s20 =	rddreg [dreg:$0x9];
	[sflag:s12] =	ssyncadd.s32 $0xFFFFC180  }
0x1d6: {  	[hbm4b:s20+s2] =	stream.linear.scatter [tilespmem:s13], [sflag:$0x7], $0x4E20, $0x38;
	[tilespmem:$0x13B00] =	vst v63  }
0x1d7: {  	_ =	swait.ge [sflag:s6], $0x4E20  }
0x1d8: {  	s20 =	sld [smem:$0x7EB]  }
0x1d9: {  	[sflag:s6] =	ssyncset.done $0x0  }
0x1da: {  	[sflag:s6] =	ssyncadd.s32 $0xFFFFB1E0  }
0x1db: {  	[tilespmem:s19], [sflag:$0x2] =	stream.indirect.gather [hbm4b:s3+s7], $0x3E8, s20, s7, $0xb8;
	[tilespmem:$0x13B00] =	vst v63  }
0x1dc: {  	_ =	swait.ge [sflag:s15], $0x3E80  }
0x1dd: {  	[sflag:s15] =	ssyncset.done $0x0  }
0x1de: {  	s20 =	rddreg [dreg:$0xa];
	[sflag:s15] =	ssyncadd.s32 $0xFFFFC180  }
0x1df: {  	[hbm4b:s20+s2] =	stream.linear.scatter [tilespmem:s17], [sflag:$0x6], $0x4E20, $0x38;
	[tilespmem:$0x13B00] =	vst v63  }
0x1e0: {  	_ =	swait.ge [sflag:s4], $0x4E20  }
0x1e1: {  	s20 =	sld [smem:$0x7EC]  }
0x1e2: {  	[sflag:s4] =	ssyncset.done $0x0  }
0x1e3: {  	[sflag:s4] =	ssyncadd.s32 $0xFFFFB1E0  }
0x1e4: {  	[tilespmem:s14], [sflag:$0x3] =	stream.indirect.gather [hbm4b:s3+s7], $0x3E8, s20, s7, $0xb8;
	[tilespmem:$0x13B00] =	vst v63  }
0x1e5: {  	_ =	swait.ge [sflag:s16], $0x3E80  }
0x1e6: {  	[sflag:s16] =	ssyncset.done $0x0  }
0x1e7: {  	s20 =	rddreg [dreg:$0xb];
	[sflag:s16] =	ssyncadd.s32 $0xFFFFC180  }
0x1e8: {  	[hbm4b:s20+s2] =	stream.linear.scatter [tilespmem:s18], [sflag:$0x7], $0x4E20, $0x38;
	[tilespmem:$0x13B00] =	vst v63  }
0x1e9: {  	_ =	swait.ge [sflag:s6], $0x4E20  }
0x1ea: {  	s0 =	sld [smem:$0x7ED]  }
0x1eb: {  	[sflag:s6] =	ssyncset.done $0x0  }
0x1ec: {  	s20 =	sld [smem:$0x7EE];
	[sflag:s6] =	ssyncadd.s32 $0xFFFFB1E0  }
0x1ed: {  	[tilespmem:s8], [sflag:$0x4] =	stream.indirect.gather [hbm4b:s3+s7], $0x3E8, s0, s7, $0xb8;
	[tilespmem:$0x13B00] =	vst v63  }
0x1ee: {  	_ = 	snop  }
0x1ef: {  	[tilespmem:s10], [sflag:$0x5] =	stream.indirect.gather [hbm4b:s3+s7], $0x3E8, s20, s7, $0xb8;
	[tilespmem:$0x13B00] =	vst v63  }
0x1f0: {  	_ =	swait.ge [sflag:s11], $0x3E80  }
0x1f1: {  	[sflag:s11] =	ssyncset.done $0x0  }
0x1f2: {  	[sflag:s11] =	ssyncadd.s32 $0xFFFFC180  }
0x1f3: {  	_ =	swait.ge [sflag:s9], $0x3E80  }
0x1f4: {  	[sflag:s9] =	ssyncset.done $0x0  }
0x1f5: {  	s20 =	rddreg [dreg:$0xc];
	[sflag:s9] =	ssyncadd.s32 $0xFFFFC180  }
0x1f6: {  	[hbm4b:s20+s2] =	stream.linear.scatter [tilespmem:s5], [sflag:$0x6], $0x4E20, $0x38;
	[tilespmem:$0x13B00] =	vst v63  }
0x1f7: {  	_ =	swait.ge [sflag:s4], $0x4E20  }
0x1f8: {  	s20 =	sld [smem:$0x7EF]  }
0x1f9: {  	[sflag:s4] =	ssyncset.done $0x0  }
0x1fa: {  	[sflag:s4] =	ssyncadd.s32 $0xFFFFB1E0  }
0x1fb: {  	[tilespmem:s5], [sflag:$0x1] =	stream.indirect.gather [hbm4b:s3+s7], $0x3E8, s20, s7, $0xb8;
	[tilespmem:$0x13B00] =	vst v63  }
0x1fc: {  	_ =	swait.ge [sflag:s12], $0x3E80  }
0x1fd: {  	[sflag:s12] =	ssyncset.done $0x0  }
0x1fe: {  	s20 =	rddreg [dreg:$0xd];
	[sflag:s12] =	ssyncadd.s32 $0xFFFFC180  }
0x1ff: {  	[hbm4b:s20+s2] =	stream.linear.scatter [tilespmem:s13], [sflag:$0x7], $0x4E20, $0x38;
	[tilespmem:$0x13B00] =	vst v63  }
0x200: {  	_ =	swait.ge [sflag:s6], $0x4E20  }
0x201: {  	s20 =	sld [smem:$0x7F0]  }
0x202: {  	[sflag:s6] =	ssyncset.done $0x0  }
0x203: {  	[sflag:s6] =	ssyncadd.s32 $0xFFFFB1E0  }
0x204: {  	[tilespmem:s19], [sflag:$0x2] =	stream.indirect.gather [hbm4b:s3+s7], $0x3E8, s20, s7, $0xb8;
	[tilespmem:$0x13B00] =	vst v63  }
0x205: {  	_ =	swait.ge [sflag:s15], $0x3E80  }
0x206: {  	[sflag:s15] =	ssyncset.done $0x0  }
0x207: {  	s20 =	rddreg [dreg:$0xe];
	[sflag:s15] =	ssyncadd.s32 $0xFFFFC180  }
0x208: {  	[hbm4b:s20+s2] =	stream.linear.scatter [tilespmem:s17], [sflag:$0x6], $0x4E20, $0x38;
	[tilespmem:$0x13B00] =	vst v63  }
0x209: {  	_ =	swait.ge [sflag:s4], $0x4E20  }
0x20a: {  	s20 =	sld [smem:$0x7F1]  }
0x20b: {  	[sflag:s4] =	ssyncset.done $0x0  }
0x20c: {  	[sflag:s4] =	ssyncadd.s32 $0xFFFFB1E0  }
0x20d: {  	[tilespmem:s14], [sflag:$0x3] =	stream.indirect.gather [hbm4b:s3+s7], $0x3E8, s20, s7, $0xb8;
	[tilespmem:$0x13B00] =	vst v63  }
0x20e: {  	_ =	swait.ge [sflag:s16], $0x3E80  }
0x20f: {  	[sflag:s16] =	ssyncset.done $0x0  }
0x210: {  	s20 =	rddreg [dreg:$0xf];
	[sflag:s16] =	ssyncadd.s32 $0xFFFFC180  }
0x211: {  	[hbm4b:s20+s2] =	stream.linear.scatter [tilespmem:s18], [sflag:$0x7], $0x4E20, $0x38;
	[tilespmem:$0x13B00] =	vst v63  }
0x212: {  	_ =	swait.ge [sflag:s6], $0x4E20  }
0x213: {  	s0 =	sld [smem:$0x7F2]  }
0x214: {  	[sflag:s6] =	ssyncset.done $0x0  }
0x215: {  	s20 =	sld [smem:$0x7F3];
	[sflag:s6] =	ssyncadd.s32 $0xFFFFB1E0  }
0x216: {  	[tilespmem:s8], [sflag:$0x4] =	stream.indirect.gather [hbm4b:s3+s7], $0x3E8, s0, s7, $0xb8;
	[tilespmem:$0x13B00] =	vst v63  }
0x217: {  	_ = 	snop  }
0x218: {  	[tilespmem:s10], [sflag:$0x5] =	stream.indirect.gather [hbm4b:s3+s7], $0x3E8, s20, s7, $0xb8;
	[tilespmem:$0x13B00] =	vst v63  }
0x219: {  	_ =	swait.ge [sflag:s11], $0x3E80  }
0x21a: {  	[sflag:s11] =	ssyncset.done $0x0  }
0x21b: {  	[sflag:s11] =	ssyncadd.s32 $0xFFFFC180  }
0x21c: {  	_ =	swait.ge [sflag:s9], $0x3E80  }
0x21d: {  	[sflag:s9] =	ssyncset.done $0x0  }
0x21e: {  	s20 =	rddreg [dreg:$0x10];
	[sflag:s9] =	ssyncadd.s32 $0xFFFFC180  }
0x21f: {  	[hbm4b:s20+s2] =	stream.linear.scatter [tilespmem:s5], [sflag:$0x6], $0x4E20, $0x38;
	[tilespmem:$0x13B00] =	vst v63  }
0x220: {  	_ =	swait.ge [sflag:s4], $0x4E20  }
0x221: {  	s20 =	sld [smem:$0x7F4]  }
0x222: {  	[sflag:s4] =	ssyncset.done $0x0  }
0x223: {  	[sflag:s4] =	ssyncadd.s32 $0xFFFFB1E0  }
0x224: {  	[tilespmem:s5], [sflag:$0x1] =	stream.indirect.gather [hbm4b:s3+s7], $0x3E8, s20, s7, $0xb8;
	[tilespmem:$0x13B00] =	vst v63  }
0x225: {  	_ =	swait.ge [sflag:s12], $0x3E80  }
0x226: {  	[sflag:s12] =	ssyncset.done $0x0  }
0x227: {  	s20 =	rddreg [dreg:$0x11];
	[sflag:s12] =	ssyncadd.s32 $0xFFFFC180  }
0x228: {  	[hbm4b:s20+s2] =	stream.linear.scatter [tilespmem:s13], [sflag:$0x7], $0x4E20, $0x38;
	[tilespmem:$0x13B00] =	vst v63  }
0x229: {  	_ =	swait.ge [sflag:s6], $0x4E20  }
0x22a: {  	s20 =	sld [smem:$0x7F5]  }
0x22b: {  	[sflag:s6] =	ssyncset.done $0x0  }
0x22c: {  	[sflag:s6] =	ssyncadd.s32 $0xFFFFB1E0  }
0x22d: {  	[tilespmem:s19], [sflag:$0x2] =	stream.indirect.gather [hbm4b:s3+s7], $0x3E8, s20, s7, $0xb8;
	[tilespmem:$0x13B00] =	vst v63  }
0x22e: {  	_ =	swait.ge [sflag:s15], $0x3E80  }
0x22f: {  	[sflag:s15] =	ssyncset.done $0x0  }
0x230: {  	s20 =	rddreg [dreg:$0x12];
	[sflag:s15] =	ssyncadd.s32 $0xFFFFC180  }
0x231: {  	[hbm4b:s20+s2] =	stream.linear.scatter [tilespmem:s17], [sflag:$0x6], $0x4E20, $0x38;
	[tilespmem:$0x13B00] =	vst v63  }
0x232: {  	_ =	swait.ge [sflag:s4], $0x4E20  }
0x233: {  	s20 =	sld [smem:$0x7F6]  }
0x234: {  	[sflag:s4] =	ssyncset.done $0x0  }
0x235: {  	[sflag:s4] =	ssyncadd.s32 $0xFFFFB1E0  }
0x236: {  	[tilespmem:s14], [sflag:$0x3] =	stream.indirect.gather [hbm4b:s3+s7], $0x3E8, s20, s7, $0xb8;
	[tilespmem:$0x13B00] =	vst v63  }
0x237: {  	_ =	swait.ge [sflag:s16], $0x3E80  }
0x238: {  	[sflag:s16] =	ssyncset.done $0x0  }
0x239: {  	s20 =	rddreg [dreg:$0x13];
	[sflag:s16] =	ssyncadd.s32 $0xFFFFC180  }
0x23a: {  	[hbm4b:s20+s2] =	stream.linear.scatter [tilespmem:s18], [sflag:$0x7], $0x4E20, $0x38;
	[tilespmem:$0x13B00] =	vst v63  }
0x23b: {  	_ =	swait.ge [sflag:s6], $0x4E20  }
0x23c: {  	s0 =	sld [smem:$0x7F7]  }
0x23d: {  	[sflag:s6] =	ssyncset.done $0x0  }
0x23e: {  	s20 =	sld [smem:$0x7F8];
	[sflag:s6] =	ssyncadd.s32 $0xFFFFB1E0  }
0x23f: {  	[tilespmem:s8], [sflag:$0x4] =	stream.indirect.gather [hbm4b:s3+s7], $0x3E8, s0, s7, $0xb8;
	[tilespmem:$0x13B00] =	vst v63  }
0x240: {  	_ = 	snop  }
0x241: {  	[tilespmem:s10], [sflag:$0x5] =	stream.indirect.gather [hbm4b:s3+s7], $0x3E8, s20, s7, $0xb8;
	[tilespmem:$0x13B00] =	vst v63  }
0x242: {  	_ =	swait.ge [sflag:s11], $0x3E80  }
0x243: {  	[sflag:s11] =	ssyncset.done $0x0  }
0x244: {  	[sflag:s11] =	ssyncadd.s32 $0xFFFFC180  }
0x245: {  	_ =	swait.ge [sflag:s9], $0x3E80  }
0x246: {  	[sflag:s9] =	ssyncset.done $0x0  }
0x247: {  	s20 =	rddreg [dreg:$0x14];
	[sflag:s9] =	ssyncadd.s32 $0xFFFFC180  }
0x248: {  	[hbm4b:s20+s2] =	stream.linear.scatter [tilespmem:s5], [sflag:$0x6], $0x4E20, $0x38;
	[tilespmem:$0x13B00] =	vst v63  }
0x249: {  	_ =	swait.ge [sflag:s4], $0x4E20  }
0x24a: {  	s20 =	sld [smem:$0x7F9]  }
0x24b: {  	[sflag:s4] =	ssyncset.done $0x0  }
0x24c: {  	[sflag:s4] =	ssyncadd.s32 $0xFFFFB1E0  }
0x24d: {  	[tilespmem:s5], [sflag:$0x1] =	stream.indirect.gather [hbm4b:s3+s7], $0x3E8, s20, s7, $0xb8;
	[tilespmem:$0x13B00] =	vst v63  }
0x24e: {  	_ =	swait.ge [sflag:s12], $0x3E80  }
0x24f: {  	[sflag:s12] =	ssyncset.done $0x0  }
0x250: {  	s20 =	rddreg [dreg:$0x15];
	[sflag:s12] =	ssyncadd.s32 $0xFFFFC180  }
0x251: {  	[hbm4b:s20+s2] =	stream.linear.scatter [tilespmem:s13], [sflag:$0x7], $0x4E20, $0x38;
	[tilespmem:$0x13B00] =	vst v63  }
0x252: {  	_ =	swait.ge [sflag:s6], $0x4E20  }
0x253: {  	s20 =	sld [smem:$0x7FA]  }
0x254: {  	[sflag:s6] =	ssyncset.done $0x0  }
0x255: {  	[sflag:s6] =	ssyncadd.s32 $0xFFFFB1E0  }
0x256: {  	[tilespmem:s19], [sflag:$0x2] =	stream.indirect.gather [hbm4b:s3+s7], $0x3E8, s20, s7, $0xb8;
	[tilespmem:$0x13B00] =	vst v63  }
0x257: {  	_ =	swait.ge [sflag:s15], $0x3E80  }
0x258: {  	[sflag:s15] =	ssyncset.done $0x0  }
0x259: {  	s20 =	rddreg [dreg:$0x16];
	[sflag:s15] =	ssyncadd.s32 $0xFFFFC180  }
0x25a: {  	[hbm4b:s20+s2] =	stream.linear.scatter [tilespmem:s17], [sflag:$0x6], $0x4E20, $0x38;
	[tilespmem:$0x13B00] =	vst v63  }
0x25b: {  	_ =	swait.ge [sflag:s4], $0x4E20  }
0x25c: {  	s20 =	sld [smem:$0x7FB]  }
0x25d: {  	[sflag:s4] =	ssyncset.done $0x0  }
0x25e: {  	[sflag:s4] =	ssyncadd.s32 $0xFFFFB1E0  }
0x25f: {  	[tilespmem:s14], [sflag:$0x3] =	stream.indirect.gather [hbm4b:s3+s7], $0x3E8, s20, s7, $0xb8;
	[tilespmem:$0x13B00] =	vst v63  }
0x260: {  	_ =	swait.ge [sflag:s16], $0x3E80  }
0x261: {  	[sflag:s16] =	ssyncset.done $0x0  }
0x262: {  	s20 =	rddreg [dreg:$0x17];
	[sflag:s16] =	ssyncadd.s32 $0xFFFFC180  }
0x263: {  	[hbm4b:s20+s2] =	stream.linear.scatter [tilespmem:s18], [sflag:$0x7], $0x4E20, $0x38;
	[tilespmem:$0x13B00] =	vst v63  }
0x264: {  	_ =	swait.ge [sflag:s6], $0x4E20  }
0x265: {  	s0 =	sld [smem:$0x7FC]  }
0x266: {  	[sflag:s6] =	ssyncset.done $0x0  }
0x267: {  	s20 =	sld [smem:$0x7FD];
	[sflag:s6] =	ssyncadd.s32 $0xFFFFB1E0  }
0x268: {  	[tilespmem:s8], [sflag:$0x4] =	stream.indirect.gather [hbm4b:s3+s7], $0x3E8, s0, s7, $0xb8;
	[tilespmem:$0x13B00] =	vst v63  }
0x269: {  	_ = 	snop  }
0x26a: {  	[tilespmem:s10], [sflag:$0x5] =	stream.indirect.gather [hbm4b:s3+s7], $0x3E8, s20, s7, $0xb8;
	[tilespmem:$0x13B00] =	vst v63  }
0x26b: {  	_ =	swait.ge [sflag:s11], $0x3E80  }
0x26c: {  	[sflag:s11] =	ssyncset.done $0x0  }
0x26d: {  	[sflag:s11] =	ssyncadd.s32 $0xFFFFC180  }
0x26e: {  	_ =	swait.ge [sflag:s9], $0x3E80  }
0x26f: {  	[sflag:s9] =	ssyncset.done $0x0  }
0x270: {  	s20 =	rddreg [dreg:$0x18];
	[sflag:s9] =	ssyncadd.s32 $0xFFFFC180  }
0x271: {  	[hbm4b:s20+s2] =	stream.linear.scatter [tilespmem:s5], [sflag:$0x6], $0x4E20, $0x38;
	[tilespmem:$0x13B00] =	vst v63  }
0x272: {  	_ =	swait.ge [sflag:s4], $0x4E20  }
0x273: {  	[sflag:s4] =	ssyncset.done $0x0  }
0x274: {  	[sflag:s4] =	ssyncadd.s32 $0xFFFFB1E0  }
0x275: {  	[tilespmem:s5], [sflag:$0x1] =	stream.indirect.gather [hbm4b:s3+s7], $0x3E8, s26, s7, $0xb8;
	[tilespmem:$0x13B00] =	vst v63  }
0x276: {  	_ =	swait.ge [sflag:s12], $0x3E80  }
0x277: {  	[sflag:s12] =	ssyncset.done $0x0  }
0x278: {  	s20 =	rddreg [dreg:$0x19];
	[sflag:s12] =	ssyncadd.s32 $0xFFFFC180  }
0x279: {  	[hbm4b:s20+s2] =	stream.linear.scatter [tilespmem:s13], [sflag:$0x7], $0x4E20, $0x38;
	[tilespmem:$0x13B00] =	vst v63  }
0x27a: {  	_ =	swait.ge [sflag:s6], $0x4E20  }
0x27b: {  	[sflag:s6] =	ssyncset.done $0x0  }
0x27c: {  	[sflag:s6] =	ssyncadd.s32 $0xFFFFB1E0  }
0x27d: {  	[tilespmem:s19], [sflag:$0x2] =	stream.indirect.gather [hbm4b:s3+s7], $0x3E8, s30, s7, $0xb8;
	[tilespmem:$0x13B00] =	vst v63  }
0x27e: {  	_ =	swait.ge [sflag:s15], $0x3E80  }
0x27f: {  	[sflag:s15] =	ssyncset.done $0x0  }
0x280: {  	s20 =	rddreg [dreg:$0x1a];
	[sflag:s15] =	ssyncadd.s32 $0xFFFFC180  }
0x281: {  	[hbm4b:s20+s2] =	stream.linear.scatter [tilespmem:s17], [sflag:$0x6], $0x4E20, $0x38;
	[tilespmem:$0x13B00] =	vst v63  }
0x282: {  	_ =	swait.ge [sflag:s4], $0x4E20  }
0x283: {  	[sflag:s4] =	ssyncset.done $0x0  }
0x284: {  	[sflag:s4] =	ssyncadd.s32 $0xFFFFB1E0  }
0x285: {  	[tilespmem:s14], [sflag:$0x3] =	stream.indirect.gather [hbm4b:s3+s7], $0x3E8, s29, s7, $0xb8;
	[tilespmem:$0x13B00] =	vst v63  }
0x286: {  	_ =	swait.ge [sflag:s16], $0x3E80  }
0x287: {  	[sflag:s16] =	ssyncset.done $0x0  }
0x288: {  	s20 =	rddreg [dreg:$0x1b];
	[sflag:s16] =	ssyncadd.s32 $0xFFFFC180  }
0x289: {  	[hbm4b:s20+s2] =	stream.linear.scatter [tilespmem:s18], [sflag:$0x7], $0x4E20, $0x38;
	[tilespmem:$0x13B00] =	vst v63  }
0x28a: {  	_ =	swait.ge [sflag:s6], $0x4E20  }
0x28b: {  	[sflag:s6] =	ssyncset.done $0x0  }
0x28c: {  	s20 =	simm.s32 $0x210;
	[sflag:s6] =	ssyncadd.s32 $0xFFFFB1E0  }
0x28d: {  	[tilespmem:s8], [sflag:$0x4] =	stream.indirect.gather [hbm4b:s3+s7], $0x3E8, s20, s7, $0xb8;
	[tilespmem:$0x13B00] =	vst v63  }
0x28e: {  	_ = 	snop  }
0x28f: {  	[tilespmem:s10], [sflag:$0x5] =	stream.indirect.gather [hbm4b:s3+s7], $0x3E8, s28, s7, $0xb8;
	[tilespmem:$0x13B00] =	vst v63  }
0x290: {  	_ =	swait.ge [sflag:s11], $0x3E80  }
0x291: {  	[sflag:s11] =	ssyncset.done $0x0  }
0x292: {  	[sflag:s11] =	ssyncadd.s32 $0xFFFFC180  }
0x293: {  	_ =	swait.ge [sflag:s9], $0x3E80  }
0x294: {  	[sflag:s9] =	ssyncset.done $0x0  }
0x295: {  	s20 =	rddreg [dreg:$0x1c];
	[sflag:s9] =	ssyncadd.s32 $0xFFFFC180  }
0x296: {  	[hbm4b:s20+s2] =	stream.linear.scatter [tilespmem:s5], [sflag:$0x6], $0x4E20, $0x38;
	[tilespmem:$0x13B00] =	vst v63  }
0x297: {  	_ =	swait.ge [sflag:s4], $0x4E20  }
0x298: {  	[sflag:s4] =	ssyncset.done $0x0  }
0x299: {  	[sflag:s4] =	ssyncadd.s32 $0xFFFFB1E0  }
0x29a: {  	[tilespmem:s5], [sflag:$0x1] =	stream.indirect.gather [hbm4b:s3+s7], $0x3E8, s25, s7, $0xb8;
	[tilespmem:$0x13B00] =	vst v63  }
0x29b: {  	_ =	swait.ge [sflag:s12], $0x3E80  }
0x29c: {  	[sflag:s12] =	ssyncset.done $0x0  }
0x29d: {  	s20 =	rddreg [dreg:$0x1d];
	[sflag:s12] =	ssyncadd.s32 $0xFFFFC180  }
0x29e: {  	[hbm4b:s20+s2] =	stream.linear.scatter [tilespmem:s13], [sflag:$0x7], $0x4E20, $0x38;
	[tilespmem:$0x13B00] =	vst v63  }
0x29f: {  	_ =	swait.ge [sflag:s6], $0x4E20  }
0x2a0: {  	[sflag:s6] =	ssyncset.done $0x0  }
0x2a1: {  	[sflag:s6] =	ssyncadd.s32 $0xFFFFB1E0  }
0x2a2: {  	[tilespmem:s19], [sflag:$0x2] =	stream.indirect.gather [hbm4b:s3+s7], $0x3E8, s24, s7, $0xb8;
	[tilespmem:$0x13B00] =	vst v63  }
0x2a3: {  	_ =	swait.ge [sflag:s15], $0x3E80  }
0x2a4: {  	[sflag:s15] =	ssyncset.done $0x0  }
0x2a5: {  	s20 =	rddreg [dreg:$0x1e];
	[sflag:s15] =	ssyncadd.s32 $0xFFFFC180  }
0x2a6: {  	[hbm4b:s20+s2] =	stream.linear.scatter [tilespmem:s17], [sflag:$0x6], $0x4E20, $0x38;
	[tilespmem:$0x13B00] =	vst v63  }
0x2a7: {  	_ =	swait.ge [sflag:s4], $0x4E20  }
0x2a8: {  	[sflag:s4] =	ssyncset.done $0x0  }
0x2a9: {  	[sflag:s4] =	ssyncadd.s32 $0xFFFFB1E0  }
0x2aa: {  	[tilespmem:s14], [sflag:$0x3] =	stream.indirect.gather [hbm4b:s3+s7], $0x3E8, s23, s7, $0xb8;
	[tilespmem:$0x13B00] =	vst v63  }
0x2ab: {  	_ =	swait.ge [sflag:s16], $0x3E80  }
0x2ac: {  	[sflag:s16] =	ssyncset.done $0x0  }
0x2ad: {  	s20 =	rddreg [dreg:$0x1f];
	[sflag:s16] =	ssyncadd.s32 $0xFFFFC180  }
0x2ae: {  	[hbm4b:s20+s2] =	stream.linear.scatter [tilespmem:s18], [sflag:$0x7], $0x4E20, $0x38;
	[tilespmem:$0x13B00] =	vst v63  }
0x2af: {  	_ =	swait.ge [sflag:s6], $0x4E20  }
0x2b0: {  	[sflag:s6] =	ssyncset.done $0x0  }
0x2b1: {  	[sflag:s6] =	ssyncadd.s32 $0xFFFFB1E0  }
0x2b2: {  	[tilespmem:s8], [sflag:$0x4] =	stream.indirect.gather [hbm4b:s3+s7], $0x3E8, s21, s7, $0xb8;
	[tilespmem:$0x13B00] =	vst v63  }
0x2b3: {  	_ = 	snop  }
0x2b4: {  	[tilespmem:s10], [sflag:$0x5] =	stream.indirect.gather [hbm4b:s3+s7], $0x3E8, s22, s7, $0xb8;
	[tilespmem:$0x13B00] =	vst v63  }
0x2b5: {  	_ =	swait.ge [sflag:s11], $0x3E80  }
0x2b6: {  	[sflag:s11] =	ssyncset.done $0x0  }
0x2b7: {  	[sflag:s11] =	ssyncadd.s32 $0xFFFFC180  }
0x2b8: {  	_ =	swait.ge [sflag:s9], $0x3E80  }
0x2b9: {  	s20 =	sld [smem:$0x7DE]  }
0x2ba: {  	[sflag:s9] =	ssyncset.done $0x0  }
0x2bb: {  	[sflag:s9] =	ssyncadd.s32 $0xFFFFC180  }
0x2bc: {  	[hbm4b:s20+s2] =	stream.linear.scatter [tilespmem:s5], [sflag:$0x6], $0x4E20, $0x38;
	[tilespmem:$0x13B00] =	vst v63  }
0x2bd: {  	_ =	swait.ge [sflag:s12], $0x3E80  }
0x2be: {  	s20 =	sld [smem:$0x7DF]  }
0x2bf: {  	[sflag:s12] =	ssyncset.done $0x0  }
0x2c0: {  	[sflag:s12] =	ssyncadd.s32 $0xFFFFC180  }
0x2c1: {  	[hbm4b:s20+s2] =	stream.linear.scatter [tilespmem:s13], [sflag:$0x7], $0x4E20, $0x38;
	[tilespmem:$0x13B00] =	vst v63  }
0x2c2: {  	_ =	swait.ge [sflag:s15], $0x3E80  }
0x2c3: {  	s20 =	sld [smem:$0x7E0]  }
0x2c4: {  	[sflag:s15] =	ssyncset.done $0x0  }
0x2c5: {  	[sflag:s15] =	ssyncadd.s32 $0xFFFFC180  }
0x2c6: {  	[hbm4b:s20+s2] =	stream.linear.scatter [tilespmem:s17], [sflag:$0x6], $0x4E20, $0x38;
	[tilespmem:$0x13B00] =	vst v63  }
0x2c7: {  	_ =	swait.ge [sflag:s16], $0x3E80  }
0x2c8: {  	s20 =	sld [smem:$0x7E1]  }
0x2c9: {  	[sflag:s16] =	ssyncset.done $0x0  }
0x2ca: {  	[sflag:s16] =	ssyncadd.s32 $0xFFFFC180  }
0x2cb: {  	[hbm4b:s20+s2] =	stream.linear.scatter [tilespmem:s18], [sflag:$0x7], $0x4E20, $0x38;
	[tilespmem:$0x13B00] =	vst v63  }
0x2cc: {  	_ =	swait.ge [sflag:s4], $0x4E20  }
0x2cd: {  	[sflag:s4] =	ssyncset.done $0x0  }
0x2ce: {  	[sflag:s4] =	ssyncadd.s32 $0xFFFFB1E0  }
0x2cf: {  	_ =	swait.ge [sflag:s6], $0x4E20  }
0x2d0: {  	[sflag:s6] =	ssyncset.done $0x0  }
0x2d1: {  	p1 =	sne.s32 s1, $0x1;
	[sflag:s6] =	ssyncadd.s32 $0xFFFFB1E0  }
.Ltmp2:
0x2d2: {  	_ =	swait.ge [sflag:s4], $0x4E20;
	(pc) =	sbr.rel @p1 .LBB2_4-.Ltmp2, $4  }
0x2d3: {  	[sflag:s4] =	ssyncset.done $0x0  }
0x2d4: {  	[sflag:s4] =	ssyncadd.s32 $0xFFFFB1E0  }
0x2d5: {  	_ =	swait.ge [sflag:s6], $0x4E20  }
0x2d6: {  	s1 =	sadd.s32 $0xFFFFFFFF, s1;
	s0 =	rddreg [dreg:$0x3];
	[sflag:s6] =	ssyncset.done $0x0  }
0x2d7: {  	s22 =	simm.s32 $0x1E0  }
0x2d8: {  	s30 =	simm.s32 $0x1F0;
	s29 =	simm.s32 $0x200;
	s28 =	simm.s32 $0x220  }
0x2d9: {  	s26 =	simm.s32 $0x210;
	s25 =	simm.s32 $0x230;
	s24 =	simm.s32 $0x240  }
0x2da: {  	s23 =	simm.s32 $0x250;
	s21 =	simm.s32 $0x260;
	s20 =	stileid.u32  }
.LBB2_6:
0x2db: {  	[sflag:s6] =	ssyncadd.s32 @p0 $0xFFFFB1E0  }
0x2dc: {  	[tilespmem:s2], [sflag:$0x8] =	stream.linear.gather [hbm4b:s0+s2], $0x280, $0x38;
	[tilespmem:$0x13B00] =	vst v63  }
0x2dd: {  	_ =	swait.ge [sflag:s31], $0x280  }
0x2de: {  	[sflag:s31] =	ssyncset.done $0x0  }
0x2df: {  	[sflag:s31] =	ssyncadd.s32 $0xFFFFFD80  }
0x2e0: {  	[tilespmem:s5], [sflag:$0x1] =	stream.indirect.gather [hbm4b:s3+s7], $0x3E8, s2, s7, $0xb8;
	[tilespmem:$0x13B00] =	vst v63  }
0x2e1: {  	s31 =	sld [smem:$0x7E2]  }
0x2e2: {  	[tilespmem:s19], [sflag:$0x2] =	stream.indirect.gather [hbm4b:s3+s7], $0x3E8, s7, s7, $0xb8;
	[tilespmem:$0x13B00] =	vst v63  }
0x2e3: {  	s1 =	sld [smem:$0x7E3]  }
0x2e4: {  	[tilespmem:s14], [sflag:$0x3] =	stream.indirect.gather [hbm4b:s3+s7], $0x3E8, s31, s7, $0xb8;
	[tilespmem:$0x13B00] =	vst v63  }
0x2e5: {  	s31 =	sld [smem:$0x7E4]  }
0x2e6: {  	[tilespmem:s8], [sflag:$0x4] =	stream.indirect.gather [hbm4b:s3+s7], $0x3E8, s1, s7, $0xb8;
	[tilespmem:$0x13B00] =	vst v63  }
0x2e7: {  	_ = 	snop  }
0x2e8: {  	[tilespmem:s10], [sflag:$0x5] =	stream.indirect.gather [hbm4b:s3+s7], $0x3E8, s31, s7, $0xb8;
	[tilespmem:$0x13B00] =	vst v63  }
0x2e9: {  	_ =	swait.ge [sflag:s11], $0x3E80  }
0x2ea: {  	[sflag:s11] =	ssyncset.done $0x0  }
0x2eb: {  	[sflag:s11] =	ssyncadd.s32 $0xFFFFC180  }
0x2ec: {  	_ =	swait.ge [sflag:s9], $0x3E80  }
0x2ed: {  	[sflag:s9] =	ssyncset.done $0x0  }
0x2ee: {  	s31 =	rddreg [dreg:$0x4];
	[sflag:s9] =	ssyncadd.s32 $0xFFFFC180  }
0x2ef: {  	[hbm4b:s31+s2] =	stream.linear.scatter [tilespmem:s5], [sflag:$0x6], $0x4E20, $0x38;
	[tilespmem:$0x13B00] =	vst v63  }
0x2f0: {  	_ =	swait.ge [sflag:s4], $0x4E20  }
0x2f1: {  	s1 =	sld [smem:$0x7E5]  }
0x2f2: {  	[sflag:s4] =	ssyncset.done $0x0  }
0x2f3: {  	[sflag:s4] =	ssyncadd.s32 $0xFFFFB1E0  }
0x2f4: {  	[tilespmem:s5], [sflag:$0x1] =	stream.indirect.gather [hbm4b:s3+s7], $0x3E8, s1, s7, $0xb8;
	[tilespmem:$0x13B00] =	vst v63  }
0x2f5: {  	_ =	swait.ge [sflag:s12], $0x3E80  }
0x2f6: {  	[sflag:s12] =	ssyncset.done $0x0  }
0x2f7: {  	s31 =	rddreg [dreg:$0x5];
	[sflag:s12] =	ssyncadd.s32 $0xFFFFC180  }
0x2f8: {  	[hbm4b:s31+s2] =	stream.linear.scatter [tilespmem:s13], [sflag:$0x7], $0x4E20, $0x38;
	[tilespmem:$0x13B00] =	vst v63  }
0x2f9: {  	_ =	swait.ge [sflag:s6], $0x4E20  }
0x2fa: {  	s1 =	sld [smem:$0x7E6]  }
0x2fb: {  	[sflag:s6] =	ssyncset.done $0x0  }
0x2fc: {  	[sflag:s6] =	ssyncadd.s32 $0xFFFFB1E0  }
0x2fd: {  	[tilespmem:s19], [sflag:$0x2] =	stream.indirect.gather [hbm4b:s3+s7], $0x3E8, s1, s7, $0xb8;
	[tilespmem:$0x13B00] =	vst v63  }
0x2fe: {  	_ =	swait.ge [sflag:s15], $0x3E80  }
0x2ff: {  	[sflag:s15] =	ssyncset.done $0x0  }
0x300: {  	s31 =	rddreg [dreg:$0x6];
	[sflag:s15] =	ssyncadd.s32 $0xFFFFC180  }
0x301: {  	[hbm4b:s31+s2] =	stream.linear.scatter [tilespmem:s17], [sflag:$0x6], $0x4E20, $0x38;
	[tilespmem:$0x13B00] =	vst v63  }
0x302: {  	_ =	swait.ge [sflag:s4], $0x4E20  }
0x303: {  	s1 =	sld [smem:$0x7E7]  }
0x304: {  	[sflag:s4] =	ssyncset.done $0x0  }
0x305: {  	[sflag:s4] =	ssyncadd.s32 $0xFFFFB1E0  }
0x306: {  	[tilespmem:s14], [sflag:$0x3] =	stream.indirect.gather [hbm4b:s3+s7], $0x3E8, s1, s7, $0xb8;
	[tilespmem:$0x13B00] =	vst v63  }
0x307: {  	_ =	swait.ge [sflag:s16], $0x3E80  }
0x308: {  	[sflag:s16] =	ssyncset.done $0x0  }
0x309: {  	s31 =	rddreg [dreg:$0x7];
	[sflag:s16] =	ssyncadd.s32 $0xFFFFC180  }
0x30a: {  	[hbm4b:s31+s2] =	stream.linear.scatter [tilespmem:s18], [sflag:$0x7], $0x4E20, $0x38;
	[tilespmem:$0x13B00] =	vst v63  }
0x30b: {  	_ =	swait.ge [sflag:s6], $0x4E20  }
0x30c: {  	s1 =	sld [smem:$0x7E8]  }
0x30d: {  	[sflag:s6] =	ssyncset.done $0x0  }
0x30e: {  	s31 =	sld [smem:$0x7E9];
	[sflag:s6] =	ssyncadd.s32 $0xFFFFB1E0  }
0x30f: {  	[tilespmem:s8], [sflag:$0x4] =	stream.indirect.gather [hbm4b:s3+s7], $0x3E8, s1, s7, $0xb8;
	[tilespmem:$0x13B00] =	vst v63  }
0x310: {  	_ = 	snop  }
0x311: {  	[tilespmem:s10], [sflag:$0x5] =	stream.indirect.gather [hbm4b:s3+s7], $0x3E8, s31, s7, $0xb8;
	[tilespmem:$0x13B00] =	vst v63  }
0x312: {  	_ =	swait.ge [sflag:s11], $0x3E80  }
0x313: {  	[sflag:s11] =	ssyncset.done $0x0  }
0x314: {  	[sflag:s11] =	ssyncadd.s32 $0xFFFFC180  }
0x315: {  	_ =	swait.ge [sflag:s9], $0x3E80  }
0x316: {  	[sflag:s9] =	ssyncset.done $0x0  }
0x317: {  	s31 =	rddreg [dreg:$0x8];
	[sflag:s9] =	ssyncadd.s32 $0xFFFFC180  }
0x318: {  	[hbm4b:s31+s2] =	stream.linear.scatter [tilespmem:s5], [sflag:$0x6], $0x4E20, $0x38;
	[tilespmem:$0x13B00] =	vst v63  }
0x319: {  	_ =	swait.ge [sflag:s4], $0x4E20  }
0x31a: {  	s1 =	sld [smem:$0x7EA]  }
0x31b: {  	[sflag:s4] =	ssyncset.done $0x0  }
0x31c: {  	[sflag:s4] =	ssyncadd.s32 $0xFFFFB1E0  }
0x31d: {  	[tilespmem:s5], [sflag:$0x1] =	stream.indirect.gather [hbm4b:s3+s7], $0x3E8, s1, s7, $0xb8;
	[tilespmem:$0x13B00] =	vst v63  }
0x31e: {  	_ =	swait.ge [sflag:s12], $0x3E80  }
0x31f: {  	[sflag:s12] =	ssyncset.done $0x0  }
0x320: {  	s31 =	rddreg [dreg:$0x9];
	[sflag:s12] =	ssyncadd.s32 $0xFFFFC180  }
0x321: {  	[hbm4b:s31+s2] =	stream.linear.scatter [tilespmem:s13], [sflag:$0x7], $0x4E20, $0x38;
	[tilespmem:$0x13B00] =	vst v63  }
0x322: {  	_ =	swait.ge [sflag:s6], $0x4E20  }
0x323: {  	s1 =	sld [smem:$0x7EB]  }
0x324: {  	[sflag:s6] =	ssyncset.done $0x0  }
0x325: {  	[sflag:s6] =	ssyncadd.s32 $0xFFFFB1E0  }
0x326: {  	[tilespmem:s19], [sflag:$0x2] =	stream.indirect.gather [hbm4b:s3+s7], $0x3E8, s1, s7, $0xb8;
	[tilespmem:$0x13B00] =	vst v63  }
0x327: {  	_ =	swait.ge [sflag:s15], $0x3E80  }
0x328: {  	[sflag:s15] =	ssyncset.done $0x0  }
0x329: {  	s31 =	rddreg [dreg:$0xa];
	[sflag:s15] =	ssyncadd.s32 $0xFFFFC180  }
0x32a: {  	[hbm4b:s31+s2] =	stream.linear.scatter [tilespmem:s17], [sflag:$0x6], $0x4E20, $0x38;
	[tilespmem:$0x13B00] =	vst v63  }
0x32b: {  	_ =	swait.ge [sflag:s4], $0x4E20  }
0x32c: {  	s1 =	sld [smem:$0x7EC]  }
0x32d: {  	[sflag:s4] =	ssyncset.done $0x0  }
0x32e: {  	[sflag:s4] =	ssyncadd.s32 $0xFFFFB1E0  }
0x32f: {  	[tilespmem:s14], [sflag:$0x3] =	stream.indirect.gather [hbm4b:s3+s7], $0x3E8, s1, s7, $0xb8;
	[tilespmem:$0x13B00] =	vst v63  }
0x330: {  	_ =	swait.ge [sflag:s16], $0x3E80  }
0x331: {  	[sflag:s16] =	ssyncset.done $0x0  }
0x332: {  	s31 =	rddreg [dreg:$0xb];
	[sflag:s16] =	ssyncadd.s32 $0xFFFFC180  }
0x333: {  	[hbm4b:s31+s2] =	stream.linear.scatter [tilespmem:s18], [sflag:$0x7], $0x4E20, $0x38;
	[tilespmem:$0x13B00] =	vst v63  }
0x334: {  	_ =	swait.ge [sflag:s6], $0x4E20  }
0x335: {  	s1 =	sld [smem:$0x7ED]  }
0x336: {  	[sflag:s6] =	ssyncset.done $0x0  }
0x337: {  	s31 =	sld [smem:$0x7EE];
	[sflag:s6] =	ssyncadd.s32 $0xFFFFB1E0  }
0x338: {  	[tilespmem:s8], [sflag:$0x4] =	stream.indirect.gather [hbm4b:s3+s7], $0x3E8, s1, s7, $0xb8;
	[tilespmem:$0x13B00] =	vst v63  }
0x339: {  	_ = 	snop  }
0x33a: {  	[tilespmem:s10], [sflag:$0x5] =	stream.indirect.gather [hbm4b:s3+s7], $0x3E8, s31, s7, $0xb8;
	[tilespmem:$0x13B00] =	vst v63  }
0x33b: {  	_ =	swait.ge [sflag:s11], $0x3E80  }
0x33c: {  	[sflag:s11] =	ssyncset.done $0x0  }
0x33d: {  	[sflag:s11] =	ssyncadd.s32 $0xFFFFC180  }
0x33e: {  	_ =	swait.ge [sflag:s9], $0x3E80  }
0x33f: {  	[sflag:s9] =	ssyncset.done $0x0  }
0x340: {  	s31 =	rddreg [dreg:$0xc];
	[sflag:s9] =	ssyncadd.s32 $0xFFFFC180  }
0x341: {  	[hbm4b:s31+s2] =	stream.linear.scatter [tilespmem:s5], [sflag:$0x6], $0x4E20, $0x38;
	[tilespmem:$0x13B00] =	vst v63  }
0x342: {  	_ =	swait.ge [sflag:s4], $0x4E20  }
0x343: {  	s1 =	sld [smem:$0x7EF]  }
0x344: {  	[sflag:s4] =	ssyncset.done $0x0  }
0x345: {  	[sflag:s4] =	ssyncadd.s32 $0xFFFFB1E0  }
0x346: {  	[tilespmem:s5], [sflag:$0x1] =	stream.indirect.gather [hbm4b:s3+s7], $0x3E8, s1, s7, $0xb8;
	[tilespmem:$0x13B00] =	vst v63  }
0x347: {  	_ =	swait.ge [sflag:s12], $0x3E80  }
0x348: {  	[sflag:s12] =	ssyncset.done $0x0  }
0x349: {  	s31 =	rddreg [dreg:$0xd];
	[sflag:s12] =	ssyncadd.s32 $0xFFFFC180  }
0x34a: {  	[hbm4b:s31+s2] =	stream.linear.scatter [tilespmem:s13], [sflag:$0x7], $0x4E20, $0x38;
	[tilespmem:$0x13B00] =	vst v63  }
0x34b: {  	_ =	swait.ge [sflag:s6], $0x4E20  }
0x34c: {  	s1 =	sld [smem:$0x7F0]  }
0x34d: {  	[sflag:s6] =	ssyncset.done $0x0  }
0x34e: {  	[sflag:s6] =	ssyncadd.s32 $0xFFFFB1E0  }
0x34f: {  	[tilespmem:s19], [sflag:$0x2] =	stream.indirect.gather [hbm4b:s3+s7], $0x3E8, s1, s7, $0xb8;
	[tilespmem:$0x13B00] =	vst v63  }
0x350: {  	_ =	swait.ge [sflag:s15], $0x3E80  }
0x351: {  	[sflag:s15] =	ssyncset.done $0x0  }
0x352: {  	s31 =	rddreg [dreg:$0xe];
	[sflag:s15] =	ssyncadd.s32 $0xFFFFC180  }
0x353: {  	[hbm4b:s31+s2] =	stream.linear.scatter [tilespmem:s17], [sflag:$0x6], $0x4E20, $0x38;
	[tilespmem:$0x13B00] =	vst v63  }
0x354: {  	_ =	swait.ge [sflag:s4], $0x4E20  }
0x355: {  	s1 =	sld [smem:$0x7F1]  }
0x356: {  	[sflag:s4] =	ssyncset.done $0x0  }
0x357: {  	[sflag:s4] =	ssyncadd.s32 $0xFFFFB1E0  }
0x358: {  	[tilespmem:s14], [sflag:$0x3] =	stream.indirect.gather [hbm4b:s3+s7], $0x3E8, s1, s7, $0xb8;
	[tilespmem:$0x13B00] =	vst v63  }
0x359: {  	_ =	swait.ge [sflag:s16], $0x3E80  }
0x35a: {  	[sflag:s16] =	ssyncset.done $0x0  }
0x35b: {  	s31 =	rddreg [dreg:$0xf];
	[sflag:s16] =	ssyncadd.s32 $0xFFFFC180  }
0x35c: {  	[hbm4b:s31+s2] =	stream.linear.scatter [tilespmem:s18], [sflag:$0x7], $0x4E20, $0x38;
	[tilespmem:$0x13B00] =	vst v63  }
0x35d: {  	_ =	swait.ge [sflag:s6], $0x4E20  }
0x35e: {  	s1 =	sld [smem:$0x7F2]  }
0x35f: {  	[sflag:s6] =	ssyncset.done $0x0  }
0x360: {  	s31 =	sld [smem:$0x7F3];
	[sflag:s6] =	ssyncadd.s32 $0xFFFFB1E0  }
0x361: {  	[tilespmem:s8], [sflag:$0x4] =	stream.indirect.gather [hbm4b:s3+s7], $0x3E8, s1, s7, $0xb8;
	[tilespmem:$0x13B00] =	vst v63  }
0x362: {  	_ = 	snop  }
0x363: {  	[tilespmem:s10], [sflag:$0x5] =	stream.indirect.gather [hbm4b:s3+s7], $0x3E8, s31, s7, $0xb8;
	[tilespmem:$0x13B00] =	vst v63  }
0x364: {  	_ =	swait.ge [sflag:s11], $0x3E80  }
0x365: {  	[sflag:s11] =	ssyncset.done $0x0  }
0x366: {  	[sflag:s11] =	ssyncadd.s32 $0xFFFFC180  }
0x367: {  	_ =	swait.ge [sflag:s9], $0x3E80  }
0x368: {  	[sflag:s9] =	ssyncset.done $0x0  }
0x369: {  	s31 =	rddreg [dreg:$0x10];
	[sflag:s9] =	ssyncadd.s32 $0xFFFFC180  }
0x36a: {  	[hbm4b:s31+s2] =	stream.linear.scatter [tilespmem:s5], [sflag:$0x6], $0x4E20, $0x38;
	[tilespmem:$0x13B00] =	vst v63  }
0x36b: {  	_ =	swait.ge [sflag:s4], $0x4E20  }
0x36c: {  	s1 =	sld [smem:$0x7F4]  }
0x36d: {  	[sflag:s4] =	ssyncset.done $0x0  }
0x36e: {  	[sflag:s4] =	ssyncadd.s32 $0xFFFFB1E0  }
0x36f: {  	[tilespmem:s5], [sflag:$0x1] =	stream.indirect.gather [hbm4b:s3+s7], $0x3E8, s1, s7, $0xb8;
	[tilespmem:$0x13B00] =	vst v63  }
0x370: {  	_ =	swait.ge [sflag:s12], $0x3E80  }
0x371: {  	[sflag:s12] =	ssyncset.done $0x0  }
0x372: {  	s31 =	rddreg [dreg:$0x11];
	[sflag:s12] =	ssyncadd.s32 $0xFFFFC180  }
0x373: {  	[hbm4b:s31+s2] =	stream.linear.scatter [tilespmem:s13], [sflag:$0x7], $0x4E20, $0x38;
	[tilespmem:$0x13B00] =	vst v63  }
0x374: {  	_ =	swait.ge [sflag:s6], $0x4E20  }
0x375: {  	s1 =	sld [smem:$0x7F5]  }
0x376: {  	[sflag:s6] =	ssyncset.done $0x0  }
0x377: {  	[sflag:s6] =	ssyncadd.s32 $0xFFFFB1E0  }
0x378: {  	[tilespmem:s19], [sflag:$0x2] =	stream.indirect.gather [hbm4b:s3+s7], $0x3E8, s1, s7, $0xb8;
	[tilespmem:$0x13B00] =	vst v63  }
0x379: {  	_ =	swait.ge [sflag:s15], $0x3E80  }
0x37a: {  	[sflag:s15] =	ssyncset.done $0x0  }
0x37b: {  	s31 =	rddreg [dreg:$0x12];
	[sflag:s15] =	ssyncadd.s32 $0xFFFFC180  }
0x37c: {  	[hbm4b:s31+s2] =	stream.linear.scatter [tilespmem:s17], [sflag:$0x6], $0x4E20, $0x38;
	[tilespmem:$0x13B00] =	vst v63  }
0x37d: {  	_ =	swait.ge [sflag:s4], $0x4E20  }
0x37e: {  	s1 =	sld [smem:$0x7F6]  }
0x37f: {  	[sflag:s4] =	ssyncset.done $0x0  }
0x380: {  	[sflag:s4] =	ssyncadd.s32 $0xFFFFB1E0  }
0x381: {  	[tilespmem:s14], [sflag:$0x3] =	stream.indirect.gather [hbm4b:s3+s7], $0x3E8, s1, s7, $0xb8;
	[tilespmem:$0x13B00] =	vst v63  }
0x382: {  	_ =	swait.ge [sflag:s16], $0x3E80  }
0x383: {  	[sflag:s16] =	ssyncset.done $0x0  }
0x384: {  	s31 =	rddreg [dreg:$0x13];
	[sflag:s16] =	ssyncadd.s32 $0xFFFFC180  }
0x385: {  	[hbm4b:s31+s2] =	stream.linear.scatter [tilespmem:s18], [sflag:$0x7], $0x4E20, $0x38;
	[tilespmem:$0x13B00] =	vst v63  }
0x386: {  	_ =	swait.ge [sflag:s6], $0x4E20  }
0x387: {  	s1 =	sld [smem:$0x7F7]  }
0x388: {  	[sflag:s6] =	ssyncset.done $0x0  }
0x389: {  	s31 =	sld [smem:$0x7F8];
	[sflag:s6] =	ssyncadd.s32 $0xFFFFB1E0  }
0x38a: {  	[tilespmem:s8], [sflag:$0x4] =	stream.indirect.gather [hbm4b:s3+s7], $0x3E8, s1, s7, $0xb8;
	[tilespmem:$0x13B00] =	vst v63  }
0x38b: {  	_ = 	snop  }
0x38c: {  	[tilespmem:s10], [sflag:$0x5] =	stream.indirect.gather [hbm4b:s3+s7], $0x3E8, s31, s7, $0xb8;
	[tilespmem:$0x13B00] =	vst v63  }
0x38d: {  	_ =	swait.ge [sflag:s11], $0x3E80  }
0x38e: {  	[sflag:s11] =	ssyncset.done $0x0  }
0x38f: {  	[sflag:s11] =	ssyncadd.s32 $0xFFFFC180  }
0x390: {  	_ =	swait.ge [sflag:s9], $0x3E80  }
0x391: {  	[sflag:s9] =	ssyncset.done $0x0  }
0x392: {  	s31 =	rddreg [dreg:$0x14];
	[sflag:s9] =	ssyncadd.s32 $0xFFFFC180  }
0x393: {  	[hbm4b:s31+s2] =	stream.linear.scatter [tilespmem:s5], [sflag:$0x6], $0x4E20, $0x38;
	[tilespmem:$0x13B00] =	vst v63  }
0x394: {  	_ =	swait.ge [sflag:s4], $0x4E20  }
0x395: {  	s1 =	sld [smem:$0x7F9]  }
0x396: {  	[sflag:s4] =	ssyncset.done $0x0  }
0x397: {  	[sflag:s4] =	ssyncadd.s32 $0xFFFFB1E0  }
0x398: {  	[tilespmem:s5], [sflag:$0x1] =	stream.indirect.gather [hbm4b:s3+s7], $0x3E8, s1, s7, $0xb8;
	[tilespmem:$0x13B00] =	vst v63  }
0x399: {  	_ =	swait.ge [sflag:s12], $0x3E80  }
0x39a: {  	[sflag:s12] =	ssyncset.done $0x0  }
0x39b: {  	s31 =	rddreg [dreg:$0x15];
	[sflag:s12] =	ssyncadd.s32 $0xFFFFC180  }
0x39c: {  	[hbm4b:s31+s2] =	stream.linear.scatter [tilespmem:s13], [sflag:$0x7], $0x4E20, $0x38;
	[tilespmem:$0x13B00] =	vst v63  }
0x39d: {  	_ =	swait.ge [sflag:s6], $0x4E20  }
0x39e: {  	s1 =	sld [smem:$0x7FA]  }
0x39f: {  	[sflag:s6] =	ssyncset.done $0x0  }
0x3a0: {  	[sflag:s6] =	ssyncadd.s32 $0xFFFFB1E0  }
0x3a1: {  	[tilespmem:s19], [sflag:$0x2] =	stream.indirect.gather [hbm4b:s3+s7], $0x3E8, s1, s7, $0xb8;
	[tilespmem:$0x13B00] =	vst v63  }
0x3a2: {  	_ =	swait.ge [sflag:s15], $0x3E80  }
0x3a3: {  	[sflag:s15] =	ssyncset.done $0x0  }
0x3a4: {  	s31 =	rddreg [dreg:$0x16];
	[sflag:s15] =	ssyncadd.s32 $0xFFFFC180  }
0x3a5: {  	[hbm4b:s31+s2] =	stream.linear.scatter [tilespmem:s17], [sflag:$0x6], $0x4E20, $0x38;
	[tilespmem:$0x13B00] =	vst v63  }
0x3a6: {  	_ =	swait.ge [sflag:s4], $0x4E20  }
0x3a7: {  	s1 =	sld [smem:$0x7FB]  }
0x3a8: {  	[sflag:s4] =	ssyncset.done $0x0  }
0x3a9: {  	[sflag:s4] =	ssyncadd.s32 $0xFFFFB1E0  }
0x3aa: {  	[tilespmem:s14], [sflag:$0x3] =	stream.indirect.gather [hbm4b:s3+s7], $0x3E8, s1, s7, $0xb8;
	[tilespmem:$0x13B00] =	vst v63  }
0x3ab: {  	_ =	swait.ge [sflag:s16], $0x3E80  }
0x3ac: {  	[sflag:s16] =	ssyncset.done $0x0  }
0x3ad: {  	s31 =	rddreg [dreg:$0x17];
	[sflag:s16] =	ssyncadd.s32 $0xFFFFC180  }
0x3ae: {  	[hbm4b:s31+s2] =	stream.linear.scatter [tilespmem:s18], [sflag:$0x7], $0x4E20, $0x38;
	[tilespmem:$0x13B00] =	vst v63  }
0x3af: {  	_ =	swait.ge [sflag:s6], $0x4E20  }
0x3b0: {  	s1 =	sld [smem:$0x7FC]  }
0x3b1: {  	[sflag:s6] =	ssyncset.done $0x0  }
0x3b2: {  	s31 =	sld [smem:$0x7FD];
	[sflag:s6] =	ssyncadd.s32 $0xFFFFB1E0  }
0x3b3: {  	[tilespmem:s8], [sflag:$0x4] =	stream.indirect.gather [hbm4b:s3+s7], $0x3E8, s1, s7, $0xb8;
	[tilespmem:$0x13B00] =	vst v63  }
0x3b4: {  	_ = 	snop  }
0x3b5: {  	[tilespmem:s10], [sflag:$0x5] =	stream.indirect.gather [hbm4b:s3+s7], $0x3E8, s31, s7, $0xb8;
	[tilespmem:$0x13B00] =	vst v63  }
0x3b6: {  	_ =	swait.ge [sflag:s11], $0x3E80  }
0x3b7: {  	[sflag:s11] =	ssyncset.done $0x0  }
0x3b8: {  	[sflag:s11] =	ssyncadd.s32 $0xFFFFC180  }
0x3b9: {  	_ =	swait.ge [sflag:s9], $0x3E80  }
0x3ba: {  	[sflag:s9] =	ssyncset.done $0x0  }
0x3bb: {  	s1 =	rddreg [dreg:$0x18];
	[sflag:s9] =	ssyncadd.s32 $0xFFFFC180  }
0x3bc: {  	[hbm4b:s1+s2] =	stream.linear.scatter [tilespmem:s5], [sflag:$0x6], $0x4E20, $0x38;
	[tilespmem:$0x13B00] =	vst v63  }
0x3bd: {  	_ =	swait.ge [sflag:s4], $0x4E20  }
0x3be: {  	[sflag:s4] =	ssyncset.done $0x0  }
0x3bf: {  	[sflag:s4] =	ssyncadd.s32 $0xFFFFB1E0  }
0x3c0: {  	[tilespmem:s5], [sflag:$0x1] =	stream.indirect.gather [hbm4b:s3+s7], $0x3E8, s22, s7, $0xb8;
	[tilespmem:$0x13B00] =	vst v63  }
0x3c1: {  	_ =	swait.ge [sflag:s12], $0x3E80  }
0x3c2: {  	[sflag:s12] =	ssyncset.done $0x0  }
0x3c3: {  	s22 =	rddreg [dreg:$0x19];
	[sflag:s12] =	ssyncadd.s32 $0xFFFFC180  }
0x3c4: {  	[hbm4b:s22+s2] =	stream.linear.scatter [tilespmem:s13], [sflag:$0x7], $0x4E20, $0x38;
	[tilespmem:$0x13B00] =	vst v63  }
0x3c5: {  	_ =	swait.ge [sflag:s6], $0x4E20  }
0x3c6: {  	[sflag:s6] =	ssyncset.done $0x0  }
0x3c7: {  	[sflag:s6] =	ssyncadd.s32 $0xFFFFB1E0  }
0x3c8: {  	[tilespmem:s19], [sflag:$0x2] =	stream.indirect.gather [hbm4b:s3+s7], $0x3E8, s30, s7, $0xb8;
	[tilespmem:$0x13B00] =	vst v63  }
0x3c9: {  	_ =	swait.ge [sflag:s15], $0x3E80  }
0x3ca: {  	[sflag:s15] =	ssyncset.done $0x0  }
0x3cb: {  	s30 =	rddreg [dreg:$0x1a];
	[sflag:s15] =	ssyncadd.s32 $0xFFFFC180  }
0x3cc: {  	[hbm4b:s30+s2] =	stream.linear.scatter [tilespmem:s17], [sflag:$0x6], $0x4E20, $0x38;
	[tilespmem:$0x13B00] =	vst v63  }
0x3cd: {  	_ =	swait.ge [sflag:s4], $0x4E20  }
0x3ce: {  	[sflag:s4] =	ssyncset.done $0x0  }
0x3cf: {  	[sflag:s4] =	ssyncadd.s32 $0xFFFFB1E0  }
0x3d0: {  	[tilespmem:s14], [sflag:$0x3] =	stream.indirect.gather [hbm4b:s3+s7], $0x3E8, s29, s7, $0xb8;
	[tilespmem:$0x13B00] =	vst v63  }
0x3d1: {  	_ =	swait.ge [sflag:s16], $0x3E80  }
0x3d2: {  	[sflag:s16] =	ssyncset.done $0x0  }
0x3d3: {  	s31 =	rddreg [dreg:$0x1b];
	[sflag:s16] =	ssyncadd.s32 $0xFFFFC180  }
0x3d4: {  	[hbm4b:s31+s2] =	stream.linear.scatter [tilespmem:s18], [sflag:$0x7], $0x4E20, $0x38;
	[tilespmem:$0x13B00] =	vst v63  }
0x3d5: {  	_ =	swait.ge [sflag:s6], $0x4E20  }
0x3d6: {  	[sflag:s6] =	ssyncset.done $0x0  }
0x3d7: {  	[sflag:s6] =	ssyncadd.s32 $0xFFFFB1E0  }
0x3d8: {  	[tilespmem:s8], [sflag:$0x4] =	stream.indirect.gather [hbm4b:s3+s7], $0x3E8, s26, s7, $0xb8;
	[tilespmem:$0x13B00] =	vst v63  }
0x3d9: {  	_ = 	snop  }
0x3da: {  	[tilespmem:s10], [sflag:$0x5] =	stream.indirect.gather [hbm4b:s3+s7], $0x3E8, s28, s7, $0xb8;
	[tilespmem:$0x13B00] =	vst v63  }
0x3db: {  	_ =	swait.ge [sflag:s11], $0x3E80  }
0x3dc: {  	[sflag:s11] =	ssyncset.done $0x0  }
0x3dd: {  	[sflag:s11] =	ssyncadd.s32 $0xFFFFC180  }
0x3de: {  	_ =	swait.ge [sflag:s9], $0x3E80  }
0x3df: {  	[sflag:s9] =	ssyncset.done $0x0  }
0x3e0: {  	s1 =	rddreg [dreg:$0x1c];
	[sflag:s9] =	ssyncadd.s32 $0xFFFFC180  }
0x3e1: {  	[hbm4b:s1+s2] =	stream.linear.scatter [tilespmem:s5], [sflag:$0x6], $0x4E20, $0x38;
	[tilespmem:$0x13B00] =	vst v63  }
0x3e2: {  	_ =	swait.ge [sflag:s4], $0x4E20  }
0x3e3: {  	[sflag:s4] =	ssyncset.done $0x0  }
0x3e4: {  	[sflag:s4] =	ssyncadd.s32 $0xFFFFB1E0  }
0x3e5: {  	[tilespmem:s5], [sflag:$0x1] =	stream.indirect.gather [hbm4b:s3+s7], $0x3E8, s25, s7, $0xb8;
	[tilespmem:$0x13B00] =	vst v63  }
0x3e6: {  	_ =	swait.ge [sflag:s12], $0x3E80  }
0x3e7: {  	[sflag:s12] =	ssyncset.done $0x0  }
0x3e8: {  	s22 =	rddreg [dreg:$0x1d];
	[sflag:s12] =	ssyncadd.s32 $0xFFFFC180  }
0x3e9: {  	[hbm4b:s22+s2] =	stream.linear.scatter [tilespmem:s13], [sflag:$0x7], $0x4E20, $0x38;
	[tilespmem:$0x13B00] =	vst v63  }
0x3ea: {  	_ =	swait.ge [sflag:s6], $0x4E20  }
0x3eb: {  	[sflag:s6] =	ssyncset.done $0x0  }
0x3ec: {  	[sflag:s6] =	ssyncadd.s32 $0xFFFFB1E0  }
0x3ed: {  	[tilespmem:s19], [sflag:$0x2] =	stream.indirect.gather [hbm4b:s3+s7], $0x3E8, s24, s7, $0xb8;
	[tilespmem:$0x13B00] =	vst v63  }
0x3ee: {  	_ =	swait.ge [sflag:s15], $0x3E80  }
0x3ef: {  	[sflag:s15] =	ssyncset.done $0x0  }
0x3f0: {  	s24 =	rddreg [dreg:$0x1e];
	[sflag:s15] =	ssyncadd.s32 $0xFFFFC180  }
0x3f1: {  	[hbm4b:s24+s2] =	stream.linear.scatter [tilespmem:s17], [sflag:$0x6], $0x4E20, $0x38;
	[tilespmem:$0x13B00] =	vst v63  }
0x3f2: {  	_ =	swait.ge [sflag:s4], $0x4E20  }
0x3f3: {  	[sflag:s4] =	ssyncset.done $0x0  }
0x3f4: {  	[sflag:s4] =	ssyncadd.s32 $0xFFFFB1E0  }
0x3f5: {  	[tilespmem:s14], [sflag:$0x3] =	stream.indirect.gather [hbm4b:s3+s7], $0x3E8, s23, s7, $0xb8;
	[tilespmem:$0x13B00] =	vst v63  }
0x3f6: {  	_ =	swait.ge [sflag:s16], $0x3E80  }
0x3f7: {  	[sflag:s16] =	ssyncset.done $0x0  }
0x3f8: {  	s25 =	rddreg [dreg:$0x1f];
	[sflag:s16] =	ssyncadd.s32 $0xFFFFC180  }
0x3f9: {  	[hbm4b:s25+s2] =	stream.linear.scatter [tilespmem:s18], [sflag:$0x7], $0x4E20, $0x38;
	[tilespmem:$0x13B00] =	vst v63  }
0x3fa: {  	_ =	swait.ge [sflag:s6], $0x4E20  }
0x3fb: {  	[sflag:s6] =	ssyncset.done $0x0  }
0x3fc: {  	[sflag:s6] =	ssyncadd.s32 $0xFFFFB1E0  }
0x3fd: {  	[tilespmem:s8], [sflag:$0x4] =	stream.indirect.gather [hbm4b:s3+s7], $0x3E8, s21, s7, $0xb8;
	[tilespmem:$0x13B00] =	vst v63  }
0x3fe: {  	s26 =	simm.s32 $0x270  }
0x3ff: {  	[tilespmem:s10], [sflag:$0x5] =	stream.indirect.gather [hbm4b:s3+s7], $0x3E8, s26, s7, $0xb8;
	[tilespmem:$0x13B00] =	vst v63  }
0x400: {  	_ =	swait.ge [sflag:s11], $0x3E80  }
0x401: {  	[sflag:s11] =	ssyncset.done $0x0  }
0x402: {  	[sflag:s11] =	ssyncadd.s32 $0xFFFFC180  }
0x403: {  	_ =	swait.ge [sflag:s9], $0x3E80  }
0x404: {  	s28 =	sld [smem:$0x7DE]  }
0x405: {  	[sflag:s9] =	ssyncset.done $0x0  }
0x406: {  	[sflag:s9] =	ssyncadd.s32 $0xFFFFC180  }
0x407: {  	[hbm4b:s28+s2] =	stream.linear.scatter [tilespmem:s5], [sflag:$0x6], $0x4E20, $0x38;
	[tilespmem:$0x13B00] =	vst v63  }
0x408: {  	_ =	swait.ge [sflag:s12], $0x3E80  }
0x409: {  	s29 =	sld [smem:$0x7DF]  }
0x40a: {  	[sflag:s12] =	ssyncset.done $0x0  }
0x40b: {  	[sflag:s12] =	ssyncadd.s32 $0xFFFFC180  }
0x40c: {  	[hbm4b:s29+s2] =	stream.linear.scatter [tilespmem:s13], [sflag:$0x7], $0x4E20, $0x38;
	[tilespmem:$0x13B00] =	vst v63  }
0x40d: {  	_ =	swait.ge [sflag:s15], $0x3E80  }
0x40e: {  	s30 =	sld [smem:$0x7E0]  }
0x40f: {  	[sflag:s15] =	ssyncset.done $0x0  }
0x410: {  	[sflag:s15] =	ssyncadd.s32 $0xFFFFC180  }
0x411: {  	[hbm4b:s30+s2] =	stream.linear.scatter [tilespmem:s17], [sflag:$0x6], $0x4E20, $0x38;
	[tilespmem:$0x13B00] =	vst v63  }
0x412: {  	_ =	swait.ge [sflag:s16], $0x3E80  }
0x413: {  	s31 =	sld [smem:$0x7E1]  }
0x414: {  	[sflag:s16] =	ssyncset.done $0x0  }
0x415: {  	[sflag:s16] =	ssyncadd.s32 $0xFFFFC180  }
0x416: {  	[hbm4b:s31+s2] =	stream.linear.scatter [tilespmem:s18], [sflag:$0x7], $0x4E20, $0x38;
	[tilespmem:$0x13B00] =	vst v63  }
0x417: {  	_ =	swait.ge [sflag:s4], $0x4E20  }
0x418: {  	[sflag:s4] =	ssyncset.done $0x0  }
0x419: {  	[sflag:s4] =	ssyncadd.s32 $0xFFFFB1E0  }
0x41a: {  	_ =	swait.ge [sflag:s6], $0x4E20  }
0x41b: {  	[sflag:s6] =	ssyncset.done $0x0  }
0x41c: {  	[sflag:s6] =	ssyncadd.s32 $0xFFFFB1E0  }
0x41d: {  	_ =	swait.ge [sflag:s4], $0x4E20  }
0x41e: {  	[sflag:s4] =	ssyncset.done $0x0  }
0x41f: {  	[sflag:s4] =	ssyncadd.s32 $0xFFFFB1E0  }
0x420: {  	_ =	swait.ge [sflag:s6], $0x4E20  }
0x421: {  	[sflag:s6] =	ssyncset.done $0x0  }
0x422: {  	[sflag:s6] =	ssyncadd.s32 $0xFFFFB1E0  }
0x423: {  	_ =	sfence.sel $0x180000  }
0x424: {  	[bflag:$0x0] =	sbarrier.arrive $0xFFFF  }
0x425: {  	_ =	strace $0x90000047  }
0x426: {  	[bflag:$0x2] =	sbarrier.arrive $0xFFFF  }
0x427: {  	p0 =	sne.s32 s20, $0x0;
	s0 =	rddreg [dreg:$0x2]  }
0x428: {  	s0 =	sadd.s32 @!p0 $0x100000, s0  }
0x429: {  	[sflag:s0] =	ssyncadd.tile.s32 @!p0 $0x1;
	_ =	shalt  }
.LBB2_1:
.Ltmp3:
0x42a: {  	(pc) =	sbr.rel .LBB2_6-.Ltmp3, $4  }
0x42b: {  	_ = 	snop  }
0x42c: {  	s22 =	simm.s32 $0x1E0;
	s30 =	simm.s32 $0x1F0;
	s29 =	simm.s32 $0x200  }
0x42d: {  	s28 =	simm.s32 $0x220;
	s26 =	simm.s32 $0x210;
	s25 =	simm.s32 $0x230  }
0x42e: {  	s24 =	simm.s32 $0x240;
	s23 =	simm.s32 $0x250;
	s21 =	simm.s32 $0x260  }
.LBB2_3:
.Ltmp4:
0x42f: {  	(pc) =	sbr.rel .LBB2_6-.Ltmp4, $4  }
0x430: {  	s22 =	simm.s32 $0x1E0  }
0x431: {  	s30 =	simm.s32 $0x1F0;
	s29 =	simm.s32 $0x200;
	s28 =	simm.s32 $0x220  }
0x432: {  	s26 =	simm.s32 $0x210;
	s25 =	simm.s32 $0x230;
	s24 =	simm.s32 $0x240  }
0x433: {  	s23 =	simm.s32 $0x250;
	s21 =	simm.s32 $0x260;
	s20 =	stileid.u32  }
.Lfunc_end2:
_tile_overlayer_lowered:
.L_overlay_start_2:
0x434: {  	(tag) =	ssettag $0x2  }
0x435: {  	s0 =	rddreg [dreg:$0x0];
	s2 =	stileid.u32  }
0x436: {  	s1 =	rddreg [dreg:$0x1];
	p0 =	sne.s32 s2, $0x0  }
0x437: {  	s3 =	rddreg [dreg:$0x2];
	[bflag:$0x3] =	sbarrier.arrive $0xFFFF;
	s2 =	simm.s32 @!p0 $0x1C08  }
0x438: {  	[timem:s3], [sflag:s2] =	dma.local @!p0 [hbm:s0], s1  }
0x439: {  	s0 =	simm.s32 @!p0 $0x8  }
0x43a: {  	_ =	swait.ge @!p0 [sflag:s0], s1  }
0x43b: {  	s1 =	ssub.s32 @!p0 $0x0, s1;
	[sflag:s0] =	ssyncset.done @!p0 $0x0  }
0x43c: {  	[sflag:s0] =	ssyncadd.s32 @!p0 s1  }
0x43d: {  	[bflag:$0x3] =	sbarrier.arrive $0xFFFF  }
0x43e: {  	_ =	shalt  }

// kernel: sparse-core-data-format-call.cloned.1.call-start
scs
called_computation_lowered:
.L_overlay_start_0:
0x0: {  	s2 =	sld [smem:$0x3FD9]  }
0x1: {  	s3 =	sld [smem:$0x3FFE];
	_ =	sdelay $0x1  }
0x2: {  	s1 =	srdreg.scid  }
0x3: {  	s0 =	sand.u32 $0x1, s1  }
0x4: {  	s18 =	sshll.u32 s0, $0xA;
	s2 =	sadd.s32 s3, s2  }
0x5: {  	s2 =	sadd.s32 s2, s18  }
0x6: {  	[smem:$0x3FC6] =	sst s2  }
0x7: {  	_ = 	snop  }
0x8: {  	s2 =	sld [smem:$0x3FD0];
	(tm) =	ssettm $0x1  }
0x9: {  	s19 =	sld [smem:$0x3FFB];
	_ =	sdelay $0x3  }
0xa: {  	_ =	strace s19  }
0xb: {  	s3 =	sld [smem:$0x3FFC];
	_ =	sdelay $0x3  }
0xc: {  	_ =	strace s3  }
0xd: {  	s3 =	sld [smem:$0x3FFD];
	_ =	sdelay $0x3  }
0xe: {  	_ =	strace s3  }
0xf: {  	_ =	strace $0x8FFFFFFF  }
0x10: {  	s20 =	sld [smem:$0x3FDB];
	_ =	sdelay $0x1  }
0x11: {  	s4 =	simm.s32 $_scs_section_size  }
0x12: {  	s5 =	simm.s32 $_size__tile_overlayer_lowered;
	s6 =	simm.s32 $_tile_overlayer_lowered  }
0x13: {  	s23 =	simm.s32 $0x1BFF;
	s22 =	sshll.u32 s6, $0x1;
	s3 =	sadd.s32 s4, s20  }
0x14: {  	s7 =	simm.s32 $0x0;
	s21 =	sshll.u32 s5, $0x1;
	s5 =	sadd.s32 s22, s3  }
0x15: {  	[timem:s7], [sflag:s23] =	dma.local [hbm:s5], s21  }
0x16: {  	_ =	swait.ge [sflag:s23], s21  }
0x17: {  	s4 =	ssub.s32 $0x0, s21;
	[sflag:s23] =	ssyncset.done $0x0  }
0x18: {  	[sflag:s23] =	ssyncadd.s32 s4;
	_ =	sdelay $0x1  }
0x19: {  	s24 =	simm.s32 $0x1B8B  }
0x1a: {  	_ =	swait.ge [sflag:s24], $0x1  }
0x1b: {  	[sflag:s24] =	ssyncset.done $0x0  }
0x1c: {  	s26 =	simm.s32 $0x1B8E;
	s25 =	sld [smem:$0x3FFE];
	[sflag:s24] =	ssyncadd.s32 $0xFFFFFFFF  }
0x1d: {  	s27 =	simm.s32 $execute0_lowered;
	[smem:$0x3FD2] =	sst s26  }
0x1e: {  	s5 =	sshll.u32 s27, $0x1;
	_ =	strace $0x80000049;
	[dreg:$0x1] =	wrdreg $0xFFFFFFFF  }
0x1f: {  	s28 =	simm.s32 $_size_execute0_lowered;
	s3 =	sadd.s32 s3, s5;
	[dreg:$0x0] =	wrdreg $0x0  }
0x20: {  	s5 =	sshll.u32 s28, $0x1;
	[dreg:$0x2] =	wrdreg s3  }
0x21: {  	[dreg:$0x3] =	wrdreg s5  }
0x22: {  	[dreg:$0x4] =	wrdreg $0xC0  }
0x23: {  	_ =	task [dreg:s7], $0x5FFFF  }
0x24: {  	[dreg:$0x1] =	wrdreg $0xFFFFFFFF  }
0x25: {  	[dreg:$0x0] =	wrdreg $0x60  }
0x26: {  	[dreg:$0x2] =	wrdreg s25  }
0x27: {  	[dreg:$0x3] =	wrdreg s2  }
0x28: {  	[dreg:$0x4] =	wrdreg $0x9  }
0x29: {  	_ =	task.clear_ibuf [dreg:s7], $0x5FFFF;
	_ =	strace $0x90000049  }
0x2a: {  	s29 =	simm.s32 $0x9;
	_ =	strace $0x8000004B  }
0x2b: {  	_ =	swait.ge [sflag:s29], $0x1  }
0x2c: {  	[sflag:s29] =	ssyncadd.s32 $0xFFFFFFFF  }
0x2d: {  	_ =	strace $0x9000004B  }
0x2e: {  	_ =	sfence  }
0x2f: {  	s30 =	sld [smem:$0x0];
	_ =	sdelay $0x2  }
0x30: {  	s31 =	sshll.u32 s1, $0xD;
	s1 =	sshrl.u32 s1, $0x2  }
0x31: {  	s3 =	sand.u32 $0x4000, s31;
	s1 =	sadd.s32 s1, s30  }
0x32: {  	s0 =	sor.u32 s3, s0;
	s1 =	sshll.u32 s1, $0x11  }
0x33: {  	s0 =	sor.u32 s1, s0  }
0x34: {  	s0 =	sadd.s32 $0x8F2B, s0  }
0x35: {  	[sflag:s0] =	ssyncadd.remote.s32 $0x1  }
0x36: {  	_ =	sfence.sel $0xFFFF  }
0x37: {  	[dreg:$0x0] =	wrdreg $0xFFFFFFFF;
	(pc) =	sbr.abs _section_cstart, $3  }
0x38: {  	[dreg:$0x1] =	wrdreg $0xFFFFFFFF  }
0x39: {  	_ =	task.clear_ibuf [dreg:s7], $0x2FFFF;
	_ =	strace $0x9FFFFFFF  }
0x3a: {  	(tm) =	ssettm $0x7FFFFFFF  }
0x3b: {  	_ =	shalt  }
tec
execute0_lowered:
.L_overlay_start_1:
0x0: {  	(tag) =	ssettag $0x1  }
0x1: {  	s4 =	rddreg [dreg:$0x0]  }
0x2: {  	s0 =	stileid.u32;
	s2 =	rddreg [dreg:$0x1]  }
0x3: {  	s7 =	srdreg.scid;
	s31 =	simm.s32 $0x2;
	s17 =	simm.s32 $0x0  }
0x4: {  	s9 =	simm.s32 $0x2000;
	s19 =	simm.s32 $0x0;
	s18 =	simm.s32 $0x0  }
0x5: {  	s10 =	simm.s32 $0x0;
	s11 =	simm.s32 $0x0;
	s1 =	sshll.u32 s0, $0x7  }
0x6: {  	s12 =	simm.s32 $0x0;
	s14 =	simm.s32 $0x0;
	s3 =	sand.u32 $0x380, s1  }
0x7: {  	s16 =	simm.s32 $0x0;
	s4 =	sadd.s32 $0x800, s4;
	s5 =	ssub.s32 $0x400, s3  }
0x8: {  	s8 =	sshll.u32 s0, $0x4;
	s7 =	sshll.u32 s7, $0x8;
	s6 =	sand.u32 $0x380, s5  }
0x9: {  	s1 =	rddreg [dreg:$0x2];
	p0 =	sne.s32 s6, $0x0;
	s6 =	simm.s32 $0x1  }
.Ltmp0:
0xa: {  	s5 =	sshrl.u32 s5, $0xA;
	s6 =	simm.s32 @!p0 $0x0;
	(pc) =	sbr.rel .LBB1_1-.Ltmp0, $4  }
0xb: {  	_ =	strace $0x8000004A;
	s7 =	sor.u32 s8, s7;
	s6 =	sadd.s32 s6, s5  }
0xc: {  	s7 =	sand.u32 $0x180, s7;
	s5 =	simm.s32 $0x1;
	s6 =	smul.u32 $0x28, s6  }
0xd: {  	s15 =	smov.u32 s3;
	s13 =	smov.u32 s7;
	[sflag:s5] =	ssyncpa.u1 $0x0  }
0xe: {  	p0 =	por $0x0, $0x0;
	[sflag:s31] =	ssyncpa.u1 $0x0;
	s8 =	sor.u32 $0x1, s6  }
.LBB1_4:
0xf: {  	s25 =	sshll.u32 s10, $0xA;
	s24 =	sshra.s32 s24, $0x2;
	s26 =	sshll.u32 s12, $0x3  }
0x10: {  	p1 =	sgt.s32 s11, $0x13;
	s27 =	smov.u32 s11;
	s28 =	sshra.s32 s11, $0x1F  }
0x11: {  	p2 =	sgt.s32 s12, $0x380;
	s31 =	sshra.s32 s12, $0x1F;
	s25 =	sand.u32 $0xFFFFE000, s25  }
0x12: {  	s26 =	sand.u32 $0xFFFFFC00, s26;
	s27 =	simm.s32 @!p1 $0x13;
	s28 =	sand.u32 s28, s11  }
0x13: {  	[tilespmem:s22+$0x2040 ss:$0x81] =	vst.msk $0xffff, v4;
	s23 =	sadd.s32 s24, s23;
	s29 =	sadd.s32 s26, s25;
	s25 =	ssub.s32 s27, s28  }
0x14: {  	[tilespmem:s22+$0x2850 ss:$0x81] =	vst.msk $0xffff, v3;
	s27 =	smov.u32 s12;
	s28 =	smov.u32 s10;
	s26 =	sand.u32 s31, s12  }
0x15: {  	[tilespmem:s22+$0x3060 ss:$0x81] =	vst.msk $0xffff, v2;
	s24 =	sshrl.u32 s29, $0xA;
	s30 =	sadd.s32 $0xFFFFFFED, s25;
	s27 =	simm.s32 @!p2 $0x380  }
0x16: {  	v5 =	vld [tilespmem:s21+$0xFFFFFFD0];
	[tilespmem:s22+$0x0 ss:$0x81] =	vst.msk $0xffff, v1;
	p2 =	sgt.s32 s10, $0x368;
	s29 =	sshra.s32 s10, $0x1F;
	s22 =	ssub.s32 $0x14, s25  }
0x17: {  	v58 =	vld [tilespmem:s21+$0xFFFFFFE0];
	p1 =	sgt.s32 s30, $0x0;
	s28 =	simm.s32 @!p2 $0x368;
	s29 =	sand.u32 s29, s10  }
0x18: {  	v59 =	vld [tilespmem:s21+$0xFFFFFFF0];
	s26 =	ssub.s32 s27, s26;
	s27 =	smulhi.u32 $0x418938, s24;
	s28 =	ssub.s32 s28, s29  }
0x19: {  	v60 =	vld [tilespmem:s21+$0x0];
	s30 =	sadd.s32 $0xFFFFFC80, s26;
	s25 =	ssub.s32 $0x400, s26;
	s22 =	simm.s32 @p1 $0x0  }
0x1a: {  	v61 =	vld [tilespmem:s21+$0x10];
	[tilespmem:s23+$0x3870 ss:$0x81] =	vst.msk $0xffff, v0;
	s29 =	sand.u32 $0x78, s12;
	p2 =	sgt.s32 s30, $0x7F;
	s31 =	sadd.s32 $0xFFFFFC98, s28  }
0x1b: {  	v62 =	vld [tilespmem:s21+$0x20];
	[tilespmem:s23+$0x810 ss:$0x81] =	vst.msk $0xffff, v5;
	s27 =	smul.u32 $0x3E8, s27;
	s30 =	sshll.u32 s10, $0x7;
	s28 =	ssub.s32 $0x3E8, s28  }
0x1c: {  	v63 =	vld [tilespmem:s21+$0xFFFFFFC0];
	[tilespmem:s23+$0x1020 ss:$0x81] =	vst.msk $0xffff, v58;
	s25 =	simm.s32 @p2 $0x0;
	p1 =	sgt.s32 s31, $0x7F;
	s31 =	smul.u32 $0x1F400, s11  }
0x1d: {  	[tilespmem:s23+$0x1830 ss:$0x81] =	vst.msk $0xffff, v59;
	s21 =	sand.u32 $0x380, s30;
	s22 =	smul.u32 s25, s22;
	s28 =	simm.s32 @p1 $0x0  }
0x1e: {  	[tilespmem:s23+$0x2040 ss:$0x81] =	vst.msk $0xffff, v60;
	s21 =	sor.u32 s29, s21;
	s24 =	ssub.s32 s24, s27;
	s29 =	sand.u32 $0x7, s12  }
0x1f: {  	[tilespmem:s23+$0x2850 ss:$0x81] =	vst.msk $0xffff, v61;
	s21 =	sshrl.u32 s21, $0x3;
	s25 =	sadd.s32 s2, s31;
	s22 =	smul.u32 s28, s22  }
0x20: {  	[tilespmem:s23+$0x3060 ss:$0x81] =	vst.msk $0xffff, v62;
	s24 =	sshll.u32 s24, $0x7;
	s30 =	sshll.u32 s29, $0x12;
	s21 =	sadd.s32 s21, s25  }
0x21: {  	[tilespmem:s23+$0x0 ss:$0x81] =	vst.msk $0xffff, v63;
	s31 =	sor.u32 $0x400, s30;
	s21 =	sadd.s32 s24, s21;
	s22 =	sand.u32 $0x3FFFFFFF, s22  }
0x22: {  	[hbm4b:s21+s31] =	stream.strided.scatter [tilespmem:s20], [sflag:$0x2], s22, s9, s31, $0x20;
	[tilespmem:$0x10100] =	vst v63  }
.LBB1_5:
0x23: {  	p1 =	slt.u32 s16, $0x2  }
0x24: {  	p2 =	sgt.s32 @!p1 s19, $0x13  }
0x25: {  	s20 =	smov.u32 s19;
	s21 =	sshra.s32 @!p1 s19, $0x1F;
	p2 =	por !p2, p1  }
0x26: {  	s19 =	sand.u32 @!p1 s21, s19;
	s20 =	simm.s32 @p2 $0x13  }
0x27: {  	p3 =	sgt.s32 @!p1 s17, $0x368;
	s19 =	ssub.s32 @!p1 s20, s19  }
0x28: {  	p4 =	sgt.s32 @!p1 s18, $0x380;
	s22 =	sshra.s32 @!p1 s18, $0x1F;
	s20 =	sadd.s32 @!p1 $0xFFFFFFED, s19  }
0x29: {  	s21 =	smov.u32 s17;
	p2 =	sgt.s32 @!p1 s20, $0x0;
	s20 =	sshra.s32 @!p1 s17, $0x1F  }
0x2a: {  	p4 =	por !p4, p1;
	s17 =	sand.u32 @!p1 s20, s17;
	s20 =	smov.u32 s18  }
0x2b: {  	p3 =	por !p3, p1;
	s18 =	sand.u32 @!p1 s22, s18;
	s20 =	simm.s32 @p4 $0x380  }
0x2c: {  	s21 =	simm.s32 @p3 $0x368;
	s19 =	ssub.s32 @!p1 $0x14, s19;
	s18 =	ssub.s32 @!p1 s20, s18  }
0x2d: {  	p2 =	por !p2, p1;
	s17 =	ssub.s32 @!p1 s21, s17;
	s21 =	sadd.s32 @!p1 $0xFFFFFC80, s18  }
0x2e: {  	s19 =	simm.s32 @!p2 $0x0;
	p3 =	sgt.s32 @!p1 s21, $0x7F  }
0x2f: {  	s20 =	sadd.s32 @!p1 $0xFFFFFC98, s17;
	s18 =	ssub.s32 @!p1 $0x400, s18;
	p3 =	por !p3, p1  }
0x30: {  	p2 =	sgt.s32 @!p1 s20, $0x7F;
	s20 =	sadd.s32 $0x200, s13;
	s18 =	simm.s32 @!p3 $0x0  }
0x31: {  	p3 =	sgt.s32 s20, $0x3E7;
	s18 =	smul.u32 @!p1 s18, s19;
	s19 =	simm.s32 $0x1  }
0x32: {  	s17 =	ssub.s32 @!p1 $0x3E8, s17;
	p2 =	por !p2, p1;
	s19 =	simm.s32 @!p3 $0x0  }
0x33: {  	s22 =	smov.u32 s15;
	s17 =	simm.s32 @!p2 $0x0;
	s21 =	sadd.s32 s19, s14  }
0x34: {  	s17 =	smul.u32 @!p1 s17, s18;
	s18 =	sadd.s32 $0x400, s15;
	p2 =	sgt.s32 s21, $0x13  }
0x35: {  	p0 =	por !p0, !p0;
	s23 =	simm.s32 @!p1 $0x2;
	s22 =	smov.u32 @p2 s18  }
0x36: {  	s20 =	smov.u32 @p3 s7;
	s21 =	simm.s32 @p2 $0x0;
	p2 =	sgt.s32 s22, $0x3FF  }
0x37: {  	s19 =	smov.u32 s11;
	s22 =	smov.u32 @p2 s3;
	p2 =	sne.s32 s16, s8  }
.Ltmp1:
0x38: {  	s11 =	smov.u32 s14;
	s17 =	sand.u32 @!p1 $0x3FFFFFFF, s17;
	(pc) =	sbr.rel @!p2 .LBB1_6-.Ltmp1, $4  }
0x39: {  	s18 =	smov.u32 s12;
	s12 =	smov.u32 s15;
	_ =	swait.ge @!p1 [sflag:s23], s17  }
0x3a: {  	s24 =	ssub.s32 @!p1 $0x0, s17;
	s17 =	smov.u32 s10;
	s10 =	smov.u32 s13  }
0x3b: {  	s13 =	smov.u32 s20;
	s14 =	smov.u32 s21;
	[sflag:s23] =	ssyncset.done @!p1 $0x0  }
0x3c: {  	s16 =	sadd.s32 $0x1, s16;
	[sflag:s23] =	ssyncadd.s32 @!p1 s24;
	s15 =	smov.u32 s22  }
.LBB1_1:
0x3d: {  	p1 =	sge.u32 s16, s6  }
0x3e: {  	s20 =	sshll.u32 @!p1 s14, $0xA  }
0x3f: {  	s21 =	sshll.u32 @!p1 s13, $0x3;
	s20 =	sand.u32 @!p1 $0xFFFFE000, s20  }
0x40: {  	s20 =	sadd.s32 @!p1 s20, s21  }
0x41: {  	s20 =	sshrl.u32 @!p1 s20, $0xA  }
0x42: {  	s21 =	smulhi.u32 @!p1 $0xAAAAAAB, s20  }
0x43: {  	s22 =	sshll.u32 @!p1 s14, $0x7;
	s24 =	smul.u32 @!p1 $0xC00, s15  }
0x44: {  	s23 =	sand.u32 @!p1 $0x78, s13;
	s22 =	sand.u32 @!p1 $0x380, s22;
	s21 =	smul.u32 @!p1 $0x18, s21  }
0x45: {  	s31 =	sadd.s32 $0xFFFFFFFF, s16;
	s22 =	sor.u32 @!p1 s23, s22;
	s23 =	sadd.s32 @!p1 s4, s24  }
0x46: {  	s22 =	sshrl.u32 @!p1 s22, $0x3;
	s20 =	ssub.s32 @!p1 s20, s21;
	s21 =	sxor.u32 @!p1 $0xFFFFFFFF, s16  }
0x47: {  	s22 =	sadd.s32 @!p1 s22, s23;
	s23 =	sand.u32 @!p1 $0x7, s13;
	s21 =	sshll.u32 @!p1 s21, $0xE  }
0x48: {  	s23 =	sshll.u32 @!p1 s23, $0x12;
	s20 =	sshll.u32 @!p1 s20, $0x7;
	s21 =	sand.u32 @!p1 $0x4000, s21  }
0x49: {  	s20 =	sadd.s32 @!p1 s20, s22;
	s22 =	sor.u32 @!p1 $0x80, s23;
	s23 =	simm.s32 @!p1 $0x6000  }
0x4a: {  	[tilespmem:s21], [sflag:$0x1] =	stream.strided.gather @!p1 [hbm4b:s20+s22], $0x4000, s23, s22, $0x38;
	[tilespmem:$0x10100] =	vst v63  }
0x4b: {  	p1 =	sge.u32 s31, s6  }
.Ltmp2:
0x4c: {  	_ = 	snop;
	(pc) =	sbr.rel @p1 .LBB1_5-.Ltmp2, $1  }
0x4d: {  	_ =	sdelay $0x3  }
0x4e: {  	s20 =	simm.s32 $0x1  }
0x4f: {  	_ =	swait.ge [sflag:s5], $0x4000;
	s20 =	simm.s32 @!p0 $0x0  }
0x50: {  	[sflag:s5] =	ssyncset.done $0x0;
	s21 =	sshll.u32 s20, $0xE  }
0x51: {  	[sflag:s5] =	ssyncadd.s32 $0xFFFFC000;
	s21 =	sor.u32 $0x40, s21  }
0x52: {  	s20 =	smul.u32 $0x10200, s20;
	v0 =	vld [tilespmem:s21+$0x30]  }
0x53: {  	v1 =	vld [tilespmem:s21+$0xFFFFFFD0]  }
0x54: {  	s20 =	sshrl.u32 s20, $0x2;
	v5 =	vld [tilespmem:s21+$0xFFFFFFE0]  }
0x55: {  	v6 =	vld [tilespmem:s21+$0xFFFFFFF0];
	s23 =	sor.u32 $0x8000, s20  }
0x56: {  	s31 =	sand.u32 $0x1, s16;
	v4 =	vld [tilespmem:s21+$0x0];
	s22 =	sadd.s32 $0x0, s23  }
0x57: {  	v3 =	vld [tilespmem:s21+$0x10];
	s20 =	smul.u32 $0x10200, s31;
	[tilespmem:s22+$0x3870 ss:$0x81] =	vst.msk $0xffff, v0  }
0x58: {  	v2 =	vld [tilespmem:s21+$0x20];
	[tilespmem:s22+$0x810 ss:$0x81] =	vst.msk $0xffff, v1  }
0x59: {  	s20 =	sshrl.u32 s20, $0x2;
	v1 =	vld [tilespmem:s21+$0xFFFFFFC0];
	[tilespmem:s22+$0x1020 ss:$0x81] =	vst.msk $0xffff, v5;
	s21 =	sadd.s32 $0x80, s21  }
0x5a: {  	s24 =	simm.s32 $0x4;
	s25 =	simm.s32 $0x8;
	s20 =	sor.u32 $0x8000, s20;
	[tilespmem:s22+$0x1830 ss:$0x81] =	vst.msk $0xffff, v6;
	v0 =	vld [tilespmem:s21+$0x30]  }
.LBB1_3:
0x5b: {  	p1 =	sne.s32 s25, $0x1FC;
	v5 =	vld [tilespmem:s21+$0xFFFFFFD0];
	[tilespmem:s22+$0x2040 ss:$0x81] =	vst.msk $0xffff, v4  }
0x5c: {  	v6 =	vld [tilespmem:s21+$0xFFFFFFE0];
	[tilespmem:s22+$0x2850 ss:$0x81] =	vst.msk $0xffff, v3  }
0x5d: {  	s26 =	sshra.s32 s24, $0x2;
	s24 =	smov.u32 s25;
	v7 =	vld [tilespmem:s21+$0xFFFFFFF0];
	[tilespmem:s22+$0x3060 ss:$0x81] =	vst.msk $0xffff, v2  }
.Ltmp3:
0x5e: {  	v4 =	vld [tilespmem:s21+$0x0];
	[tilespmem:s22+$0x0 ss:$0x81] =	vst.msk $0xffff, v1;
	s22 =	sadd.s32 s26, s23;
	(pc) =	sbr.rel @p1 .LBB1_3-.Ltmp3, $4  }
0x5f: {  	v3 =	vld [tilespmem:s21+$0x10];
	[tilespmem:s22+$0x3870 ss:$0x81] =	vst.msk $0xffff, v0  }
0x60: {  	[tilespmem:s22+$0x810 ss:$0x81] =	vst.msk $0xffff, v5;
	v2 =	vld [tilespmem:s21+$0x20]  }
0x61: {  	v1 =	vld [tilespmem:s21+$0xFFFFFFC0];
	[tilespmem:s22+$0x1020 ss:$0x81] =	vst.msk $0xffff, v6;
	s21 =	sadd.s32 $0x80, s21  }
0x62: {  	s25 =	sadd.s32 $0x4, s25;
	v0 =	vld [tilespmem:s21+$0x30];
	[tilespmem:s22+$0x1830 ss:$0x81] =	vst.msk $0xffff, v7  }
.Ltmp4:
0x63: {  	_ = 	snop;
	(pc) =	sbr.rel .LBB1_4-.Ltmp4, $1  }
0x64: {  	_ =	sdelay $0x3  }
.LBB1_6:
0x65: {  	_ =	sfence.sel $0x180000  }
0x66: {  	s2 =	simm.s32 $0x1;
	[bflag:$0x0] =	sbarrier.arrive $0xFFFF  }
0x67: {  	s31 =	simm.s32 $0x2;
	[sflag:s2] =	ssyncpa.u1 $0x1  }
0x68: {  	[sflag:s31] =	ssyncpa.u1 $0x1  }
0x69: {  	p0 =	sne.s32 s0, $0x0;
	_ =	strace $0x9000004A  }
0x6a: {  	s0 =	sadd.s32 @!p0 $0x100000, s1;
	[bflag:$0x2] =	sbarrier.arrive $0xFFFF  }
0x6b: {  	[sflag:s0] =	ssyncadd.tile.s32 @!p0 $0x1;
	_ =	shalt  }
.Lfunc_end1:
_tile_overlayer_lowered:
.L_overlay_start_2:
0x6c: {  	(tag) =	ssettag $0x2  }
0x6d: {  	s0 =	rddreg [dreg:$0x0];
	s2 =	stileid.u32  }
0x6e: {  	s1 =	rddreg [dreg:$0x1];
	p0 =	sne.s32 s2, $0x0  }
0x6f: {  	s3 =	rddreg [dreg:$0x2];
	[bflag:$0x3] =	sbarrier.arrive $0xFFFF;
	s2 =	simm.s32 @!p0 $0x1C01  }
0x70: {  	[timem:s3], [sflag:s2] =	dma.local @!p0 [hbm:s0], s1  }
0x71: {  	s0 =	simm.s32 @!p0 $0x1  }
0x72: {  	_ =	swait.ge @!p0 [sflag:s0], s1  }
0x73: {  	s1 =	ssub.s32 @!p0 $0x0, s1;
	[sflag:s0] =	ssyncset.done @!p0 $0x0  }
0x74: {  	[sflag:s0] =	ssyncadd.s32 @!p0 s1  }
0x75: {  	[bflag:$0x3] =	sbarrier.arrive $0xFFFF  }
0x76: {  	_ =	shalt  }

</sc_bundles>
